<compile_context>
chip_gen: v7x
topology: tpu7x:2x2x1
jax: 0.10.2.dev20260603
libtpu: 0.0.44.dev20260713+nightly
codegen_flags: <defaults>
</compile_context>

<pallas_src>
import functools

import jax
import jax.numpy as jnp
from jax import lax
from jax.experimental import pallas as pl
from jax.experimental.pallas import tpu as pltpu
from jax.experimental.pallas import tpu_sc as plsc

F32 = jnp.float32
I32 = jnp.int32

D = 128
T_STEPS = 4
NC, NS = 2, 16
NW = NC * NS
CB = 128
ROW_BLOCKS_PER_TILE = 5
N_PAD = NS * ROW_BLOCKS_PER_TILE * CB
R_TC = 512



def _mesh():
    return plsc.VectorSubcoreMesh(
        core_axis_name="c", subcore_axis_name="s", num_cores=NC, num_subcores=NS
    )


@functools.cache
def _make_agg(n_rows, cpt, dw, npass):
    seg = cpt // npass
    assert cpt % npass == 0 and seg % 8 == 0 and seg >= 8
    scratch = [
        pltpu.VMEM((seg, CB), I32),
        pltpu.VMEM((seg, CB), I32),
        pltpu.VMEM((2, CB, dw), F32),
        pltpu.VMEM_SHARED((N_PAD, dw), F32),
        pltpu.SemaphoreType.DMA,
        pltpu.SemaphoreType.DMA,
        pltpu.SemaphoreType.DMA,
        pltpu.SemaphoreType.DMA,
    ]

    def body(table, src2d, dst2d, out, srcv, dstv, rows, acc,
             gs0, gs1, ss0, ss1):
        cid = lax.axis_index("c")
        sid = lax.axis_index("s")
        wid = cid * NS + sid

        zero16 = jnp.zeros((16,), F32)

        def zrow(i, _):
            for j in range(dw // 16):
                rows[0, i, pl.ds(j * 16, 16)] = zero16
            return 0

        lax.fori_loop(0, CB, zrow, 0)

        def zstripe(k, _):
            r = (sid * ROW_BLOCKS_PER_TILE + k) * CB
            pltpu.sync_copy(rows.at[0], acc.at[pl.ds(r, CB)])
            return 0

        lax.fori_loop(0, ROW_BLOCKS_PER_TILE, zstripe, 0)

        plsc.subcore_barrier()

        gsem = (gs0, gs1)
        ssem = (ss0, ss1)

        def gstart(j, b):
            pltpu.async_copy(table.at[srcv.at[j]], rows.at[b], gsem[b])

        def gwait(b):
            pltpu.make_async_copy(
                table.at[srcv.at[0]], rows.at[b], gsem[b]
            ).wait()

        def sstart(j, b):
            pltpu.async_copy(rows.at[b], acc.at[dstv.at[j]], ssem[b], add=True)

        def swait(b):
            pltpu.make_async_copy(
                rows.at[b], acc.at[dstv.at[0]], ssem[b]
            ).wait()

        for p in range(npass):
            base = wid * cpt + p * seg
            pltpu.sync_copy(src2d.at[pl.ds(base, seg)], srcv)
            pltpu.sync_copy(dst2d.at[pl.ds(base, seg)], dstv)

            gstart(0, 0)
            gwait(0)
            sstart(0, 0)
            gstart(1, 1)
            gwait(1)
            sstart(1, 1)
            swait(0)
            gstart(2, 0)

            def steady(jo, _):
                j = 2 * jo
                gwait(0)
                sstart(j, 0)
                swait(1)
                gstart(j + 1, 1)
                gwait(1)
                sstart(j + 1, 1)
                swait(0)
                gstart(j + 2, 0)
                return 0

            lax.fori_loop(1, seg // 2 - 1, steady, 0)

            j = seg - 2
            gwait(0)
            sstart(j, 0)
            swait(1)
            gstart(j + 1, 1)
            gwait(1)
            sstart(j + 1, 1)
            swait(0)
            swait(1)

        plsc.subcore_barrier()

        def wstripe(k, _):
            r = (sid * ROW_BLOCKS_PER_TILE + k) * CB
            pltpu.sync_copy(acc.at[pl.ds(r, CB)], out.at[cid].at[pl.ds(r, CB)])
            return 0

        lax.fori_loop(0, ROW_BLOCKS_PER_TILE, wstripe, 0)

    return pl.kernel(
        body,
        out_type=jax.ShapeDtypeStruct((NC, N_PAD, dw), F32),
        mesh=_mesh(),
        scratch_types=scratch,
    )


@functools.cache
def _make_deg(cpt):
    scratch = [
        pltpu.VMEM((cpt, CB), I32),
        pltpu.VMEM((CB, D), F32),
        pltpu.VMEM_SHARED((N_PAD, D), F32),
        pltpu.SemaphoreType.DMA,
        pltpu.SemaphoreType.DMA,
    ]

    def body(dst2d, out, dstv, degr, dacc, sa, sb):
        cid = lax.axis_index("c")
        sid = lax.axis_index("s")
        wid = cid * NS + sid

        zero16 = jnp.zeros((16,), F32)

        def zdeg(i, _):
            for j in range(D // 16):
                degr[i, pl.ds(j * 16, 16)] = zero16
            return 0

        lax.fori_loop(0, CB, zdeg, 0)

        def zstripe(k, _):
            r = (sid * ROW_BLOCKS_PER_TILE + k) * CB
            pltpu.sync_copy(degr, dacc.at[pl.ds(r, CB)])
            return 0

        lax.fori_loop(0, ROW_BLOCKS_PER_TILE, zstripe, 0)

        pltpu.sync_copy(dst2d.at[pl.ds(wid * cpt, cpt)], dstv)

        one16 = jnp.ones((16,), F32)

        def orow(i, _):
            for j in range(D // 16):
                degr[i, pl.ds(j * 16, 16)] = one16
            return 0

        lax.fori_loop(0, CB, orow, 0)

        plsc.subcore_barrier()

        def sstart(j, s):
            pltpu.async_copy(degr, dacc.at[dstv.at[j]], s, add=True)

        def swait(s):
            pltpu.make_async_copy(degr, dacc.at[dstv.at[0]], s).wait()

        sstart(0, sa)
        sstart(1, sb)

        def edge_chunk(jo, _):
            j = 2 * jo
            swait(sa)
            sstart(j, sa)
            swait(sb)
            sstart(j + 1, sb)
            return 0

        lax.fori_loop(1, cpt // 2, edge_chunk, 0)
        swait(sa)
        swait(sb)

        plsc.subcore_barrier()

        def wstripe(k, _):
            r = (sid * ROW_BLOCKS_PER_TILE + k) * CB
            pltpu.sync_copy(dacc.at[pl.ds(r, CB)], out.at[cid].at[pl.ds(r, CB)])
            return 0

        lax.fori_loop(0, ROW_BLOCKS_PER_TILE, wstripe, 0)

    return pl.kernel(
        body,
        out_type=jax.ShapeDtypeStruct((NC, N_PAD, D), F32),
        mesh=_mesh(),
        scratch_types=scratch,
    )



def _if_neuron(cur):
    v = jnp.zeros_like(cur)
    stot = jnp.zeros_like(cur)
    for _ in range(T_STEPS):
        v = v + cur
        s = (v - 1.0 > 0.0).astype(F32)
        v = v - s
        stot = stot + s
    return stot / T_STEPS


def _hyp_parts(w):
    raw = jnp.sqrt(jnp.sum(w * w, axis=-1, keepdims=True))
    n = jnp.clip(raw, 1e-6, 10.0)
    e = jnp.exp(n)
    ei = jnp.exp(-n)
    t = 0.5 * (e + ei)
    sh = 0.5 * (e - ei)
    return raw, t, sh


def _log_exp(w):
    raw, t, sh = _hyp_parts(w)
    tc = jnp.maximum(t, 1.0 + 1e-7)
    d = jnp.log(tc + jnp.sqrt(tc * tc - 1.0))
    sn = jnp.maximum(sh, 1e-6)
    return (d * sh / (sn * jnp.maximum(raw, 1e-6))) * w


def _poincare(w):
    raw, t, sh = _hyp_parts(w)
    return (sh / ((1.0 + t) * jnp.maximum(raw, 1e-6))) * w


def _enc_body(f, w, o):
    o[...] = jnp.dot(f[...], w[...], preferred_element_type=F32)


def _mid1_body(p, g, w, m, x, u, gout):
    deg = jnp.maximum(g[0, :, 0:1] + g[1, :, 0:1], 1.0)
    agg = (p[0] + p[1]) / deg
    xv = _if_neuron(agg)
    uv = _log_exp(xv)
    x[...] = xv
    u[...] = uv
    gout[...] = jnp.broadcast_to(deg, (deg.shape[0], 8))
    m[...] = jnp.dot(uv, w[...], preferred_element_type=F32)


def _mid2_body(p, g, xp, up, w, m, x, u):
    agg = (p[0] + p[1]) / g[:, 0:1]
    xn = _if_neuron(agg + xp[...])
    uv = _log_exp(up[...] + (xn - xp[...]))
    x[...] = xn
    u[...] = uv
    m[...] = jnp.dot(uv, w[...], preferred_element_type=F32)


def _fin_body(p, g, xp, up, o):
    agg = (p[0] + p[1]) / g[:, 0:1]
    xn = _if_neuron(agg + xp[...])
    o[...] = _poincare(up[...] + (xn - xp[...]))


def _row_spec(r, cols):
    return pl.BlockSpec((r, cols), lambda i: (i, 0))


def _full_spec(rows, cols):
    return pl.BlockSpec((rows, cols), lambda i: (0, 0))


def _enc_call(features, w):
    n, k = features.shape
    r = 400
    return pl.pallas_call(
        _enc_body,
        grid=(n // r,),
        in_specs=[_row_spec(r, k), _full_spec(k, D)],
        out_specs=_row_spec(r, D),
        out_shape=jax.ShapeDtypeStruct((n, D), F32),
    )(features, w)


def _pair_spec(r, cols):
    return pl.BlockSpec((2, r, cols), lambda i: (0, i, 0))


def _mid1_call(p, g, w):
    r = R_TC
    shp = jax.ShapeDtypeStruct((N_PAD, D), F32)
    gshp = jax.ShapeDtypeStruct((N_PAD, 8), F32)
    return pl.pallas_call(
        _mid1_body,
        grid=(N_PAD // r,),
        in_specs=[
            _pair_spec(r, D), _pair_spec(r, D),
            _full_spec(D, D),
        ],
        out_specs=(_row_spec(r, D),) * 3 + (_row_spec(r, 8),),
        out_shape=(shp, shp, shp, gshp),
    )(p, g, w)


def _mid2_call(p, g, xp, up, w):
    r = R_TC
    shp = jax.ShapeDtypeStruct((N_PAD, D), F32)
    return pl.pallas_call(
        _mid2_body,
        grid=(N_PAD // r,),
        in_specs=[
            _pair_spec(r, D), _row_spec(r, 8),
            _row_spec(r, D), _row_spec(r, D),
            _full_spec(D, D),
        ],
        out_specs=(_row_spec(r, D),) * 3,
        out_shape=(shp, shp, shp),
    )(p, g, xp, up, w)


def _fin_call(p, g, xp, up):
    r = R_TC
    return pl.pallas_call(
        _fin_body,
        grid=(N_PAD // r,),
        in_specs=[
            _pair_spec(r, D), _row_spec(r, 8),
            _row_spec(r, D), _row_spec(r, D),
        ],
        out_specs=_row_spec(r, D),
        out_shape=jax.ShapeDtypeStruct((N_PAD, D), F32),
    )(p, g, xp, up)



def kernel(features, edge_index, W_enc, W1, W2):
    n, _ = features.shape
    e = edge_index.shape[1]
    cpt = -(-e // (CB * NW))
    cpt = -(-cpt // 8) * 8
    e_pad = cpt * CB * NW

    pad = e_pad - e
    pad_ids = jnp.arange(pad, dtype=I32)
    src = jnp.concatenate(
        [edge_index[0], pad_ids % n]
    ).reshape(-1, CB)
    dst = jnp.concatenate(
        [edge_index[1], n + pad_ids % (N_PAD - n)]
    ).reshape(-1, CB)

    h = _enc_call(features, W_enc)

    gp = _make_deg(cpt)(dst)
    tok = (gp[0, 0, 1] * 0.0).astype(I32)
    p = _make_agg(h.shape[0], cpt, D, 2)(h, src + tok, dst)
    m, x, u, g = _mid1_call(p, gp, W1)
    p = _make_agg(N_PAD, cpt, D, 2)(m, src, dst)
    m, x, u = _mid2_call(p, g, x, u, W2)
    p = _make_agg(N_PAD, cpt, D, 2)(m, src, dst)
    out = _fin_call(p, g, x, u)
    return out[:n]

# --- scband reference (transcript-rebuilt; emitter-appended) ---
"""Pipeline reference for scband-riemannian-spike-gnn-40888088658567 (READ-ONLY COPY).

The authoritative reference and input builder live on the scoring server;
editing this copy changes nothing except your own understanding.
"""

import jax, jax.numpy as jnp
import numpy as np

N = 10000
E = 320000
IN_DIM = 128
EMBED = 129  # embed_dim + 1 for Lorentz manifold
T = 4
N_LAYERS = 2


@jax.custom_vjp
def heaviside(v):
    # Spike generation with rectangular surrogate gradient
    return (v > 0.0).astype(v.dtype)


def _heaviside_fwd(v):
    return heaviside(v), v


def _heaviside_bwd(v, g):
    return (g * (jnp.abs(v) < 0.5).astype(v.dtype),)


heaviside.defvjp(_heaviside_fwd, _heaviside_bwd)


def expmap0(u):
    # Lorentz exponential map at origin (tangent spatial part u -> hyperboloid)
    raw = jnp.linalg.norm(u, axis=-1, keepdims=True)
    n = jnp.clip(raw, 1e-6, 10.0)
    u = u * (n / jnp.maximum(raw, 1e-6))
    t = jnp.cosh(n)
    s = jnp.sinh(n) / n * u
    return jnp.concatenate([t, s], axis=-1)


def logmap0(z):
    # Lorentz logarithmic map at origin -> tangent spatial part
    t = z[..., 0:1]
    s = z[..., 1:]
    d = jnp.arccosh(jnp.clip(t, 1.0 + 1e-7, None))
    sn = jnp.clip(jnp.linalg.norm(s, axis=-1, keepdims=True), 1e-6, None)
    return d * s / sn


def to_poincare(z):
    return z[..., 1:] / (1.0 + z[..., 0:1])


def aggregate(m, src, dst, n):
    # mean-aggregation message passing: gather by src, scatter-add to dst
    agg = jax.ops.segment_sum(m[src], dst, num_segments=n)
    deg = jax.ops.segment_sum(jnp.ones((src.shape[0], 1), m.dtype), dst, num_segments=n)
    return agg / jnp.maximum(deg, 1.0)


def if_neuron(cur):
    # integrate-and-fire dynamics over T steps, soft reset; returns firing rate
    v = jnp.zeros_like(cur)
    s_sum = jnp.zeros_like(cur)
    for _ in range(T):
        v = v + cur
        s = heaviside(v - 1.0)
        v = v - s
        s_sum = s_sum + s
    return s_sum / T


def setup_inputs(seed: int = 0):
    key = jax.random.key(seed)
    k1, k2, k3, k4, k5 = jax.random.split(key, 5)
    features = jax.random.normal(k1, (N, IN_DIM), jnp.float32)
    edge_index = jax.random.randint(k2, (2, E), 0, N, jnp.int32)
    W_enc = 0.1 * jax.random.normal(k3, (IN_DIM, EMBED - 1), jnp.float32)
    W1 = 0.1 * jax.random.normal(k4, (EMBED - 1, EMBED - 1), jnp.float32)
    W2 = 0.1 * jax.random.normal(k5, (EMBED - 1, EMBED - 1), jnp.float32)
    return {"features": features, "edge_index": edge_index, "W_enc": W_enc, "W1": W1, "W2": W2}


def reference(features, edge_index, W_enc, W1, W2):
    src, dst = edge_index[0], edge_index[1]
    n = features.shape[0]
    # RSEncoderLayer: project, aggregate neighbors, spike, lift to Lorentz manifold
    h = features @ W_enc
    agg = aggregate(h, src, dst, n)
    x = if_neuron(agg)
    z = expmap0(x)
    # RiemannianSGNNLayer x n_layers
    for W in (W1, W2):
        u = logmap0(z)
        m = u @ W
        agg = aggregate(m, src, dst, n)
        x_new = if_neuron(agg + x)
        z = expmap0(u + (x_new - x))
        x = x_new
    # Lorentz -> Poincare ball
    return to_poincare(z)

if __name__ == "__main__":
    import jax
    _d = setup_inputs()
    print(jax.jit(kernel)(*tuple(_d.values())))

</pallas_src>

<mosaic_0001>
#map = affine_map<(d0, d1) -> (0, 0)>
#map1 = affine_map<(d0, d1) -> (0, 0, 0)>
module attributes {stable_mosaic.version = 14 : i64} {
  func.func @body(%arg0: i32, %arg1: i32, %arg2: memref<10000x128xf32, #tpu.memory_space<hbm>>, %arg3: memref<2560x128xi32, #tpu.memory_space<hbm>>, %arg4: memref<2560x128xi32, #tpu.memory_space<hbm>>, %arg5: memref<2x10240x128xf32, #tpu.memory_space<hbm>>, %arg6: memref<40x128xi32, #tpu.memory_space<vmem>>, %arg7: memref<40x128xi32, #tpu.memory_space<vmem>>, %arg8: memref<2x128x128xf32, #tpu.memory_space<vmem>>, %arg9: memref<10240x128xf32, #tpu.memory_space<vmem_shared>>, %arg10: memref<!tpu.dma_semaphore, #tpu.memory_space<semaphore_mem>>, %arg11: memref<!tpu.dma_semaphore, #tpu.memory_space<semaphore_mem>>, %arg12: memref<!tpu.dma_semaphore, #tpu.memory_space<semaphore_mem>>, %arg13: memref<!tpu.dma_semaphore, #tpu.memory_space<semaphore_mem>>) attributes {dimension_semantics = [#tpu.dimension_semantics<core_parallel>, #tpu.dimension_semantics<subcore_parallel>], iteration_bounds = array<i64: 2, 16>, scalar_prefetch = 0 : i64, scratch_operands = 8 : i64, tpu.core_type = #tpu.core_type<sc_vector_subcore>, window_params = [{transform_indices = #map}, {transform_indices = #map}, {transform_indices = #map}, {transform_indices = #map1}]} {
    %mul3A = arith.constant 16 : i32
    %mul3A_0 = arith.muli %arg0, %mul3A : i32
    %add3A = arith.addi %mul3A_0, %arg1 : i32
    %broadcast_in_dim3A = arith.constant 0.000000e+00 : f32
    %broadcast_in_dim3A_1 = vector.broadcast %broadcast_in_dim3A : f32 to vector<16xf32>
    %scan3A = arith.constant 0 : i32
    %scan3A_2 = arith.constant 0 : i32
    %scan3A_3 = arith.constant 128 : i32
    %scan3A_4 = arith.addi %scan3A_2, %scan3A_3 : i32
    %scan3A_5 = arith.constant 1 : i32
    %scan3A_6 = scf.for %scan3A_427 = %scan3A_2 to %scan3A_4 step %scan3A_5 iter_args(%scan3A_428 = %scan3A) -> (i32)  : i32 {
      %swap3A = arith.constant 0 : i32
      %swap3A_429 = arith.index_cast %swap3A : i32 to index
      %swap3A_430 = arith.index_cast %scan3A_427 : i32 to index
      %swap3A_431 = arith.constant 0 : index
      %swap3A_432 = tpu.vector_load %arg8[%swap3A_429, %swap3A_430, %swap3A_431] {strides = array<i32>} : memref<2x128x128xf32, #tpu.memory_space<vmem>>, vector<1x1x16xf32>,
      %swap3A_433 = vector.shape_cast %swap3A_432 : vector<1x1x16xf32> to vector<16xf32>
      %swap3A_434 = vector.shape_cast %broadcast_in_dim3A_1 : vector<16xf32> to vector<1x1x16xf32>
      tpu.vector_store %arg8[%swap3A_429, %swap3A_430, %swap3A_431], %swap3A_434 {strides = array<i32>} : memref<2x128x128xf32, #tpu.memory_space<vmem>>, vector<1x1x16xf32>,
      %swap3A_435 = arith.constant 0 : i32
      %swap3A_436 = arith.index_cast %swap3A_435 : i32 to index
      %swap3A_437 = arith.index_cast %scan3A_427 : i32 to index
      %swap3A_438 = arith.constant 16 : index
      %swap3A_439 = tpu.vector_load %arg8[%swap3A_436, %swap3A_437, %swap3A_438] {strides = array<i32>} : memref<2x128x128xf32, #tpu.memory_space<vmem>>, vector<1x1x16xf32>,
      %swap3A_440 = vector.shape_cast %swap3A_439 : vector<1x1x16xf32> to vector<16xf32>
      %swap3A_441 = vector.shape_cast %broadcast_in_dim3A_1 : vector<16xf32> to vector<1x1x16xf32>
      tpu.vector_store %arg8[%swap3A_436, %swap3A_437, %swap3A_438], %swap3A_441 {strides = array<i32>} : memref<2x128x128xf32, #tpu.memory_space<vmem>>, vector<1x1x16xf32>,
      %swap3A_442 = arith.constant 0 : i32
      %swap3A_443 = arith.index_cast %swap3A_442 : i32 to index
      %swap3A_444 = arith.index_cast %scan3A_427 : i32 to index
      %swap3A_445 = arith.constant 32 : index
      %swap3A_446 = tpu.vector_load %arg8[%swap3A_443, %swap3A_444, %swap3A_445] {strides = array<i32>} : memref<2x128x128xf32, #tpu.memory_space<vmem>>, vector<1x1x16xf32>,
      %swap3A_447 = vector.shape_cast %swap3A_446 : vector<1x1x16xf32> to vector<16xf32>
      %swap3A_448 = vector.shape_cast %broadcast_in_dim3A_1 : vector<16xf32> to vector<1x1x16xf32>
      tpu.vector_store %arg8[%swap3A_443, %swap3A_444, %swap3A_445], %swap3A_448 {strides = array<i32>} : memref<2x128x128xf32, #tpu.memory_space<vmem>>, vector<1x1x16xf32>,
      %swap3A_449 = arith.constant 0 : i32
      %swap3A_450 = arith.index_cast %swap3A_449 : i32 to index
      %swap3A_451 = arith.index_cast %scan3A_427 : i32 to index
      %swap3A_452 = arith.constant 48 : index
      %swap3A_453 = tpu.vector_load %arg8[%swap3A_450, %swap3A_451, %swap3A_452] {strides = array<i32>} : memref<2x128x128xf32, #tpu.memory_space<vmem>>, vector<1x1x16xf32>,
      %swap3A_454 = vector.shape_cast %swap3A_453 : vector<1x1x16xf32> to vector<16xf32>
      %swap3A_455 = vector.shape_cast %broadcast_in_dim3A_1 : vector<16xf32> to vector<1x1x16xf32>
      tpu.vector_store %arg8[%swap3A_450, %swap3A_451, %swap3A_452], %swap3A_455 {strides = array<i32>} : memref<2x128x128xf32, #tpu.memory_space<vmem>>, vector<1x1x16xf32>,
      %swap3A_456 = arith.constant 0 : i32
      %swap3A_457 = arith.index_cast %swap3A_456 : i32 to index
      %swap3A_458 = arith.index_cast %scan3A_427 : i32 to index
      %swap3A_459 = arith.constant 64 : index
      %swap3A_460 = tpu.vector_load %arg8[%swap3A_457, %swap3A_458, %swap3A_459] {strides = array<i32>} : memref<2x128x128xf32, #tpu.memory_space<vmem>>, vector<1x1x16xf32>,
      %swap3A_461 = vector.shape_cast %swap3A_460 : vector<1x1x16xf32> to vector<16xf32>
      %swap3A_462 = vector.shape_cast %broadcast_in_dim3A_1 : vector<16xf32> to vector<1x1x16xf32>
      tpu.vector_store %arg8[%swap3A_457, %swap3A_458, %swap3A_459], %swap3A_462 {strides = array<i32>} : memref<2x128x128xf32, #tpu.memory_space<vmem>>, vector<1x1x16xf32>,
      %swap3A_463 = arith.constant 0 : i32
      %swap3A_464 = arith.index_cast %swap3A_463 : i32 to index
      %swap3A_465 = arith.index_cast %scan3A_427 : i32 to index
      %swap3A_466 = arith.constant 80 : index
      %swap3A_467 = tpu.vector_load %arg8[%swap3A_464, %swap3A_465, %swap3A_466] {strides = array<i32>} : memref<2x128x128xf32, #tpu.memory_space<vmem>>, vector<1x1x16xf32>,
      %swap3A_468 = vector.shape_cast %swap3A_467 : vector<1x1x16xf32> to vector<16xf32>
      %swap3A_469 = vector.shape_cast %broadcast_in_dim3A_1 : vector<16xf32> to vector<1x1x16xf32>
      tpu.vector_store %arg8[%swap3A_464, %swap3A_465, %swap3A_466], %swap3A_469 {strides = array<i32>} : memref<2x128x128xf32, #tpu.memory_space<vmem>>, vector<1x1x16xf32>,
      %swap3A_470 = arith.constant 0 : i32
      %swap3A_471 = arith.index_cast %swap3A_470 : i32 to index
      %swap3A_472 = arith.index_cast %scan3A_427 : i32 to index
      %swap3A_473 = arith.constant 96 : index
      %swap3A_474 = tpu.vector_load %arg8[%swap3A_471, %swap3A_472, %swap3A_473] {strides = array<i32>} : memref<2x128x128xf32, #tpu.memory_space<vmem>>, vector<1x1x16xf32>,
      %swap3A_475 = vector.shape_cast %swap3A_474 : vector<1x1x16xf32> to vector<16xf32>
      %swap3A_476 = vector.shape_cast %broadcast_in_dim3A_1 : vector<16xf32> to vector<1x1x16xf32>
      tpu.vector_store %arg8[%swap3A_471, %swap3A_472, %swap3A_473], %swap3A_476 {strides = array<i32>} : memref<2x128x128xf32, #tpu.memory_space<vmem>>, vector<1x1x16xf32>,
      %swap3A_477 = arith.constant 0 : i32
      %swap3A_478 = arith.index_cast %swap3A_477 : i32 to index
      %swap3A_479 = arith.index_cast %scan3A_427 : i32 to index
      %swap3A_480 = arith.constant 112 : index
      %swap3A_481 = tpu.vector_load %arg8[%swap3A_478, %swap3A_479, %swap3A_480] {strides = array<i32>} : memref<2x128x128xf32, #tpu.memory_space<vmem>>, vector<1x1x16xf32>,
      %swap3A_482 = vector.shape_cast %swap3A_481 : vector<1x1x16xf32> to vector<16xf32>
      %swap3A_483 = vector.shape_cast %broadcast_in_dim3A_1 : vector<16xf32> to vector<1x1x16xf32>
      tpu.vector_store %arg8[%swap3A_478, %swap3A_479, %swap3A_480], %swap3A_483 {strides = array<i32>} : memref<2x128x128xf32, #tpu.memory_space<vmem>>, vector<1x1x16xf32>,
      %scan3A_484 = arith.constant 0 : i32
      scf.yield %scan3A_484 : i32
    }
    %scan3A_7 = arith.constant 128 : i32
    %scan3A_8 = arith.constant 0 : i32
    %scan3A_9 = arith.constant 0 : i32
    %scan3A_10 = arith.constant 5 : i32
    %scan3A_11 = arith.addi %scan3A_9, %scan3A_10 : i32
    %scan3A_12 = arith.constant 1 : i32
    %scan3A_13 = scf.for %scan3A_427 = %scan3A_9 to %scan3A_11 step %scan3A_12 iter_args(%scan3A_428 = %scan3A_8) -> (i32)  : i32 {
      %mul3A_429 = arith.constant 5 : i32
      %mul3A_430 = arith.muli %arg1, %mul3A_429 : i32
      %add3A_431 = arith.addi %mul3A_430, %scan3A_427 : i32
      %mul3A_432 = arith.constant 128 : i32
      %mul3A_433 = arith.muli %add3A_431, %mul3A_432 : i32
      %run_scoped3A = arith.constant 0 : i32
      "tpu.region"() ({
        %run_scoped3A_435 = tpu.sem_alloc : memref<!tpu.dma_semaphore, #tpu.memory_space<semaphore_mem>>
        %dma_start3A_436 = arith.constant 0 : i32
        %dma_start3A_437 = arith.constant 0 : i32
        %dma_start3A_438 = tpu.memref_slice %arg8[%run_scoped3A, %dma_start3A_436, %dma_start3A_437] : memref<2x128x128xf32, #tpu.memory_space<vmem>> -> memref<1x128x128xf32, #tpu.memory_space<vmem>>
        %dma_start3A_439 = tpu.memref_squeeze %dma_start3A_438 : memref<1x128x128xf32, #tpu.memory_space<vmem>> -> memref<128x128xf32, #tpu.memory_space<vmem>>
        %dma_start3A_440 = arith.constant 0 : i32
        %dma_start3A_441 = tpu.memref_slice %arg9[%mul3A_433, %dma_start3A_440] : memref<10240x128xf32, #tpu.memory_space<vmem_shared>> -> memref<128x128xf32, #tpu.memory_space<vmem_shared>>
        %dma_start3A_442 = arith.constant 0 : i32
        %dma_start3A_443 = tpu.memref_slice %arg9[%mul3A_433, %dma_start3A_442] : memref<10240x128xf32, #tpu.memory_space<vmem_shared>> -> memref<128x128xf32, #tpu.memory_space<vmem_shared>>
        %dma_start3A_444 = arith.constant 0 : i32
        %dma_start3A_445 = arith.constant 0 : i32
        %dma_start3A_446 = tpu.memref_slice %arg8[%run_scoped3A, %dma_start3A_444, %dma_start3A_445] : memref<2x128x128xf32, #tpu.memory_space<vmem>> -> memref<1x128x128xf32, #tpu.memory_space<vmem>>
        %dma_start3A_447 = tpu.memref_squeeze %dma_start3A_446 : memref<1x128x128xf32, #tpu.memory_space<vmem>> -> memref<128x128xf32, #tpu.memory_space<vmem>>
        tpu.enqueue_dma source(%dma_start3A_447 : memref<128x128xf32, #tpu.memory_space<vmem>>) target(%dma_start3A_443 : memref<128x128xf32, #tpu.memory_space<vmem_shared>>) target_semaphore(%run_scoped3A_435 : memref<!tpu.dma_semaphore, #tpu.memory_space<semaphore_mem>>)
        %dma_wait3A_448 = arith.constant 0 : i32
        %dma_wait3A_449 = arith.constant 0 : i32
        %dma_wait3A_450 = tpu.memref_slice %arg8[%run_scoped3A, %dma_wait3A_448, %dma_wait3A_449] : memref<2x128x128xf32, #tpu.memory_space<vmem>> -> memref<1x128x128xf32, #tpu.memory_space<vmem>>
        %dma_wait3A_451 = tpu.memref_squeeze %dma_wait3A_450 : memref<1x128x128xf32, #tpu.memory_space<vmem>> -> memref<128x128xf32, #tpu.memory_space<vmem>>
        %dma_wait3A_452 = arith.constant 0 : i32
        %dma_wait3A_453 = tpu.memref_slice %arg9[%mul3A_433, %dma_wait3A_452] : memref<10240x128xf32, #tpu.memory_space<vmem_shared>> -> memref<128x128xf32, #tpu.memory_space<vmem_shared>>
        %dma_wait3A_454 = arith.constant 0 : i32
        %dma_wait3A_455 = tpu.memref_slice %arg9[%mul3A_433, %dma_wait3A_454] : memref<10240x128xf32, #tpu.memory_space<vmem_shared>> -> memref<128x128xf32, #tpu.memory_space<vmem_shared>>
        %dma_wait3A_456 = arith.constant 0 : i32
        %dma_wait3A_457 = arith.constant 0 : i32
        %dma_wait3A_458 = tpu.memref_slice %arg8[%run_scoped3A, %dma_wait3A_456, %dma_wait3A_457] : memref<2x128x128xf32, #tpu.memory_space<vmem>> -> memref<1x128x128xf32, #tpu.memory_space<vmem>>
        %dma_wait3A_459 = tpu.memref_squeeze %dma_wait3A_458 : memref<1x128x128xf32, #tpu.memory_space<vmem>> -> memref<128x128xf32, #tpu.memory_space<vmem>>
        tpu.wait_dma2 semaphore(%run_scoped3A_435 : memref<!tpu.dma_semaphore, #tpu.memory_space<semaphore_mem>>) src(%dma_wait3A_459 : memref<128x128xf32, #tpu.memory_space<vmem>>) dst(%dma_wait3A_455 : memref<128x128xf32, #tpu.memory_space<vmem_shared>>)
        tpu.yield
      }) : () -> ()
      %scan3A_434 = arith.constant 0 : i32
      scf.yield %scan3A_434 : i32
    }
    %scan3A_14 = arith.constant 5 : i32
    %barrier3A = arith.constant 0 : index
    tpu.barrier barrier_id(%barrier3A)
    %mul3A_15 = arith.constant 80 : i32
    %mul3A_16 = arith.muli %add3A, %mul3A_15 : i32
    %add3A_17 = arith.constant 0 : i32
    %add3A_18 = arith.addi %mul3A_16, %add3A_17 : i32
    "tpu.region"() ({
      %run_scoped3A = tpu.sem_alloc : memref<!tpu.dma_semaphore, #tpu.memory_space<semaphore_mem>>
      %dma_start3A_427 = arith.constant 0 : i32
      %dma_start3A_428 = tpu.memref_slice %arg3[%add3A_18, %dma_start3A_427] : memref<2560x128xi32, #tpu.memory_space<hbm>> -> memref<40x128xi32, #tpu.memory_space<hbm>>
      %dma_start3A_429 = arith.constant 0 : i32
      %dma_start3A_430 = tpu.memref_slice %arg3[%add3A_18, %dma_start3A_429] : memref<2560x128xi32, #tpu.memory_space<hbm>> -> memref<40x128xi32, #tpu.memory_space<hbm>>
      tpu.enqueue_dma source(%dma_start3A_430 : memref<40x128xi32, #tpu.memory_space<hbm>>) target(%arg6 : memref<40x128xi32, #tpu.memory_space<vmem>>) target_semaphore(%run_scoped3A : memref<!tpu.dma_semaphore, #tpu.memory_space<semaphore_mem>>)
      %dma_wait3A_431 = arith.constant 0 : i32
      %dma_wait3A_432 = tpu.memref_slice %arg3[%add3A_18, %dma_wait3A_431] : memref<2560x128xi32, #tpu.memory_space<hbm>> -> memref<40x128xi32, #tpu.memory_space<hbm>>
      %dma_wait3A_433 = arith.constant 0 : i32
      %dma_wait3A_434 = tpu.memref_slice %arg3[%add3A_18, %dma_wait3A_433] : memref<2560x128xi32, #tpu.memory_space<hbm>> -> memref<40x128xi32, #tpu.memory_space<hbm>>
      tpu.wait_dma2 semaphore(%run_scoped3A : memref<!tpu.dma_semaphore, #tpu.memory_space<semaphore_mem>>) src(%dma_wait3A_434 : memref<40x128xi32, #tpu.memory_space<hbm>>) dst(%arg6 : memref<40x128xi32, #tpu.memory_space<vmem>>)
      tpu.yield
    }) : () -> ()
    "tpu.region"() ({
      %run_scoped3A = tpu.sem_alloc : memref<!tpu.dma_semaphore, #tpu.memory_space<semaphore_mem>>
      %dma_start3A_427 = arith.constant 0 : i32
      %dma_start3A_428 = tpu.memref_slice %arg4[%add3A_18, %dma_start3A_427] : memref<2560x128xi32, #tpu.memory_space<hbm>> -> memref<40x128xi32, #tpu.memory_space<hbm>>
      %dma_start3A_429 = arith.constant 0 : i32
      %dma_start3A_430 = tpu.memref_slice %arg4[%add3A_18, %dma_start3A_429] : memref<2560x128xi32, #tpu.memory_space<hbm>> -> memref<40x128xi32, #tpu.memory_space<hbm>>
      tpu.enqueue_dma source(%dma_start3A_430 : memref<40x128xi32, #tpu.memory_space<hbm>>) target(%arg7 : memref<40x128xi32, #tpu.memory_space<vmem>>) target_semaphore(%run_scoped3A : memref<!tpu.dma_semaphore, #tpu.memory_space<semaphore_mem>>)
      %dma_wait3A_431 = arith.constant 0 : i32
      %dma_wait3A_432 = tpu.memref_slice %arg4[%add3A_18, %dma_wait3A_431] : memref<2560x128xi32, #tpu.memory_space<hbm>> -> memref<40x128xi32, #tpu.memory_space<hbm>>
      %dma_wait3A_433 = arith.constant 0 : i32
      %dma_wait3A_434 = tpu.memref_slice %arg4[%add3A_18, %dma_wait3A_433] : memref<2560x128xi32, #tpu.memory_space<hbm>> -> memref<40x128xi32, #tpu.memory_space<hbm>>
      tpu.wait_dma2 semaphore(%run_scoped3A : memref<!tpu.dma_semaphore, #tpu.memory_space<semaphore_mem>>) src(%dma_wait3A_434 : memref<40x128xi32, #tpu.memory_space<hbm>>) dst(%arg7 : memref<40x128xi32, #tpu.memory_space<vmem>>)
      tpu.yield
    }) : () -> ()
    %dma_start3A = arith.constant 0 : i32
    %dma_start3A_19 = arith.constant 0 : i32
    %dma_start3A_20 = arith.constant 0 : i32
    %dma_start3A_21 = arith.constant 0 : i32
    %dma_start3A_22 = tpu.memref_slice %arg8[%dma_start3A_19, %dma_start3A_20, %dma_start3A_21] : memref<2x128x128xf32, #tpu.memory_space<vmem>> -> memref<1x128x128xf32, #tpu.memory_space<vmem>>
    %dma_start3A_23 = tpu.memref_squeeze %dma_start3A_22 : memref<1x128x128xf32, #tpu.memory_space<vmem>> -> memref<128x128xf32, #tpu.memory_space<vmem>>
    %dma_start3A_24 = arith.constant 0 : i32
    %dma_start3A_25 = tpu.memref_slice %arg6[%dma_start3A, %dma_start3A_24] : memref<40x128xi32, #tpu.memory_space<vmem>> -> memref<1x128xi32, #tpu.memory_space<vmem>>
    %dma_start3A_26 = tpu.memref_squeeze %dma_start3A_25 : memref<1x128xi32, #tpu.memory_space<vmem>> -> memref<128xi32, #tpu.memory_space<vmem>>
    %dma_start3A_27 = arith.constant 0 : i32
    %dma_start3A_28 = arith.constant 0 : i32
    %dma_start3A_29 = tpu.memref_slice %arg2[%dma_start3A_27, %dma_start3A_28] : memref<10000x128xf32, #tpu.memory_space<hbm>> -> memref<10000x128xf32, #tpu.memory_space<hbm>>
    tpu.enqueue_indirect_dma source(%dma_start3A_29 : memref<10000x128xf32, #tpu.memory_space<hbm>>) target(%dma_start3A_23 : memref<128x128xf32, #tpu.memory_space<vmem>>) offsets(%dma_start3A_26 : memref<128xi32, #tpu.memory_space<vmem>>) semaphore(%arg10 : memref<!tpu.dma_semaphore, #tpu.memory_space<semaphore_mem>>)
    %dma_wait3A = arith.constant 0 : i32
    %dma_wait3A_30 = arith.constant 0 : i32
    %dma_wait3A_31 = arith.constant 0 : i32
    %dma_wait3A_32 = arith.constant 0 : i32
    %dma_wait3A_33 = tpu.memref_slice %arg8[%dma_wait3A_30, %dma_wait3A_31, %dma_wait3A_32] : memref<2x128x128xf32, #tpu.memory_space<vmem>> -> memref<1x128x128xf32, #tpu.memory_space<vmem>>
    %dma_wait3A_34 = tpu.memref_squeeze %dma_wait3A_33 : memref<1x128x128xf32, #tpu.memory_space<vmem>> -> memref<128x128xf32, #tpu.memory_space<vmem>>
    %dma_wait3A_35 = arith.constant 0 : i32
    %dma_wait3A_36 = tpu.memref_slice %arg6[%dma_wait3A, %dma_wait3A_35] : memref<40x128xi32, #tpu.memory_space<vmem>> -> memref<1x128xi32, #tpu.memory_space<vmem>>
    %dma_wait3A_37 = tpu.memref_squeeze %dma_wait3A_36 : memref<1x128xi32, #tpu.memory_space<vmem>> -> memref<128xi32, #tpu.memory_space<vmem>>
    %dma_wait3A_38 = arith.constant 0 : i32
    %dma_wait3A_39 = arith.constant 0 : i32
    %dma_wait3A_40 = tpu.memref_slice %arg2[%dma_wait3A_38, %dma_wait3A_39] : memref<10000x128xf32, #tpu.memory_space<hbm>> -> memref<10000x128xf32, #tpu.memory_space<hbm>>
    tpu.wait_indirect_dma semaphore(%arg10 : memref<!tpu.dma_semaphore, #tpu.memory_space<semaphore_mem>>) src(%dma_wait3A_40 : memref<10000x128xf32, #tpu.memory_space<hbm>>) dst(%dma_wait3A_34 : memref<128x128xf32, #tpu.memory_space<vmem>>)
    %dma_start3A_41 = arith.constant 0 : i32
    %dma_start3A_42 = arith.constant 0 : i32
    %dma_start3A_43 = arith.constant 0 : i32
    %dma_start3A_44 = arith.constant 0 : i32
    %dma_start3A_45 = tpu.memref_slice %arg8[%dma_start3A_41, %dma_start3A_43, %dma_start3A_44] : memref<2x128x128xf32, #tpu.memory_space<vmem>> -> memref<1x128x128xf32, #tpu.memory_space<vmem>>
    %dma_start3A_46 = tpu.memref_squeeze %dma_start3A_45 : memref<1x128x128xf32, #tpu.memory_space<vmem>> -> memref<128x128xf32, #tpu.memory_space<vmem>>
    %dma_start3A_47 = arith.constant 0 : i32
    %dma_start3A_48 = tpu.memref_slice %arg7[%dma_start3A_42, %dma_start3A_47] : memref<40x128xi32, #tpu.memory_space<vmem>> -> memref<1x128xi32, #tpu.memory_space<vmem>>
    %dma_start3A_49 = tpu.memref_squeeze %dma_start3A_48 : memref<1x128xi32, #tpu.memory_space<vmem>> -> memref<128xi32, #tpu.memory_space<vmem>>
    %dma_start3A_50 = arith.constant 0 : i32
    %dma_start3A_51 = arith.constant 0 : i32
    %dma_start3A_52 = tpu.memref_slice %arg9[%dma_start3A_50, %dma_start3A_51] : memref<10240x128xf32, #tpu.memory_space<vmem_shared>> -> memref<10240x128xf32, #tpu.memory_space<vmem_shared>>
    tpu.enqueue_indirect_dma source(%dma_start3A_46 : memref<128x128xf32, #tpu.memory_space<vmem>>) target(%dma_start3A_52 : memref<10240x128xf32, #tpu.memory_space<vmem_shared>>) offsets(%dma_start3A_49 : memref<128xi32, #tpu.memory_space<vmem>>) semaphore(%arg12 : memref<!tpu.dma_semaphore, #tpu.memory_space<semaphore_mem>>) {add = true}
    %dma_start3A_53 = arith.constant 1 : i32
    %dma_start3A_54 = arith.constant 1 : i32
    %dma_start3A_55 = arith.constant 0 : i32
    %dma_start3A_56 = arith.constant 0 : i32
    %dma_start3A_57 = tpu.memref_slice %arg8[%dma_start3A_54, %dma_start3A_55, %dma_start3A_56] : memref<2x128x128xf32, #tpu.memory_space<vmem>> -> memref<1x128x128xf32, #tpu.memory_space<vmem>>
    %dma_start3A_58 = tpu.memref_squeeze %dma_start3A_57 : memref<1x128x128xf32, #tpu.memory_space<vmem>> -> memref<128x128xf32, #tpu.memory_space<vmem>>
    %dma_start3A_59 = arith.constant 0 : i32
    %dma_start3A_60 = tpu.memref_slice %arg6[%dma_start3A_53, %dma_start3A_59] : memref<40x128xi32, #tpu.memory_space<vmem>> -> memref<1x128xi32, #tpu.memory_space<vmem>>
    %dma_start3A_61 = tpu.memref_squeeze %dma_start3A_60 : memref<1x128xi32, #tpu.memory_space<vmem>> -> memref<128xi32, #tpu.memory_space<vmem>>
    %dma_start3A_62 = arith.constant 0 : i32
    %dma_start3A_63 = arith.constant 0 : i32
    %dma_start3A_64 = tpu.memref_slice %arg2[%dma_start3A_62, %dma_start3A_63] : memref<10000x128xf32, #tpu.memory_space<hbm>> -> memref<10000x128xf32, #tpu.memory_space<hbm>>
    tpu.enqueue_indirect_dma source(%dma_start3A_64 : memref<10000x128xf32, #tpu.memory_space<hbm>>) target(%dma_start3A_58 : memref<128x128xf32, #tpu.memory_space<vmem>>) offsets(%dma_start3A_61 : memref<128xi32, #tpu.memory_space<vmem>>) semaphore(%arg11 : memref<!tpu.dma_semaphore, #tpu.memory_space<semaphore_mem>>)
    %dma_wait3A_65 = arith.constant 0 : i32
    %dma_wait3A_66 = arith.constant 1 : i32
    %dma_wait3A_67 = arith.constant 0 : i32
    %dma_wait3A_68 = arith.constant 0 : i32
    %dma_wait3A_69 = tpu.memref_slice %arg8[%dma_wait3A_66, %dma_wait3A_67, %dma_wait3A_68] : memref<2x128x128xf32, #tpu.memory_space<vmem>> -> memref<1x128x128xf32, #tpu.memory_space<vmem>>
    %dma_wait3A_70 = tpu.memref_squeeze %dma_wait3A_69 : memref<1x128x128xf32, #tpu.memory_space<vmem>> -> memref<128x128xf32, #tpu.memory_space<vmem>>
    %dma_wait3A_71 = arith.constant 0 : i32
    %dma_wait3A_72 = tpu.memref_slice %arg6[%dma_wait3A_65, %dma_wait3A_71] : memref<40x128xi32, #tpu.memory_space<vmem>> -> memref<1x128xi32, #tpu.memory_space<vmem>>
    %dma_wait3A_73 = tpu.memref_squeeze %dma_wait3A_72 : memref<1x128xi32, #tpu.memory_space<vmem>> -> memref<128xi32, #tpu.memory_space<vmem>>
    %dma_wait3A_74 = arith.constant 0 : i32
    %dma_wait3A_75 = arith.constant 0 : i32
    %dma_wait3A_76 = tpu.memref_slice %arg2[%dma_wait3A_74, %dma_wait3A_75] : memref<10000x128xf32, #tpu.memory_space<hbm>> -> memref<10000x128xf32, #tpu.memory_space<hbm>>
    tpu.wait_indirect_dma semaphore(%arg11 : memref<!tpu.dma_semaphore, #tpu.memory_space<semaphore_mem>>) src(%dma_wait3A_76 : memref<10000x128xf32, #tpu.memory_space<hbm>>) dst(%dma_wait3A_70 : memref<128x128xf32, #tpu.memory_space<vmem>>)
    %dma_start3A_77 = arith.constant 1 : i32
    %dma_start3A_78 = arith.constant 1 : i32
    %dma_start3A_79 = arith.constant 0 : i32
    %dma_start3A_80 = arith.constant 0 : i32
    %dma_start3A_81 = tpu.memref_slice %arg8[%dma_start3A_77, %dma_start3A_79, %dma_start3A_80] : memref<2x128x128xf32, #tpu.memory_space<vmem>> -> memref<1x128x128xf32, #tpu.memory_space<vmem>>
    %dma_start3A_82 = tpu.memref_squeeze %dma_start3A_81 : memref<1x128x128xf32, #tpu.memory_space<vmem>> -> memref<128x128xf32, #tpu.memory_space<vmem>>
    %dma_start3A_83 = arith.constant 0 : i32
    %dma_start3A_84 = tpu.memref_slice %arg7[%dma_start3A_78, %dma_start3A_83] : memref<40x128xi32, #tpu.memory_space<vmem>> -> memref<1x128xi32, #tpu.memory_space<vmem>>
    %dma_start3A_85 = tpu.memref_squeeze %dma_start3A_84 : memref<1x128xi32, #tpu.memory_space<vmem>> -> memref<128xi32, #tpu.memory_space<vmem>>
    %dma_start3A_86 = arith.constant 0 : i32
    %dma_start3A_87 = arith.constant 0 : i32
    %dma_start3A_88 = tpu.memref_slice %arg9[%dma_start3A_86, %dma_start3A_87] : memref<10240x128xf32, #tpu.memory_space<vmem_shared>> -> memref<10240x128xf32, #tpu.memory_space<vmem_shared>>
    tpu.enqueue_indirect_dma source(%dma_start3A_82 : memref<128x128xf32, #tpu.memory_space<vmem>>) target(%dma_start3A_88 : memref<10240x128xf32, #tpu.memory_space<vmem_shared>>) offsets(%dma_start3A_85 : memref<128xi32, #tpu.memory_space<vmem>>) semaphore(%arg13 : memref<!tpu.dma_semaphore, #tpu.memory_space<semaphore_mem>>) {add = true}
    %dma_wait3A_89 = arith.constant 0 : i32
    %dma_wait3A_90 = arith.constant 0 : i32
    %dma_wait3A_91 = arith.constant 0 : i32
    %dma_wait3A_92 = arith.constant 0 : i32
    %dma_wait3A_93 = tpu.memref_slice %arg8[%dma_wait3A_89, %dma_wait3A_91, %dma_wait3A_92] : memref<2x128x128xf32, #tpu.memory_space<vmem>> -> memref<1x128x128xf32, #tpu.memory_space<vmem>>
    %dma_wait3A_94 = tpu.memref_squeeze %dma_wait3A_93 : memref<1x128x128xf32, #tpu.memory_space<vmem>> -> memref<128x128xf32, #tpu.memory_space<vmem>>
    %dma_wait3A_95 = arith.constant 0 : i32
    %dma_wait3A_96 = tpu.memref_slice %arg7[%dma_wait3A_90, %dma_wait3A_95] : memref<40x128xi32, #tpu.memory_space<vmem>> -> memref<1x128xi32, #tpu.memory_space<vmem>>
    %dma_wait3A_97 = tpu.memref_squeeze %dma_wait3A_96 : memref<1x128xi32, #tpu.memory_space<vmem>> -> memref<128xi32, #tpu.memory_space<vmem>>
    %dma_wait3A_98 = arith.constant 0 : i32
    %dma_wait3A_99 = arith.constant 0 : i32
    %dma_wait3A_100 = tpu.memref_slice %arg9[%dma_wait3A_98, %dma_wait3A_99] : memref<10240x128xf32, #tpu.memory_space<vmem_shared>> -> memref<10240x128xf32, #tpu.memory_space<vmem_shared>>
    tpu.wait_indirect_dma semaphore(%arg12 : memref<!tpu.dma_semaphore, #tpu.memory_space<semaphore_mem>>) src(%dma_wait3A_94 : memref<128x128xf32, #tpu.memory_space<vmem>>) dst(%dma_wait3A_100 : memref<10240x128xf32, #tpu.memory_space<vmem_shared>>)
    %dma_start3A_101 = arith.constant 2 : i32
    %dma_start3A_102 = arith.constant 0 : i32
    %dma_start3A_103 = arith.constant 0 : i32
    %dma_start3A_104 = arith.constant 0 : i32
    %dma_start3A_105 = tpu.memref_slice %arg8[%dma_start3A_102, %dma_start3A_103, %dma_start3A_104] : memref<2x128x128xf32, #tpu.memory_space<vmem>> -> memref<1x128x128xf32, #tpu.memory_space<vmem>>
    %dma_start3A_106 = tpu.memref_squeeze %dma_start3A_105 : memref<1x128x128xf32, #tpu.memory_space<vmem>> -> memref<128x128xf32, #tpu.memory_space<vmem>>
    %dma_start3A_107 = arith.constant 0 : i32
    %dma_start3A_108 = tpu.memref_slice %arg6[%dma_start3A_101, %dma_start3A_107] : memref<40x128xi32, #tpu.memory_space<vmem>> -> memref<1x128xi32, #tpu.memory_space<vmem>>
    %dma_start3A_109 = tpu.memref_squeeze %dma_start3A_108 : memref<1x128xi32, #tpu.memory_space<vmem>> -> memref<128xi32, #tpu.memory_space<vmem>>
    %dma_start3A_110 = arith.constant 0 : i32
    %dma_start3A_111 = arith.constant 0 : i32
    %dma_start3A_112 = tpu.memref_slice %arg2[%dma_start3A_110, %dma_start3A_111] : memref<10000x128xf32, #tpu.memory_space<hbm>> -> memref<10000x128xf32, #tpu.memory_space<hbm>>
    tpu.enqueue_indirect_dma source(%dma_start3A_112 : memref<10000x128xf32, #tpu.memory_space<hbm>>) target(%dma_start3A_106 : memref<128x128xf32, #tpu.memory_space<vmem>>) offsets(%dma_start3A_109 : memref<128xi32, #tpu.memory_space<vmem>>) semaphore(%arg10 : memref<!tpu.dma_semaphore, #tpu.memory_space<semaphore_mem>>)
    %scan3A_113 = arith.constant 0 : i32
    %scan3A_114 = arith.constant 1 : i32
    %scan3A_115 = arith.constant 18 : i32
    %scan3A_116 = arith.addi %scan3A_114, %scan3A_115 : i32
    %scan3A_117 = arith.constant 1 : i32
    %scan3A_118 = scf.for %scan3A_427 = %scan3A_114 to %scan3A_116 step %scan3A_117 iter_args(%scan3A_428 = %scan3A_113) -> (i32)  : i32 {
      %mul3A_429 = arith.constant 2 : i32
      %mul3A_430 = arith.muli %mul3A_429, %scan3A_427 : i32
      %dma_wait3A_431 = arith.constant 0 : i32
      %dma_wait3A_432 = arith.constant 0 : i32
      %dma_wait3A_433 = arith.constant 0 : i32
      %dma_wait3A_434 = arith.constant 0 : i32
      %dma_wait3A_435 = tpu.memref_slice %arg8[%dma_wait3A_432, %dma_wait3A_433, %dma_wait3A_434] : memref<2x128x128xf32, #tpu.memory_space<vmem>> -> memref<1x128x128xf32, #tpu.memory_space<vmem>>
      %dma_wait3A_436 = tpu.memref_squeeze %dma_wait3A_435 : memref<1x128x128xf32, #tpu.memory_space<vmem>> -> memref<128x128xf32, #tpu.memory_space<vmem>>
      %dma_wait3A_437 = arith.constant 0 : i32
      %dma_wait3A_438 = tpu.memref_slice %arg6[%dma_wait3A_431, %dma_wait3A_437] : memref<40x128xi32, #tpu.memory_space<vmem>> -> memref<1x128xi32, #tpu.memory_space<vmem>>
      %dma_wait3A_439 = tpu.memref_squeeze %dma_wait3A_438 : memref<1x128xi32, #tpu.memory_space<vmem>> -> memref<128xi32, #tpu.memory_space<vmem>>
      %dma_wait3A_440 = arith.constant 0 : i32
      %dma_wait3A_441 = arith.constant 0 : i32
      %dma_wait3A_442 = tpu.memref_slice %arg2[%dma_wait3A_440, %dma_wait3A_441] : memref<10000x128xf32, #tpu.memory_space<hbm>> -> memref<10000x128xf32, #tpu.memory_space<hbm>>
      tpu.wait_indirect_dma semaphore(%arg10 : memref<!tpu.dma_semaphore, #tpu.memory_space<semaphore_mem>>) src(%dma_wait3A_442 : memref<10000x128xf32, #tpu.memory_space<hbm>>) dst(%dma_wait3A_436 : memref<128x128xf32, #tpu.memory_space<vmem>>)
      %dma_start3A_443 = arith.constant 0 : i32
      %dma_start3A_444 = arith.constant 0 : i32
      %dma_start3A_445 = arith.constant 0 : i32
      %dma_start3A_446 = tpu.memref_slice %arg8[%dma_start3A_443, %dma_start3A_444, %dma_start3A_445] : memref<2x128x128xf32, #tpu.memory_space<vmem>> -> memref<1x128x128xf32, #tpu.memory_space<vmem>>
      %dma_start3A_447 = tpu.memref_squeeze %dma_start3A_446 : memref<1x128x128xf32, #tpu.memory_space<vmem>> -> memref<128x128xf32, #tpu.memory_space<vmem>>
      %dma_start3A_448 = arith.constant 0 : i32
      %dma_start3A_449 = tpu.memref_slice %arg7[%mul3A_430, %dma_start3A_448] : memref<40x128xi32, #tpu.memory_space<vmem>> -> memref<1x128xi32, #tpu.memory_space<vmem>>
      %dma_start3A_450 = tpu.memref_squeeze %dma_start3A_449 : memref<1x128xi32, #tpu.memory_space<vmem>> -> memref<128xi32, #tpu.memory_space<vmem>>
      %dma_start3A_451 = arith.constant 0 : i32
      %dma_start3A_452 = arith.constant 0 : i32
      %dma_start3A_453 = tpu.memref_slice %arg9[%dma_start3A_451, %dma_start3A_452] : memref<10240x128xf32, #tpu.memory_space<vmem_shared>> -> memref<10240x128xf32, #tpu.memory_space<vmem_shared>>
      tpu.enqueue_indirect_dma source(%dma_start3A_447 : memref<128x128xf32, #tpu.memory_space<vmem>>) target(%dma_start3A_453 : memref<10240x128xf32, #tpu.memory_space<vmem_shared>>) offsets(%dma_start3A_450 : memref<128xi32, #tpu.memory_space<vmem>>) semaphore(%arg12 : memref<!tpu.dma_semaphore, #tpu.memory_space<semaphore_mem>>) {add = true}
      %dma_wait3A_454 = arith.constant 1 : i32
      %dma_wait3A_455 = arith.constant 0 : i32
      %dma_wait3A_456 = arith.constant 0 : i32
      %dma_wait3A_457 = arith.constant 0 : i32
      %dma_wait3A_458 = tpu.memref_slice %arg8[%dma_wait3A_454, %dma_wait3A_456, %dma_wait3A_457] : memref<2x128x128xf32, #tpu.memory_space<vmem>> -> memref<1x128x128xf32, #tpu.memory_space<vmem>>
      %dma_wait3A_459 = tpu.memref_squeeze %dma_wait3A_458 : memref<1x128x128xf32, #tpu.memory_space<vmem>> -> memref<128x128xf32, #tpu.memory_space<vmem>>
      %dma_wait3A_460 = arith.constant 0 : i32
      %dma_wait3A_461 = tpu.memref_slice %arg7[%dma_wait3A_455, %dma_wait3A_460] : memref<40x128xi32, #tpu.memory_space<vmem>> -> memref<1x128xi32, #tpu.memory_space<vmem>>
      %dma_wait3A_462 = tpu.memref_squeeze %dma_wait3A_461 : memref<1x128xi32, #tpu.memory_space<vmem>> -> memref<128xi32, #tpu.memory_space<vmem>>
      %dma_wait3A_463 = arith.constant 0 : i32
      %dma_wait3A_464 = arith.constant 0 : i32
      %dma_wait3A_465 = tpu.memref_slice %arg9[%dma_wait3A_463, %dma_wait3A_464] : memref<10240x128xf32, #tpu.memory_space<vmem_shared>> -> memref<10240x128xf32, #tpu.memory_space<vmem_shared>>
      tpu.wait_indirect_dma semaphore(%arg13 : memref<!tpu.dma_semaphore, #tpu.memory_space<semaphore_mem>>) src(%dma_wait3A_459 : memref<128x128xf32, #tpu.memory_space<vmem>>) dst(%dma_wait3A_465 : memref<10240x128xf32, #tpu.memory_space<vmem_shared>>)
      %add3A_466 = arith.constant 1 : i32
      %add3A_467 = arith.addi %mul3A_430, %add3A_466 : i32
      %dma_start3A_468 = arith.constant 1 : i32
      %dma_start3A_469 = arith.constant 0 : i32
      %dma_start3A_470 = arith.constant 0 : i32
      %dma_start3A_471 = tpu.memref_slice %arg8[%dma_start3A_468, %dma_start3A_469, %dma_start3A_470] : memref<2x128x128xf32, #tpu.memory_space<vmem>> -> memref<1x128x128xf32, #tpu.memory_space<vmem>>
      %dma_start3A_472 = tpu.memref_squeeze %dma_start3A_471 : memref<1x128x128xf32, #tpu.memory_space<vmem>> -> memref<128x128xf32, #tpu.memory_space<vmem>>
      %dma_start3A_473 = arith.constant 0 : i32
      %dma_start3A_474 = tpu.memref_slice %arg6[%add3A_467, %dma_start3A_473] : memref<40x128xi32, #tpu.memory_space<vmem>> -> memref<1x128xi32, #tpu.memory_space<vmem>>
      %dma_start3A_475 = tpu.memref_squeeze %dma_start3A_474 : memref<1x128xi32, #tpu.memory_space<vmem>> -> memref<128xi32, #tpu.memory_space<vmem>>
      %dma_start3A_476 = arith.constant 0 : i32
      %dma_start3A_477 = arith.constant 0 : i32
      %dma_start3A_478 = tpu.memref_slice %arg2[%dma_start3A_476, %dma_start3A_477] : memref<10000x128xf32, #tpu.memory_space<hbm>> -> memref<10000x128xf32, #tpu.memory_space<hbm>>
      tpu.enqueue_indirect_dma source(%dma_start3A_478 : memref<10000x128xf32, #tpu.memory_space<hbm>>) target(%dma_start3A_472 : memref<128x128xf32, #tpu.memory_space<vmem>>) offsets(%dma_start3A_475 : memref<128xi32, #tpu.memory_space<vmem>>) semaphore(%arg11 : memref<!tpu.dma_semaphore, #tpu.memory_space<semaphore_mem>>)
      %dma_wait3A_479 = arith.constant 0 : i32
      %dma_wait3A_480 = arith.constant 1 : i32
      %dma_wait3A_481 = arith.constant 0 : i32
      %dma_wait3A_482 = arith.constant 0 : i32
      %dma_wait3A_483 = tpu.memref_slice %arg8[%dma_wait3A_480, %dma_wait3A_481, %dma_wait3A_482] : memref<2x128x128xf32, #tpu.memory_space<vmem>> -> memref<1x128x128xf32, #tpu.memory_space<vmem>>
      %dma_wait3A_484 = tpu.memref_squeeze %dma_wait3A_483 : memref<1x128x128xf32, #tpu.memory_space<vmem>> -> memref<128x128xf32, #tpu.memory_space<vmem>>
      %dma_wait3A_485 = arith.constant 0 : i32
      %dma_wait3A_486 = tpu.memref_slice %arg6[%dma_wait3A_479, %dma_wait3A_485] : memref<40x128xi32, #tpu.memory_space<vmem>> -> memref<1x128xi32, #tpu.memory_space<vmem>>
      %dma_wait3A_487 = tpu.memref_squeeze %dma_wait3A_486 : memref<1x128xi32, #tpu.memory_space<vmem>> -> memref<128xi32, #tpu.memory_space<vmem>>
      %dma_wait3A_488 = arith.constant 0 : i32
      %dma_wait3A_489 = arith.constant 0 : i32
      %dma_wait3A_490 = tpu.memref_slice %arg2[%dma_wait3A_488, %dma_wait3A_489] : memref<10000x128xf32, #tpu.memory_space<hbm>> -> memref<10000x128xf32, #tpu.memory_space<hbm>>
      tpu.wait_indirect_dma semaphore(%arg11 : memref<!tpu.dma_semaphore, #tpu.memory_space<semaphore_mem>>) src(%dma_wait3A_490 : memref<10000x128xf32, #tpu.memory_space<hbm>>) dst(%dma_wait3A_484 : memref<128x128xf32, #tpu.memory_space<vmem>>)
      %add3A_491 = arith.constant 1 : i32
      %add3A_492 = arith.addi %mul3A_430, %add3A_491 : i32
      %dma_start3A_493 = arith.constant 1 : i32
      %dma_start3A_494 = arith.constant 0 : i32
      %dma_start3A_495 = arith.constant 0 : i32
      %dma_start3A_496 = tpu.memref_slice %arg8[%dma_start3A_493, %dma_start3A_494, %dma_start3A_495] : memref<2x128x128xf32, #tpu.memory_space<vmem>> -> memref<1x128x128xf32, #tpu.memory_space<vmem>>
      %dma_start3A_497 = tpu.memref_squeeze %dma_start3A_496 : memref<1x128x128xf32, #tpu.memory_space<vmem>> -> memref<128x128xf32, #tpu.memory_space<vmem>>
      %dma_start3A_498 = arith.constant 0 : i32
      %dma_start3A_499 = tpu.memref_slice %arg7[%add3A_492, %dma_start3A_498] : memref<40x128xi32, #tpu.memory_space<vmem>> -> memref<1x128xi32, #tpu.memory_space<vmem>>
      %dma_start3A_500 = tpu.memref_squeeze %dma_start3A_499 : memref<1x128xi32, #tpu.memory_space<vmem>> -> memref<128xi32, #tpu.memory_space<vmem>>
      %dma_start3A_501 = arith.constant 0 : i32
      %dma_start3A_502 = arith.constant 0 : i32
      %dma_start3A_503 = tpu.memref_slice %arg9[%dma_start3A_501, %dma_start3A_502] : memref<10240x128xf32, #tpu.memory_space<vmem_shared>> -> memref<10240x128xf32, #tpu.memory_space<vmem_shared>>
      tpu.enqueue_indirect_dma source(%dma_start3A_497 : memref<128x128xf32, #tpu.memory_space<vmem>>) target(%dma_start3A_503 : memref<10240x128xf32, #tpu.memory_space<vmem_shared>>) offsets(%dma_start3A_500 : memref<128xi32, #tpu.memory_space<vmem>>) semaphore(%arg13 : memref<!tpu.dma_semaphore, #tpu.memory_space<semaphore_mem>>) {add = true}
      %dma_wait3A_504 = arith.constant 0 : i32
      %dma_wait3A_505 = arith.constant 0 : i32
      %dma_wait3A_506 = arith.constant 0 : i32
      %dma_wait3A_507 = arith.constant 0 : i32
      %dma_wait3A_508 = tpu.memref_slice %arg8[%dma_wait3A_504, %dma_wait3A_506, %dma_wait3A_507] : memref<2x128x128xf32, #tpu.memory_space<vmem>> -> memref<1x128x128xf32, #tpu.memory_space<vmem>>
      %dma_wait3A_509 = tpu.memref_squeeze %dma_wait3A_508 : memref<1x128x128xf32, #tpu.memory_space<vmem>> -> memref<128x128xf32, #tpu.memory_space<vmem>>
      %dma_wait3A_510 = arith.constant 0 : i32
      %dma_wait3A_511 = tpu.memref_slice %arg7[%dma_wait3A_505, %dma_wait3A_510] : memref<40x128xi32, #tpu.memory_space<vmem>> -> memref<1x128xi32, #tpu.memory_space<vmem>>
      %dma_wait3A_512 = tpu.memref_squeeze %dma_wait3A_511 : memref<1x128xi32, #tpu.memory_space<vmem>> -> memref<128xi32, #tpu.memory_space<vmem>>
      %dma_wait3A_513 = arith.constant 0 : i32
      %dma_wait3A_514 = arith.constant 0 : i32
      %dma_wait3A_515 = tpu.memref_slice %arg9[%dma_wait3A_513, %dma_wait3A_514] : memref<10240x128xf32, #tpu.memory_space<vmem_shared>> -> memref<10240x128xf32, #tpu.memory_space<vmem_shared>>
      tpu.wait_indirect_dma semaphore(%arg12 : memref<!tpu.dma_semaphore, #tpu.memory_space<semaphore_mem>>) src(%dma_wait3A_509 : memref<128x128xf32, #tpu.memory_space<vmem>>) dst(%dma_wait3A_515 : memref<10240x128xf32, #tpu.memory_space<vmem_shared>>)
      %add3A_516 = arith.constant 2 : i32
      %add3A_517 = arith.addi %mul3A_430, %add3A_516 : i32
      %dma_start3A_518 = arith.constant 0 : i32
      %dma_start3A_519 = arith.constant 0 : i32
      %dma_start3A_520 = arith.constant 0 : i32
      %dma_start3A_521 = tpu.memref_slice %arg8[%dma_start3A_518, %dma_start3A_519, %dma_start3A_520] : memref<2x128x128xf32, #tpu.memory_space<vmem>> -> memref<1x128x128xf32, #tpu.memory_space<vmem>>
      %dma_start3A_522 = tpu.memref_squeeze %dma_start3A_521 : memref<1x128x128xf32, #tpu.memory_space<vmem>> -> memref<128x128xf32, #tpu.memory_space<vmem>>
      %dma_start3A_523 = arith.constant 0 : i32
      %dma_start3A_524 = tpu.memref_slice %arg6[%add3A_517, %dma_start3A_523] : memref<40x128xi32, #tpu.memory_space<vmem>> -> memref<1x128xi32, #tpu.memory_space<vmem>>
      %dma_start3A_525 = tpu.memref_squeeze %dma_start3A_524 : memref<1x128xi32, #tpu.memory_space<vmem>> -> memref<128xi32, #tpu.memory_space<vmem>>
      %dma_start3A_526 = arith.constant 0 : i32
      %dma_start3A_527 = arith.constant 0 : i32
      %dma_start3A_528 = tpu.memref_slice %arg2[%dma_start3A_526, %dma_start3A_527] : memref<10000x128xf32, #tpu.memory_space<hbm>> -> memref<10000x128xf32, #tpu.memory_space<hbm>>
      tpu.enqueue_indirect_dma source(%dma_start3A_528 : memref<10000x128xf32, #tpu.memory_space<hbm>>) target(%dma_start3A_522 : memref<128x128xf32, #tpu.memory_space<vmem>>) offsets(%dma_start3A_525 : memref<128xi32, #tpu.memory_space<vmem>>) semaphore(%arg10 : memref<!tpu.dma_semaphore, #tpu.memory_space<semaphore_mem>>)
      %scan3A_529 = arith.constant 0 : i32
      scf.yield %scan3A_529 : i32
    }
    %scan3A_119 = arith.constant 18 : i32
    %dma_wait3A_120 = arith.constant 0 : i32
    %dma_wait3A_121 = arith.constant 0 : i32
    %dma_wait3A_122 = arith.constant 0 : i32
    %dma_wait3A_123 = arith.constant 0 : i32
    %dma_wait3A_124 = tpu.memref_slice %arg8[%dma_wait3A_121, %dma_wait3A_122, %dma_wait3A_123] : memref<2x128x128xf32, #tpu.memory_space<vmem>> -> memref<1x128x128xf32, #tpu.memory_space<vmem>>
    %dma_wait3A_125 = tpu.memref_squeeze %dma_wait3A_124 : memref<1x128x128xf32, #tpu.memory_space<vmem>> -> memref<128x128xf32, #tpu.memory_space<vmem>>
    %dma_wait3A_126 = arith.constant 0 : i32
    %dma_wait3A_127 = tpu.memref_slice %arg6[%dma_wait3A_120, %dma_wait3A_126] : memref<40x128xi32, #tpu.memory_space<vmem>> -> memref<1x128xi32, #tpu.memory_space<vmem>>
    %dma_wait3A_128 = tpu.memref_squeeze %dma_wait3A_127 : memref<1x128xi32, #tpu.memory_space<vmem>> -> memref<128xi32, #tpu.memory_space<vmem>>
    %dma_wait3A_129 = arith.constant 0 : i32
    %dma_wait3A_130 = arith.constant 0 : i32
    %dma_wait3A_131 = tpu.memref_slice %arg2[%dma_wait3A_129, %dma_wait3A_130] : memref<10000x128xf32, #tpu.memory_space<hbm>> -> memref<10000x128xf32, #tpu.memory_space<hbm>>
    tpu.wait_indirect_dma semaphore(%arg10 : memref<!tpu.dma_semaphore, #tpu.memory_space<semaphore_mem>>) src(%dma_wait3A_131 : memref<10000x128xf32, #tpu.memory_space<hbm>>) dst(%dma_wait3A_125 : memref<128x128xf32, #tpu.memory_space<vmem>>)
    %dma_start3A_132 = arith.constant 0 : i32
    %dma_start3A_133 = arith.constant 38 : i32
    %dma_start3A_134 = arith.constant 0 : i32
    %dma_start3A_135 = arith.constant 0 : i32
    %dma_start3A_136 = tpu.memref_slice %arg8[%dma_start3A_132, %dma_start3A_134, %dma_start3A_135] : memref<2x128x128xf32, #tpu.memory_space<vmem>> -> memref<1x128x128xf32, #tpu.memory_space<vmem>>
    %dma_start3A_137 = tpu.memref_squeeze %dma_start3A_136 : memref<1x128x128xf32, #tpu.memory_space<vmem>> -> memref<128x128xf32, #tpu.memory_space<vmem>>
    %dma_start3A_138 = arith.constant 0 : i32
    %dma_start3A_139 = tpu.memref_slice %arg7[%dma_start3A_133, %dma_start3A_138] : memref<40x128xi32, #tpu.memory_space<vmem>> -> memref<1x128xi32, #tpu.memory_space<vmem>>
    %dma_start3A_140 = tpu.memref_squeeze %dma_start3A_139 : memref<1x128xi32, #tpu.memory_space<vmem>> -> memref<128xi32, #tpu.memory_space<vmem>>
    %dma_start3A_141 = arith.constant 0 : i32
    %dma_start3A_142 = arith.constant 0 : i32
    %dma_start3A_143 = tpu.memref_slice %arg9[%dma_start3A_141, %dma_start3A_142] : memref<10240x128xf32, #tpu.memory_space<vmem_shared>> -> memref<10240x128xf32, #tpu.memory_space<vmem_shared>>
    tpu.enqueue_indirect_dma source(%dma_start3A_137 : memref<128x128xf32, #tpu.memory_space<vmem>>) target(%dma_start3A_143 : memref<10240x128xf32, #tpu.memory_space<vmem_shared>>) offsets(%dma_start3A_140 : memref<128xi32, #tpu.memory_space<vmem>>) semaphore(%arg12 : memref<!tpu.dma_semaphore, #tpu.memory_space<semaphore_mem>>) {add = true}
    %dma_wait3A_144 = arith.constant 1 : i32
    %dma_wait3A_145 = arith.constant 0 : i32
    %dma_wait3A_146 = arith.constant 0 : i32
    %dma_wait3A_147 = arith.constant 0 : i32
    %dma_wait3A_148 = tpu.memref_slice %arg8[%dma_wait3A_144, %dma_wait3A_146, %dma_wait3A_147] : memref<2x128x128xf32, #tpu.memory_space<vmem>> -> memref<1x128x128xf32, #tpu.memory_space<vmem>>
    %dma_wait3A_149 = tpu.memref_squeeze %dma_wait3A_148 : memref<1x128x128xf32, #tpu.memory_space<vmem>> -> memref<128x128xf32, #tpu.memory_space<vmem>>
    %dma_wait3A_150 = arith.constant 0 : i32
    %dma_wait3A_151 = tpu.memref_slice %arg7[%dma_wait3A_145, %dma_wait3A_150] : memref<40x128xi32, #tpu.memory_space<vmem>> -> memref<1x128xi32, #tpu.memory_space<vmem>>
    %dma_wait3A_152 = tpu.memref_squeeze %dma_wait3A_151 : memref<1x128xi32, #tpu.memory_space<vmem>> -> memref<128xi32, #tpu.memory_space<vmem>>
    %dma_wait3A_153 = arith.constant 0 : i32
    %dma_wait3A_154 = arith.constant 0 : i32
    %dma_wait3A_155 = tpu.memref_slice %arg9[%dma_wait3A_153, %dma_wait3A_154] : memref<10240x128xf32, #tpu.memory_space<vmem_shared>> -> memref<10240x128xf32, #tpu.memory_space<vmem_shared>>
    tpu.wait_indirect_dma semaphore(%arg13 : memref<!tpu.dma_semaphore, #tpu.memory_space<semaphore_mem>>) src(%dma_wait3A_149 : memref<128x128xf32, #tpu.memory_space<vmem>>) dst(%dma_wait3A_155 : memref<10240x128xf32, #tpu.memory_space<vmem_shared>>)
    %dma_start3A_156 = arith.constant 39 : i32
    %dma_start3A_157 = arith.constant 1 : i32
    %dma_start3A_158 = arith.constant 0 : i32
    %dma_start3A_159 = arith.constant 0 : i32
    %dma_start3A_160 = tpu.memref_slice %arg8[%dma_start3A_157, %dma_start3A_158, %dma_start3A_159] : memref<2x128x128xf32, #tpu.memory_space<vmem>> -> memref<1x128x128xf32, #tpu.memory_space<vmem>>
    %dma_start3A_161 = tpu.memref_squeeze %dma_start3A_160 : memref<1x128x128xf32, #tpu.memory_space<vmem>> -> memref<128x128xf32, #tpu.memory_space<vmem>>
    %dma_start3A_162 = arith.constant 0 : i32
    %dma_start3A_163 = tpu.memref_slice %arg6[%dma_start3A_156, %dma_start3A_162] : memref<40x128xi32, #tpu.memory_space<vmem>> -> memref<1x128xi32, #tpu.memory_space<vmem>>
    %dma_start3A_164 = tpu.memref_squeeze %dma_start3A_163 : memref<1x128xi32, #tpu.memory_space<vmem>> -> memref<128xi32, #tpu.memory_space<vmem>>
    %dma_start3A_165 = arith.constant 0 : i32
    %dma_start3A_166 = arith.constant 0 : i32
    %dma_start3A_167 = tpu.memref_slice %arg2[%dma_start3A_165, %dma_start3A_166] : memref<10000x128xf32, #tpu.memory_space<hbm>> -> memref<10000x128xf32, #tpu.memory_space<hbm>>
    tpu.enqueue_indirect_dma source(%dma_start3A_167 : memref<10000x128xf32, #tpu.memory_space<hbm>>) target(%dma_start3A_161 : memref<128x128xf32, #tpu.memory_space<vmem>>) offsets(%dma_start3A_164 : memref<128xi32, #tpu.memory_space<vmem>>) semaphore(%arg11 : memref<!tpu.dma_semaphore, #tpu.memory_space<semaphore_mem>>)
    %dma_wait3A_168 = arith.constant 0 : i32
    %dma_wait3A_169 = arith.constant 1 : i32
    %dma_wait3A_170 = arith.constant 0 : i32
    %dma_wait3A_171 = arith.constant 0 : i32
    %dma_wait3A_172 = tpu.memref_slice %arg8[%dma_wait3A_169, %dma_wait3A_170, %dma_wait3A_171] : memref<2x128x128xf32, #tpu.memory_space<vmem>> -> memref<1x128x128xf32, #tpu.memory_space<vmem>>
    %dma_wait3A_173 = tpu.memref_squeeze %dma_wait3A_172 : memref<1x128x128xf32, #tpu.memory_space<vmem>> -> memref<128x128xf32, #tpu.memory_space<vmem>>
    %dma_wait3A_174 = arith.constant 0 : i32
    %dma_wait3A_175 = tpu.memref_slice %arg6[%dma_wait3A_168, %dma_wait3A_174] : memref<40x128xi32, #tpu.memory_space<vmem>> -> memref<1x128xi32, #tpu.memory_space<vmem>>
    %dma_wait3A_176 = tpu.memref_squeeze %dma_wait3A_175 : memref<1x128xi32, #tpu.memory_space<vmem>> -> memref<128xi32, #tpu.memory_space<vmem>>
    %dma_wait3A_177 = arith.constant 0 : i32
    %dma_wait3A_178 = arith.constant 0 : i32
    %dma_wait3A_179 = tpu.memref_slice %arg2[%dma_wait3A_177, %dma_wait3A_178] : memref<10000x128xf32, #tpu.memory_space<hbm>> -> memref<10000x128xf32, #tpu.memory_space<hbm>>
    tpu.wait_indirect_dma semaphore(%arg11 : memref<!tpu.dma_semaphore, #tpu.memory_space<semaphore_mem>>) src(%dma_wait3A_179 : memref<10000x128xf32, #tpu.memory_space<hbm>>) dst(%dma_wait3A_173 : memref<128x128xf32, #tpu.memory_space<vmem>>)
    %dma_start3A_180 = arith.constant 1 : i32
    %dma_start3A_181 = arith.constant 39 : i32
    %dma_start3A_182 = arith.constant 0 : i32
    %dma_start3A_183 = arith.constant 0 : i32
    %dma_start3A_184 = tpu.memref_slice %arg8[%dma_start3A_180, %dma_start3A_182, %dma_start3A_183] : memref<2x128x128xf32, #tpu.memory_space<vmem>> -> memref<1x128x128xf32, #tpu.memory_space<vmem>>
    %dma_start3A_185 = tpu.memref_squeeze %dma_start3A_184 : memref<1x128x128xf32, #tpu.memory_space<vmem>> -> memref<128x128xf32, #tpu.memory_space<vmem>>
    %dma_start3A_186 = arith.constant 0 : i32
    %dma_start3A_187 = tpu.memref_slice %arg7[%dma_start3A_181, %dma_start3A_186] : memref<40x128xi32, #tpu.memory_space<vmem>> -> memref<1x128xi32, #tpu.memory_space<vmem>>
    %dma_start3A_188 = tpu.memref_squeeze %dma_start3A_187 : memref<1x128xi32, #tpu.memory_space<vmem>> -> memref<128xi32, #tpu.memory_space<vmem>>
    %dma_start3A_189 = arith.constant 0 : i32
    %dma_start3A_190 = arith.constant 0 : i32
    %dma_start3A_191 = tpu.memref_slice %arg9[%dma_start3A_189, %dma_start3A_190] : memref<10240x128xf32, #tpu.memory_space<vmem_shared>> -> memref<10240x128xf32, #tpu.memory_space<vmem_shared>>
    tpu.enqueue_indirect_dma source(%dma_start3A_185 : memref<128x128xf32, #tpu.memory_space<vmem>>) target(%dma_start3A_191 : memref<10240x128xf32, #tpu.memory_space<vmem_shared>>) offsets(%dma_start3A_188 : memref<128xi32, #tpu.memory_space<vmem>>) semaphore(%arg13 : memref<!tpu.dma_semaphore, #tpu.memory_space<semaphore_mem>>) {add = true}
    %dma_wait3A_192 = arith.constant 0 : i32
    %dma_wait3A_193 = arith.constant 0 : i32
    %dma_wait3A_194 = arith.constant 0 : i32
    %dma_wait3A_195 = arith.constant 0 : i32
    %dma_wait3A_196 = tpu.memref_slice %arg8[%dma_wait3A_192, %dma_wait3A_194, %dma_wait3A_195] : memref<2x128x128xf32, #tpu.memory_space<vmem>> -> memref<1x128x128xf32, #tpu.memory_space<vmem>>
    %dma_wait3A_197 = tpu.memref_squeeze %dma_wait3A_196 : memref<1x128x128xf32, #tpu.memory_space<vmem>> -> memref<128x128xf32, #tpu.memory_space<vmem>>
    %dma_wait3A_198 = arith.constant 0 : i32
    %dma_wait3A_199 = tpu.memref_slice %arg7[%dma_wait3A_193, %dma_wait3A_198] : memref<40x128xi32, #tpu.memory_space<vmem>> -> memref<1x128xi32, #tpu.memory_space<vmem>>
    %dma_wait3A_200 = tpu.memref_squeeze %dma_wait3A_199 : memref<1x128xi32, #tpu.memory_space<vmem>> -> memref<128xi32, #tpu.memory_space<vmem>>
    %dma_wait3A_201 = arith.constant 0 : i32
    %dma_wait3A_202 = arith.constant 0 : i32
    %dma_wait3A_203 = tpu.memref_slice %arg9[%dma_wait3A_201, %dma_wait3A_202] : memref<10240x128xf32, #tpu.memory_space<vmem_shared>> -> memref<10240x128xf32, #tpu.memory_space<vmem_shared>>
    tpu.wait_indirect_dma semaphore(%arg12 : memref<!tpu.dma_semaphore, #tpu.memory_space<semaphore_mem>>) src(%dma_wait3A_197 : memref<128x128xf32, #tpu.memory_space<vmem>>) dst(%dma_wait3A_203 : memref<10240x128xf32, #tpu.memory_space<vmem_shared>>)
    %dma_wait3A_204 = arith.constant 1 : i32
    %dma_wait3A_205 = arith.constant 0 : i32
    %dma_wait3A_206 = arith.constant 0 : i32
    %dma_wait3A_207 = arith.constant 0 : i32
    %dma_wait3A_208 = tpu.memref_slice %arg8[%dma_wait3A_204, %dma_wait3A_206, %dma_wait3A_207] : memref<2x128x128xf32, #tpu.memory_space<vmem>> -> memref<1x128x128xf32, #tpu.memory_space<vmem>>
    %dma_wait3A_209 = tpu.memref_squeeze %dma_wait3A_208 : memref<1x128x128xf32, #tpu.memory_space<vmem>> -> memref<128x128xf32, #tpu.memory_space<vmem>>
    %dma_wait3A_210 = arith.constant 0 : i32
    %dma_wait3A_211 = tpu.memref_slice %arg7[%dma_wait3A_205, %dma_wait3A_210] : memref<40x128xi32, #tpu.memory_space<vmem>> -> memref<1x128xi32, #tpu.memory_space<vmem>>
    %dma_wait3A_212 = tpu.memref_squeeze %dma_wait3A_211 : memref<1x128xi32, #tpu.memory_space<vmem>> -> memref<128xi32, #tpu.memory_space<vmem>>
    %dma_wait3A_213 = arith.constant 0 : i32
    %dma_wait3A_214 = arith.constant 0 : i32
    %dma_wait3A_215 = tpu.memref_slice %arg9[%dma_wait3A_213, %dma_wait3A_214] : memref<10240x128xf32, #tpu.memory_space<vmem_shared>> -> memref<10240x128xf32, #tpu.memory_space<vmem_shared>>
    tpu.wait_indirect_dma semaphore(%arg13 : memref<!tpu.dma_semaphore, #tpu.memory_space<semaphore_mem>>) src(%dma_wait3A_209 : memref<128x128xf32, #tpu.memory_space<vmem>>) dst(%dma_wait3A_215 : memref<10240x128xf32, #tpu.memory_space<vmem_shared>>)
    %mul3A_216 = arith.constant 80 : i32
    %mul3A_217 = arith.muli %add3A, %mul3A_216 : i32
    %add3A_218 = arith.constant 40 : i32
    %add3A_219 = arith.addi %mul3A_217, %add3A_218 : i32
    "tpu.region"() ({
      %run_scoped3A = tpu.sem_alloc : memref<!tpu.dma_semaphore, #tpu.memory_space<semaphore_mem>>
      %dma_start3A_427 = arith.constant 0 : i32
      %dma_start3A_428 = tpu.memref_slice %arg3[%add3A_219, %dma_start3A_427] : memref<2560x128xi32, #tpu.memory_space<hbm>> -> memref<40x128xi32, #tpu.memory_space<hbm>>
      %dma_start3A_429 = arith.constant 0 : i32
      %dma_start3A_430 = tpu.memref_slice %arg3[%add3A_219, %dma_start3A_429] : memref<2560x128xi32, #tpu.memory_space<hbm>> -> memref<40x128xi32, #tpu.memory_space<hbm>>
      tpu.enqueue_dma source(%dma_start3A_430 : memref<40x128xi32, #tpu.memory_space<hbm>>) target(%arg6 : memref<40x128xi32, #tpu.memory_space<vmem>>) target_semaphore(%run_scoped3A : memref<!tpu.dma_semaphore, #tpu.memory_space<semaphore_mem>>)
      %dma_wait3A_431 = arith.constant 0 : i32
      %dma_wait3A_432 = tpu.memref_slice %arg3[%add3A_219, %dma_wait3A_431] : memref<2560x128xi32, #tpu.memory_space<hbm>> -> memref<40x128xi32, #tpu.memory_space<hbm>>
      %dma_wait3A_433 = arith.constant 0 : i32
      %dma_wait3A_434 = tpu.memref_slice %arg3[%add3A_219, %dma_wait3A_433] : memref<2560x128xi32, #tpu.memory_space<hbm>> -> memref<40x128xi32, #tpu.memory_space<hbm>>
      tpu.wait_dma2 semaphore(%run_scoped3A : memref<!tpu.dma_semaphore, #tpu.memory_space<semaphore_mem>>) src(%dma_wait3A_434 : memref<40x128xi32, #tpu.memory_space<hbm>>) dst(%arg6 : memref<40x128xi32, #tpu.memory_space<vmem>>)
      tpu.yield
    }) : () -> ()
    "tpu.region"() ({
      %run_scoped3A = tpu.sem_alloc : memref<!tpu.dma_semaphore, #tpu.memory_space<semaphore_mem>>
      %dma_start3A_427 = arith.constant 0 : i32
      %dma_start3A_428 = tpu.memref_slice %arg4[%add3A_219, %dma_start3A_427] : memref<2560x128xi32, #tpu.memory_space<hbm>> -> memref<40x128xi32, #tpu.memory_space<hbm>>
      %dma_start3A_429 = arith.constant 0 : i32
      %dma_start3A_430 = tpu.memref_slice %arg4[%add3A_219, %dma_start3A_429] : memref<2560x128xi32, #tpu.memory_space<hbm>> -> memref<40x128xi32, #tpu.memory_space<hbm>>
      tpu.enqueue_dma source(%dma_start3A_430 : memref<40x128xi32, #tpu.memory_space<hbm>>) target(%arg7 : memref<40x128xi32, #tpu.memory_space<vmem>>) target_semaphore(%run_scoped3A : memref<!tpu.dma_semaphore, #tpu.memory_space<semaphore_mem>>)
      %dma_wait3A_431 = arith.constant 0 : i32
      %dma_wait3A_432 = tpu.memref_slice %arg4[%add3A_219, %dma_wait3A_431] : memref<2560x128xi32, #tpu.memory_space<hbm>> -> memref<40x128xi32, #tpu.memory_space<hbm>>
      %dma_wait3A_433 = arith.constant 0 : i32
      %dma_wait3A_434 = tpu.memref_slice %arg4[%add3A_219, %dma_wait3A_433] : memref<2560x128xi32, #tpu.memory_space<hbm>> -> memref<40x128xi32, #tpu.memory_space<hbm>>
      tpu.wait_dma2 semaphore(%run_scoped3A : memref<!tpu.dma_semaphore, #tpu.memory_space<semaphore_mem>>) src(%dma_wait3A_434 : memref<40x128xi32, #tpu.memory_space<hbm>>) dst(%arg7 : memref<40x128xi32, #tpu.memory_space<vmem>>)
      tpu.yield
    }) : () -> ()
    %dma_start3A_220 = arith.constant 0 : i32
    %dma_start3A_221 = arith.constant 0 : i32
    %dma_start3A_222 = arith.constant 0 : i32
    %dma_start3A_223 = arith.constant 0 : i32
    %dma_start3A_224 = tpu.memref_slice %arg8[%dma_start3A_221, %dma_start3A_222, %dma_start3A_223] : memref<2x128x128xf32, #tpu.memory_space<vmem>> -> memref<1x128x128xf32, #tpu.memory_space<vmem>>
    %dma_start3A_225 = tpu.memref_squeeze %dma_start3A_224 : memref<1x128x128xf32, #tpu.memory_space<vmem>> -> memref<128x128xf32, #tpu.memory_space<vmem>>
    %dma_start3A_226 = arith.constant 0 : i32
    %dma_start3A_227 = tpu.memref_slice %arg6[%dma_start3A_220, %dma_start3A_226] : memref<40x128xi32, #tpu.memory_space<vmem>> -> memref<1x128xi32, #tpu.memory_space<vmem>>
    %dma_start3A_228 = tpu.memref_squeeze %dma_start3A_227 : memref<1x128xi32, #tpu.memory_space<vmem>> -> memref<128xi32, #tpu.memory_space<vmem>>
    %dma_start3A_229 = arith.constant 0 : i32
    %dma_start3A_230 = arith.constant 0 : i32
    %dma_start3A_231 = tpu.memref_slice %arg2[%dma_start3A_229, %dma_start3A_230] : memref<10000x128xf32, #tpu.memory_space<hbm>> -> memref<10000x128xf32, #tpu.memory_space<hbm>>
    tpu.enqueue_indirect_dma source(%dma_start3A_231 : memref<10000x128xf32, #tpu.memory_space<hbm>>) target(%dma_start3A_225 : memref<128x128xf32, #tpu.memory_space<vmem>>) offsets(%dma_start3A_228 : memref<128xi32, #tpu.memory_space<vmem>>) semaphore(%arg10 : memref<!tpu.dma_semaphore, #tpu.memory_space<semaphore_mem>>)
    %dma_wait3A_232 = arith.constant 0 : i32
    %dma_wait3A_233 = arith.constant 0 : i32
    %dma_wait3A_234 = arith.constant 0 : i32
    %dma_wait3A_235 = arith.constant 0 : i32
    %dma_wait3A_236 = tpu.memref_slice %arg8[%dma_wait3A_233, %dma_wait3A_234, %dma_wait3A_235] : memref<2x128x128xf32, #tpu.memory_space<vmem>> -> memref<1x128x128xf32, #tpu.memory_space<vmem>>
    %dma_wait3A_237 = tpu.memref_squeeze %dma_wait3A_236 : memref<1x128x128xf32, #tpu.memory_space<vmem>> -> memref<128x128xf32, #tpu.memory_space<vmem>>
    %dma_wait3A_238 = arith.constant 0 : i32
    %dma_wait3A_239 = tpu.memref_slice %arg6[%dma_wait3A_232, %dma_wait3A_238] : memref<40x128xi32, #tpu.memory_space<vmem>> -> memref<1x128xi32, #tpu.memory_space<vmem>>
    %dma_wait3A_240 = tpu.memref_squeeze %dma_wait3A_239 : memref<1x128xi32, #tpu.memory_space<vmem>> -> memref<128xi32, #tpu.memory_space<vmem>>
    %dma_wait3A_241 = arith.constant 0 : i32
    %dma_wait3A_242 = arith.constant 0 : i32
    %dma_wait3A_243 = tpu.memref_slice %arg2[%dma_wait3A_241, %dma_wait3A_242] : memref<10000x128xf32, #tpu.memory_space<hbm>> -> memref<10000x128xf32, #tpu.memory_space<hbm>>
    tpu.wait_indirect_dma semaphore(%arg10 : memref<!tpu.dma_semaphore, #tpu.memory_space<semaphore_mem>>) src(%dma_wait3A_243 : memref<10000x128xf32, #tpu.memory_space<hbm>>) dst(%dma_wait3A_237 : memref<128x128xf32, #tpu.memory_space<vmem>>)
    %dma_start3A_244 = arith.constant 0 : i32
    %dma_start3A_245 = arith.constant 0 : i32
    %dma_start3A_246 = arith.constant 0 : i32
    %dma_start3A_247 = arith.constant 0 : i32
    %dma_start3A_248 = tpu.memref_slice %arg8[%dma_start3A_244, %dma_start3A_246, %dma_start3A_247] : memref<2x128x128xf32, #tpu.memory_space<vmem>> -> memref<1x128x128xf32, #tpu.memory_space<vmem>>
    %dma_start3A_249 = tpu.memref_squeeze %dma_start3A_248 : memref<1x128x128xf32, #tpu.memory_space<vmem>> -> memref<128x128xf32, #tpu.memory_space<vmem>>
    %dma_start3A_250 = arith.constant 0 : i32
    %dma_start3A_251 = tpu.memref_slice %arg7[%dma_start3A_245, %dma_start3A_250] : memref<40x128xi32, #tpu.memory_space<vmem>> -> memref<1x128xi32, #tpu.memory_space<vmem>>
    %dma_start3A_252 = tpu.memref_squeeze %dma_start3A_251 : memref<1x128xi32, #tpu.memory_space<vmem>> -> memref<128xi32, #tpu.memory_space<vmem>>
    %dma_start3A_253 = arith.constant 0 : i32
    %dma_start3A_254 = arith.constant 0 : i32
    %dma_start3A_255 = tpu.memref_slice %arg9[%dma_start3A_253, %dma_start3A_254] : memref<10240x128xf32, #tpu.memory_space<vmem_shared>> -> memref<10240x128xf32, #tpu.memory_space<vmem_shared>>
    tpu.enqueue_indirect_dma source(%dma_start3A_249 : memref<128x128xf32, #tpu.memory_space<vmem>>) target(%dma_start3A_255 : memref<10240x128xf32, #tpu.memory_space<vmem_shared>>) offsets(%dma_start3A_252 : memref<128xi32, #tpu.memory_space<vmem>>) semaphore(%arg12 : memref<!tpu.dma_semaphore, #tpu.memory_space<semaphore_mem>>) {add = true}
    %dma_start3A_256 = arith.constant 1 : i32
    %dma_start3A_257 = arith.constant 1 : i32
    %dma_start3A_258 = arith.constant 0 : i32
    %dma_start3A_259 = arith.constant 0 : i32
    %dma_start3A_260 = tpu.memref_slice %arg8[%dma_start3A_257, %dma_start3A_258, %dma_start3A_259] : memref<2x128x128xf32, #tpu.memory_space<vmem>> -> memref<1x128x128xf32, #tpu.memory_space<vmem>>
    %dma_start3A_261 = tpu.memref_squeeze %dma_start3A_260 : memref<1x128x128xf32, #tpu.memory_space<vmem>> -> memref<128x128xf32, #tpu.memory_space<vmem>>
    %dma_start3A_262 = arith.constant 0 : i32
    %dma_start3A_263 = tpu.memref_slice %arg6[%dma_start3A_256, %dma_start3A_262] : memref<40x128xi32, #tpu.memory_space<vmem>> -> memref<1x128xi32, #tpu.memory_space<vmem>>
    %dma_start3A_264 = tpu.memref_squeeze %dma_start3A_263 : memref<1x128xi32, #tpu.memory_space<vmem>> -> memref<128xi32, #tpu.memory_space<vmem>>
    %dma_start3A_265 = arith.constant 0 : i32
    %dma_start3A_266 = arith.constant 0 : i32
    %dma_start3A_267 = tpu.memref_slice %arg2[%dma_start3A_265, %dma_start3A_266] : memref<10000x128xf32, #tpu.memory_space<hbm>> -> memref<10000x128xf32, #tpu.memory_space<hbm>>
    tpu.enqueue_indirect_dma source(%dma_start3A_267 : memref<10000x128xf32, #tpu.memory_space<hbm>>) target(%dma_start3A_261 : memref<128x128xf32, #tpu.memory_space<vmem>>) offsets(%dma_start3A_264 : memref<128xi32, #tpu.memory_space<vmem>>) semaphore(%arg11 : memref<!tpu.dma_semaphore, #tpu.memory_space<semaphore_mem>>)
    %dma_wait3A_268 = arith.constant 0 : i32
    %dma_wait3A_269 = arith.constant 1 : i32
    %dma_wait3A_270 = arith.constant 0 : i32
    %dma_wait3A_271 = arith.constant 0 : i32
    %dma_wait3A_272 = tpu.memref_slice %arg8[%dma_wait3A_269, %dma_wait3A_270, %dma_wait3A_271] : memref<2x128x128xf32, #tpu.memory_space<vmem>> -> memref<1x128x128xf32, #tpu.memory_space<vmem>>
    %dma_wait3A_273 = tpu.memref_squeeze %dma_wait3A_272 : memref<1x128x128xf32, #tpu.memory_space<vmem>> -> memref<128x128xf32, #tpu.memory_space<vmem>>
    %dma_wait3A_274 = arith.constant 0 : i32
    %dma_wait3A_275 = tpu.memref_slice %arg6[%dma_wait3A_268, %dma_wait3A_274] : memref<40x128xi32, #tpu.memory_space<vmem>> -> memref<1x128xi32, #tpu.memory_space<vmem>>
    %dma_wait3A_276 = tpu.memref_squeeze %dma_wait3A_275 : memref<1x128xi32, #tpu.memory_space<vmem>> -> memref<128xi32, #tpu.memory_space<vmem>>
    %dma_wait3A_277 = arith.constant 0 : i32
    %dma_wait3A_278 = arith.constant 0 : i32
    %dma_wait3A_279 = tpu.memref_slice %arg2[%dma_wait3A_277, %dma_wait3A_278] : memref<10000x128xf32, #tpu.memory_space<hbm>> -> memref<10000x128xf32, #tpu.memory_space<hbm>>
    tpu.wait_indirect_dma semaphore(%arg11 : memref<!tpu.dma_semaphore, #tpu.memory_space<semaphore_mem>>) src(%dma_wait3A_279 : memref<10000x128xf32, #tpu.memory_space<hbm>>) dst(%dma_wait3A_273 : memref<128x128xf32, #tpu.memory_space<vmem>>)
    %dma_start3A_280 = arith.constant 1 : i32
    %dma_start3A_281 = arith.constant 1 : i32
    %dma_start3A_282 = arith.constant 0 : i32
    %dma_start3A_283 = arith.constant 0 : i32
    %dma_start3A_284 = tpu.memref_slice %arg8[%dma_start3A_280, %dma_start3A_282, %dma_start3A_283] : memref<2x128x128xf32, #tpu.memory_space<vmem>> -> memref<1x128x128xf32, #tpu.memory_space<vmem>>
    %dma_start3A_285 = tpu.memref_squeeze %dma_start3A_284 : memref<1x128x128xf32, #tpu.memory_space<vmem>> -> memref<128x128xf32, #tpu.memory_space<vmem>>
    %dma_start3A_286 = arith.constant 0 : i32
    %dma_start3A_287 = tpu.memref_slice %arg7[%dma_start3A_281, %dma_start3A_286] : memref<40x128xi32, #tpu.memory_space<vmem>> -> memref<1x128xi32, #tpu.memory_space<vmem>>
    %dma_start3A_288 = tpu.memref_squeeze %dma_start3A_287 : memref<1x128xi32, #tpu.memory_space<vmem>> -> memref<128xi32, #tpu.memory_space<vmem>>
    %dma_start3A_289 = arith.constant 0 : i32
    %dma_start3A_290 = arith.constant 0 : i32
    %dma_start3A_291 = tpu.memref_slice %arg9[%dma_start3A_289, %dma_start3A_290] : memref<10240x128xf32, #tpu.memory_space<vmem_shared>> -> memref<10240x128xf32, #tpu.memory_space<vmem_shared>>
    tpu.enqueue_indirect_dma source(%dma_start3A_285 : memref<128x128xf32, #tpu.memory_space<vmem>>) target(%dma_start3A_291 : memref<10240x128xf32, #tpu.memory_space<vmem_shared>>) offsets(%dma_start3A_288 : memref<128xi32, #tpu.memory_space<vmem>>) semaphore(%arg13 : memref<!tpu.dma_semaphore, #tpu.memory_space<semaphore_mem>>) {add = true}
    %dma_wait3A_292 = arith.constant 0 : i32
    %dma_wait3A_293 = arith.constant 0 : i32
    %dma_wait3A_294 = arith.constant 0 : i32
    %dma_wait3A_295 = arith.constant 0 : i32
    %dma_wait3A_296 = tpu.memref_slice %arg8[%dma_wait3A_292, %dma_wait3A_294, %dma_wait3A_295] : memref<2x128x128xf32, #tpu.memory_space<vmem>> -> memref<1x128x128xf32, #tpu.memory_space<vmem>>
    %dma_wait3A_297 = tpu.memref_squeeze %dma_wait3A_296 : memref<1x128x128xf32, #tpu.memory_space<vmem>> -> memref<128x128xf32, #tpu.memory_space<vmem>>
    %dma_wait3A_298 = arith.constant 0 : i32
    %dma_wait3A_299 = tpu.memref_slice %arg7[%dma_wait3A_293, %dma_wait3A_298] : memref<40x128xi32, #tpu.memory_space<vmem>> -> memref<1x128xi32, #tpu.memory_space<vmem>>
    %dma_wait3A_300 = tpu.memref_squeeze %dma_wait3A_299 : memref<1x128xi32, #tpu.memory_space<vmem>> -> memref<128xi32, #tpu.memory_space<vmem>>
    %dma_wait3A_301 = arith.constant 0 : i32
    %dma_wait3A_302 = arith.constant 0 : i32
    %dma_wait3A_303 = tpu.memref_slice %arg9[%dma_wait3A_301, %dma_wait3A_302] : memref<10240x128xf32, #tpu.memory_space<vmem_shared>> -> memref<10240x128xf32, #tpu.memory_space<vmem_shared>>
    tpu.wait_indirect_dma semaphore(%arg12 : memref<!tpu.dma_semaphore, #tpu.memory_space<semaphore_mem>>) src(%dma_wait3A_297 : memref<128x128xf32, #tpu.memory_space<vmem>>) dst(%dma_wait3A_303 : memref<10240x128xf32, #tpu.memory_space<vmem_shared>>)
    %dma_start3A_304 = arith.constant 2 : i32
    %dma_start3A_305 = arith.constant 0 : i32
    %dma_start3A_306 = arith.constant 0 : i32
    %dma_start3A_307 = arith.constant 0 : i32
    %dma_start3A_308 = tpu.memref_slice %arg8[%dma_start3A_305, %dma_start3A_306, %dma_start3A_307] : memref<2x128x128xf32, #tpu.memory_space<vmem>> -> memref<1x128x128xf32, #tpu.memory_space<vmem>>
    %dma_start3A_309 = tpu.memref_squeeze %dma_start3A_308 : memref<1x128x128xf32, #tpu.memory_space<vmem>> -> memref<128x128xf32, #tpu.memory_space<vmem>>
    %dma_start3A_310 = arith.constant 0 : i32
    %dma_start3A_311 = tpu.memref_slice %arg6[%dma_start3A_304, %dma_start3A_310] : memref<40x128xi32, #tpu.memory_space<vmem>> -> memref<1x128xi32, #tpu.memory_space<vmem>>
    %dma_start3A_312 = tpu.memref_squeeze %dma_start3A_311 : memref<1x128xi32, #tpu.memory_space<vmem>> -> memref<128xi32, #tpu.memory_space<vmem>>
    %dma_start3A_313 = arith.constant 0 : i32
    %dma_start3A_314 = arith.constant 0 : i32
    %dma_start3A_315 = tpu.memref_slice %arg2[%dma_start3A_313, %dma_start3A_314] : memref<10000x128xf32, #tpu.memory_space<hbm>> -> memref<10000x128xf32, #tpu.memory_space<hbm>>
    tpu.enqueue_indirect_dma source(%dma_start3A_315 : memref<10000x128xf32, #tpu.memory_space<hbm>>) target(%dma_start3A_309 : memref<128x128xf32, #tpu.memory_space<vmem>>) offsets(%dma_start3A_312 : memref<128xi32, #tpu.memory_space<vmem>>) semaphore(%arg10 : memref<!tpu.dma_semaphore, #tpu.memory_space<semaphore_mem>>)
    %scan3A_316 = arith.constant 0 : i32
    %scan3A_317 = arith.constant 1 : i32
    %scan3A_318 = arith.constant 18 : i32
    %scan3A_319 = arith.addi %scan3A_317, %scan3A_318 : i32
    %scan3A_320 = arith.constant 1 : i32
    %scan3A_321 = scf.for %scan3A_427 = %scan3A_317 to %scan3A_319 step %scan3A_320 iter_args(%scan3A_428 = %scan3A_316) -> (i32)  : i32 {
      %mul3A_429 = arith.constant 2 : i32
      %mul3A_430 = arith.muli %mul3A_429, %scan3A_427 : i32
      %dma_wait3A_431 = arith.constant 0 : i32
      %dma_wait3A_432 = arith.constant 0 : i32
      %dma_wait3A_433 = arith.constant 0 : i32
      %dma_wait3A_434 = arith.constant 0 : i32
      %dma_wait3A_435 = tpu.memref_slice %arg8[%dma_wait3A_432, %dma_wait3A_433, %dma_wait3A_434] : memref<2x128x128xf32, #tpu.memory_space<vmem>> -> memref<1x128x128xf32, #tpu.memory_space<vmem>>
      %dma_wait3A_436 = tpu.memref_squeeze %dma_wait3A_435 : memref<1x128x128xf32, #tpu.memory_space<vmem>> -> memref<128x128xf32, #tpu.memory_space<vmem>>
      %dma_wait3A_437 = arith.constant 0 : i32
      %dma_wait3A_438 = tpu.memref_slice %arg6[%dma_wait3A_431, %dma_wait3A_437] : memref<40x128xi32, #tpu.memory_space<vmem>> -> memref<1x128xi32, #tpu.memory_space<vmem>>
      %dma_wait3A_439 = tpu.memref_squeeze %dma_wait3A_438 : memref<1x128xi32, #tpu.memory_space<vmem>> -> memref<128xi32, #tpu.memory_space<vmem>>
      %dma_wait3A_440 = arith.constant 0 : i32
      %dma_wait3A_441 = arith.constant 0 : i32
      %dma_wait3A_442 = tpu.memref_slice %arg2[%dma_wait3A_440, %dma_wait3A_441] : memref<10000x128xf32, #tpu.memory_space<hbm>> -> memref<10000x128xf32, #tpu.memory_space<hbm>>
      tpu.wait_indirect_dma semaphore(%arg10 : memref<!tpu.dma_semaphore, #tpu.memory_space<semaphore_mem>>) src(%dma_wait3A_442 : memref<10000x128xf32, #tpu.memory_space<hbm>>) dst(%dma_wait3A_436 : memref<128x128xf32, #tpu.memory_space<vmem>>)
      %dma_start3A_443 = arith.constant 0 : i32
      %dma_start3A_444 = arith.constant 0 : i32
      %dma_start3A_445 = arith.constant 0 : i32
      %dma_start3A_446 = tpu.memref_slice %arg8[%dma_start3A_443, %dma_start3A_444, %dma_start3A_445] : memref<2x128x128xf32, #tpu.memory_space<vmem>> -> memref<1x128x128xf32, #tpu.memory_space<vmem>>
      %dma_start3A_447 = tpu.memref_squeeze %dma_start3A_446 : memref<1x128x128xf32, #tpu.memory_space<vmem>> -> memref<128x128xf32, #tpu.memory_space<vmem>>
      %dma_start3A_448 = arith.constant 0 : i32
      %dma_start3A_449 = tpu.memref_slice %arg7[%mul3A_430, %dma_start3A_448] : memref<40x128xi32, #tpu.memory_space<vmem>> -> memref<1x128xi32, #tpu.memory_space<vmem>>
      %dma_start3A_450 = tpu.memref_squeeze %dma_start3A_449 : memref<1x128xi32, #tpu.memory_space<vmem>> -> memref<128xi32, #tpu.memory_space<vmem>>
      %dma_start3A_451 = arith.constant 0 : i32
      %dma_start3A_452 = arith.constant 0 : i32
      %dma_start3A_453 = tpu.memref_slice %arg9[%dma_start3A_451, %dma_start3A_452] : memref<10240x128xf32, #tpu.memory_space<vmem_shared>> -> memref<10240x128xf32, #tpu.memory_space<vmem_shared>>
      tpu.enqueue_indirect_dma source(%dma_start3A_447 : memref<128x128xf32, #tpu.memory_space<vmem>>) target(%dma_start3A_453 : memref<10240x128xf32, #tpu.memory_space<vmem_shared>>) offsets(%dma_start3A_450 : memref<128xi32, #tpu.memory_space<vmem>>) semaphore(%arg12 : memref<!tpu.dma_semaphore, #tpu.memory_space<semaphore_mem>>) {add = true}
      %dma_wait3A_454 = arith.constant 1 : i32
      %dma_wait3A_455 = arith.constant 0 : i32
      %dma_wait3A_456 = arith.constant 0 : i32
      %dma_wait3A_457 = arith.constant 0 : i32
      %dma_wait3A_458 = tpu.memref_slice %arg8[%dma_wait3A_454, %dma_wait3A_456, %dma_wait3A_457] : memref<2x128x128xf32, #tpu.memory_space<vmem>> -> memref<1x128x128xf32, #tpu.memory_space<vmem>>
      %dma_wait3A_459 = tpu.memref_squeeze %dma_wait3A_458 : memref<1x128x128xf32, #tpu.memory_space<vmem>> -> memref<128x128xf32, #tpu.memory_space<vmem>>
      %dma_wait3A_460 = arith.constant 0 : i32
      %dma_wait3A_461 = tpu.memref_slice %arg7[%dma_wait3A_455, %dma_wait3A_460] : memref<40x128xi32, #tpu.memory_space<vmem>> -> memref<1x128xi32, #tpu.memory_space<vmem>>
      %dma_wait3A_462 = tpu.memref_squeeze %dma_wait3A_461 : memref<1x128xi32, #tpu.memory_space<vmem>> -> memref<128xi32, #tpu.memory_space<vmem>>
      %dma_wait3A_463 = arith.constant 0 : i32
      %dma_wait3A_464 = arith.constant 0 : i32
      %dma_wait3A_465 = tpu.memref_slice %arg9[%dma_wait3A_463, %dma_wait3A_464] : memref<10240x128xf32, #tpu.memory_space<vmem_shared>> -> memref<10240x128xf32, #tpu.memory_space<vmem_shared>>
      tpu.wait_indirect_dma semaphore(%arg13 : memref<!tpu.dma_semaphore, #tpu.memory_space<semaphore_mem>>) src(%dma_wait3A_459 : memref<128x128xf32, #tpu.memory_space<vmem>>) dst(%dma_wait3A_465 : memref<10240x128xf32, #tpu.memory_space<vmem_shared>>)
      %add3A_466 = arith.constant 1 : i32
      %add3A_467 = arith.addi %mul3A_430, %add3A_466 : i32
      %dma_start3A_468 = arith.constant 1 : i32
      %dma_start3A_469 = arith.constant 0 : i32
      %dma_start3A_470 = arith.constant 0 : i32
      %dma_start3A_471 = tpu.memref_slice %arg8[%dma_start3A_468, %dma_start3A_469, %dma_start3A_470] : memref<2x128x128xf32, #tpu.memory_space<vmem>> -> memref<1x128x128xf32, #tpu.memory_space<vmem>>
      %dma_start3A_472 = tpu.memref_squeeze %dma_start3A_471 : memref<1x128x128xf32, #tpu.memory_space<vmem>> -> memref<128x128xf32, #tpu.memory_space<vmem>>
      %dma_start3A_473 = arith.constant 0 : i32
      %dma_start3A_474 = tpu.memref_slice %arg6[%add3A_467, %dma_start3A_473] : memref<40x128xi32, #tpu.memory_space<vmem>> -> memref<1x128xi32, #tpu.memory_space<vmem>>
      %dma_start3A_475 = tpu.memref_squeeze %dma_start3A_474 : memref<1x128xi32, #tpu.memory_space<vmem>> -> memref<128xi32, #tpu.memory_space<vmem>>
      %dma_start3A_476 = arith.constant 0 : i32
      %dma_start3A_477 = arith.constant 0 : i32
      %dma_start3A_478 = tpu.memref_slice %arg2[%dma_start3A_476, %dma_start3A_477] : memref<10000x128xf32, #tpu.memory_space<hbm>> -> memref<10000x128xf32, #tpu.memory_space<hbm>>
      tpu.enqueue_indirect_dma source(%dma_start3A_478 : memref<10000x128xf32, #tpu.memory_space<hbm>>) target(%dma_start3A_472 : memref<128x128xf32, #tpu.memory_space<vmem>>) offsets(%dma_start3A_475 : memref<128xi32, #tpu.memory_space<vmem>>) semaphore(%arg11 : memref<!tpu.dma_semaphore, #tpu.memory_space<semaphore_mem>>)
      %dma_wait3A_479 = arith.constant 0 : i32
      %dma_wait3A_480 = arith.constant 1 : i32
      %dma_wait3A_481 = arith.constant 0 : i32
      %dma_wait3A_482 = arith.constant 0 : i32
      %dma_wait3A_483 = tpu.memref_slice %arg8[%dma_wait3A_480, %dma_wait3A_481, %dma_wait3A_482] : memref<2x128x128xf32, #tpu.memory_space<vmem>> -> memref<1x128x128xf32, #tpu.memory_space<vmem>>
      %dma_wait3A_484 = tpu.memref_squeeze %dma_wait3A_483 : memref<1x128x128xf32, #tpu.memory_space<vmem>> -> memref<128x128xf32, #tpu.memory_space<vmem>>
      %dma_wait3A_485 = arith.constant 0 : i32
      %dma_wait3A_486 = tpu.memref_slice %arg6[%dma_wait3A_479, %dma_wait3A_485] : memref<40x128xi32, #tpu.memory_space<vmem>> -> memref<1x128xi32, #tpu.memory_space<vmem>>
      %dma_wait3A_487 = tpu.memref_squeeze %dma_wait3A_486 : memref<1x128xi32, #tpu.memory_space<vmem>> -> memref<128xi32, #tpu.memory_space<vmem>>
      %dma_wait3A_488 = arith.constant 0 : i32
      %dma_wait3A_489 = arith.constant 0 : i32
      %dma_wait3A_490 = tpu.memref_slice %arg2[%dma_wait3A_488, %dma_wait3A_489] : memref<10000x128xf32, #tpu.memory_space<hbm>> -> memref<10000x128xf32, #tpu.memory_space<hbm>>
      tpu.wait_indirect_dma semaphore(%arg11 : memref<!tpu.dma_semaphore, #tpu.memory_space<semaphore_mem>>) src(%dma_wait3A_490 : memref<10000x128xf32, #tpu.memory_space<hbm>>) dst(%dma_wait3A_484 : memref<128x128xf32, #tpu.memory_space<vmem>>)
      %add3A_491 = arith.constant 1 : i32
      %add3A_492 = arith.addi %mul3A_430, %add3A_491 : i32
      %dma_start3A_493 = arith.constant 1 : i32
      %dma_start3A_494 = arith.constant 0 : i32
      %dma_start3A_495 = arith.constant 0 : i32
      %dma_start3A_496 = tpu.memref_slice %arg8[%dma_start3A_493, %dma_start3A_494, %dma_start3A_495] : memref<2x128x128xf32, #tpu.memory_space<vmem>> -> memref<1x128x128xf32, #tpu.memory_space<vmem>>
      %dma_start3A_497 = tpu.memref_squeeze %dma_start3A_496 : memref<1x128x128xf32, #tpu.memory_space<vmem>> -> memref<128x128xf32, #tpu.memory_space<vmem>>
      %dma_start3A_498 = arith.constant 0 : i32
      %dma_start3A_499 = tpu.memref_slice %arg7[%add3A_492, %dma_start3A_498] : memref<40x128xi32, #tpu.memory_space<vmem>> -> memref<1x128xi32, #tpu.memory_space<vmem>>
      %dma_start3A_500 = tpu.memref_squeeze %dma_start3A_499 : memref<1x128xi32, #tpu.memory_space<vmem>> -> memref<128xi32, #tpu.memory_space<vmem>>
      %dma_start3A_501 = arith.constant 0 : i32
      %dma_start3A_502 = arith.constant 0 : i32
      %dma_start3A_503 = tpu.memref_slice %arg9[%dma_start3A_501, %dma_start3A_502] : memref<10240x128xf32, #tpu.memory_space<vmem_shared>> -> memref<10240x128xf32, #tpu.memory_space<vmem_shared>>
      tpu.enqueue_indirect_dma source(%dma_start3A_497 : memref<128x128xf32, #tpu.memory_space<vmem>>) target(%dma_start3A_503 : memref<10240x128xf32, #tpu.memory_space<vmem_shared>>) offsets(%dma_start3A_500 : memref<128xi32, #tpu.memory_space<vmem>>) semaphore(%arg13 : memref<!tpu.dma_semaphore, #tpu.memory_space<semaphore_mem>>) {add = true}
      %dma_wait3A_504 = arith.constant 0 : i32
      %dma_wait3A_505 = arith.constant 0 : i32
      %dma_wait3A_506 = arith.constant 0 : i32
      %dma_wait3A_507 = arith.constant 0 : i32
      %dma_wait3A_508 = tpu.memref_slice %arg8[%dma_wait3A_504, %dma_wait3A_506, %dma_wait3A_507] : memref<2x128x128xf32, #tpu.memory_space<vmem>> -> memref<1x128x128xf32, #tpu.memory_space<vmem>>
      %dma_wait3A_509 = tpu.memref_squeeze %dma_wait3A_508 : memref<1x128x128xf32, #tpu.memory_space<vmem>> -> memref<128x128xf32, #tpu.memory_space<vmem>>
      %dma_wait3A_510 = arith.constant 0 : i32
      %dma_wait3A_511 = tpu.memref_slice %arg7[%dma_wait3A_505, %dma_wait3A_510] : memref<40x128xi32, #tpu.memory_space<vmem>> -> memref<1x128xi32, #tpu.memory_space<vmem>>
      %dma_wait3A_512 = tpu.memref_squeeze %dma_wait3A_511 : memref<1x128xi32, #tpu.memory_space<vmem>> -> memref<128xi32, #tpu.memory_space<vmem>>
      %dma_wait3A_513 = arith.constant 0 : i32
      %dma_wait3A_514 = arith.constant 0 : i32
      %dma_wait3A_515 = tpu.memref_slice %arg9[%dma_wait3A_513, %dma_wait3A_514] : memref<10240x128xf32, #tpu.memory_space<vmem_shared>> -> memref<10240x128xf32, #tpu.memory_space<vmem_shared>>
      tpu.wait_indirect_dma semaphore(%arg12 : memref<!tpu.dma_semaphore, #tpu.memory_space<semaphore_mem>>) src(%dma_wait3A_509 : memref<128x128xf32, #tpu.memory_space<vmem>>) dst(%dma_wait3A_515 : memref<10240x128xf32, #tpu.memory_space<vmem_shared>>)
      %add3A_516 = arith.constant 2 : i32
      %add3A_517 = arith.addi %mul3A_430, %add3A_516 : i32
      %dma_start3A_518 = arith.constant 0 : i32
      %dma_start3A_519 = arith.constant 0 : i32
      %dma_start3A_520 = arith.constant 0 : i32
      %dma_start3A_521 = tpu.memref_slice %arg8[%dma_start3A_518, %dma_start3A_519, %dma_start3A_520] : memref<2x128x128xf32, #tpu.memory_space<vmem>> -> memref<1x128x128xf32, #tpu.memory_space<vmem>>
      %dma_start3A_522 = tpu.memref_squeeze %dma_start3A_521 : memref<1x128x128xf32, #tpu.memory_space<vmem>> -> memref<128x128xf32, #tpu.memory_space<vmem>>
      %dma_start3A_523 = arith.constant 0 : i32
      %dma_start3A_524 = tpu.memref_slice %arg6[%add3A_517, %dma_start3A_523] : memref<40x128xi32, #tpu.memory_space<vmem>> -> memref<1x128xi32, #tpu.memory_space<vmem>>
      %dma_start3A_525 = tpu.memref_squeeze %dma_start3A_524 : memref<1x128xi32, #tpu.memory_space<vmem>> -> memref<128xi32, #tpu.memory_space<vmem>>
      %dma_start3A_526 = arith.constant 0 : i32
      %dma_start3A_527 = arith.constant 0 : i32
      %dma_start3A_528 = tpu.memref_slice %arg2[%dma_start3A_526, %dma_start3A_527] : memref<10000x128xf32, #tpu.memory_space<hbm>> -> memref<10000x128xf32, #tpu.memory_space<hbm>>
      tpu.enqueue_indirect_dma source(%dma_start3A_528 : memref<10000x128xf32, #tpu.memory_space<hbm>>) target(%dma_start3A_522 : memref<128x128xf32, #tpu.memory_space<vmem>>) offsets(%dma_start3A_525 : memref<128xi32, #tpu.memory_space<vmem>>) semaphore(%arg10 : memref<!tpu.dma_semaphore, #tpu.memory_space<semaphore_mem>>)
      %scan3A_529 = arith.constant 0 : i32
      scf.yield %scan3A_529 : i32
    }
    %scan3A_322 = arith.constant 18 : i32
    %dma_wait3A_323 = arith.constant 0 : i32
    %dma_wait3A_324 = arith.constant 0 : i32
    %dma_wait3A_325 = arith.constant 0 : i32
    %dma_wait3A_326 = arith.constant 0 : i32
    %dma_wait3A_327 = tpu.memref_slice %arg8[%dma_wait3A_324, %dma_wait3A_325, %dma_wait3A_326] : memref<2x128x128xf32, #tpu.memory_space<vmem>> -> memref<1x128x128xf32, #tpu.memory_space<vmem>>
    %dma_wait3A_328 = tpu.memref_squeeze %dma_wait3A_327 : memref<1x128x128xf32, #tpu.memory_space<vmem>> -> memref<128x128xf32, #tpu.memory_space<vmem>>
    %dma_wait3A_329 = arith.constant 0 : i32
    %dma_wait3A_330 = tpu.memref_slice %arg6[%dma_wait3A_323, %dma_wait3A_329] : memref<40x128xi32, #tpu.memory_space<vmem>> -> memref<1x128xi32, #tpu.memory_space<vmem>>
    %dma_wait3A_331 = tpu.memref_squeeze %dma_wait3A_330 : memref<1x128xi32, #tpu.memory_space<vmem>> -> memref<128xi32, #tpu.memory_space<vmem>>
    %dma_wait3A_332 = arith.constant 0 : i32
    %dma_wait3A_333 = arith.constant 0 : i32
    %dma_wait3A_334 = tpu.memref_slice %arg2[%dma_wait3A_332, %dma_wait3A_333] : memref<10000x128xf32, #tpu.memory_space<hbm>> -> memref<10000x128xf32, #tpu.memory_space<hbm>>
    tpu.wait_indirect_dma semaphore(%arg10 : memref<!tpu.dma_semaphore, #tpu.memory_space<semaphore_mem>>) src(%dma_wait3A_334 : memref<10000x128xf32, #tpu.memory_space<hbm>>) dst(%dma_wait3A_328 : memref<128x128xf32, #tpu.memory_space<vmem>>)
    %dma_start3A_335 = arith.constant 0 : i32
    %dma_start3A_336 = arith.constant 38 : i32
    %dma_start3A_337 = arith.constant 0 : i32
    %dma_start3A_338 = arith.constant 0 : i32
    %dma_start3A_339 = tpu.memref_slice %arg8[%dma_start3A_335, %dma_start3A_337, %dma_start3A_338] : memref<2x128x128xf32, #tpu.memory_space<vmem>> -> memref<1x128x128xf32, #tpu.memory_space<vmem>>
    %dma_start3A_340 = tpu.memref_squeeze %dma_start3A_339 : memref<1x128x128xf32, #tpu.memory_space<vmem>> -> memref<128x128xf32, #tpu.memory_space<vmem>>
    %dma_start3A_341 = arith.constant 0 : i32
    %dma_start3A_342 = tpu.memref_slice %arg7[%dma_start3A_336, %dma_start3A_341] : memref<40x128xi32, #tpu.memory_space<vmem>> -> memref<1x128xi32, #tpu.memory_space<vmem>>
    %dma_start3A_343 = tpu.memref_squeeze %dma_start3A_342 : memref<1x128xi32, #tpu.memory_space<vmem>> -> memref<128xi32, #tpu.memory_space<vmem>>
    %dma_start3A_344 = arith.constant 0 : i32
    %dma_start3A_345 = arith.constant 0 : i32
    %dma_start3A_346 = tpu.memref_slice %arg9[%dma_start3A_344, %dma_start3A_345] : memref<10240x128xf32, #tpu.memory_space<vmem_shared>> -> memref<10240x128xf32, #tpu.memory_space<vmem_shared>>
    tpu.enqueue_indirect_dma source(%dma_start3A_340 : memref<128x128xf32, #tpu.memory_space<vmem>>) target(%dma_start3A_346 : memref<10240x128xf32, #tpu.memory_space<vmem_shared>>) offsets(%dma_start3A_343 : memref<128xi32, #tpu.memory_space<vmem>>) semaphore(%arg12 : memref<!tpu.dma_semaphore, #tpu.memory_space<semaphore_mem>>) {add = true}
    %dma_wait3A_347 = arith.constant 1 : i32
    %dma_wait3A_348 = arith.constant 0 : i32
    %dma_wait3A_349 = arith.constant 0 : i32
    %dma_wait3A_350 = arith.constant 0 : i32
    %dma_wait3A_351 = tpu.memref_slice %arg8[%dma_wait3A_347, %dma_wait3A_349, %dma_wait3A_350] : memref<2x128x128xf32, #tpu.memory_space<vmem>> -> memref<1x128x128xf32, #tpu.memory_space<vmem>>
    %dma_wait3A_352 = tpu.memref_squeeze %dma_wait3A_351 : memref<1x128x128xf32, #tpu.memory_space<vmem>> -> memref<128x128xf32, #tpu.memory_space<vmem>>
    %dma_wait3A_353 = arith.constant 0 : i32
    %dma_wait3A_354 = tpu.memref_slice %arg7[%dma_wait3A_348, %dma_wait3A_353] : memref<40x128xi32, #tpu.memory_space<vmem>> -> memref<1x128xi32, #tpu.memory_space<vmem>>
    %dma_wait3A_355 = tpu.memref_squeeze %dma_wait3A_354 : memref<1x128xi32, #tpu.memory_space<vmem>> -> memref<128xi32, #tpu.memory_space<vmem>>
    %dma_wait3A_356 = arith.constant 0 : i32
    %dma_wait3A_357 = arith.constant 0 : i32
    %dma_wait3A_358 = tpu.memref_slice %arg9[%dma_wait3A_356, %dma_wait3A_357] : memref<10240x128xf32, #tpu.memory_space<vmem_shared>> -> memref<10240x128xf32, #tpu.memory_space<vmem_shared>>
    tpu.wait_indirect_dma semaphore(%arg13 : memref<!tpu.dma_semaphore, #tpu.memory_space<semaphore_mem>>) src(%dma_wait3A_352 : memref<128x128xf32, #tpu.memory_space<vmem>>) dst(%dma_wait3A_358 : memref<10240x128xf32, #tpu.memory_space<vmem_shared>>)
    %dma_start3A_359 = arith.constant 39 : i32
    %dma_start3A_360 = arith.constant 1 : i32
    %dma_start3A_361 = arith.constant 0 : i32
    %dma_start3A_362 = arith.constant 0 : i32
    %dma_start3A_363 = tpu.memref_slice %arg8[%dma_start3A_360, %dma_start3A_361, %dma_start3A_362] : memref<2x128x128xf32, #tpu.memory_space<vmem>> -> memref<1x128x128xf32, #tpu.memory_space<vmem>>
    %dma_start3A_364 = tpu.memref_squeeze %dma_start3A_363 : memref<1x128x128xf32, #tpu.memory_space<vmem>> -> memref<128x128xf32, #tpu.memory_space<vmem>>
    %dma_start3A_365 = arith.constant 0 : i32
    %dma_start3A_366 = tpu.memref_slice %arg6[%dma_start3A_359, %dma_start3A_365] : memref<40x128xi32, #tpu.memory_space<vmem>> -> memref<1x128xi32, #tpu.memory_space<vmem>>
    %dma_start3A_367 = tpu.memref_squeeze %dma_start3A_366 : memref<1x128xi32, #tpu.memory_space<vmem>> -> memref<128xi32, #tpu.memory_space<vmem>>
    %dma_start3A_368 = arith.constant 0 : i32
    %dma_start3A_369 = arith.constant 0 : i32
    %dma_start3A_370 = tpu.memref_slice %arg2[%dma_start3A_368, %dma_start3A_369] : memref<10000x128xf32, #tpu.memory_space<hbm>> -> memref<10000x128xf32, #tpu.memory_space<hbm>>
    tpu.enqueue_indirect_dma source(%dma_start3A_370 : memref<10000x128xf32, #tpu.memory_space<hbm>>) target(%dma_start3A_364 : memref<128x128xf32, #tpu.memory_space<vmem>>) offsets(%dma_start3A_367 : memref<128xi32, #tpu.memory_space<vmem>>) semaphore(%arg11 : memref<!tpu.dma_semaphore, #tpu.memory_space<semaphore_mem>>)
    %dma_wait3A_371 = arith.constant 0 : i32
    %dma_wait3A_372 = arith.constant 1 : i32
    %dma_wait3A_373 = arith.constant 0 : i32
    %dma_wait3A_374 = arith.constant 0 : i32
    %dma_wait3A_375 = tpu.memref_slice %arg8[%dma_wait3A_372, %dma_wait3A_373, %dma_wait3A_374] : memref<2x128x128xf32, #tpu.memory_space<vmem>> -> memref<1x128x128xf32, #tpu.memory_space<vmem>>
    %dma_wait3A_376 = tpu.memref_squeeze %dma_wait3A_375 : memref<1x128x128xf32, #tpu.memory_space<vmem>> -> memref<128x128xf32, #tpu.memory_space<vmem>>
    %dma_wait3A_377 = arith.constant 0 : i32
    %dma_wait3A_378 = tpu.memref_slice %arg6[%dma_wait3A_371, %dma_wait3A_377] : memref<40x128xi32, #tpu.memory_space<vmem>> -> memref<1x128xi32, #tpu.memory_space<vmem>>
    %dma_wait3A_379 = tpu.memref_squeeze %dma_wait3A_378 : memref<1x128xi32, #tpu.memory_space<vmem>> -> memref<128xi32, #tpu.memory_space<vmem>>
    %dma_wait3A_380 = arith.constant 0 : i32
    %dma_wait3A_381 = arith.constant 0 : i32
    %dma_wait3A_382 = tpu.memref_slice %arg2[%dma_wait3A_380, %dma_wait3A_381] : memref<10000x128xf32, #tpu.memory_space<hbm>> -> memref<10000x128xf32, #tpu.memory_space<hbm>>
    tpu.wait_indirect_dma semaphore(%arg11 : memref<!tpu.dma_semaphore, #tpu.memory_space<semaphore_mem>>) src(%dma_wait3A_382 : memref<10000x128xf32, #tpu.memory_space<hbm>>) dst(%dma_wait3A_376 : memref<128x128xf32, #tpu.memory_space<vmem>>)
    %dma_start3A_383 = arith.constant 1 : i32
    %dma_start3A_384 = arith.constant 39 : i32
    %dma_start3A_385 = arith.constant 0 : i32
    %dma_start3A_386 = arith.constant 0 : i32
    %dma_start3A_387 = tpu.memref_slice %arg8[%dma_start3A_383, %dma_start3A_385, %dma_start3A_386] : memref<2x128x128xf32, #tpu.memory_space<vmem>> -> memref<1x128x128xf32, #tpu.memory_space<vmem>>
    %dma_start3A_388 = tpu.memref_squeeze %dma_start3A_387 : memref<1x128x128xf32, #tpu.memory_space<vmem>> -> memref<128x128xf32, #tpu.memory_space<vmem>>
    %dma_start3A_389 = arith.constant 0 : i32
    %dma_start3A_390 = tpu.memref_slice %arg7[%dma_start3A_384, %dma_start3A_389] : memref<40x128xi32, #tpu.memory_space<vmem>> -> memref<1x128xi32, #tpu.memory_space<vmem>>
    %dma_start3A_391 = tpu.memref_squeeze %dma_start3A_390 : memref<1x128xi32, #tpu.memory_space<vmem>> -> memref<128xi32, #tpu.memory_space<vmem>>
    %dma_start3A_392 = arith.constant 0 : i32
    %dma_start3A_393 = arith.constant 0 : i32
    %dma_start3A_394 = tpu.memref_slice %arg9[%dma_start3A_392, %dma_start3A_393] : memref<10240x128xf32, #tpu.memory_space<vmem_shared>> -> memref<10240x128xf32, #tpu.memory_space<vmem_shared>>
    tpu.enqueue_indirect_dma source(%dma_start3A_388 : memref<128x128xf32, #tpu.memory_space<vmem>>) target(%dma_start3A_394 : memref<10240x128xf32, #tpu.memory_space<vmem_shared>>) offsets(%dma_start3A_391 : memref<128xi32, #tpu.memory_space<vmem>>) semaphore(%arg13 : memref<!tpu.dma_semaphore, #tpu.memory_space<semaphore_mem>>) {add = true}
    %dma_wait3A_395 = arith.constant 0 : i32
    %dma_wait3A_396 = arith.constant 0 : i32
    %dma_wait3A_397 = arith.constant 0 : i32
    %dma_wait3A_398 = arith.constant 0 : i32
    %dma_wait3A_399 = tpu.memref_slice %arg8[%dma_wait3A_395, %dma_wait3A_397, %dma_wait3A_398] : memref<2x128x128xf32, #tpu.memory_space<vmem>> -> memref<1x128x128xf32, #tpu.memory_space<vmem>>
    %dma_wait3A_400 = tpu.memref_squeeze %dma_wait3A_399 : memref<1x128x128xf32, #tpu.memory_space<vmem>> -> memref<128x128xf32, #tpu.memory_space<vmem>>
    %dma_wait3A_401 = arith.constant 0 : i32
    %dma_wait3A_402 = tpu.memref_slice %arg7[%dma_wait3A_396, %dma_wait3A_401] : memref<40x128xi32, #tpu.memory_space<vmem>> -> memref<1x128xi32, #tpu.memory_space<vmem>>
    %dma_wait3A_403 = tpu.memref_squeeze %dma_wait3A_402 : memref<1x128xi32, #tpu.memory_space<vmem>> -> memref<128xi32, #tpu.memory_space<vmem>>
    %dma_wait3A_404 = arith.constant 0 : i32
    %dma_wait3A_405 = arith.constant 0 : i32
    %dma_wait3A_406 = tpu.memref_slice %arg9[%dma_wait3A_404, %dma_wait3A_405] : memref<10240x128xf32, #tpu.memory_space<vmem_shared>> -> memref<10240x128xf32, #tpu.memory_space<vmem_shared>>
    tpu.wait_indirect_dma semaphore(%arg12 : memref<!tpu.dma_semaphore, #tpu.memory_space<semaphore_mem>>) src(%dma_wait3A_400 : memref<128x128xf32, #tpu.memory_space<vmem>>) dst(%dma_wait3A_406 : memref<10240x128xf32, #tpu.memory_space<vmem_shared>>)
    %dma_wait3A_407 = arith.constant 1 : i32
    %dma_wait3A_408 = arith.constant 0 : i32
    %dma_wait3A_409 = arith.constant 0 : i32
    %dma_wait3A_410 = arith.constant 0 : i32
    %dma_wait3A_411 = tpu.memref_slice %arg8[%dma_wait3A_407, %dma_wait3A_409, %dma_wait3A_410] : memref<2x128x128xf32, #tpu.memory_space<vmem>> -> memref<1x128x128xf32, #tpu.memory_space<vmem>>
    %dma_wait3A_412 = tpu.memref_squeeze %dma_wait3A_411 : memref<1x128x128xf32, #tpu.memory_space<vmem>> -> memref<128x128xf32, #tpu.memory_space<vmem>>
    %dma_wait3A_413 = arith.constant 0 : i32
    %dma_wait3A_414 = tpu.memref_slice %arg7[%dma_wait3A_408, %dma_wait3A_413] : memref<40x128xi32, #tpu.memory_space<vmem>> -> memref<1x128xi32, #tpu.memory_space<vmem>>
    %dma_wait3A_415 = tpu.memref_squeeze %dma_wait3A_414 : memref<1x128xi32, #tpu.memory_space<vmem>> -> memref<128xi32, #tpu.memory_space<vmem>>
    %dma_wait3A_416 = arith.constant 0 : i32
    %dma_wait3A_417 = arith.constant 0 : i32
    %dma_wait3A_418 = tpu.memref_slice %arg9[%dma_wait3A_416, %dma_wait3A_417] : memref<10240x128xf32, #tpu.memory_space<vmem_shared>> -> memref<10240x128xf32, #tpu.memory_space<vmem_shared>>
    tpu.wait_indirect_dma semaphore(%arg13 : memref<!tpu.dma_semaphore, #tpu.memory_space<semaphore_mem>>) src(%dma_wait3A_412 : memref<128x128xf32, #tpu.memory_space<vmem>>) dst(%dma_wait3A_418 : memref<10240x128xf32, #tpu.memory_space<vmem_shared>>)
    %barrier3A_419 = arith.constant 0 : index
    tpu.barrier barrier_id(%barrier3A_419)
    %scan3A_420 = arith.constant 0 : i32
    %scan3A_421 = arith.constant 0 : i32
    %scan3A_422 = arith.constant 5 : i32
    %scan3A_423 = arith.addi %scan3A_421, %scan3A_422 : i32
    %scan3A_424 = arith.constant 1 : i32
    %scan3A_425 = scf.for %scan3A_427 = %scan3A_421 to %scan3A_423 step %scan3A_424 iter_args(%scan3A_428 = %scan3A_420) -> (i32)  : i32 {
      %mul3A_429 = arith.constant 5 : i32
      %mul3A_430 = arith.muli %arg1, %mul3A_429 : i32
      %add3A_431 = arith.addi %mul3A_430, %scan3A_427 : i32
      %mul3A_432 = arith.constant 128 : i32
      %mul3A_433 = arith.muli %add3A_431, %mul3A_432 : i32
      "tpu.region"() ({
        %run_scoped3A = tpu.sem_alloc : memref<!tpu.dma_semaphore, #tpu.memory_space<semaphore_mem>>
        %dma_start3A_435 = arith.constant 0 : i32
        %dma_start3A_436 = arith.constant 0 : i32
        %dma_start3A_437 = tpu.memref_slice %arg5[%arg0, %dma_start3A_435, %dma_start3A_436] : memref<2x10240x128xf32, #tpu.memory_space<hbm>> -> memref<1x10240x128xf32, #tpu.memory_space<hbm>>
        %dma_start3A_438 = tpu.memref_squeeze %dma_start3A_437 : memref<1x10240x128xf32, #tpu.memory_space<hbm>> -> memref<10240x128xf32, #tpu.memory_space<hbm>>
        %dma_start3A_439 = arith.constant 0 : i32
        %dma_start3A_440 = tpu.memref_slice %dma_start3A_438[%mul3A_433, %dma_start3A_439] : memref<10240x128xf32, #tpu.memory_space<hbm>> -> memref<128x128xf32, #tpu.memory_space<hbm>>
        %dma_start3A_441 = arith.constant 0 : i32
        %dma_start3A_442 = tpu.memref_slice %arg9[%mul3A_433, %dma_start3A_441] : memref<10240x128xf32, #tpu.memory_space<vmem_shared>> -> memref<128x128xf32, #tpu.memory_space<vmem_shared>>
        tpu.enqueue_dma source(%dma_start3A_442 : memref<128x128xf32, #tpu.memory_space<vmem_shared>>) target(%dma_start3A_440 : memref<128x128xf32, #tpu.memory_space<hbm>>) target_semaphore(%run_scoped3A : memref<!tpu.dma_semaphore, #tpu.memory_space<semaphore_mem>>)
        %dma_wait3A_443 = arith.constant 0 : i32
        %dma_wait3A_444 = arith.constant 0 : i32
        %dma_wait3A_445 = tpu.memref_slice %arg5[%arg0, %dma_wait3A_443, %dma_wait3A_444] : memref<2x10240x128xf32, #tpu.memory_space<hbm>> -> memref<1x10240x128xf32, #tpu.memory_space<hbm>>
        %dma_wait3A_446 = tpu.memref_squeeze %dma_wait3A_445 : memref<1x10240x128xf32, #tpu.memory_space<hbm>> -> memref<10240x128xf32, #tpu.memory_space<hbm>>
        %dma_wait3A_447 = arith.constant 0 : i32
        %dma_wait3A_448 = tpu.memref_slice %dma_wait3A_446[%mul3A_433, %dma_wait3A_447] : memref<10240x128xf32, #tpu.memory_space<hbm>> -> memref<128x128xf32, #tpu.memory_space<hbm>>
        %dma_wait3A_449 = arith.constant 0 : i32
        %dma_wait3A_450 = tpu.memref_slice %arg9[%mul3A_433, %dma_wait3A_449] : memref<10240x128xf32, #tpu.memory_space<vmem_shared>> -> memref<128x128xf32, #tpu.memory_space<vmem_shared>>
        tpu.wait_dma2 semaphore(%run_scoped3A : memref<!tpu.dma_semaphore, #tpu.memory_space<semaphore_mem>>) src(%dma_wait3A_450 : memref<128x128xf32, #tpu.memory_space<vmem_shared>>) dst(%dma_wait3A_448 : memref<128x128xf32, #tpu.memory_space<hbm>>)
        tpu.yield
      }) : () -> ()
      %scan3A_434 = arith.constant 0 : i32
      scf.yield %scan3A_434 : i32
    }
    %scan3A_426 = arith.constant 5 : i32
    return
  }
}

#map = affine_map<(d0, d1) -> (0, 0)>
#map1 = affine_map<(d0, d1) -> (0, 0, 0)>
module attributes {stable_mosaic.version = 14 : i64} {
  func.func @body(%arg0: i32, %arg1: i32, %arg2: memref<2560x128xi32, #tpu.memory_space<hbm>>, %arg3: memref<2x10240x128xf32, #tpu.memory_space<hbm>>, %arg4: memref<80x128xi32, #tpu.memory_space<vmem>>, %arg5: memref<128x128xf32, #tpu.memory_space<vmem>>, %arg6: memref<10240x128xf32, #tpu.memory_space<vmem_shared>>, %arg7: memref<!tpu.dma_semaphore, #tpu.memory_space<semaphore_mem>>, %arg8: memref<!tpu.dma_semaphore, #tpu.memory_space<semaphore_mem>>) attributes {dimension_semantics = [#tpu.dimension_semantics<core_parallel>, #tpu.dimension_semantics<subcore_parallel>], iteration_bounds = array<i64: 2, 16>, scalar_prefetch = 0 : i64, scratch_operands = 5 : i64, tpu.core_type = #tpu.core_type<sc_vector_subcore>, window_params = [{transform_indices = #map}, {transform_indices = #map1}]} {
    %mul3A = arith.constant 16 : i32
    %mul3A_0 = arith.muli %arg0, %mul3A : i32
    %add3A = arith.addi %mul3A_0, %arg1 : i32
    %broadcast_in_dim3A = arith.constant 0.000000e+00 : f32
    %broadcast_in_dim3A_1 = vector.broadcast %broadcast_in_dim3A : f32 to vector<16xf32>
    %scan3A = arith.constant 0 : i32
    %scan3A_2 = arith.constant 0 : i32
    %scan3A_3 = arith.constant 128 : i32
    %scan3A_4 = arith.addi %scan3A_2, %scan3A_3 : i32
    %scan3A_5 = arith.constant 1 : i32
    %scan3A_6 = scf.for %scan3A_67 = %scan3A_2 to %scan3A_4 step %scan3A_5 iter_args(%scan3A_68 = %scan3A) -> (i32)  : i32 {
      %swap3A = arith.index_cast %scan3A_67 : i32 to index
      %swap3A_69 = arith.constant 0 : index
      %swap3A_70 = tpu.vector_load %arg5[%swap3A, %swap3A_69] {strides = array<i32>} : memref<128x128xf32, #tpu.memory_space<vmem>>, vector<1x16xf32>,
      %swap3A_71 = vector.shape_cast %swap3A_70 : vector<1x16xf32> to vector<16xf32>
      %swap3A_72 = vector.shape_cast %broadcast_in_dim3A_1 : vector<16xf32> to vector<1x16xf32>
      tpu.vector_store %arg5[%swap3A, %swap3A_69], %swap3A_72 {strides = array<i32>} : memref<128x128xf32, #tpu.memory_space<vmem>>, vector<1x16xf32>,
      %swap3A_73 = arith.index_cast %scan3A_67 : i32 to index
      %swap3A_74 = arith.constant 16 : index
      %swap3A_75 = tpu.vector_load %arg5[%swap3A_73, %swap3A_74] {strides = array<i32>} : memref<128x128xf32, #tpu.memory_space<vmem>>, vector<1x16xf32>,
      %swap3A_76 = vector.shape_cast %swap3A_75 : vector<1x16xf32> to vector<16xf32>
      %swap3A_77 = vector.shape_cast %broadcast_in_dim3A_1 : vector<16xf32> to vector<1x16xf32>
      tpu.vector_store %arg5[%swap3A_73, %swap3A_74], %swap3A_77 {strides = array<i32>} : memref<128x128xf32, #tpu.memory_space<vmem>>, vector<1x16xf32>,
      %swap3A_78 = arith.index_cast %scan3A_67 : i32 to index
      %swap3A_79 = arith.constant 32 : index
      %swap3A_80 = tpu.vector_load %arg5[%swap3A_78, %swap3A_79] {strides = array<i32>} : memref<128x128xf32, #tpu.memory_space<vmem>>, vector<1x16xf32>,
      %swap3A_81 = vector.shape_cast %swap3A_80 : vector<1x16xf32> to vector<16xf32>
      %swap3A_82 = vector.shape_cast %broadcast_in_dim3A_1 : vector<16xf32> to vector<1x16xf32>
      tpu.vector_store %arg5[%swap3A_78, %swap3A_79], %swap3A_82 {strides = array<i32>} : memref<128x128xf32, #tpu.memory_space<vmem>>, vector<1x16xf32>,
      %swap3A_83 = arith.index_cast %scan3A_67 : i32 to index
      %swap3A_84 = arith.constant 48 : index
      %swap3A_85 = tpu.vector_load %arg5[%swap3A_83, %swap3A_84] {strides = array<i32>} : memref<128x128xf32, #tpu.memory_space<vmem>>, vector<1x16xf32>,
      %swap3A_86 = vector.shape_cast %swap3A_85 : vector<1x16xf32> to vector<16xf32>
      %swap3A_87 = vector.shape_cast %broadcast_in_dim3A_1 : vector<16xf32> to vector<1x16xf32>
      tpu.vector_store %arg5[%swap3A_83, %swap3A_84], %swap3A_87 {strides = array<i32>} : memref<128x128xf32, #tpu.memory_space<vmem>>, vector<1x16xf32>,
      %swap3A_88 = arith.index_cast %scan3A_67 : i32 to index
      %swap3A_89 = arith.constant 64 : index
      %swap3A_90 = tpu.vector_load %arg5[%swap3A_88, %swap3A_89] {strides = array<i32>} : memref<128x128xf32, #tpu.memory_space<vmem>>, vector<1x16xf32>,
      %swap3A_91 = vector.shape_cast %swap3A_90 : vector<1x16xf32> to vector<16xf32>
      %swap3A_92 = vector.shape_cast %broadcast_in_dim3A_1 : vector<16xf32> to vector<1x16xf32>
      tpu.vector_store %arg5[%swap3A_88, %swap3A_89], %swap3A_92 {strides = array<i32>} : memref<128x128xf32, #tpu.memory_space<vmem>>, vector<1x16xf32>,
      %swap3A_93 = arith.index_cast %scan3A_67 : i32 to index
      %swap3A_94 = arith.constant 80 : index
      %swap3A_95 = tpu.vector_load %arg5[%swap3A_93, %swap3A_94] {strides = array<i32>} : memref<128x128xf32, #tpu.memory_space<vmem>>, vector<1x16xf32>,
      %swap3A_96 = vector.shape_cast %swap3A_95 : vector<1x16xf32> to vector<16xf32>
      %swap3A_97 = vector.shape_cast %broadcast_in_dim3A_1 : vector<16xf32> to vector<1x16xf32>
      tpu.vector_store %arg5[%swap3A_93, %swap3A_94], %swap3A_97 {strides = array<i32>} : memref<128x128xf32, #tpu.memory_space<vmem>>, vector<1x16xf32>,
      %swap3A_98 = arith.index_cast %scan3A_67 : i32 to index
      %swap3A_99 = arith.constant 96 : index
      %swap3A_100 = tpu.vector_load %arg5[%swap3A_98, %swap3A_99] {strides = array<i32>} : memref<128x128xf32, #tpu.memory_space<vmem>>, vector<1x16xf32>,
      %swap3A_101 = vector.shape_cast %swap3A_100 : vector<1x16xf32> to vector<16xf32>
      %swap3A_102 = vector.shape_cast %broadcast_in_dim3A_1 : vector<16xf32> to vector<1x16xf32>
      tpu.vector_store %arg5[%swap3A_98, %swap3A_99], %swap3A_102 {strides = array<i32>} : memref<128x128xf32, #tpu.memory_space<vmem>>, vector<1x16xf32>,
      %swap3A_103 = arith.index_cast %scan3A_67 : i32 to index
      %swap3A_104 = arith.constant 112 : index
      %swap3A_105 = tpu.vector_load %arg5[%swap3A_103, %swap3A_104] {strides = array<i32>} : memref<128x128xf32, #tpu.memory_space<vmem>>, vector<1x16xf32>,
      %swap3A_106 = vector.shape_cast %swap3A_105 : vector<1x16xf32> to vector<16xf32>
      %swap3A_107 = vector.shape_cast %broadcast_in_dim3A_1 : vector<16xf32> to vector<1x16xf32>
      tpu.vector_store %arg5[%swap3A_103, %swap3A_104], %swap3A_107 {strides = array<i32>} : memref<128x128xf32, #tpu.memory_space<vmem>>, vector<1x16xf32>,
      %scan3A_108 = arith.constant 0 : i32
      scf.yield %scan3A_108 : i32
    }
    %scan3A_7 = arith.constant 128 : i32
    %scan3A_8 = arith.constant 0 : i32
    %scan3A_9 = arith.constant 0 : i32
    %scan3A_10 = arith.constant 5 : i32
    %scan3A_11 = arith.addi %scan3A_9, %scan3A_10 : i32
    %scan3A_12 = arith.constant 1 : i32
    %scan3A_13 = scf.for %scan3A_67 = %scan3A_9 to %scan3A_11 step %scan3A_12 iter_args(%scan3A_68 = %scan3A_8) -> (i32)  : i32 {
      %mul3A_69 = arith.constant 5 : i32
      %mul3A_70 = arith.muli %arg1, %mul3A_69 : i32
      %add3A_71 = arith.addi %mul3A_70, %scan3A_67 : i32
      %mul3A_72 = arith.constant 128 : i32
      %mul3A_73 = arith.muli %add3A_71, %mul3A_72 : i32
      "tpu.region"() ({
        %run_scoped3A = tpu.sem_alloc : memref<!tpu.dma_semaphore, #tpu.memory_space<semaphore_mem>>
        %dma_start3A_75 = arith.constant 0 : i32
        %dma_start3A_76 = tpu.memref_slice %arg6[%mul3A_73, %dma_start3A_75] : memref<10240x128xf32, #tpu.memory_space<vmem_shared>> -> memref<128x128xf32, #tpu.memory_space<vmem_shared>>
        %dma_start3A_77 = arith.constant 0 : i32
        %dma_start3A_78 = tpu.memref_slice %arg6[%mul3A_73, %dma_start3A_77] : memref<10240x128xf32, #tpu.memory_space<vmem_shared>> -> memref<128x128xf32, #tpu.memory_space<vmem_shared>>
        tpu.enqueue_dma source(%arg5 : memref<128x128xf32, #tpu.memory_space<vmem>>) target(%dma_start3A_78 : memref<128x128xf32, #tpu.memory_space<vmem_shared>>) target_semaphore(%run_scoped3A : memref<!tpu.dma_semaphore, #tpu.memory_space<semaphore_mem>>)
        %dma_wait3A_79 = arith.constant 0 : i32
        %dma_wait3A_80 = tpu.memref_slice %arg6[%mul3A_73, %dma_wait3A_79] : memref<10240x128xf32, #tpu.memory_space<vmem_shared>> -> memref<128x128xf32, #tpu.memory_space<vmem_shared>>
        %dma_wait3A_81 = arith.constant 0 : i32
        %dma_wait3A_82 = tpu.memref_slice %arg6[%mul3A_73, %dma_wait3A_81] : memref<10240x128xf32, #tpu.memory_space<vmem_shared>> -> memref<128x128xf32, #tpu.memory_space<vmem_shared>>
        tpu.wait_dma2 semaphore(%run_scoped3A : memref<!tpu.dma_semaphore, #tpu.memory_space<semaphore_mem>>) src(%arg5 : memref<128x128xf32, #tpu.memory_space<vmem>>) dst(%dma_wait3A_82 : memref<128x128xf32, #tpu.memory_space<vmem_shared>>)
        tpu.yield
      }) : () -> ()
      %scan3A_74 = arith.constant 0 : i32
      scf.yield %scan3A_74 : i32
    }
    %scan3A_14 = arith.constant 5 : i32
    %mul3A_15 = arith.constant 80 : i32
    %mul3A_16 = arith.muli %add3A, %mul3A_15 : i32
    "tpu.region"() ({
      %run_scoped3A = tpu.sem_alloc : memref<!tpu.dma_semaphore, #tpu.memory_space<semaphore_mem>>
      %dma_start3A_67 = arith.constant 0 : i32
      %dma_start3A_68 = tpu.memref_slice %arg2[%mul3A_16, %dma_start3A_67] : memref<2560x128xi32, #tpu.memory_space<hbm>> -> memref<80x128xi32, #tpu.memory_space<hbm>>
      %dma_start3A_69 = arith.constant 0 : i32
      %dma_start3A_70 = tpu.memref_slice %arg2[%mul3A_16, %dma_start3A_69] : memref<2560x128xi32, #tpu.memory_space<hbm>> -> memref<80x128xi32, #tpu.memory_space<hbm>>
      tpu.enqueue_dma source(%dma_start3A_70 : memref<80x128xi32, #tpu.memory_space<hbm>>) target(%arg4 : memref<80x128xi32, #tpu.memory_space<vmem>>) target_semaphore(%run_scoped3A : memref<!tpu.dma_semaphore, #tpu.memory_space<semaphore_mem>>)
      %dma_wait3A_71 = arith.constant 0 : i32
      %dma_wait3A_72 = tpu.memref_slice %arg2[%mul3A_16, %dma_wait3A_71] : memref<2560x128xi32, #tpu.memory_space<hbm>> -> memref<80x128xi32, #tpu.memory_space<hbm>>
      %dma_wait3A_73 = arith.constant 0 : i32
      %dma_wait3A_74 = tpu.memref_slice %arg2[%mul3A_16, %dma_wait3A_73] : memref<2560x128xi32, #tpu.memory_space<hbm>> -> memref<80x128xi32, #tpu.memory_space<hbm>>
      tpu.wait_dma2 semaphore(%run_scoped3A : memref<!tpu.dma_semaphore, #tpu.memory_space<semaphore_mem>>) src(%dma_wait3A_74 : memref<80x128xi32, #tpu.memory_space<hbm>>) dst(%arg4 : memref<80x128xi32, #tpu.memory_space<vmem>>)
      tpu.yield
    }) : () -> ()
    %broadcast_in_dim3A_17 = arith.constant 1.000000e+00 : f32
    %broadcast_in_dim3A_18 = vector.broadcast %broadcast_in_dim3A_17 : f32 to vector<16xf32>
    %scan3A_19 = arith.constant 0 : i32
    %scan3A_20 = arith.constant 0 : i32
    %scan3A_21 = arith.constant 128 : i32
    %scan3A_22 = arith.addi %scan3A_20, %scan3A_21 : i32
    %scan3A_23 = arith.constant 1 : i32
    %scan3A_24 = scf.for %scan3A_67 = %scan3A_20 to %scan3A_22 step %scan3A_23 iter_args(%scan3A_68 = %scan3A_19) -> (i32)  : i32 {
      %swap3A = arith.index_cast %scan3A_67 : i32 to index
      %swap3A_69 = arith.constant 0 : index
      %swap3A_70 = tpu.vector_load %arg5[%swap3A, %swap3A_69] {strides = array<i32>} : memref<128x128xf32, #tpu.memory_space<vmem>>, vector<1x16xf32>,
      %swap3A_71 = vector.shape_cast %swap3A_70 : vector<1x16xf32> to vector<16xf32>
      %swap3A_72 = vector.shape_cast %broadcast_in_dim3A_18 : vector<16xf32> to vector<1x16xf32>
      tpu.vector_store %arg5[%swap3A, %swap3A_69], %swap3A_72 {strides = array<i32>} : memref<128x128xf32, #tpu.memory_space<vmem>>, vector<1x16xf32>,
      %swap3A_73 = arith.index_cast %scan3A_67 : i32 to index
      %swap3A_74 = arith.constant 16 : index
      %swap3A_75 = tpu.vector_load %arg5[%swap3A_73, %swap3A_74] {strides = array<i32>} : memref<128x128xf32, #tpu.memory_space<vmem>>, vector<1x16xf32>,
      %swap3A_76 = vector.shape_cast %swap3A_75 : vector<1x16xf32> to vector<16xf32>
      %swap3A_77 = vector.shape_cast %broadcast_in_dim3A_18 : vector<16xf32> to vector<1x16xf32>
      tpu.vector_store %arg5[%swap3A_73, %swap3A_74], %swap3A_77 {strides = array<i32>} : memref<128x128xf32, #tpu.memory_space<vmem>>, vector<1x16xf32>,
      %swap3A_78 = arith.index_cast %scan3A_67 : i32 to index
      %swap3A_79 = arith.constant 32 : index
      %swap3A_80 = tpu.vector_load %arg5[%swap3A_78, %swap3A_79] {strides = array<i32>} : memref<128x128xf32, #tpu.memory_space<vmem>>, vector<1x16xf32>,
      %swap3A_81 = vector.shape_cast %swap3A_80 : vector<1x16xf32> to vector<16xf32>
      %swap3A_82 = vector.shape_cast %broadcast_in_dim3A_18 : vector<16xf32> to vector<1x16xf32>
      tpu.vector_store %arg5[%swap3A_78, %swap3A_79], %swap3A_82 {strides = array<i32>} : memref<128x128xf32, #tpu.memory_space<vmem>>, vector<1x16xf32>,
      %swap3A_83 = arith.index_cast %scan3A_67 : i32 to index
      %swap3A_84 = arith.constant 48 : index
      %swap3A_85 = tpu.vector_load %arg5[%swap3A_83, %swap3A_84] {strides = array<i32>} : memref<128x128xf32, #tpu.memory_space<vmem>>, vector<1x16xf32>,
      %swap3A_86 = vector.shape_cast %swap3A_85 : vector<1x16xf32> to vector<16xf32>
      %swap3A_87 = vector.shape_cast %broadcast_in_dim3A_18 : vector<16xf32> to vector<1x16xf32>
      tpu.vector_store %arg5[%swap3A_83, %swap3A_84], %swap3A_87 {strides = array<i32>} : memref<128x128xf32, #tpu.memory_space<vmem>>, vector<1x16xf32>,
      %swap3A_88 = arith.index_cast %scan3A_67 : i32 to index
      %swap3A_89 = arith.constant 64 : index
      %swap3A_90 = tpu.vector_load %arg5[%swap3A_88, %swap3A_89] {strides = array<i32>} : memref<128x128xf32, #tpu.memory_space<vmem>>, vector<1x16xf32>,
      %swap3A_91 = vector.shape_cast %swap3A_90 : vector<1x16xf32> to vector<16xf32>
      %swap3A_92 = vector.shape_cast %broadcast_in_dim3A_18 : vector<16xf32> to vector<1x16xf32>
      tpu.vector_store %arg5[%swap3A_88, %swap3A_89], %swap3A_92 {strides = array<i32>} : memref<128x128xf32, #tpu.memory_space<vmem>>, vector<1x16xf32>,
      %swap3A_93 = arith.index_cast %scan3A_67 : i32 to index
      %swap3A_94 = arith.constant 80 : index
      %swap3A_95 = tpu.vector_load %arg5[%swap3A_93, %swap3A_94] {strides = array<i32>} : memref<128x128xf32, #tpu.memory_space<vmem>>, vector<1x16xf32>,
      %swap3A_96 = vector.shape_cast %swap3A_95 : vector<1x16xf32> to vector<16xf32>
      %swap3A_97 = vector.shape_cast %broadcast_in_dim3A_18 : vector<16xf32> to vector<1x16xf32>
      tpu.vector_store %arg5[%swap3A_93, %swap3A_94], %swap3A_97 {strides = array<i32>} : memref<128x128xf32, #tpu.memory_space<vmem>>, vector<1x16xf32>,
      %swap3A_98 = arith.index_cast %scan3A_67 : i32 to index
      %swap3A_99 = arith.constant 96 : index
      %swap3A_100 = tpu.vector_load %arg5[%swap3A_98, %swap3A_99] {strides = array<i32>} : memref<128x128xf32, #tpu.memory_space<vmem>>, vector<1x16xf32>,
      %swap3A_101 = vector.shape_cast %swap3A_100 : vector<1x16xf32> to vector<16xf32>
      %swap3A_102 = vector.shape_cast %broadcast_in_dim3A_18 : vector<16xf32> to vector<1x16xf32>
      tpu.vector_store %arg5[%swap3A_98, %swap3A_99], %swap3A_102 {strides = array<i32>} : memref<128x128xf32, #tpu.memory_space<vmem>>, vector<1x16xf32>,
      %swap3A_103 = arith.index_cast %scan3A_67 : i32 to index
      %swap3A_104 = arith.constant 112 : index
      %swap3A_105 = tpu.vector_load %arg5[%swap3A_103, %swap3A_104] {strides = array<i32>} : memref<128x128xf32, #tpu.memory_space<vmem>>, vector<1x16xf32>,
      %swap3A_106 = vector.shape_cast %swap3A_105 : vector<1x16xf32> to vector<16xf32>
      %swap3A_107 = vector.shape_cast %broadcast_in_dim3A_18 : vector<16xf32> to vector<1x16xf32>
      tpu.vector_store %arg5[%swap3A_103, %swap3A_104], %swap3A_107 {strides = array<i32>} : memref<128x128xf32, #tpu.memory_space<vmem>>, vector<1x16xf32>,
      %scan3A_108 = arith.constant 0 : i32
      scf.yield %scan3A_108 : i32
    }
    %scan3A_25 = arith.constant 128 : i32
    %barrier3A = arith.constant 0 : index
    tpu.barrier barrier_id(%barrier3A)
    %dma_start3A = arith.constant 0 : i32
    %dma_start3A_26 = arith.constant 0 : i32
    %dma_start3A_27 = tpu.memref_slice %arg4[%dma_start3A, %dma_start3A_26] : memref<80x128xi32, #tpu.memory_space<vmem>> -> memref<1x128xi32, #tpu.memory_space<vmem>>
    %dma_start3A_28 = tpu.memref_squeeze %dma_start3A_27 : memref<1x128xi32, #tpu.memory_space<vmem>> -> memref<128xi32, #tpu.memory_space<vmem>>
    %dma_start3A_29 = arith.constant 0 : i32
    %dma_start3A_30 = arith.constant 0 : i32
    %dma_start3A_31 = tpu.memref_slice %arg6[%dma_start3A_29, %dma_start3A_30] : memref<10240x128xf32, #tpu.memory_space<vmem_shared>> -> memref<10240x128xf32, #tpu.memory_space<vmem_shared>>
    tpu.enqueue_indirect_dma source(%arg5 : memref<128x128xf32, #tpu.memory_space<vmem>>) target(%dma_start3A_31 : memref<10240x128xf32, #tpu.memory_space<vmem_shared>>) offsets(%dma_start3A_28 : memref<128xi32, #tpu.memory_space<vmem>>) semaphore(%arg7 : memref<!tpu.dma_semaphore, #tpu.memory_space<semaphore_mem>>) {add = true}
    %dma_start3A_32 = arith.constant 1 : i32
    %dma_start3A_33 = arith.constant 0 : i32
    %dma_start3A_34 = tpu.memref_slice %arg4[%dma_start3A_32, %dma_start3A_33] : memref<80x128xi32, #tpu.memory_space<vmem>> -> memref<1x128xi32, #tpu.memory_space<vmem>>
    %dma_start3A_35 = tpu.memref_squeeze %dma_start3A_34 : memref<1x128xi32, #tpu.memory_space<vmem>> -> memref<128xi32, #tpu.memory_space<vmem>>
    %dma_start3A_36 = arith.constant 0 : i32
    %dma_start3A_37 = arith.constant 0 : i32
    %dma_start3A_38 = tpu.memref_slice %arg6[%dma_start3A_36, %dma_start3A_37] : memref<10240x128xf32, #tpu.memory_space<vmem_shared>> -> memref<10240x128xf32, #tpu.memory_space<vmem_shared>>
    tpu.enqueue_indirect_dma source(%arg5 : memref<128x128xf32, #tpu.memory_space<vmem>>) target(%dma_start3A_38 : memref<10240x128xf32, #tpu.memory_space<vmem_shared>>) offsets(%dma_start3A_35 : memref<128xi32, #tpu.memory_space<vmem>>) semaphore(%arg8 : memref<!tpu.dma_semaphore, #tpu.memory_space<semaphore_mem>>) {add = true}
    %scan3A_39 = arith.constant 0 : i32
    %scan3A_40 = arith.constant 1 : i32
    %scan3A_41 = arith.constant 39 : i32
    %scan3A_42 = arith.addi %scan3A_40, %scan3A_41 : i32
    %scan3A_43 = arith.constant 1 : i32
    %scan3A_44 = scf.for %scan3A_67 = %scan3A_40 to %scan3A_42 step %scan3A_43 iter_args(%scan3A_68 = %scan3A_39) -> (i32)  : i32 {
      %mul3A_69 = arith.constant 2 : i32
      %mul3A_70 = arith.muli %mul3A_69, %scan3A_67 : i32
      %dma_wait3A_71 = arith.constant 0 : i32
      %dma_wait3A_72 = arith.constant 0 : i32
      %dma_wait3A_73 = tpu.memref_slice %arg4[%dma_wait3A_71, %dma_wait3A_72] : memref<80x128xi32, #tpu.memory_space<vmem>> -> memref<1x128xi32, #tpu.memory_space<vmem>>
      %dma_wait3A_74 = tpu.memref_squeeze %dma_wait3A_73 : memref<1x128xi32, #tpu.memory_space<vmem>> -> memref<128xi32, #tpu.memory_space<vmem>>
      %dma_wait3A_75 = arith.constant 0 : i32
      %dma_wait3A_76 = arith.constant 0 : i32
      %dma_wait3A_77 = tpu.memref_slice %arg6[%dma_wait3A_75, %dma_wait3A_76] : memref<10240x128xf32, #tpu.memory_space<vmem_shared>> -> memref<10240x128xf32, #tpu.memory_space<vmem_shared>>
      tpu.wait_indirect_dma semaphore(%arg7 : memref<!tpu.dma_semaphore, #tpu.memory_space<semaphore_mem>>) src(%arg5 : memref<128x128xf32, #tpu.memory_space<vmem>>) dst(%dma_wait3A_77 : memref<10240x128xf32, #tpu.memory_space<vmem_shared>>)
      %dma_start3A_78 = arith.constant 0 : i32
      %dma_start3A_79 = tpu.memref_slice %arg4[%mul3A_70, %dma_start3A_78] : memref<80x128xi32, #tpu.memory_space<vmem>> -> memref<1x128xi32, #tpu.memory_space<vmem>>
      %dma_start3A_80 = tpu.memref_squeeze %dma_start3A_79 : memref<1x128xi32, #tpu.memory_space<vmem>> -> memref<128xi32, #tpu.memory_space<vmem>>
      %dma_start3A_81 = arith.constant 0 : i32
      %dma_start3A_82 = arith.constant 0 : i32
      %dma_start3A_83 = tpu.memref_slice %arg6[%dma_start3A_81, %dma_start3A_82] : memref<10240x128xf32, #tpu.memory_space<vmem_shared>> -> memref<10240x128xf32, #tpu.memory_space<vmem_shared>>
      tpu.enqueue_indirect_dma source(%arg5 : memref<128x128xf32, #tpu.memory_space<vmem>>) target(%dma_start3A_83 : memref<10240x128xf32, #tpu.memory_space<vmem_shared>>) offsets(%dma_start3A_80 : memref<128xi32, #tpu.memory_space<vmem>>) semaphore(%arg7 : memref<!tpu.dma_semaphore, #tpu.memory_space<semaphore_mem>>) {add = true}
      %dma_wait3A_84 = arith.constant 0 : i32
      %dma_wait3A_85 = arith.constant 0 : i32
      %dma_wait3A_86 = tpu.memref_slice %arg4[%dma_wait3A_84, %dma_wait3A_85] : memref<80x128xi32, #tpu.memory_space<vmem>> -> memref<1x128xi32, #tpu.memory_space<vmem>>
      %dma_wait3A_87 = tpu.memref_squeeze %dma_wait3A_86 : memref<1x128xi32, #tpu.memory_space<vmem>> -> memref<128xi32, #tpu.memory_space<vmem>>
      %dma_wait3A_88 = arith.constant 0 : i32
      %dma_wait3A_89 = arith.constant 0 : i32
      %dma_wait3A_90 = tpu.memref_slice %arg6[%dma_wait3A_88, %dma_wait3A_89] : memref<10240x128xf32, #tpu.memory_space<vmem_shared>> -> memref<10240x128xf32, #tpu.memory_space<vmem_shared>>
      tpu.wait_indirect_dma semaphore(%arg8 : memref<!tpu.dma_semaphore, #tpu.memory_space<semaphore_mem>>) src(%arg5 : memref<128x128xf32, #tpu.memory_space<vmem>>) dst(%dma_wait3A_90 : memref<10240x128xf32, #tpu.memory_space<vmem_shared>>)
      %add3A_91 = arith.constant 1 : i32
      %add3A_92 = arith.addi %mul3A_70, %add3A_91 : i32
      %dma_start3A_93 = arith.constant 0 : i32
      %dma_start3A_94 = tpu.memref_slice %arg4[%add3A_92, %dma_start3A_93] : memref<80x128xi32, #tpu.memory_space<vmem>> -> memref<1x128xi32, #tpu.memory_space<vmem>>
      %dma_start3A_95 = tpu.memref_squeeze %dma_start3A_94 : memref<1x128xi32, #tpu.memory_space<vmem>> -> memref<128xi32, #tpu.memory_space<vmem>>
      %dma_start3A_96 = arith.constant 0 : i32
      %dma_start3A_97 = arith.constant 0 : i32
      %dma_start3A_98 = tpu.memref_slice %arg6[%dma_start3A_96, %dma_start3A_97] : memref<10240x128xf32, #tpu.memory_space<vmem_shared>> -> memref<10240x128xf32, #tpu.memory_space<vmem_shared>>
      tpu.enqueue_indirect_dma source(%arg5 : memref<128x128xf32, #tpu.memory_space<vmem>>) target(%dma_start3A_98 : memref<10240x128xf32, #tpu.memory_space<vmem_shared>>) offsets(%dma_start3A_95 : memref<128xi32, #tpu.memory_space<vmem>>) semaphore(%arg8 : memref<!tpu.dma_semaphore, #tpu.memory_space<semaphore_mem>>) {add = true}
      %scan3A_99 = arith.constant 0 : i32
      scf.yield %scan3A_99 : i32
    }
    %scan3A_45 = arith.constant 39 : i32
    %dma_wait3A = arith.constant 0 : i32
    %dma_wait3A_46 = arith.constant 0 : i32
    %dma_wait3A_47 = tpu.memref_slice %arg4[%dma_wait3A, %dma_wait3A_46] : memref<80x128xi32, #tpu.memory_space<vmem>> -> memref<1x128xi32, #tpu.memory_space<vmem>>
    %dma_wait3A_48 = tpu.memref_squeeze %dma_wait3A_47 : memref<1x128xi32, #tpu.memory_space<vmem>> -> memref<128xi32, #tpu.memory_space<vmem>>
    %dma_wait3A_49 = arith.constant 0 : i32
    %dma_wait3A_50 = arith.constant 0 : i32
    %dma_wait3A_51 = tpu.memref_slice %arg6[%dma_wait3A_49, %dma_wait3A_50] : memref<10240x128xf32, #tpu.memory_space<vmem_shared>> -> memref<10240x128xf32, #tpu.memory_space<vmem_shared>>
    tpu.wait_indirect_dma semaphore(%arg7 : memref<!tpu.dma_semaphore, #tpu.memory_space<semaphore_mem>>) src(%arg5 : memref<128x128xf32, #tpu.memory_space<vmem>>) dst(%dma_wait3A_51 : memref<10240x128xf32, #tpu.memory_space<vmem_shared>>)
    %dma_wait3A_52 = arith.constant 0 : i32
    %dma_wait3A_53 = arith.constant 0 : i32
    %dma_wait3A_54 = tpu.memref_slice %arg4[%dma_wait3A_52, %dma_wait3A_53] : memref<80x128xi32, #tpu.memory_space<vmem>> -> memref<1x128xi32, #tpu.memory_space<vmem>>
    %dma_wait3A_55 = tpu.memref_squeeze %dma_wait3A_54 : memref<1x128xi32, #tpu.memory_space<vmem>> -> memref<128xi32, #tpu.memory_space<vmem>>
    %dma_wait3A_56 = arith.constant 0 : i32
    %dma_wait3A_57 = arith.constant 0 : i32
    %dma_wait3A_58 = tpu.memref_slice %arg6[%dma_wait3A_56, %dma_wait3A_57] : memref<10240x128xf32, #tpu.memory_space<vmem_shared>> -> memref<10240x128xf32, #tpu.memory_space<vmem_shared>>
    tpu.wait_indirect_dma semaphore(%arg8 : memref<!tpu.dma_semaphore, #tpu.memory_space<semaphore_mem>>) src(%arg5 : memref<128x128xf32, #tpu.memory_space<vmem>>) dst(%dma_wait3A_58 : memref<10240x128xf32, #tpu.memory_space<vmem_shared>>)
    %barrier3A_59 = arith.constant 0 : index
    tpu.barrier barrier_id(%barrier3A_59)
    %scan3A_60 = arith.constant 0 : i32
    %scan3A_61 = arith.constant 0 : i32
    %scan3A_62 = arith.constant 5 : i32
    %scan3A_63 = arith.addi %scan3A_61, %scan3A_62 : i32
    %scan3A_64 = arith.constant 1 : i32
    %scan3A_65 = scf.for %scan3A_67 = %scan3A_61 to %scan3A_63 step %scan3A_64 iter_args(%scan3A_68 = %scan3A_60) -> (i32)  : i32 {
      %mul3A_69 = arith.constant 5 : i32
      %mul3A_70 = arith.muli %arg1, %mul3A_69 : i32
      %add3A_71 = arith.addi %mul3A_70, %scan3A_67 : i32
      %mul3A_72 = arith.constant 128 : i32
      %mul3A_73 = arith.muli %add3A_71, %mul3A_72 : i32
      "tpu.region"() ({
        %run_scoped3A = tpu.sem_alloc : memref<!tpu.dma_semaphore, #tpu.memory_space<semaphore_mem>>
        %dma_start3A_75 = arith.constant 0 : i32
        %dma_start3A_76 = arith.constant 0 : i32
        %dma_start3A_77 = tpu.memref_slice %arg3[%arg0, %dma_start3A_75, %dma_start3A_76] : memref<2x10240x128xf32, #tpu.memory_space<hbm>> -> memref<1x10240x128xf32, #tpu.memory_space<hbm>>
        %dma_start3A_78 = tpu.memref_squeeze %dma_start3A_77 : memref<1x10240x128xf32, #tpu.memory_space<hbm>> -> memref<10240x128xf32, #tpu.memory_space<hbm>>
        %dma_start3A_79 = arith.constant 0 : i32
        %dma_start3A_80 = tpu.memref_slice %dma_start3A_78[%mul3A_73, %dma_start3A_79] : memref<10240x128xf32, #tpu.memory_space<hbm>> -> memref<128x128xf32, #tpu.memory_space<hbm>>
        %dma_start3A_81 = arith.constant 0 : i32
        %dma_start3A_82 = tpu.memref_slice %arg6[%mul3A_73, %dma_start3A_81] : memref<10240x128xf32, #tpu.memory_space<vmem_shared>> -> memref<128x128xf32, #tpu.memory_space<vmem_shared>>
        tpu.enqueue_dma source(%dma_start3A_82 : memref<128x128xf32, #tpu.memory_space<vmem_shared>>) target(%dma_start3A_80 : memref<128x128xf32, #tpu.memory_space<hbm>>) target_semaphore(%run_scoped3A : memref<!tpu.dma_semaphore, #tpu.memory_space<semaphore_mem>>)
        %dma_wait3A_83 = arith.constant 0 : i32
        %dma_wait3A_84 = arith.constant 0 : i32
        %dma_wait3A_85 = tpu.memref_slice %arg3[%arg0, %dma_wait3A_83, %dma_wait3A_84] : memref<2x10240x128xf32, #tpu.memory_space<hbm>> -> memref<1x10240x128xf32, #tpu.memory_space<hbm>>
        %dma_wait3A_86 = tpu.memref_squeeze %dma_wait3A_85 : memref<1x10240x128xf32, #tpu.memory_space<hbm>> -> memref<10240x128xf32, #tpu.memory_space<hbm>>
        %dma_wait3A_87 = arith.constant 0 : i32
        %dma_wait3A_88 = tpu.memref_slice %dma_wait3A_86[%mul3A_73, %dma_wait3A_87] : memref<10240x128xf32, #tpu.memory_space<hbm>> -> memref<128x128xf32, #tpu.memory_space<hbm>>
        %dma_wait3A_89 = arith.constant 0 : i32
        %dma_wait3A_90 = tpu.memref_slice %arg6[%mul3A_73, %dma_wait3A_89] : memref<10240x128xf32, #tpu.memory_space<vmem_shared>> -> memref<128x128xf32, #tpu.memory_space<vmem_shared>>
        tpu.wait_dma2 semaphore(%run_scoped3A : memref<!tpu.dma_semaphore, #tpu.memory_space<semaphore_mem>>) src(%dma_wait3A_90 : memref<128x128xf32, #tpu.memory_space<vmem_shared>>) dst(%dma_wait3A_88 : memref<128x128xf32, #tpu.memory_space<hbm>>)
        tpu.yield
      }) : () -> ()
      %scan3A_74 = arith.constant 0 : i32
      scf.yield %scan3A_74 : i32
    }
    %scan3A_66 = arith.constant 5 : i32
    return
  }
}

#map = affine_map<(d0, d1) -> (0, 0)>
#map1 = affine_map<(d0, d1) -> (0, 0, 0)>
module attributes {stable_mosaic.version = 14 : i64} {
  func.func @body(%arg0: i32, %arg1: i32, %arg2: memref<10240x128xf32, #tpu.memory_space<hbm>>, %arg3: memref<2560x128xi32, #tpu.memory_space<hbm>>, %arg4: memref<2560x128xi32, #tpu.memory_space<hbm>>, %arg5: memref<2x10240x128xf32, #tpu.memory_space<hbm>>, %arg6: memref<40x128xi32, #tpu.memory_space<vmem>>, %arg7: memref<40x128xi32, #tpu.memory_space<vmem>>, %arg8: memref<2x128x128xf32, #tpu.memory_space<vmem>>, %arg9: memref<10240x128xf32, #tpu.memory_space<vmem_shared>>, %arg10: memref<!tpu.dma_semaphore, #tpu.memory_space<semaphore_mem>>, %arg11: memref<!tpu.dma_semaphore, #tpu.memory_space<semaphore_mem>>, %arg12: memref<!tpu.dma_semaphore, #tpu.memory_space<semaphore_mem>>, %arg13: memref<!tpu.dma_semaphore, #tpu.memory_space<semaphore_mem>>) attributes {dimension_semantics = [#tpu.dimension_semantics<core_parallel>, #tpu.dimension_semantics<subcore_parallel>], iteration_bounds = array<i64: 2, 16>, scalar_prefetch = 0 : i64, scratch_operands = 8 : i64, tpu.core_type = #tpu.core_type<sc_vector_subcore>, window_params = [{transform_indices = #map}, {transform_indices = #map}, {transform_indices = #map}, {transform_indices = #map1}]} {
    %mul3A = arith.constant 16 : i32
    %mul3A_0 = arith.muli %arg0, %mul3A : i32
    %add3A = arith.addi %mul3A_0, %arg1 : i32
    %broadcast_in_dim3A = arith.constant 0.000000e+00 : f32
    %broadcast_in_dim3A_1 = vector.broadcast %broadcast_in_dim3A : f32 to vector<16xf32>
    %scan3A = arith.constant 0 : i32
    %scan3A_2 = arith.constant 0 : i32
    %scan3A_3 = arith.constant 128 : i32
    %scan3A_4 = arith.addi %scan3A_2, %scan3A_3 : i32
    %scan3A_5 = arith.constant 1 : i32
    %scan3A_6 = scf.for %scan3A_427 = %scan3A_2 to %scan3A_4 step %scan3A_5 iter_args(%scan3A_428 = %scan3A) -> (i32)  : i32 {
      %swap3A = arith.constant 0 : i32
      %swap3A_429 = arith.index_cast %swap3A : i32 to index
      %swap3A_430 = arith.index_cast %scan3A_427 : i32 to index
      %swap3A_431 = arith.constant 0 : index
      %swap3A_432 = tpu.vector_load %arg8[%swap3A_429, %swap3A_430, %swap3A_431] {strides = array<i32>} : memref<2x128x128xf32, #tpu.memory_space<vmem>>, vector<1x1x16xf32>,
      %swap3A_433 = vector.shape_cast %swap3A_432 : vector<1x1x16xf32> to vector<16xf32>
      %swap3A_434 = vector.shape_cast %broadcast_in_dim3A_1 : vector<16xf32> to vector<1x1x16xf32>
      tpu.vector_store %arg8[%swap3A_429, %swap3A_430, %swap3A_431], %swap3A_434 {strides = array<i32>} : memref<2x128x128xf32, #tpu.memory_space<vmem>>, vector<1x1x16xf32>,
      %swap3A_435 = arith.constant 0 : i32
      %swap3A_436 = arith.index_cast %swap3A_435 : i32 to index
      %swap3A_437 = arith.index_cast %scan3A_427 : i32 to index
      %swap3A_438 = arith.constant 16 : index
      %swap3A_439 = tpu.vector_load %arg8[%swap3A_436, %swap3A_437, %swap3A_438] {strides = array<i32>} : memref<2x128x128xf32, #tpu.memory_space<vmem>>, vector<1x1x16xf32>,
      %swap3A_440 = vector.shape_cast %swap3A_439 : vector<1x1x16xf32> to vector<16xf32>
      %swap3A_441 = vector.shape_cast %broadcast_in_dim3A_1 : vector<16xf32> to vector<1x1x16xf32>
      tpu.vector_store %arg8[%swap3A_436, %swap3A_437, %swap3A_438], %swap3A_441 {strides = array<i32>} : memref<2x128x128xf32, #tpu.memory_space<vmem>>, vector<1x1x16xf32>,
      %swap3A_442 = arith.constant 0 : i32
      %swap3A_443 = arith.index_cast %swap3A_442 : i32 to index
      %swap3A_444 = arith.index_cast %scan3A_427 : i32 to index
      %swap3A_445 = arith.constant 32 : index
      %swap3A_446 = tpu.vector_load %arg8[%swap3A_443, %swap3A_444, %swap3A_445] {strides = array<i32>} : memref<2x128x128xf32, #tpu.memory_space<vmem>>, vector<1x1x16xf32>,
      %swap3A_447 = vector.shape_cast %swap3A_446 : vector<1x1x16xf32> to vector<16xf32>
      %swap3A_448 = vector.shape_cast %broadcast_in_dim3A_1 : vector<16xf32> to vector<1x1x16xf32>
      tpu.vector_store %arg8[%swap3A_443, %swap3A_444, %swap3A_445], %swap3A_448 {strides = array<i32>} : memref<2x128x128xf32, #tpu.memory_space<vmem>>, vector<1x1x16xf32>,
      %swap3A_449 = arith.constant 0 : i32
      %swap3A_450 = arith.index_cast %swap3A_449 : i32 to index
      %swap3A_451 = arith.index_cast %scan3A_427 : i32 to index
      %swap3A_452 = arith.constant 48 : index
      %swap3A_453 = tpu.vector_load %arg8[%swap3A_450, %swap3A_451, %swap3A_452] {strides = array<i32>} : memref<2x128x128xf32, #tpu.memory_space<vmem>>, vector<1x1x16xf32>,
      %swap3A_454 = vector.shape_cast %swap3A_453 : vector<1x1x16xf32> to vector<16xf32>
      %swap3A_455 = vector.shape_cast %broadcast_in_dim3A_1 : vector<16xf32> to vector<1x1x16xf32>
      tpu.vector_store %arg8[%swap3A_450, %swap3A_451, %swap3A_452], %swap3A_455 {strides = array<i32>} : memref<2x128x128xf32, #tpu.memory_space<vmem>>, vector<1x1x16xf32>,
      %swap3A_456 = arith.constant 0 : i32
      %swap3A_457 = arith.index_cast %swap3A_456 : i32 to index
      %swap3A_458 = arith.index_cast %scan3A_427 : i32 to index
      %swap3A_459 = arith.constant 64 : index
      %swap3A_460 = tpu.vector_load %arg8[%swap3A_457, %swap3A_458, %swap3A_459] {strides = array<i32>} : memref<2x128x128xf32, #tpu.memory_space<vmem>>, vector<1x1x16xf32>,
      %swap3A_461 = vector.shape_cast %swap3A_460 : vector<1x1x16xf32> to vector<16xf32>
      %swap3A_462 = vector.shape_cast %broadcast_in_dim3A_1 : vector<16xf32> to vector<1x1x16xf32>
      tpu.vector_store %arg8[%swap3A_457, %swap3A_458, %swap3A_459], %swap3A_462 {strides = array<i32>} : memref<2x128x128xf32, #tpu.memory_space<vmem>>, vector<1x1x16xf32>,
      %swap3A_463 = arith.constant 0 : i32
      %swap3A_464 = arith.index_cast %swap3A_463 : i32 to index
      %swap3A_465 = arith.index_cast %scan3A_427 : i32 to index
      %swap3A_466 = arith.constant 80 : index
      %swap3A_467 = tpu.vector_load %arg8[%swap3A_464, %swap3A_465, %swap3A_466] {strides = array<i32>} : memref<2x128x128xf32, #tpu.memory_space<vmem>>, vector<1x1x16xf32>,
      %swap3A_468 = vector.shape_cast %swap3A_467 : vector<1x1x16xf32> to vector<16xf32>
      %swap3A_469 = vector.shape_cast %broadcast_in_dim3A_1 : vector<16xf32> to vector<1x1x16xf32>
      tpu.vector_store %arg8[%swap3A_464, %swap3A_465, %swap3A_466], %swap3A_469 {strides = array<i32>} : memref<2x128x128xf32, #tpu.memory_space<vmem>>, vector<1x1x16xf32>,
      %swap3A_470 = arith.constant 0 : i32
      %swap3A_471 = arith.index_cast %swap3A_470 : i32 to index
      %swap3A_472 = arith.index_cast %scan3A_427 : i32 to index
      %swap3A_473 = arith.constant 96 : index
      %swap3A_474 = tpu.vector_load %arg8[%swap3A_471, %swap3A_472, %swap3A_473] {strides = array<i32>} : memref<2x128x128xf32, #tpu.memory_space<vmem>>, vector<1x1x16xf32>,
      %swap3A_475 = vector.shape_cast %swap3A_474 : vector<1x1x16xf32> to vector<16xf32>
      %swap3A_476 = vector.shape_cast %broadcast_in_dim3A_1 : vector<16xf32> to vector<1x1x16xf32>
      tpu.vector_store %arg8[%swap3A_471, %swap3A_472, %swap3A_473], %swap3A_476 {strides = array<i32>} : memref<2x128x128xf32, #tpu.memory_space<vmem>>, vector<1x1x16xf32>,
      %swap3A_477 = arith.constant 0 : i32
      %swap3A_478 = arith.index_cast %swap3A_477 : i32 to index
      %swap3A_479 = arith.index_cast %scan3A_427 : i32 to index
      %swap3A_480 = arith.constant 112 : index
      %swap3A_481 = tpu.vector_load %arg8[%swap3A_478, %swap3A_479, %swap3A_480] {strides = array<i32>} : memref<2x128x128xf32, #tpu.memory_space<vmem>>, vector<1x1x16xf32>,
      %swap3A_482 = vector.shape_cast %swap3A_481 : vector<1x1x16xf32> to vector<16xf32>
      %swap3A_483 = vector.shape_cast %broadcast_in_dim3A_1 : vector<16xf32> to vector<1x1x16xf32>
      tpu.vector_store %arg8[%swap3A_478, %swap3A_479, %swap3A_480], %swap3A_483 {strides = array<i32>} : memref<2x128x128xf32, #tpu.memory_space<vmem>>, vector<1x1x16xf32>,
      %scan3A_484 = arith.constant 0 : i32
      scf.yield %scan3A_484 : i32
    }
    %scan3A_7 = arith.constant 128 : i32
    %scan3A_8 = arith.constant 0 : i32
    %scan3A_9 = arith.constant 0 : i32
    %scan3A_10 = arith.constant 5 : i32
    %scan3A_11 = arith.addi %scan3A_9, %scan3A_10 : i32
    %scan3A_12 = arith.constant 1 : i32
    %scan3A_13 = scf.for %scan3A_427 = %scan3A_9 to %scan3A_11 step %scan3A_12 iter_args(%scan3A_428 = %scan3A_8) -> (i32)  : i32 {
      %mul3A_429 = arith.constant 5 : i32
      %mul3A_430 = arith.muli %arg1, %mul3A_429 : i32
      %add3A_431 = arith.addi %mul3A_430, %scan3A_427 : i32
      %mul3A_432 = arith.constant 128 : i32
      %mul3A_433 = arith.muli %add3A_431, %mul3A_432 : i32
      %run_scoped3A = arith.constant 0 : i32
      "tpu.region"() ({
        %run_scoped3A_435 = tpu.sem_alloc : memref<!tpu.dma_semaphore, #tpu.memory_space<semaphore_mem>>
        %dma_start3A_436 = arith.constant 0 : i32
        %dma_start3A_437 = arith.constant 0 : i32
        %dma_start3A_438 = tpu.memref_slice %arg8[%run_scoped3A, %dma_start3A_436, %dma_start3A_437] : memref<2x128x128xf32, #tpu.memory_space<vmem>> -> memref<1x128x128xf32, #tpu.memory_space<vmem>>
        %dma_start3A_439 = tpu.memref_squeeze %dma_start3A_438 : memref<1x128x128xf32, #tpu.memory_space<vmem>> -> memref<128x128xf32, #tpu.memory_space<vmem>>
        %dma_start3A_440 = arith.constant 0 : i32
        %dma_start3A_441 = tpu.memref_slice %arg9[%mul3A_433, %dma_start3A_440] : memref<10240x128xf32, #tpu.memory_space<vmem_shared>> -> memref<128x128xf32, #tpu.memory_space<vmem_shared>>
        %dma_start3A_442 = arith.constant 0 : i32
        %dma_start3A_443 = tpu.memref_slice %arg9[%mul3A_433, %dma_start3A_442] : memref<10240x128xf32, #tpu.memory_space<vmem_shared>> -> memref<128x128xf32, #tpu.memory_space<vmem_shared>>
        %dma_start3A_444 = arith.constant 0 : i32
        %dma_start3A_445 = arith.constant 0 : i32
        %dma_start3A_446 = tpu.memref_slice %arg8[%run_scoped3A, %dma_start3A_444, %dma_start3A_445] : memref<2x128x128xf32, #tpu.memory_space<vmem>> -> memref<1x128x128xf32, #tpu.memory_space<vmem>>
        %dma_start3A_447 = tpu.memref_squeeze %dma_start3A_446 : memref<1x128x128xf32, #tpu.memory_space<vmem>> -> memref<128x128xf32, #tpu.memory_space<vmem>>
        tpu.enqueue_dma source(%dma_start3A_447 : memref<128x128xf32, #tpu.memory_space<vmem>>) target(%dma_start3A_443 : memref<128x128xf32, #tpu.memory_space<vmem_shared>>) target_semaphore(%run_scoped3A_435 : memref<!tpu.dma_semaphore, #tpu.memory_space<semaphore_mem>>)
        %dma_wait3A_448 = arith.constant 0 : i32
        %dma_wait3A_449 = arith.constant 0 : i32
        %dma_wait3A_450 = tpu.memref_slice %arg8[%run_scoped3A, %dma_wait3A_448, %dma_wait3A_449] : memref<2x128x128xf32, #tpu.memory_space<vmem>> -> memref<1x128x128xf32, #tpu.memory_space<vmem>>
        %dma_wait3A_451 = tpu.memref_squeeze %dma_wait3A_450 : memref<1x128x128xf32, #tpu.memory_space<vmem>> -> memref<128x128xf32, #tpu.memory_space<vmem>>
        %dma_wait3A_452 = arith.constant 0 : i32
        %dma_wait3A_453 = tpu.memref_slice %arg9[%mul3A_433, %dma_wait3A_452] : memref<10240x128xf32, #tpu.memory_space<vmem_shared>> -> memref<128x128xf32, #tpu.memory_space<vmem_shared>>
        %dma_wait3A_454 = arith.constant 0 : i32
        %dma_wait3A_455 = tpu.memref_slice %arg9[%mul3A_433, %dma_wait3A_454] : memref<10240x128xf32, #tpu.memory_space<vmem_shared>> -> memref<128x128xf32, #tpu.memory_space<vmem_shared>>
        %dma_wait3A_456 = arith.constant 0 : i32
        %dma_wait3A_457 = arith.constant 0 : i32
        %dma_wait3A_458 = tpu.memref_slice %arg8[%run_scoped3A, %dma_wait3A_456, %dma_wait3A_457] : memref<2x128x128xf32, #tpu.memory_space<vmem>> -> memref<1x128x128xf32, #tpu.memory_space<vmem>>
        %dma_wait3A_459 = tpu.memref_squeeze %dma_wait3A_458 : memref<1x128x128xf32, #tpu.memory_space<vmem>> -> memref<128x128xf32, #tpu.memory_space<vmem>>
        tpu.wait_dma2 semaphore(%run_scoped3A_435 : memref<!tpu.dma_semaphore, #tpu.memory_space<semaphore_mem>>) src(%dma_wait3A_459 : memref<128x128xf32, #tpu.memory_space<vmem>>) dst(%dma_wait3A_455 : memref<128x128xf32, #tpu.memory_space<vmem_shared>>)
        tpu.yield
      }) : () -> ()
      %scan3A_434 = arith.constant 0 : i32
      scf.yield %scan3A_434 : i32
    }
    %scan3A_14 = arith.constant 5 : i32
    %barrier3A = arith.constant 0 : index
    tpu.barrier barrier_id(%barrier3A)
    %mul3A_15 = arith.constant 80 : i32
    %mul3A_16 = arith.muli %add3A, %mul3A_15 : i32
    %add3A_17 = arith.constant 0 : i32
    %add3A_18 = arith.addi %mul3A_16, %add3A_17 : i32
    "tpu.region"() ({
      %run_scoped3A = tpu.sem_alloc : memref<!tpu.dma_semaphore, #tpu.memory_space<semaphore_mem>>
      %dma_start3A_427 = arith.constant 0 : i32
      %dma_start3A_428 = tpu.memref_slice %arg3[%add3A_18, %dma_start3A_427] : memref<2560x128xi32, #tpu.memory_space<hbm>> -> memref<40x128xi32, #tpu.memory_space<hbm>>
      %dma_start3A_429 = arith.constant 0 : i32
      %dma_start3A_430 = tpu.memref_slice %arg3[%add3A_18, %dma_start3A_429] : memref<2560x128xi32, #tpu.memory_space<hbm>> -> memref<40x128xi32, #tpu.memory_space<hbm>>
      tpu.enqueue_dma source(%dma_start3A_430 : memref<40x128xi32, #tpu.memory_space<hbm>>) target(%arg6 : memref<40x128xi32, #tpu.memory_space<vmem>>) target_semaphore(%run_scoped3A : memref<!tpu.dma_semaphore, #tpu.memory_space<semaphore_mem>>)
      %dma_wait3A_431 = arith.constant 0 : i32
      %dma_wait3A_432 = tpu.memref_slice %arg3[%add3A_18, %dma_wait3A_431] : memref<2560x128xi32, #tpu.memory_space<hbm>> -> memref<40x128xi32, #tpu.memory_space<hbm>>
      %dma_wait3A_433 = arith.constant 0 : i32
      %dma_wait3A_434 = tpu.memref_slice %arg3[%add3A_18, %dma_wait3A_433] : memref<2560x128xi32, #tpu.memory_space<hbm>> -> memref<40x128xi32, #tpu.memory_space<hbm>>
      tpu.wait_dma2 semaphore(%run_scoped3A : memref<!tpu.dma_semaphore, #tpu.memory_space<semaphore_mem>>) src(%dma_wait3A_434 : memref<40x128xi32, #tpu.memory_space<hbm>>) dst(%arg6 : memref<40x128xi32, #tpu.memory_space<vmem>>)
      tpu.yield
    }) : () -> ()
    "tpu.region"() ({
      %run_scoped3A = tpu.sem_alloc : memref<!tpu.dma_semaphore, #tpu.memory_space<semaphore_mem>>
      %dma_start3A_427 = arith.constant 0 : i32
      %dma_start3A_428 = tpu.memref_slice %arg4[%add3A_18, %dma_start3A_427] : memref<2560x128xi32, #tpu.memory_space<hbm>> -> memref<40x128xi32, #tpu.memory_space<hbm>>
      %dma_start3A_429 = arith.constant 0 : i32
      %dma_start3A_430 = tpu.memref_slice %arg4[%add3A_18, %dma_start3A_429] : memref<2560x128xi32, #tpu.memory_space<hbm>> -> memref<40x128xi32, #tpu.memory_space<hbm>>
      tpu.enqueue_dma source(%dma_start3A_430 : memref<40x128xi32, #tpu.memory_space<hbm>>) target(%arg7 : memref<40x128xi32, #tpu.memory_space<vmem>>) target_semaphore(%run_scoped3A : memref<!tpu.dma_semaphore, #tpu.memory_space<semaphore_mem>>)
      %dma_wait3A_431 = arith.constant 0 : i32
      %dma_wait3A_432 = tpu.memref_slice %arg4[%add3A_18, %dma_wait3A_431] : memref<2560x128xi32, #tpu.memory_space<hbm>> -> memref<40x128xi32, #tpu.memory_space<hbm>>
      %dma_wait3A_433 = arith.constant 0 : i32
      %dma_wait3A_434 = tpu.memref_slice %arg4[%add3A_18, %dma_wait3A_433] : memref<2560x128xi32, #tpu.memory_space<hbm>> -> memref<40x128xi32, #tpu.memory_space<hbm>>
      tpu.wait_dma2 semaphore(%run_scoped3A : memref<!tpu.dma_semaphore, #tpu.memory_space<semaphore_mem>>) src(%dma_wait3A_434 : memref<40x128xi32, #tpu.memory_space<hbm>>) dst(%arg7 : memref<40x128xi32, #tpu.memory_space<vmem>>)
      tpu.yield
    }) : () -> ()
    %dma_start3A = arith.constant 0 : i32
    %dma_start3A_19 = arith.constant 0 : i32
    %dma_start3A_20 = arith.constant 0 : i32
    %dma_start3A_21 = arith.constant 0 : i32
    %dma_start3A_22 = tpu.memref_slice %arg8[%dma_start3A_19, %dma_start3A_20, %dma_start3A_21] : memref<2x128x128xf32, #tpu.memory_space<vmem>> -> memref<1x128x128xf32, #tpu.memory_space<vmem>>
    %dma_start3A_23 = tpu.memref_squeeze %dma_start3A_22 : memref<1x128x128xf32, #tpu.memory_space<vmem>> -> memref<128x128xf32, #tpu.memory_space<vmem>>
    %dma_start3A_24 = arith.constant 0 : i32
    %dma_start3A_25 = tpu.memref_slice %arg6[%dma_start3A, %dma_start3A_24] : memref<40x128xi32, #tpu.memory_space<vmem>> -> memref<1x128xi32, #tpu.memory_space<vmem>>
    %dma_start3A_26 = tpu.memref_squeeze %dma_start3A_25 : memref<1x128xi32, #tpu.memory_space<vmem>> -> memref<128xi32, #tpu.memory_space<vmem>>
    %dma_start3A_27 = arith.constant 0 : i32
    %dma_start3A_28 = arith.constant 0 : i32
    %dma_start3A_29 = tpu.memref_slice %arg2[%dma_start3A_27, %dma_start3A_28] : memref<10240x128xf32, #tpu.memory_space<hbm>> -> memref<10240x128xf32, #tpu.memory_space<hbm>>
    tpu.enqueue_indirect_dma source(%dma_start3A_29 : memref<10240x128xf32, #tpu.memory_space<hbm>>) target(%dma_start3A_23 : memref<128x128xf32, #tpu.memory_space<vmem>>) offsets(%dma_start3A_26 : memref<128xi32, #tpu.memory_space<vmem>>) semaphore(%arg10 : memref<!tpu.dma_semaphore, #tpu.memory_space<semaphore_mem>>)
    %dma_wait3A = arith.constant 0 : i32
    %dma_wait3A_30 = arith.constant 0 : i32
    %dma_wait3A_31 = arith.constant 0 : i32
    %dma_wait3A_32 = arith.constant 0 : i32
    %dma_wait3A_33 = tpu.memref_slice %arg8[%dma_wait3A_30, %dma_wait3A_31, %dma_wait3A_32] : memref<2x128x128xf32, #tpu.memory_space<vmem>> -> memref<1x128x128xf32, #tpu.memory_space<vmem>>
    %dma_wait3A_34 = tpu.memref_squeeze %dma_wait3A_33 : memref<1x128x128xf32, #tpu.memory_space<vmem>> -> memref<128x128xf32, #tpu.memory_space<vmem>>
    %dma_wait3A_35 = arith.constant 0 : i32
    %dma_wait3A_36 = tpu.memref_slice %arg6[%dma_wait3A, %dma_wait3A_35] : memref<40x128xi32, #tpu.memory_space<vmem>> -> memref<1x128xi32, #tpu.memory_space<vmem>>
    %dma_wait3A_37 = tpu.memref_squeeze %dma_wait3A_36 : memref<1x128xi32, #tpu.memory_space<vmem>> -> memref<128xi32, #tpu.memory_space<vmem>>
    %dma_wait3A_38 = arith.constant 0 : i32
    %dma_wait3A_39 = arith.constant 0 : i32
    %dma_wait3A_40 = tpu.memref_slice %arg2[%dma_wait3A_38, %dma_wait3A_39] : memref<10240x128xf32, #tpu.memory_space<hbm>> -> memref<10240x128xf32, #tpu.memory_space<hbm>>
    tpu.wait_indirect_dma semaphore(%arg10 : memref<!tpu.dma_semaphore, #tpu.memory_space<semaphore_mem>>) src(%dma_wait3A_40 : memref<10240x128xf32, #tpu.memory_space<hbm>>) dst(%dma_wait3A_34 : memref<128x128xf32, #tpu.memory_space<vmem>>)
    %dma_start3A_41 = arith.constant 0 : i32
    %dma_start3A_42 = arith.constant 0 : i32
    %dma_start3A_43 = arith.constant 0 : i32
    %dma_start3A_44 = arith.constant 0 : i32
    %dma_start3A_45 = tpu.memref_slice %arg8[%dma_start3A_41, %dma_start3A_43, %dma_start3A_44] : memref<2x128x128xf32, #tpu.memory_space<vmem>> -> memref<1x128x128xf32, #tpu.memory_space<vmem>>
    %dma_start3A_46 = tpu.memref_squeeze %dma_start3A_45 : memref<1x128x128xf32, #tpu.memory_space<vmem>> -> memref<128x128xf32, #tpu.memory_space<vmem>>
    %dma_start3A_47 = arith.constant 0 : i32
    %dma_start3A_48 = tpu.memref_slice %arg7[%dma_start3A_42, %dma_start3A_47] : memref<40x128xi32, #tpu.memory_space<vmem>> -> memref<1x128xi32, #tpu.memory_space<vmem>>
    %dma_start3A_49 = tpu.memref_squeeze %dma_start3A_48 : memref<1x128xi32, #tpu.memory_space<vmem>> -> memref<128xi32, #tpu.memory_space<vmem>>
    %dma_start3A_50 = arith.constant 0 : i32
    %dma_start3A_51 = arith.constant 0 : i32
    %dma_start3A_52 = tpu.memref_slice %arg9[%dma_start3A_50, %dma_start3A_51] : memref<10240x128xf32, #tpu.memory_space<vmem_shared>> -> memref<10240x128xf32, #tpu.memory_space<vmem_shared>>
    tpu.enqueue_indirect_dma source(%dma_start3A_46 : memref<128x128xf32, #tpu.memory_space<vmem>>) target(%dma_start3A_52 : memref<10240x128xf32, #tpu.memory_space<vmem_shared>>) offsets(%dma_start3A_49 : memref<128xi32, #tpu.memory_space<vmem>>) semaphore(%arg12 : memref<!tpu.dma_semaphore, #tpu.memory_space<semaphore_mem>>) {add = true}
    %dma_start3A_53 = arith.constant 1 : i32
    %dma_start3A_54 = arith.constant 1 : i32
    %dma_start3A_55 = arith.constant 0 : i32
    %dma_start3A_56 = arith.constant 0 : i32
    %dma_start3A_57 = tpu.memref_slice %arg8[%dma_start3A_54, %dma_start3A_55, %dma_start3A_56] : memref<2x128x128xf32, #tpu.memory_space<vmem>> -> memref<1x128x128xf32, #tpu.memory_space<vmem>>
    %dma_start3A_58 = tpu.memref_squeeze %dma_start3A_57 : memref<1x128x128xf32, #tpu.memory_space<vmem>> -> memref<128x128xf32, #tpu.memory_space<vmem>>
    %dma_start3A_59 = arith.constant 0 : i32
    %dma_start3A_60 = tpu.memref_slice %arg6[%dma_start3A_53, %dma_start3A_59] : memref<40x128xi32, #tpu.memory_space<vmem>> -> memref<1x128xi32, #tpu.memory_space<vmem>>
    %dma_start3A_61 = tpu.memref_squeeze %dma_start3A_60 : memref<1x128xi32, #tpu.memory_space<vmem>> -> memref<128xi32, #tpu.memory_space<vmem>>
    %dma_start3A_62 = arith.constant 0 : i32
    %dma_start3A_63 = arith.constant 0 : i32
    %dma_start3A_64 = tpu.memref_slice %arg2[%dma_start3A_62, %dma_start3A_63] : memref<10240x128xf32, #tpu.memory_space<hbm>> -> memref<10240x128xf32, #tpu.memory_space<hbm>>
    tpu.enqueue_indirect_dma source(%dma_start3A_64 : memref<10240x128xf32, #tpu.memory_space<hbm>>) target(%dma_start3A_58 : memref<128x128xf32, #tpu.memory_space<vmem>>) offsets(%dma_start3A_61 : memref<128xi32, #tpu.memory_space<vmem>>) semaphore(%arg11 : memref<!tpu.dma_semaphore, #tpu.memory_space<semaphore_mem>>)
    %dma_wait3A_65 = arith.constant 0 : i32
    %dma_wait3A_66 = arith.constant 1 : i32
    %dma_wait3A_67 = arith.constant 0 : i32
    %dma_wait3A_68 = arith.constant 0 : i32
    %dma_wait3A_69 = tpu.memref_slice %arg8[%dma_wait3A_66, %dma_wait3A_67, %dma_wait3A_68] : memref<2x128x128xf32, #tpu.memory_space<vmem>> -> memref<1x128x128xf32, #tpu.memory_space<vmem>>
    %dma_wait3A_70 = tpu.memref_squeeze %dma_wait3A_69 : memref<1x128x128xf32, #tpu.memory_space<vmem>> -> memref<128x128xf32, #tpu.memory_space<vmem>>
    %dma_wait3A_71 = arith.constant 0 : i32
    %dma_wait3A_72 = tpu.memref_slice %arg6[%dma_wait3A_65, %dma_wait3A_71] : memref<40x128xi32, #tpu.memory_space<vmem>> -> memref<1x128xi32, #tpu.memory_space<vmem>>
    %dma_wait3A_73 = tpu.memref_squeeze %dma_wait3A_72 : memref<1x128xi32, #tpu.memory_space<vmem>> -> memref<128xi32, #tpu.memory_space<vmem>>
    %dma_wait3A_74 = arith.constant 0 : i32
    %dma_wait3A_75 = arith.constant 0 : i32
    %dma_wait3A_76 = tpu.memref_slice %arg2[%dma_wait3A_74, %dma_wait3A_75] : memref<10240x128xf32, #tpu.memory_space<hbm>> -> memref<10240x128xf32, #tpu.memory_space<hbm>>
    tpu.wait_indirect_dma semaphore(%arg11 : memref<!tpu.dma_semaphore, #tpu.memory_space<semaphore_mem>>) src(%dma_wait3A_76 : memref<10240x128xf32, #tpu.memory_space<hbm>>) dst(%dma_wait3A_70 : memref<128x128xf32, #tpu.memory_space<vmem>>)
    %dma_start3A_77 = arith.constant 1 : i32
    %dma_start3A_78 = arith.constant 1 : i32
    %dma_start3A_79 = arith.constant 0 : i32
    %dma_start3A_80 = arith.constant 0 : i32
    %dma_start3A_81 = tpu.memref_slice %arg8[%dma_start3A_77, %dma_start3A_79, %dma_start3A_80] : memref<2x128x128xf32, #tpu.memory_space<vmem>> -> memref<1x128x128xf32, #tpu.memory_space<vmem>>
    %dma_start3A_82 = tpu.memref_squeeze %dma_start3A_81 : memref<1x128x128xf32, #tpu.memory_space<vmem>> -> memref<128x128xf32, #tpu.memory_space<vmem>>
    %dma_start3A_83 = arith.constant 0 : i32
    %dma_start3A_84 = tpu.memref_slice %arg7[%dma_start3A_78, %dma_start3A_83] : memref<40x128xi32, #tpu.memory_space<vmem>> -> memref<1x128xi32, #tpu.memory_space<vmem>>
    %dma_start3A_85 = tpu.memref_squeeze %dma_start3A_84 : memref<1x128xi32, #tpu.memory_space<vmem>> -> memref<128xi32, #tpu.memory_space<vmem>>
    %dma_start3A_86 = arith.constant 0 : i32
    %dma_start3A_87 = arith.constant 0 : i32
    %dma_start3A_88 = tpu.memref_slice %arg9[%dma_start3A_86, %dma_start3A_87] : memref<10240x128xf32, #tpu.memory_space<vmem_shared>> -> memref<10240x128xf32, #tpu.memory_space<vmem_shared>>
    tpu.enqueue_indirect_dma source(%dma_start3A_82 : memref<128x128xf32, #tpu.memory_space<vmem>>) target(%dma_start3A_88 : memref<10240x128xf32, #tpu.memory_space<vmem_shared>>) offsets(%dma_start3A_85 : memref<128xi32, #tpu.memory_space<vmem>>) semaphore(%arg13 : memref<!tpu.dma_semaphore, #tpu.memory_space<semaphore_mem>>) {add = true}
    %dma_wait3A_89 = arith.constant 0 : i32
    %dma_wait3A_90 = arith.constant 0 : i32
    %dma_wait3A_91 = arith.constant 0 : i32
    %dma_wait3A_92 = arith.constant 0 : i32
    %dma_wait3A_93 = tpu.memref_slice %arg8[%dma_wait3A_89, %dma_wait3A_91, %dma_wait3A_92] : memref<2x128x128xf32, #tpu.memory_space<vmem>> -> memref<1x128x128xf32, #tpu.memory_space<vmem>>
    %dma_wait3A_94 = tpu.memref_squeeze %dma_wait3A_93 : memref<1x128x128xf32, #tpu.memory_space<vmem>> -> memref<128x128xf32, #tpu.memory_space<vmem>>
    %dma_wait3A_95 = arith.constant 0 : i32
    %dma_wait3A_96 = tpu.memref_slice %arg7[%dma_wait3A_90, %dma_wait3A_95] : memref<40x128xi32, #tpu.memory_space<vmem>> -> memref<1x128xi32, #tpu.memory_space<vmem>>
    %dma_wait3A_97 = tpu.memref_squeeze %dma_wait3A_96 : memref<1x128xi32, #tpu.memory_space<vmem>> -> memref<128xi32, #tpu.memory_space<vmem>>
    %dma_wait3A_98 = arith.constant 0 : i32
    %dma_wait3A_99 = arith.constant 0 : i32
    %dma_wait3A_100 = tpu.memref_slice %arg9[%dma_wait3A_98, %dma_wait3A_99] : memref<10240x128xf32, #tpu.memory_space<vmem_shared>> -> memref<10240x128xf32, #tpu.memory_space<vmem_shared>>
    tpu.wait_indirect_dma semaphore(%arg12 : memref<!tpu.dma_semaphore, #tpu.memory_space<semaphore_mem>>) src(%dma_wait3A_94 : memref<128x128xf32, #tpu.memory_space<vmem>>) dst(%dma_wait3A_100 : memref<10240x128xf32, #tpu.memory_space<vmem_shared>>)
    %dma_start3A_101 = arith.constant 2 : i32
    %dma_start3A_102 = arith.constant 0 : i32
    %dma_start3A_103 = arith.constant 0 : i32
    %dma_start3A_104 = arith.constant 0 : i32
    %dma_start3A_105 = tpu.memref_slice %arg8[%dma_start3A_102, %dma_start3A_103, %dma_start3A_104] : memref<2x128x128xf32, #tpu.memory_space<vmem>> -> memref<1x128x128xf32, #tpu.memory_space<vmem>>
    %dma_start3A_106 = tpu.memref_squeeze %dma_start3A_105 : memref<1x128x128xf32, #tpu.memory_space<vmem>> -> memref<128x128xf32, #tpu.memory_space<vmem>>
    %dma_start3A_107 = arith.constant 0 : i32
    %dma_start3A_108 = tpu.memref_slice %arg6[%dma_start3A_101, %dma_start3A_107] : memref<40x128xi32, #tpu.memory_space<vmem>> -> memref<1x128xi32, #tpu.memory_space<vmem>>
    %dma_start3A_109 = tpu.memref_squeeze %dma_start3A_108 : memref<1x128xi32, #tpu.memory_space<vmem>> -> memref<128xi32, #tpu.memory_space<vmem>>
    %dma_start3A_110 = arith.constant 0 : i32
    %dma_start3A_111 = arith.constant 0 : i32
    %dma_start3A_112 = tpu.memref_slice %arg2[%dma_start3A_110, %dma_start3A_111] : memref<10240x128xf32, #tpu.memory_space<hbm>> -> memref<10240x128xf32, #tpu.memory_space<hbm>>
    tpu.enqueue_indirect_dma source(%dma_start3A_112 : memref<10240x128xf32, #tpu.memory_space<hbm>>) target(%dma_start3A_106 : memref<128x128xf32, #tpu.memory_space<vmem>>) offsets(%dma_start3A_109 : memref<128xi32, #tpu.memory_space<vmem>>) semaphore(%arg10 : memref<!tpu.dma_semaphore, #tpu.memory_space<semaphore_mem>>)
    %scan3A_113 = arith.constant 0 : i32
    %scan3A_114 = arith.constant 1 : i32
    %scan3A_115 = arith.constant 18 : i32
    %scan3A_116 = arith.addi %scan3A_114, %scan3A_115 : i32
    %scan3A_117 = arith.constant 1 : i32
    %scan3A_118 = scf.for %scan3A_427 = %scan3A_114 to %scan3A_116 step %scan3A_117 iter_args(%scan3A_428 = %scan3A_113) -> (i32)  : i32 {
      %mul3A_429 = arith.constant 2 : i32
      %mul3A_430 = arith.muli %mul3A_429, %scan3A_427 : i32
      %dma_wait3A_431 = arith.constant 0 : i32
      %dma_wait3A_432 = arith.constant 0 : i32
      %dma_wait3A_433 = arith.constant 0 : i32
      %dma_wait3A_434 = arith.constant 0 : i32
      %dma_wait3A_435 = tpu.memref_slice %arg8[%dma_wait3A_432, %dma_wait3A_433, %dma_wait3A_434] : memref<2x128x128xf32, #tpu.memory_space<vmem>> -> memref<1x128x128xf32, #tpu.memory_space<vmem>>
      %dma_wait3A_436 = tpu.memref_squeeze %dma_wait3A_435 : memref<1x128x128xf32, #tpu.memory_space<vmem>> -> memref<128x128xf32, #tpu.memory_space<vmem>>
      %dma_wait3A_437 = arith.constant 0 : i32
      %dma_wait3A_438 = tpu.memref_slice %arg6[%dma_wait3A_431, %dma_wait3A_437] : memref<40x128xi32, #tpu.memory_space<vmem>> -> memref<1x128xi32, #tpu.memory_space<vmem>>
      %dma_wait3A_439 = tpu.memref_squeeze %dma_wait3A_438 : memref<1x128xi32, #tpu.memory_space<vmem>> -> memref<128xi32, #tpu.memory_space<vmem>>
      %dma_wait3A_440 = arith.constant 0 : i32
      %dma_wait3A_441 = arith.constant 0 : i32
      %dma_wait3A_442 = tpu.memref_slice %arg2[%dma_wait3A_440, %dma_wait3A_441] : memref<10240x128xf32, #tpu.memory_space<hbm>> -> memref<10240x128xf32, #tpu.memory_space<hbm>>
      tpu.wait_indirect_dma semaphore(%arg10 : memref<!tpu.dma_semaphore, #tpu.memory_space<semaphore_mem>>) src(%dma_wait3A_442 : memref<10240x128xf32, #tpu.memory_space<hbm>>) dst(%dma_wait3A_436 : memref<128x128xf32, #tpu.memory_space<vmem>>)
      %dma_start3A_443 = arith.constant 0 : i32
      %dma_start3A_444 = arith.constant 0 : i32
      %dma_start3A_445 = arith.constant 0 : i32
      %dma_start3A_446 = tpu.memref_slice %arg8[%dma_start3A_443, %dma_start3A_444, %dma_start3A_445] : memref<2x128x128xf32, #tpu.memory_space<vmem>> -> memref<1x128x128xf32, #tpu.memory_space<vmem>>
      %dma_start3A_447 = tpu.memref_squeeze %dma_start3A_446 : memref<1x128x128xf32, #tpu.memory_space<vmem>> -> memref<128x128xf32, #tpu.memory_space<vmem>>
      %dma_start3A_448 = arith.constant 0 : i32
      %dma_start3A_449 = tpu.memref_slice %arg7[%mul3A_430, %dma_start3A_448] : memref<40x128xi32, #tpu.memory_space<vmem>> -> memref<1x128xi32, #tpu.memory_space<vmem>>
      %dma_start3A_450 = tpu.memref_squeeze %dma_start3A_449 : memref<1x128xi32, #tpu.memory_space<vmem>> -> memref<128xi32, #tpu.memory_space<vmem>>
      %dma_start3A_451 = arith.constant 0 : i32
      %dma_start3A_452 = arith.constant 0 : i32
      %dma_start3A_453 = tpu.memref_slice %arg9[%dma_start3A_451, %dma_start3A_452] : memref<10240x128xf32, #tpu.memory_space<vmem_shared>> -> memref<10240x128xf32, #tpu.memory_space<vmem_shared>>
      tpu.enqueue_indirect_dma source(%dma_start3A_447 : memref<128x128xf32, #tpu.memory_space<vmem>>) target(%dma_start3A_453 : memref<10240x128xf32, #tpu.memory_space<vmem_shared>>) offsets(%dma_start3A_450 : memref<128xi32, #tpu.memory_space<vmem>>) semaphore(%arg12 : memref<!tpu.dma_semaphore, #tpu.memory_space<semaphore_mem>>) {add = true}
      %dma_wait3A_454 = arith.constant 1 : i32
      %dma_wait3A_455 = arith.constant 0 : i32
      %dma_wait3A_456 = arith.constant 0 : i32
      %dma_wait3A_457 = arith.constant 0 : i32
      %dma_wait3A_458 = tpu.memref_slice %arg8[%dma_wait3A_454, %dma_wait3A_456, %dma_wait3A_457] : memref<2x128x128xf32, #tpu.memory_space<vmem>> -> memref<1x128x128xf32, #tpu.memory_space<vmem>>
      %dma_wait3A_459 = tpu.memref_squeeze %dma_wait3A_458 : memref<1x128x128xf32, #tpu.memory_space<vmem>> -> memref<128x128xf32, #tpu.memory_space<vmem>>
      %dma_wait3A_460 = arith.constant 0 : i32
      %dma_wait3A_461 = tpu.memref_slice %arg7[%dma_wait3A_455, %dma_wait3A_460] : memref<40x128xi32, #tpu.memory_space<vmem>> -> memref<1x128xi32, #tpu.memory_space<vmem>>
      %dma_wait3A_462 = tpu.memref_squeeze %dma_wait3A_461 : memref<1x128xi32, #tpu.memory_space<vmem>> -> memref<128xi32, #tpu.memory_space<vmem>>
      %dma_wait3A_463 = arith.constant 0 : i32
      %dma_wait3A_464 = arith.constant 0 : i32
      %dma_wait3A_465 = tpu.memref_slice %arg9[%dma_wait3A_463, %dma_wait3A_464] : memref<10240x128xf32, #tpu.memory_space<vmem_shared>> -> memref<10240x128xf32, #tpu.memory_space<vmem_shared>>
      tpu.wait_indirect_dma semaphore(%arg13 : memref<!tpu.dma_semaphore, #tpu.memory_space<semaphore_mem>>) src(%dma_wait3A_459 : memref<128x128xf32, #tpu.memory_space<vmem>>) dst(%dma_wait3A_465 : memref<10240x128xf32, #tpu.memory_space<vmem_shared>>)
      %add3A_466 = arith.constant 1 : i32
      %add3A_467 = arith.addi %mul3A_430, %add3A_466 : i32
      %dma_start3A_468 = arith.constant 1 : i32
      %dma_start3A_469 = arith.constant 0 : i32
      %dma_start3A_470 = arith.constant 0 : i32
      %dma_start3A_471 = tpu.memref_slice %arg8[%dma_start3A_468, %dma_start3A_469, %dma_start3A_470] : memref<2x128x128xf32, #tpu.memory_space<vmem>> -> memref<1x128x128xf32, #tpu.memory_space<vmem>>
      %dma_start3A_472 = tpu.memref_squeeze %dma_start3A_471 : memref<1x128x128xf32, #tpu.memory_space<vmem>> -> memref<128x128xf32, #tpu.memory_space<vmem>>
      %dma_start3A_473 = arith.constant 0 : i32
      %dma_start3A_474 = tpu.memref_slice %arg6[%add3A_467, %dma_start3A_473] : memref<40x128xi32, #tpu.memory_space<vmem>> -> memref<1x128xi32, #tpu.memory_space<vmem>>
      %dma_start3A_475 = tpu.memref_squeeze %dma_start3A_474 : memref<1x128xi32, #tpu.memory_space<vmem>> -> memref<128xi32, #tpu.memory_space<vmem>>
      %dma_start3A_476 = arith.constant 0 : i32
      %dma_start3A_477 = arith.constant 0 : i32
      %dma_start3A_478 = tpu.memref_slice %arg2[%dma_start3A_476, %dma_start3A_477] : memref<10240x128xf32, #tpu.memory_space<hbm>> -> memref<10240x128xf32, #tpu.memory_space<hbm>>
      tpu.enqueue_indirect_dma source(%dma_start3A_478 : memref<10240x128xf32, #tpu.memory_space<hbm>>) target(%dma_start3A_472 : memref<128x128xf32, #tpu.memory_space<vmem>>) offsets(%dma_start3A_475 : memref<128xi32, #tpu.memory_space<vmem>>) semaphore(%arg11 : memref<!tpu.dma_semaphore, #tpu.memory_space<semaphore_mem>>)
      %dma_wait3A_479 = arith.constant 0 : i32
      %dma_wait3A_480 = arith.constant 1 : i32
      %dma_wait3A_481 = arith.constant 0 : i32
      %dma_wait3A_482 = arith.constant 0 : i32
      %dma_wait3A_483 = tpu.memref_slice %arg8[%dma_wait3A_480, %dma_wait3A_481, %dma_wait3A_482] : memref<2x128x128xf32, #tpu.memory_space<vmem>> -> memref<1x128x128xf32, #tpu.memory_space<vmem>>
      %dma_wait3A_484 = tpu.memref_squeeze %dma_wait3A_483 : memref<1x128x128xf32, #tpu.memory_space<vmem>> -> memref<128x128xf32, #tpu.memory_space<vmem>>
      %dma_wait3A_485 = arith.constant 0 : i32
      %dma_wait3A_486 = tpu.memref_slice %arg6[%dma_wait3A_479, %dma_wait3A_485] : memref<40x128xi32, #tpu.memory_space<vmem>> -> memref<1x128xi32, #tpu.memory_space<vmem>>
      %dma_wait3A_487 = tpu.memref_squeeze %dma_wait3A_486 : memref<1x128xi32, #tpu.memory_space<vmem>> -> memref<128xi32, #tpu.memory_space<vmem>>
      %dma_wait3A_488 = arith.constant 0 : i32
      %dma_wait3A_489 = arith.constant 0 : i32
      %dma_wait3A_490 = tpu.memref_slice %arg2[%dma_wait3A_488, %dma_wait3A_489] : memref<10240x128xf32, #tpu.memory_space<hbm>> -> memref<10240x128xf32, #tpu.memory_space<hbm>>
      tpu.wait_indirect_dma semaphore(%arg11 : memref<!tpu.dma_semaphore, #tpu.memory_space<semaphore_mem>>) src(%dma_wait3A_490 : memref<10240x128xf32, #tpu.memory_space<hbm>>) dst(%dma_wait3A_484 : memref<128x128xf32, #tpu.memory_space<vmem>>)
      %add3A_491 = arith.constant 1 : i32
      %add3A_492 = arith.addi %mul3A_430, %add3A_491 : i32
      %dma_start3A_493 = arith.constant 1 : i32
      %dma_start3A_494 = arith.constant 0 : i32
      %dma_start3A_495 = arith.constant 0 : i32
      %dma_start3A_496 = tpu.memref_slice %arg8[%dma_start3A_493, %dma_start3A_494, %dma_start3A_495] : memref<2x128x128xf32, #tpu.memory_space<vmem>> -> memref<1x128x128xf32, #tpu.memory_space<vmem>>
      %dma_start3A_497 = tpu.memref_squeeze %dma_start3A_496 : memref<1x128x128xf32, #tpu.memory_space<vmem>> -> memref<128x128xf32, #tpu.memory_space<vmem>>
      %dma_start3A_498 = arith.constant 0 : i32
      %dma_start3A_499 = tpu.memref_slice %arg7[%add3A_492, %dma_start3A_498] : memref<40x128xi32, #tpu.memory_space<vmem>> -> memref<1x128xi32, #tpu.memory_space<vmem>>
      %dma_start3A_500 = tpu.memref_squeeze %dma_start3A_499 : memref<1x128xi32, #tpu.memory_space<vmem>> -> memref<128xi32, #tpu.memory_space<vmem>>
      %dma_start3A_501 = arith.constant 0 : i32
      %dma_start3A_502 = arith.constant 0 : i32
      %dma_start3A_503 = tpu.memref_slice %arg9[%dma_start3A_501, %dma_start3A_502] : memref<10240x128xf32, #tpu.memory_space<vmem_shared>> -> memref<10240x128xf32, #tpu.memory_space<vmem_shared>>
      tpu.enqueue_indirect_dma source(%dma_start3A_497 : memref<128x128xf32, #tpu.memory_space<vmem>>) target(%dma_start3A_503 : memref<10240x128xf32, #tpu.memory_space<vmem_shared>>) offsets(%dma_start3A_500 : memref<128xi32, #tpu.memory_space<vmem>>) semaphore(%arg13 : memref<!tpu.dma_semaphore, #tpu.memory_space<semaphore_mem>>) {add = true}
      %dma_wait3A_504 = arith.constant 0 : i32
      %dma_wait3A_505 = arith.constant 0 : i32
      %dma_wait3A_506 = arith.constant 0 : i32
      %dma_wait3A_507 = arith.constant 0 : i32
      %dma_wait3A_508 = tpu.memref_slice %arg8[%dma_wait3A_504, %dma_wait3A_506, %dma_wait3A_507] : memref<2x128x128xf32, #tpu.memory_space<vmem>> -> memref<1x128x128xf32, #tpu.memory_space<vmem>>
      %dma_wait3A_509 = tpu.memref_squeeze %dma_wait3A_508 : memref<1x128x128xf32, #tpu.memory_space<vmem>> -> memref<128x128xf32, #tpu.memory_space<vmem>>
      %dma_wait3A_510 = arith.constant 0 : i32
      %dma_wait3A_511 = tpu.memref_slice %arg7[%dma_wait3A_505, %dma_wait3A_510] : memref<40x128xi32, #tpu.memory_space<vmem>> -> memref<1x128xi32, #tpu.memory_space<vmem>>
      %dma_wait3A_512 = tpu.memref_squeeze %dma_wait3A_511 : memref<1x128xi32, #tpu.memory_space<vmem>> -> memref<128xi32, #tpu.memory_space<vmem>>
      %dma_wait3A_513 = arith.constant 0 : i32
      %dma_wait3A_514 = arith.constant 0 : i32
      %dma_wait3A_515 = tpu.memref_slice %arg9[%dma_wait3A_513, %dma_wait3A_514] : memref<10240x128xf32, #tpu.memory_space<vmem_shared>> -> memref<10240x128xf32, #tpu.memory_space<vmem_shared>>
      tpu.wait_indirect_dma semaphore(%arg12 : memref<!tpu.dma_semaphore, #tpu.memory_space<semaphore_mem>>) src(%dma_wait3A_509 : memref<128x128xf32, #tpu.memory_space<vmem>>) dst(%dma_wait3A_515 : memref<10240x128xf32, #tpu.memory_space<vmem_shared>>)
      %add3A_516 = arith.constant 2 : i32
      %add3A_517 = arith.addi %mul3A_430, %add3A_516 : i32
      %dma_start3A_518 = arith.constant 0 : i32
      %dma_start3A_519 = arith.constant 0 : i32
      %dma_start3A_520 = arith.constant 0 : i32
      %dma_start3A_521 = tpu.memref_slice %arg8[%dma_start3A_518, %dma_start3A_519, %dma_start3A_520] : memref<2x128x128xf32, #tpu.memory_space<vmem>> -> memref<1x128x128xf32, #tpu.memory_space<vmem>>
      %dma_start3A_522 = tpu.memref_squeeze %dma_start3A_521 : memref<1x128x128xf32, #tpu.memory_space<vmem>> -> memref<128x128xf32, #tpu.memory_space<vmem>>
      %dma_start3A_523 = arith.constant 0 : i32
      %dma_start3A_524 = tpu.memref_slice %arg6[%add3A_517, %dma_start3A_523] : memref<40x128xi32, #tpu.memory_space<vmem>> -> memref<1x128xi32, #tpu.memory_space<vmem>>
      %dma_start3A_525 = tpu.memref_squeeze %dma_start3A_524 : memref<1x128xi32, #tpu.memory_space<vmem>> -> memref<128xi32, #tpu.memory_space<vmem>>
      %dma_start3A_526 = arith.constant 0 : i32
      %dma_start3A_527 = arith.constant 0 : i32
      %dma_start3A_528 = tpu.memref_slice %arg2[%dma_start3A_526, %dma_start3A_527] : memref<10240x128xf32, #tpu.memory_space<hbm>> -> memref<10240x128xf32, #tpu.memory_space<hbm>>
      tpu.enqueue_indirect_dma source(%dma_start3A_528 : memref<10240x128xf32, #tpu.memory_space<hbm>>) target(%dma_start3A_522 : memref<128x128xf32, #tpu.memory_space<vmem>>) offsets(%dma_start3A_525 : memref<128xi32, #tpu.memory_space<vmem>>) semaphore(%arg10 : memref<!tpu.dma_semaphore, #tpu.memory_space<semaphore_mem>>)
      %scan3A_529 = arith.constant 0 : i32
      scf.yield %scan3A_529 : i32
    }
    %scan3A_119 = arith.constant 18 : i32
    %dma_wait3A_120 = arith.constant 0 : i32
    %dma_wait3A_121 = arith.constant 0 : i32
    %dma_wait3A_122 = arith.constant 0 : i32
    %dma_wait3A_123 = arith.constant 0 : i32
    %dma_wait3A_124 = tpu.memref_slice %arg8[%dma_wait3A_121, %dma_wait3A_122, %dma_wait3A_123] : memref<2x128x128xf32, #tpu.memory_space<vmem>> -> memref<1x128x128xf32, #tpu.memory_space<vmem>>
    %dma_wait3A_125 = tpu.memref_squeeze %dma_wait3A_124 : memref<1x128x128xf32, #tpu.memory_space<vmem>> -> memref<128x128xf32, #tpu.memory_space<vmem>>
    %dma_wait3A_126 = arith.constant 0 : i32
    %dma_wait3A_127 = tpu.memref_slice %arg6[%dma_wait3A_120, %dma_wait3A_126] : memref<40x128xi32, #tpu.memory_space<vmem>> -> memref<1x128xi32, #tpu.memory_space<vmem>>
    %dma_wait3A_128 = tpu.memref_squeeze %dma_wait3A_127 : memref<1x128xi32, #tpu.memory_space<vmem>> -> memref<128xi32, #tpu.memory_space<vmem>>
    %dma_wait3A_129 = arith.constant 0 : i32
    %dma_wait3A_130 = arith.constant 0 : i32
    %dma_wait3A_131 = tpu.memref_slice %arg2[%dma_wait3A_129, %dma_wait3A_130] : memref<10240x128xf32, #tpu.memory_space<hbm>> -> memref<10240x128xf32, #tpu.memory_space<hbm>>
    tpu.wait_indirect_dma semaphore(%arg10 : memref<!tpu.dma_semaphore, #tpu.memory_space<semaphore_mem>>) src(%dma_wait3A_131 : memref<10240x128xf32, #tpu.memory_space<hbm>>) dst(%dma_wait3A_125 : memref<128x128xf32, #tpu.memory_space<vmem>>)
    %dma_start3A_132 = arith.constant 0 : i32
    %dma_start3A_133 = arith.constant 38 : i32
    %dma_start3A_134 = arith.constant 0 : i32
    %dma_start3A_135 = arith.constant 0 : i32
    %dma_start3A_136 = tpu.memref_slice %arg8[%dma_start3A_132, %dma_start3A_134, %dma_start3A_135] : memref<2x128x128xf32, #tpu.memory_space<vmem>> -> memref<1x128x128xf32, #tpu.memory_space<vmem>>
    %dma_start3A_137 = tpu.memref_squeeze %dma_start3A_136 : memref<1x128x128xf32, #tpu.memory_space<vmem>> -> memref<128x128xf32, #tpu.memory_space<vmem>>
    %dma_start3A_138 = arith.constant 0 : i32
    %dma_start3A_139 = tpu.memref_slice %arg7[%dma_start3A_133, %dma_start3A_138] : memref<40x128xi32, #tpu.memory_space<vmem>> -> memref<1x128xi32, #tpu.memory_space<vmem>>
    %dma_start3A_140 = tpu.memref_squeeze %dma_start3A_139 : memref<1x128xi32, #tpu.memory_space<vmem>> -> memref<128xi32, #tpu.memory_space<vmem>>
    %dma_start3A_141 = arith.constant 0 : i32
    %dma_start3A_142 = arith.constant 0 : i32
    %dma_start3A_143 = tpu.memref_slice %arg9[%dma_start3A_141, %dma_start3A_142] : memref<10240x128xf32, #tpu.memory_space<vmem_shared>> -> memref<10240x128xf32, #tpu.memory_space<vmem_shared>>
    tpu.enqueue_indirect_dma source(%dma_start3A_137 : memref<128x128xf32, #tpu.memory_space<vmem>>) target(%dma_start3A_143 : memref<10240x128xf32, #tpu.memory_space<vmem_shared>>) offsets(%dma_start3A_140 : memref<128xi32, #tpu.memory_space<vmem>>) semaphore(%arg12 : memref<!tpu.dma_semaphore, #tpu.memory_space<semaphore_mem>>) {add = true}
    %dma_wait3A_144 = arith.constant 1 : i32
    %dma_wait3A_145 = arith.constant 0 : i32
    %dma_wait3A_146 = arith.constant 0 : i32
    %dma_wait3A_147 = arith.constant 0 : i32
    %dma_wait3A_148 = tpu.memref_slice %arg8[%dma_wait3A_144, %dma_wait3A_146, %dma_wait3A_147] : memref<2x128x128xf32, #tpu.memory_space<vmem>> -> memref<1x128x128xf32, #tpu.memory_space<vmem>>
    %dma_wait3A_149 = tpu.memref_squeeze %dma_wait3A_148 : memref<1x128x128xf32, #tpu.memory_space<vmem>> -> memref<128x128xf32, #tpu.memory_space<vmem>>
    %dma_wait3A_150 = arith.constant 0 : i32
    %dma_wait3A_151 = tpu.memref_slice %arg7[%dma_wait3A_145, %dma_wait3A_150] : memref<40x128xi32, #tpu.memory_space<vmem>> -> memref<1x128xi32, #tpu.memory_space<vmem>>
    %dma_wait3A_152 = tpu.memref_squeeze %dma_wait3A_151 : memref<1x128xi32, #tpu.memory_space<vmem>> -> memref<128xi32, #tpu.memory_space<vmem>>
    %dma_wait3A_153 = arith.constant 0 : i32
    %dma_wait3A_154 = arith.constant 0 : i32
    %dma_wait3A_155 = tpu.memref_slice %arg9[%dma_wait3A_153, %dma_wait3A_154] : memref<10240x128xf32, #tpu.memory_space<vmem_shared>> -> memref<10240x128xf32, #tpu.memory_space<vmem_shared>>
    tpu.wait_indirect_dma semaphore(%arg13 : memref<!tpu.dma_semaphore, #tpu.memory_space<semaphore_mem>>) src(%dma_wait3A_149 : memref<128x128xf32, #tpu.memory_space<vmem>>) dst(%dma_wait3A_155 : memref<10240x128xf32, #tpu.memory_space<vmem_shared>>)
    %dma_start3A_156 = arith.constant 39 : i32
    %dma_start3A_157 = arith.constant 1 : i32
    %dma_start3A_158 = arith.constant 0 : i32
    %dma_start3A_159 = arith.constant 0 : i32
    %dma_start3A_160 = tpu.memref_slice %arg8[%dma_start3A_157, %dma_start3A_158, %dma_start3A_159] : memref<2x128x128xf32, #tpu.memory_space<vmem>> -> memref<1x128x128xf32, #tpu.memory_space<vmem>>
    %dma_start3A_161 = tpu.memref_squeeze %dma_start3A_160 : memref<1x128x128xf32, #tpu.memory_space<vmem>> -> memref<128x128xf32, #tpu.memory_space<vmem>>
    %dma_start3A_162 = arith.constant 0 : i32
    %dma_start3A_163 = tpu.memref_slice %arg6[%dma_start3A_156, %dma_start3A_162] : memref<40x128xi32, #tpu.memory_space<vmem>> -> memref<1x128xi32, #tpu.memory_space<vmem>>
    %dma_start3A_164 = tpu.memref_squeeze %dma_start3A_163 : memref<1x128xi32, #tpu.memory_space<vmem>> -> memref<128xi32, #tpu.memory_space<vmem>>
    %dma_start3A_165 = arith.constant 0 : i32
    %dma_start3A_166 = arith.constant 0 : i32
    %dma_start3A_167 = tpu.memref_slice %arg2[%dma_start3A_165, %dma_start3A_166] : memref<10240x128xf32, #tpu.memory_space<hbm>> -> memref<10240x128xf32, #tpu.memory_space<hbm>>
    tpu.enqueue_indirect_dma source(%dma_start3A_167 : memref<10240x128xf32, #tpu.memory_space<hbm>>) target(%dma_start3A_161 : memref<128x128xf32, #tpu.memory_space<vmem>>) offsets(%dma_start3A_164 : memref<128xi32, #tpu.memory_space<vmem>>) semaphore(%arg11 : memref<!tpu.dma_semaphore, #tpu.memory_space<semaphore_mem>>)
    %dma_wait3A_168 = arith.constant 0 : i32
    %dma_wait3A_169 = arith.constant 1 : i32
    %dma_wait3A_170 = arith.constant 0 : i32
    %dma_wait3A_171 = arith.constant 0 : i32
    %dma_wait3A_172 = tpu.memref_slice %arg8[%dma_wait3A_169, %dma_wait3A_170, %dma_wait3A_171] : memref<2x128x128xf32, #tpu.memory_space<vmem>> -> memref<1x128x128xf32, #tpu.memory_space<vmem>>
    %dma_wait3A_173 = tpu.memref_squeeze %dma_wait3A_172 : memref<1x128x128xf32, #tpu.memory_space<vmem>> -> memref<128x128xf32, #tpu.memory_space<vmem>>
    %dma_wait3A_174 = arith.constant 0 : i32
    %dma_wait3A_175 = tpu.memref_slice %arg6[%dma_wait3A_168, %dma_wait3A_174] : memref<40x128xi32, #tpu.memory_space<vmem>> -> memref<1x128xi32, #tpu.memory_space<vmem>>
    %dma_wait3A_176 = tpu.memref_squeeze %dma_wait3A_175 : memref<1x128xi32, #tpu.memory_space<vmem>> -> memref<128xi32, #tpu.memory_space<vmem>>
    %dma_wait3A_177 = arith.constant 0 : i32
    %dma_wait3A_178 = arith.constant 0 : i32
    %dma_wait3A_179 = tpu.memref_slice %arg2[%dma_wait3A_177, %dma_wait3A_178] : memref<10240x128xf32, #tpu.memory_space<hbm>> -> memref<10240x128xf32, #tpu.memory_space<hbm>>
    tpu.wait_indirect_dma semaphore(%arg11 : memref<!tpu.dma_semaphore, #tpu.memory_space<semaphore_mem>>) src(%dma_wait3A_179 : memref<10240x128xf32, #tpu.memory_space<hbm>>) dst(%dma_wait3A_173 : memref<128x128xf32, #tpu.memory_space<vmem>>)
    %dma_start3A_180 = arith.constant 1 : i32
    %dma_start3A_181 = arith.constant 39 : i32
    %dma_start3A_182 = arith.constant 0 : i32
    %dma_start3A_183 = arith.constant 0 : i32
    %dma_start3A_184 = tpu.memref_slice %arg8[%dma_start3A_180, %dma_start3A_182, %dma_start3A_183] : memref<2x128x128xf32, #tpu.memory_space<vmem>> -> memref<1x128x128xf32, #tpu.memory_space<vmem>>
    %dma_start3A_185 = tpu.memref_squeeze %dma_start3A_184 : memref<1x128x128xf32, #tpu.memory_space<vmem>> -> memref<128x128xf32, #tpu.memory_space<vmem>>
    %dma_start3A_186 = arith.constant 0 : i32
    %dma_start3A_187 = tpu.memref_slice %arg7[%dma_start3A_181, %dma_start3A_186] : memref<40x128xi32, #tpu.memory_space<vmem>> -> memref<1x128xi32, #tpu.memory_space<vmem>>
    %dma_start3A_188 = tpu.memref_squeeze %dma_start3A_187 : memref<1x128xi32, #tpu.memory_space<vmem>> -> memref<128xi32, #tpu.memory_space<vmem>>
    %dma_start3A_189 = arith.constant 0 : i32
    %dma_start3A_190 = arith.constant 0 : i32
    %dma_start3A_191 = tpu.memref_slice %arg9[%dma_start3A_189, %dma_start3A_190] : memref<10240x128xf32, #tpu.memory_space<vmem_shared>> -> memref<10240x128xf32, #tpu.memory_space<vmem_shared>>
    tpu.enqueue_indirect_dma source(%dma_start3A_185 : memref<128x128xf32, #tpu.memory_space<vmem>>) target(%dma_start3A_191 : memref<10240x128xf32, #tpu.memory_space<vmem_shared>>) offsets(%dma_start3A_188 : memref<128xi32, #tpu.memory_space<vmem>>) semaphore(%arg13 : memref<!tpu.dma_semaphore, #tpu.memory_space<semaphore_mem>>) {add = true}
    %dma_wait3A_192 = arith.constant 0 : i32
    %dma_wait3A_193 = arith.constant 0 : i32
    %dma_wait3A_194 = arith.constant 0 : i32
    %dma_wait3A_195 = arith.constant 0 : i32
    %dma_wait3A_196 = tpu.memref_slice %arg8[%dma_wait3A_192, %dma_wait3A_194, %dma_wait3A_195] : memref<2x128x128xf32, #tpu.memory_space<vmem>> -> memref<1x128x128xf32, #tpu.memory_space<vmem>>
    %dma_wait3A_197 = tpu.memref_squeeze %dma_wait3A_196 : memref<1x128x128xf32, #tpu.memory_space<vmem>> -> memref<128x128xf32, #tpu.memory_space<vmem>>
    %dma_wait3A_198 = arith.constant 0 : i32
    %dma_wait3A_199 = tpu.memref_slice %arg7[%dma_wait3A_193, %dma_wait3A_198] : memref<40x128xi32, #tpu.memory_space<vmem>> -> memref<1x128xi32, #tpu.memory_space<vmem>>
    %dma_wait3A_200 = tpu.memref_squeeze %dma_wait3A_199 : memref<1x128xi32, #tpu.memory_space<vmem>> -> memref<128xi32, #tpu.memory_space<vmem>>
    %dma_wait3A_201 = arith.constant 0 : i32
    %dma_wait3A_202 = arith.constant 0 : i32
    %dma_wait3A_203 = tpu.memref_slice %arg9[%dma_wait3A_201, %dma_wait3A_202] : memref<10240x128xf32, #tpu.memory_space<vmem_shared>> -> memref<10240x128xf32, #tpu.memory_space<vmem_shared>>
    tpu.wait_indirect_dma semaphore(%arg12 : memref<!tpu.dma_semaphore, #tpu.memory_space<semaphore_mem>>) src(%dma_wait3A_197 : memref<128x128xf32, #tpu.memory_space<vmem>>) dst(%dma_wait3A_203 : memref<10240x128xf32, #tpu.memory_space<vmem_shared>>)
    %dma_wait3A_204 = arith.constant 1 : i32
    %dma_wait3A_205 = arith.constant 0 : i32
    %dma_wait3A_206 = arith.constant 0 : i32
    %dma_wait3A_207 = arith.constant 0 : i32
    %dma_wait3A_208 = tpu.memref_slice %arg8[%dma_wait3A_204, %dma_wait3A_206, %dma_wait3A_207] : memref<2x128x128xf32, #tpu.memory_space<vmem>> -> memref<1x128x128xf32, #tpu.memory_space<vmem>>
    %dma_wait3A_209 = tpu.memref_squeeze %dma_wait3A_208 : memref<1x128x128xf32, #tpu.memory_space<vmem>> -> memref<128x128xf32, #tpu.memory_space<vmem>>
    %dma_wait3A_210 = arith.constant 0 : i32
    %dma_wait3A_211 = tpu.memref_slice %arg7[%dma_wait3A_205, %dma_wait3A_210] : memref<40x128xi32, #tpu.memory_space<vmem>> -> memref<1x128xi32, #tpu.memory_space<vmem>>
    %dma_wait3A_212 = tpu.memref_squeeze %dma_wait3A_211 : memref<1x128xi32, #tpu.memory_space<vmem>> -> memref<128xi32, #tpu.memory_space<vmem>>
    %dma_wait3A_213 = arith.constant 0 : i32
    %dma_wait3A_214 = arith.constant 0 : i32
    %dma_wait3A_215 = tpu.memref_slice %arg9[%dma_wait3A_213, %dma_wait3A_214] : memref<10240x128xf32, #tpu.memory_space<vmem_shared>> -> memref<10240x128xf32, #tpu.memory_space<vmem_shared>>
    tpu.wait_indirect_dma semaphore(%arg13 : memref<!tpu.dma_semaphore, #tpu.memory_space<semaphore_mem>>) src(%dma_wait3A_209 : memref<128x128xf32, #tpu.memory_space<vmem>>) dst(%dma_wait3A_215 : memref<10240x128xf32, #tpu.memory_space<vmem_shared>>)
    %mul3A_216 = arith.constant 80 : i32
    %mul3A_217 = arith.muli %add3A, %mul3A_216 : i32
    %add3A_218 = arith.constant 40 : i32
    %add3A_219 = arith.addi %mul3A_217, %add3A_218 : i32
    "tpu.region"() ({
      %run_scoped3A = tpu.sem_alloc : memref<!tpu.dma_semaphore, #tpu.memory_space<semaphore_mem>>
      %dma_start3A_427 = arith.constant 0 : i32
      %dma_start3A_428 = tpu.memref_slice %arg3[%add3A_219, %dma_start3A_427] : memref<2560x128xi32, #tpu.memory_space<hbm>> -> memref<40x128xi32, #tpu.memory_space<hbm>>
      %dma_start3A_429 = arith.constant 0 : i32
      %dma_start3A_430 = tpu.memref_slice %arg3[%add3A_219, %dma_start3A_429] : memref<2560x128xi32, #tpu.memory_space<hbm>> -> memref<40x128xi32, #tpu.memory_space<hbm>>
      tpu.enqueue_dma source(%dma_start3A_430 : memref<40x128xi32, #tpu.memory_space<hbm>>) target(%arg6 : memref<40x128xi32, #tpu.memory_space<vmem>>) target_semaphore(%run_scoped3A : memref<!tpu.dma_semaphore, #tpu.memory_space<semaphore_mem>>)
      %dma_wait3A_431 = arith.constant 0 : i32
      %dma_wait3A_432 = tpu.memref_slice %arg3[%add3A_219, %dma_wait3A_431] : memref<2560x128xi32, #tpu.memory_space<hbm>> -> memref<40x128xi32, #tpu.memory_space<hbm>>
      %dma_wait3A_433 = arith.constant 0 : i32
      %dma_wait3A_434 = tpu.memref_slice %arg3[%add3A_219, %dma_wait3A_433] : memref<2560x128xi32, #tpu.memory_space<hbm>> -> memref<40x128xi32, #tpu.memory_space<hbm>>
      tpu.wait_dma2 semaphore(%run_scoped3A : memref<!tpu.dma_semaphore, #tpu.memory_space<semaphore_mem>>) src(%dma_wait3A_434 : memref<40x128xi32, #tpu.memory_space<hbm>>) dst(%arg6 : memref<40x128xi32, #tpu.memory_space<vmem>>)
      tpu.yield
    }) : () -> ()
    "tpu.region"() ({
      %run_scoped3A = tpu.sem_alloc : memref<!tpu.dma_semaphore, #tpu.memory_space<semaphore_mem>>
      %dma_start3A_427 = arith.constant 0 : i32
      %dma_start3A_428 = tpu.memref_slice %arg4[%add3A_219, %dma_start3A_427] : memref<2560x128xi32, #tpu.memory_space<hbm>> -> memref<40x128xi32, #tpu.memory_space<hbm>>
      %dma_start3A_429 = arith.constant 0 : i32
      %dma_start3A_430 = tpu.memref_slice %arg4[%add3A_219, %dma_start3A_429] : memref<2560x128xi32, #tpu.memory_space<hbm>> -> memref<40x128xi32, #tpu.memory_space<hbm>>
      tpu.enqueue_dma source(%dma_start3A_430 : memref<40x128xi32, #tpu.memory_space<hbm>>) target(%arg7 : memref<40x128xi32, #tpu.memory_space<vmem>>) target_semaphore(%run_scoped3A : memref<!tpu.dma_semaphore, #tpu.memory_space<semaphore_mem>>)
      %dma_wait3A_431 = arith.constant 0 : i32
      %dma_wait3A_432 = tpu.memref_slice %arg4[%add3A_219, %dma_wait3A_431] : memref<2560x128xi32, #tpu.memory_space<hbm>> -> memref<40x128xi32, #tpu.memory_space<hbm>>
      %dma_wait3A_433 = arith.constant 0 : i32
      %dma_wait3A_434 = tpu.memref_slice %arg4[%add3A_219, %dma_wait3A_433] : memref<2560x128xi32, #tpu.memory_space<hbm>> -> memref<40x128xi32, #tpu.memory_space<hbm>>
      tpu.wait_dma2 semaphore(%run_scoped3A : memref<!tpu.dma_semaphore, #tpu.memory_space<semaphore_mem>>) src(%dma_wait3A_434 : memref<40x128xi32, #tpu.memory_space<hbm>>) dst(%arg7 : memref<40x128xi32, #tpu.memory_space<vmem>>)
      tpu.yield
    }) : () -> ()
    %dma_start3A_220 = arith.constant 0 : i32
    %dma_start3A_221 = arith.constant 0 : i32
    %dma_start3A_222 = arith.constant 0 : i32
    %dma_start3A_223 = arith.constant 0 : i32
    %dma_start3A_224 = tpu.memref_slice %arg8[%dma_start3A_221, %dma_start3A_222, %dma_start3A_223] : memref<2x128x128xf32, #tpu.memory_space<vmem>> -> memref<1x128x128xf32, #tpu.memory_space<vmem>>
    %dma_start3A_225 = tpu.memref_squeeze %dma_start3A_224 : memref<1x128x128xf32, #tpu.memory_space<vmem>> -> memref<128x128xf32, #tpu.memory_space<vmem>>
    %dma_start3A_226 = arith.constant 0 : i32
    %dma_start3A_227 = tpu.memref_slice %arg6[%dma_start3A_220, %dma_start3A_226] : memref<40x128xi32, #tpu.memory_space<vmem>> -> memref<1x128xi32, #tpu.memory_space<vmem>>
    %dma_start3A_228 = tpu.memref_squeeze %dma_start3A_227 : memref<1x128xi32, #tpu.memory_space<vmem>> -> memref<128xi32, #tpu.memory_space<vmem>>
    %dma_start3A_229 = arith.constant 0 : i32
    %dma_start3A_230 = arith.constant 0 : i32
    %dma_start3A_231 = tpu.memref_slice %arg2[%dma_start3A_229, %dma_start3A_230] : memref<10240x128xf32, #tpu.memory_space<hbm>> -> memref<10240x128xf32, #tpu.memory_space<hbm>>
    tpu.enqueue_indirect_dma source(%dma_start3A_231 : memref<10240x128xf32, #tpu.memory_space<hbm>>) target(%dma_start3A_225 : memref<128x128xf32, #tpu.memory_space<vmem>>) offsets(%dma_start3A_228 : memref<128xi32, #tpu.memory_space<vmem>>) semaphore(%arg10 : memref<!tpu.dma_semaphore, #tpu.memory_space<semaphore_mem>>)
    %dma_wait3A_232 = arith.constant 0 : i32
    %dma_wait3A_233 = arith.constant 0 : i32
    %dma_wait3A_234 = arith.constant 0 : i32
    %dma_wait3A_235 = arith.constant 0 : i32
    %dma_wait3A_236 = tpu.memref_slice %arg8[%dma_wait3A_233, %dma_wait3A_234, %dma_wait3A_235] : memref<2x128x128xf32, #tpu.memory_space<vmem>> -> memref<1x128x128xf32, #tpu.memory_space<vmem>>
    %dma_wait3A_237 = tpu.memref_squeeze %dma_wait3A_236 : memref<1x128x128xf32, #tpu.memory_space<vmem>> -> memref<128x128xf32, #tpu.memory_space<vmem>>
    %dma_wait3A_238 = arith.constant 0 : i32
    %dma_wait3A_239 = tpu.memref_slice %arg6[%dma_wait3A_232, %dma_wait3A_238] : memref<40x128xi32, #tpu.memory_space<vmem>> -> memref<1x128xi32, #tpu.memory_space<vmem>>
    %dma_wait3A_240 = tpu.memref_squeeze %dma_wait3A_239 : memref<1x128xi32, #tpu.memory_space<vmem>> -> memref<128xi32, #tpu.memory_space<vmem>>
    %dma_wait3A_241 = arith.constant 0 : i32
    %dma_wait3A_242 = arith.constant 0 : i32
    %dma_wait3A_243 = tpu.memref_slice %arg2[%dma_wait3A_241, %dma_wait3A_242] : memref<10240x128xf32, #tpu.memory_space<hbm>> -> memref<10240x128xf32, #tpu.memory_space<hbm>>
    tpu.wait_indirect_dma semaphore(%arg10 : memref<!tpu.dma_semaphore, #tpu.memory_space<semaphore_mem>>) src(%dma_wait3A_243 : memref<10240x128xf32, #tpu.memory_space<hbm>>) dst(%dma_wait3A_237 : memref<128x128xf32, #tpu.memory_space<vmem>>)
    %dma_start3A_244 = arith.constant 0 : i32
    %dma_start3A_245 = arith.constant 0 : i32
    %dma_start3A_246 = arith.constant 0 : i32
    %dma_start3A_247 = arith.constant 0 : i32
    %dma_start3A_248 = tpu.memref_slice %arg8[%dma_start3A_244, %dma_start3A_246, %dma_start3A_247] : memref<2x128x128xf32, #tpu.memory_space<vmem>> -> memref<1x128x128xf32, #tpu.memory_space<vmem>>
    %dma_start3A_249 = tpu.memref_squeeze %dma_start3A_248 : memref<1x128x128xf32, #tpu.memory_space<vmem>> -> memref<128x128xf32, #tpu.memory_space<vmem>>
    %dma_start3A_250 = arith.constant 0 : i32
    %dma_start3A_251 = tpu.memref_slice %arg7[%dma_start3A_245, %dma_start3A_250] : memref<40x128xi32, #tpu.memory_space<vmem>> -> memref<1x128xi32, #tpu.memory_space<vmem>>
    %dma_start3A_252 = tpu.memref_squeeze %dma_start3A_251 : memref<1x128xi32, #tpu.memory_space<vmem>> -> memref<128xi32, #tpu.memory_space<vmem>>
    %dma_start3A_253 = arith.constant 0 : i32
    %dma_start3A_254 = arith.constant 0 : i32
    %dma_start3A_255 = tpu.memref_slice %arg9[%dma_start3A_253, %dma_start3A_254] : memref<10240x128xf32, #tpu.memory_space<vmem_shared>> -> memref<10240x128xf32, #tpu.memory_space<vmem_shared>>
    tpu.enqueue_indirect_dma source(%dma_start3A_249 : memref<128x128xf32, #tpu.memory_space<vmem>>) target(%dma_start3A_255 : memref<10240x128xf32, #tpu.memory_space<vmem_shared>>) offsets(%dma_start3A_252 : memref<128xi32, #tpu.memory_space<vmem>>) semaphore(%arg12 : memref<!tpu.dma_semaphore, #tpu.memory_space<semaphore_mem>>) {add = true}
    %dma_start3A_256 = arith.constant 1 : i32
    %dma_start3A_257 = arith.constant 1 : i32
    %dma_start3A_258 = arith.constant 0 : i32
    %dma_start3A_259 = arith.constant 0 : i32
    %dma_start3A_260 = tpu.memref_slice %arg8[%dma_start3A_257, %dma_start3A_258, %dma_start3A_259] : memref<2x128x128xf32, #tpu.memory_space<vmem>> -> memref<1x128x128xf32, #tpu.memory_space<vmem>>
    %dma_start3A_261 = tpu.memref_squeeze %dma_start3A_260 : memref<1x128x128xf32, #tpu.memory_space<vmem>> -> memref<128x128xf32, #tpu.memory_space<vmem>>
    %dma_start3A_262 = arith.constant 0 : i32
    %dma_start3A_263 = tpu.memref_slice %arg6[%dma_start3A_256, %dma_start3A_262] : memref<40x128xi32, #tpu.memory_space<vmem>> -> memref<1x128xi32, #tpu.memory_space<vmem>>
    %dma_start3A_264 = tpu.memref_squeeze %dma_start3A_263 : memref<1x128xi32, #tpu.memory_space<vmem>> -> memref<128xi32, #tpu.memory_space<vmem>>
    %dma_start3A_265 = arith.constant 0 : i32
    %dma_start3A_266 = arith.constant 0 : i32
    %dma_start3A_267 = tpu.memref_slice %arg2[%dma_start3A_265, %dma_start3A_266] : memref<10240x128xf32, #tpu.memory_space<hbm>> -> memref<10240x128xf32, #tpu.memory_space<hbm>>
    tpu.enqueue_indirect_dma source(%dma_start3A_267 : memref<10240x128xf32, #tpu.memory_space<hbm>>) target(%dma_start3A_261 : memref<128x128xf32, #tpu.memory_space<vmem>>) offsets(%dma_start3A_264 : memref<128xi32, #tpu.memory_space<vmem>>) semaphore(%arg11 : memref<!tpu.dma_semaphore, #tpu.memory_space<semaphore_mem>>)
    %dma_wait3A_268 = arith.constant 0 : i32
    %dma_wait3A_269 = arith.constant 1 : i32
    %dma_wait3A_270 = arith.constant 0 : i32
    %dma_wait3A_271 = arith.constant 0 : i32
    %dma_wait3A_272 = tpu.memref_slice %arg8[%dma_wait3A_269, %dma_wait3A_270, %dma_wait3A_271] : memref<2x128x128xf32, #tpu.memory_space<vmem>> -> memref<1x128x128xf32, #tpu.memory_space<vmem>>
    %dma_wait3A_273 = tpu.memref_squeeze %dma_wait3A_272 : memref<1x128x128xf32, #tpu.memory_space<vmem>> -> memref<128x128xf32, #tpu.memory_space<vmem>>
    %dma_wait3A_274 = arith.constant 0 : i32
    %dma_wait3A_275 = tpu.memref_slice %arg6[%dma_wait3A_268, %dma_wait3A_274] : memref<40x128xi32, #tpu.memory_space<vmem>> -> memref<1x128xi32, #tpu.memory_space<vmem>>
    %dma_wait3A_276 = tpu.memref_squeeze %dma_wait3A_275 : memref<1x128xi32, #tpu.memory_space<vmem>> -> memref<128xi32, #tpu.memory_space<vmem>>
    %dma_wait3A_277 = arith.constant 0 : i32
    %dma_wait3A_278 = arith.constant 0 : i32
    %dma_wait3A_279 = tpu.memref_slice %arg2[%dma_wait3A_277, %dma_wait3A_278] : memref<10240x128xf32, #tpu.memory_space<hbm>> -> memref<10240x128xf32, #tpu.memory_space<hbm>>
    tpu.wait_indirect_dma semaphore(%arg11 : memref<!tpu.dma_semaphore, #tpu.memory_space<semaphore_mem>>) src(%dma_wait3A_279 : memref<10240x128xf32, #tpu.memory_space<hbm>>) dst(%dma_wait3A_273 : memref<128x128xf32, #tpu.memory_space<vmem>>)
    %dma_start3A_280 = arith.constant 1 : i32
    %dma_start3A_281 = arith.constant 1 : i32
    %dma_start3A_282 = arith.constant 0 : i32
    %dma_start3A_283 = arith.constant 0 : i32
    %dma_start3A_284 = tpu.memref_slice %arg8[%dma_start3A_280, %dma_start3A_282, %dma_start3A_283] : memref<2x128x128xf32, #tpu.memory_space<vmem>> -> memref<1x128x128xf32, #tpu.memory_space<vmem>>
    %dma_start3A_285 = tpu.memref_squeeze %dma_start3A_284 : memref<1x128x128xf32, #tpu.memory_space<vmem>> -> memref<128x128xf32, #tpu.memory_space<vmem>>
    %dma_start3A_286 = arith.constant 0 : i32
    %dma_start3A_287 = tpu.memref_slice %arg7[%dma_start3A_281, %dma_start3A_286] : memref<40x128xi32, #tpu.memory_space<vmem>> -> memref<1x128xi32, #tpu.memory_space<vmem>>
    %dma_start3A_288 = tpu.memref_squeeze %dma_start3A_287 : memref<1x128xi32, #tpu.memory_space<vmem>> -> memref<128xi32, #tpu.memory_space<vmem>>
    %dma_start3A_289 = arith.constant 0 : i32
    %dma_start3A_290 = arith.constant 0 : i32
    %dma_start3A_291 = tpu.memref_slice %arg9[%dma_start3A_289, %dma_start3A_290] : memref<10240x128xf32, #tpu.memory_space<vmem_shared>> -> memref<10240x128xf32, #tpu.memory_space<vmem_shared>>
    tpu.enqueue_indirect_dma source(%dma_start3A_285 : memref<128x128xf32, #tpu.memory_space<vmem>>) target(%dma_start3A_291 : memref<10240x128xf32, #tpu.memory_space<vmem_shared>>) offsets(%dma_start3A_288 : memref<128xi32, #tpu.memory_space<vmem>>) semaphore(%arg13 : memref<!tpu.dma_semaphore, #tpu.memory_space<semaphore_mem>>) {add = true}
    %dma_wait3A_292 = arith.constant 0 : i32
    %dma_wait3A_293 = arith.constant 0 : i32
    %dma_wait3A_294 = arith.constant 0 : i32
    %dma_wait3A_295 = arith.constant 0 : i32
    %dma_wait3A_296 = tpu.memref_slice %arg8[%dma_wait3A_292, %dma_wait3A_294, %dma_wait3A_295] : memref<2x128x128xf32, #tpu.memory_space<vmem>> -> memref<1x128x128xf32, #tpu.memory_space<vmem>>
    %dma_wait3A_297 = tpu.memref_squeeze %dma_wait3A_296 : memref<1x128x128xf32, #tpu.memory_space<vmem>> -> memref<128x128xf32, #tpu.memory_space<vmem>>
    %dma_wait3A_298 = arith.constant 0 : i32
    %dma_wait3A_299 = tpu.memref_slice %arg7[%dma_wait3A_293, %dma_wait3A_298] : memref<40x128xi32, #tpu.memory_space<vmem>> -> memref<1x128xi32, #tpu.memory_space<vmem>>
    %dma_wait3A_300 = tpu.memref_squeeze %dma_wait3A_299 : memref<1x128xi32, #tpu.memory_space<vmem>> -> memref<128xi32, #tpu.memory_space<vmem>>
    %dma_wait3A_301 = arith.constant 0 : i32
    %dma_wait3A_302 = arith.constant 0 : i32
    %dma_wait3A_303 = tpu.memref_slice %arg9[%dma_wait3A_301, %dma_wait3A_302] : memref<10240x128xf32, #tpu.memory_space<vmem_shared>> -> memref<10240x128xf32, #tpu.memory_space<vmem_shared>>
    tpu.wait_indirect_dma semaphore(%arg12 : memref<!tpu.dma_semaphore, #tpu.memory_space<semaphore_mem>>) src(%dma_wait3A_297 : memref<128x128xf32, #tpu.memory_space<vmem>>) dst(%dma_wait3A_303 : memref<10240x128xf32, #tpu.memory_space<vmem_shared>>)
    %dma_start3A_304 = arith.constant 2 : i32
    %dma_start3A_305 = arith.constant 0 : i32
    %dma_start3A_306 = arith.constant 0 : i32
    %dma_start3A_307 = arith.constant 0 : i32
    %dma_start3A_308 = tpu.memref_slice %arg8[%dma_start3A_305, %dma_start3A_306, %dma_start3A_307] : memref<2x128x128xf32, #tpu.memory_space<vmem>> -> memref<1x128x128xf32, #tpu.memory_space<vmem>>
    %dma_start3A_309 = tpu.memref_squeeze %dma_start3A_308 : memref<1x128x128xf32, #tpu.memory_space<vmem>> -> memref<128x128xf32, #tpu.memory_space<vmem>>
    %dma_start3A_310 = arith.constant 0 : i32
    %dma_start3A_311 = tpu.memref_slice %arg6[%dma_start3A_304, %dma_start3A_310] : memref<40x128xi32, #tpu.memory_space<vmem>> -> memref<1x128xi32, #tpu.memory_space<vmem>>
    %dma_start3A_312 = tpu.memref_squeeze %dma_start3A_311 : memref<1x128xi32, #tpu.memory_space<vmem>> -> memref<128xi32, #tpu.memory_space<vmem>>
    %dma_start3A_313 = arith.constant 0 : i32
    %dma_start3A_314 = arith.constant 0 : i32
    %dma_start3A_315 = tpu.memref_slice %arg2[%dma_start3A_313, %dma_start3A_314] : memref<10240x128xf32, #tpu.memory_space<hbm>> -> memref<10240x128xf32, #tpu.memory_space<hbm>>
    tpu.enqueue_indirect_dma source(%dma_start3A_315 : memref<10240x128xf32, #tpu.memory_space<hbm>>) target(%dma_start3A_309 : memref<128x128xf32, #tpu.memory_space<vmem>>) offsets(%dma_start3A_312 : memref<128xi32, #tpu.memory_space<vmem>>) semaphore(%arg10 : memref<!tpu.dma_semaphore, #tpu.memory_space<semaphore_mem>>)
    %scan3A_316 = arith.constant 0 : i32
    %scan3A_317 = arith.constant 1 : i32
    %scan3A_318 = arith.constant 18 : i32
    %scan3A_319 = arith.addi %scan3A_317, %scan3A_318 : i32
    %scan3A_320 = arith.constant 1 : i32
    %scan3A_321 = scf.for %scan3A_427 = %scan3A_317 to %scan3A_319 step %scan3A_320 iter_args(%scan3A_428 = %scan3A_316) -> (i32)  : i32 {
      %mul3A_429 = arith.constant 2 : i32
      %mul3A_430 = arith.muli %mul3A_429, %scan3A_427 : i32
      %dma_wait3A_431 = arith.constant 0 : i32
      %dma_wait3A_432 = arith.constant 0 : i32
      %dma_wait3A_433 = arith.constant 0 : i32
      %dma_wait3A_434 = arith.constant 0 : i32
      %dma_wait3A_435 = tpu.memref_slice %arg8[%dma_wait3A_432, %dma_wait3A_433, %dma_wait3A_434] : memref<2x128x128xf32, #tpu.memory_space<vmem>> -> memref<1x128x128xf32, #tpu.memory_space<vmem>>
      %dma_wait3A_436 = tpu.memref_squeeze %dma_wait3A_435 : memref<1x128x128xf32, #tpu.memory_space<vmem>> -> memref<128x128xf32, #tpu.memory_space<vmem>>
      %dma_wait3A_437 = arith.constant 0 : i32
      %dma_wait3A_438 = tpu.memref_slice %arg6[%dma_wait3A_431, %dma_wait3A_437] : memref<40x128xi32, #tpu.memory_space<vmem>> -> memref<1x128xi32, #tpu.memory_space<vmem>>
      %dma_wait3A_439 = tpu.memref_squeeze %dma_wait3A_438 : memref<1x128xi32, #tpu.memory_space<vmem>> -> memref<128xi32, #tpu.memory_space<vmem>>
      %dma_wait3A_440 = arith.constant 0 : i32
      %dma_wait3A_441 = arith.constant 0 : i32
      %dma_wait3A_442 = tpu.memref_slice %arg2[%dma_wait3A_440, %dma_wait3A_441] : memref<10240x128xf32, #tpu.memory_space<hbm>> -> memref<10240x128xf32, #tpu.memory_space<hbm>>
      tpu.wait_indirect_dma semaphore(%arg10 : memref<!tpu.dma_semaphore, #tpu.memory_space<semaphore_mem>>) src(%dma_wait3A_442 : memref<10240x128xf32, #tpu.memory_space<hbm>>) dst(%dma_wait3A_436 : memref<128x128xf32, #tpu.memory_space<vmem>>)
      %dma_start3A_443 = arith.constant 0 : i32
      %dma_start3A_444 = arith.constant 0 : i32
      %dma_start3A_445 = arith.constant 0 : i32
      %dma_start3A_446 = tpu.memref_slice %arg8[%dma_start3A_443, %dma_start3A_444, %dma_start3A_445] : memref<2x128x128xf32, #tpu.memory_space<vmem>> -> memref<1x128x128xf32, #tpu.memory_space<vmem>>
      %dma_start3A_447 = tpu.memref_squeeze %dma_start3A_446 : memref<1x128x128xf32, #tpu.memory_space<vmem>> -> memref<128x128xf32, #tpu.memory_space<vmem>>
      %dma_start3A_448 = arith.constant 0 : i32
      %dma_start3A_449 = tpu.memref_slice %arg7[%mul3A_430, %dma_start3A_448] : memref<40x128xi32, #tpu.memory_space<vmem>> -> memref<1x128xi32, #tpu.memory_space<vmem>>
      %dma_start3A_450 = tpu.memref_squeeze %dma_start3A_449 : memref<1x128xi32, #tpu.memory_space<vmem>> -> memref<128xi32, #tpu.memory_space<vmem>>
      %dma_start3A_451 = arith.constant 0 : i32
      %dma_start3A_452 = arith.constant 0 : i32
      %dma_start3A_453 = tpu.memref_slice %arg9[%dma_start3A_451, %dma_start3A_452] : memref<10240x128xf32, #tpu.memory_space<vmem_shared>> -> memref<10240x128xf32, #tpu.memory_space<vmem_shared>>
      tpu.enqueue_indirect_dma source(%dma_start3A_447 : memref<128x128xf32, #tpu.memory_space<vmem>>) target(%dma_start3A_453 : memref<10240x128xf32, #tpu.memory_space<vmem_shared>>) offsets(%dma_start3A_450 : memref<128xi32, #tpu.memory_space<vmem>>) semaphore(%arg12 : memref<!tpu.dma_semaphore, #tpu.memory_space<semaphore_mem>>) {add = true}
      %dma_wait3A_454 = arith.constant 1 : i32
      %dma_wait3A_455 = arith.constant 0 : i32
      %dma_wait3A_456 = arith.constant 0 : i32
      %dma_wait3A_457 = arith.constant 0 : i32
      %dma_wait3A_458 = tpu.memref_slice %arg8[%dma_wait3A_454, %dma_wait3A_456, %dma_wait3A_457] : memref<2x128x128xf32, #tpu.memory_space<vmem>> -> memref<1x128x128xf32, #tpu.memory_space<vmem>>
      %dma_wait3A_459 = tpu.memref_squeeze %dma_wait3A_458 : memref<1x128x128xf32, #tpu.memory_space<vmem>> -> memref<128x128xf32, #tpu.memory_space<vmem>>
      %dma_wait3A_460 = arith.constant 0 : i32
      %dma_wait3A_461 = tpu.memref_slice %arg7[%dma_wait3A_455, %dma_wait3A_460] : memref<40x128xi32, #tpu.memory_space<vmem>> -> memref<1x128xi32, #tpu.memory_space<vmem>>
      %dma_wait3A_462 = tpu.memref_squeeze %dma_wait3A_461 : memref<1x128xi32, #tpu.memory_space<vmem>> -> memref<128xi32, #tpu.memory_space<vmem>>
      %dma_wait3A_463 = arith.constant 0 : i32
      %dma_wait3A_464 = arith.constant 0 : i32
      %dma_wait3A_465 = tpu.memref_slice %arg9[%dma_wait3A_463, %dma_wait3A_464] : memref<10240x128xf32, #tpu.memory_space<vmem_shared>> -> memref<10240x128xf32, #tpu.memory_space<vmem_shared>>
      tpu.wait_indirect_dma semaphore(%arg13 : memref<!tpu.dma_semaphore, #tpu.memory_space<semaphore_mem>>) src(%dma_wait3A_459 : memref<128x128xf32, #tpu.memory_space<vmem>>) dst(%dma_wait3A_465 : memref<10240x128xf32, #tpu.memory_space<vmem_shared>>)
      %add3A_466 = arith.constant 1 : i32
      %add3A_467 = arith.addi %mul3A_430, %add3A_466 : i32
      %dma_start3A_468 = arith.constant 1 : i32
      %dma_start3A_469 = arith.constant 0 : i32
      %dma_start3A_470 = arith.constant 0 : i32
      %dma_start3A_471 = tpu.memref_slice %arg8[%dma_start3A_468, %dma_start3A_469, %dma_start3A_470] : memref<2x128x128xf32, #tpu.memory_space<vmem>> -> memref<1x128x128xf32, #tpu.memory_space<vmem>>
      %dma_start3A_472 = tpu.memref_squeeze %dma_start3A_471 : memref<1x128x128xf32, #tpu.memory_space<vmem>> -> memref<128x128xf32, #tpu.memory_space<vmem>>
      %dma_start3A_473 = arith.constant 0 : i32
      %dma_start3A_474 = tpu.memref_slice %arg6[%add3A_467, %dma_start3A_473] : memref<40x128xi32, #tpu.memory_space<vmem>> -> memref<1x128xi32, #tpu.memory_space<vmem>>
      %dma_start3A_475 = tpu.memref_squeeze %dma_start3A_474 : memref<1x128xi32, #tpu.memory_space<vmem>> -> memref<128xi32, #tpu.memory_space<vmem>>
      %dma_start3A_476 = arith.constant 0 : i32
      %dma_start3A_477 = arith.constant 0 : i32
      %dma_start3A_478 = tpu.memref_slice %arg2[%dma_start3A_476, %dma_start3A_477] : memref<10240x128xf32, #tpu.memory_space<hbm>> -> memref<10240x128xf32, #tpu.memory_space<hbm>>
      tpu.enqueue_indirect_dma source(%dma_start3A_478 : memref<10240x128xf32, #tpu.memory_space<hbm>>) target(%dma_start3A_472 : memref<128x128xf32, #tpu.memory_space<vmem>>) offsets(%dma_start3A_475 : memref<128xi32, #tpu.memory_space<vmem>>) semaphore(%arg11 : memref<!tpu.dma_semaphore, #tpu.memory_space<semaphore_mem>>)
      %dma_wait3A_479 = arith.constant 0 : i32
      %dma_wait3A_480 = arith.constant 1 : i32
      %dma_wait3A_481 = arith.constant 0 : i32
      %dma_wait3A_482 = arith.constant 0 : i32
      %dma_wait3A_483 = tpu.memref_slice %arg8[%dma_wait3A_480, %dma_wait3A_481, %dma_wait3A_482] : memref<2x128x128xf32, #tpu.memory_space<vmem>> -> memref<1x128x128xf32, #tpu.memory_space<vmem>>
      %dma_wait3A_484 = tpu.memref_squeeze %dma_wait3A_483 : memref<1x128x128xf32, #tpu.memory_space<vmem>> -> memref<128x128xf32, #tpu.memory_space<vmem>>
      %dma_wait3A_485 = arith.constant 0 : i32
      %dma_wait3A_486 = tpu.memref_slice %arg6[%dma_wait3A_479, %dma_wait3A_485] : memref<40x128xi32, #tpu.memory_space<vmem>> -> memref<1x128xi32, #tpu.memory_space<vmem>>
      %dma_wait3A_487 = tpu.memref_squeeze %dma_wait3A_486 : memref<1x128xi32, #tpu.memory_space<vmem>> -> memref<128xi32, #tpu.memory_space<vmem>>
      %dma_wait3A_488 = arith.constant 0 : i32
      %dma_wait3A_489 = arith.constant 0 : i32
      %dma_wait3A_490 = tpu.memref_slice %arg2[%dma_wait3A_488, %dma_wait3A_489] : memref<10240x128xf32, #tpu.memory_space<hbm>> -> memref<10240x128xf32, #tpu.memory_space<hbm>>
      tpu.wait_indirect_dma semaphore(%arg11 : memref<!tpu.dma_semaphore, #tpu.memory_space<semaphore_mem>>) src(%dma_wait3A_490 : memref<10240x128xf32, #tpu.memory_space<hbm>>) dst(%dma_wait3A_484 : memref<128x128xf32, #tpu.memory_space<vmem>>)
      %add3A_491 = arith.constant 1 : i32
      %add3A_492 = arith.addi %mul3A_430, %add3A_491 : i32
      %dma_start3A_493 = arith.constant 1 : i32
      %dma_start3A_494 = arith.constant 0 : i32
      %dma_start3A_495 = arith.constant 0 : i32
      %dma_start3A_496 = tpu.memref_slice %arg8[%dma_start3A_493, %dma_start3A_494, %dma_start3A_495] : memref<2x128x128xf32, #tpu.memory_space<vmem>> -> memref<1x128x128xf32, #tpu.memory_space<vmem>>
      %dma_start3A_497 = tpu.memref_squeeze %dma_start3A_496 : memref<1x128x128xf32, #tpu.memory_space<vmem>> -> memref<128x128xf32, #tpu.memory_space<vmem>>
      %dma_start3A_498 = arith.constant 0 : i32
      %dma_start3A_499 = tpu.memref_slice %arg7[%add3A_492, %dma_start3A_498] : memref<40x128xi32, #tpu.memory_space<vmem>> -> memref<1x128xi32, #tpu.memory_space<vmem>>
      %dma_start3A_500 = tpu.memref_squeeze %dma_start3A_499 : memref<1x128xi32, #tpu.memory_space<vmem>> -> memref<128xi32, #tpu.memory_space<vmem>>
      %dma_start3A_501 = arith.constant 0 : i32
      %dma_start3A_502 = arith.constant 0 : i32
      %dma_start3A_503 = tpu.memref_slice %arg9[%dma_start3A_501, %dma_start3A_502] : memref<10240x128xf32, #tpu.memory_space<vmem_shared>> -> memref<10240x128xf32, #tpu.memory_space<vmem_shared>>
      tpu.enqueue_indirect_dma source(%dma_start3A_497 : memref<128x128xf32, #tpu.memory_space<vmem>>) target(%dma_start3A_503 : memref<10240x128xf32, #tpu.memory_space<vmem_shared>>) offsets(%dma_start3A_500 : memref<128xi32, #tpu.memory_space<vmem>>) semaphore(%arg13 : memref<!tpu.dma_semaphore, #tpu.memory_space<semaphore_mem>>) {add = true}
      %dma_wait3A_504 = arith.constant 0 : i32
      %dma_wait3A_505 = arith.constant 0 : i32
      %dma_wait3A_506 = arith.constant 0 : i32
      %dma_wait3A_507 = arith.constant 0 : i32
      %dma_wait3A_508 = tpu.memref_slice %arg8[%dma_wait3A_504, %dma_wait3A_506, %dma_wait3A_507] : memref<2x128x128xf32, #tpu.memory_space<vmem>> -> memref<1x128x128xf32, #tpu.memory_space<vmem>>
      %dma_wait3A_509 = tpu.memref_squeeze %dma_wait3A_508 : memref<1x128x128xf32, #tpu.memory_space<vmem>> -> memref<128x128xf32, #tpu.memory_space<vmem>>
      %dma_wait3A_510 = arith.constant 0 : i32
      %dma_wait3A_511 = tpu.memref_slice %arg7[%dma_wait3A_505, %dma_wait3A_510] : memref<40x128xi32, #tpu.memory_space<vmem>> -> memref<1x128xi32, #tpu.memory_space<vmem>>
      %dma_wait3A_512 = tpu.memref_squeeze %dma_wait3A_511 : memref<1x128xi32, #tpu.memory_space<vmem>> -> memref<128xi32, #tpu.memory_space<vmem>>
      %dma_wait3A_513 = arith.constant 0 : i32
      %dma_wait3A_514 = arith.constant 0 : i32
      %dma_wait3A_515 = tpu.memref_slice %arg9[%dma_wait3A_513, %dma_wait3A_514] : memref<10240x128xf32, #tpu.memory_space<vmem_shared>> -> memref<10240x128xf32, #tpu.memory_space<vmem_shared>>
      tpu.wait_indirect_dma semaphore(%arg12 : memref<!tpu.dma_semaphore, #tpu.memory_space<semaphore_mem>>) src(%dma_wait3A_509 : memref<128x128xf32, #tpu.memory_space<vmem>>) dst(%dma_wait3A_515 : memref<10240x128xf32, #tpu.memory_space<vmem_shared>>)
      %add3A_516 = arith.constant 2 : i32
      %add3A_517 = arith.addi %mul3A_430, %add3A_516 : i32
      %dma_start3A_518 = arith.constant 0 : i32
      %dma_start3A_519 = arith.constant 0 : i32
      %dma_start3A_520 = arith.constant 0 : i32
      %dma_start3A_521 = tpu.memref_slice %arg8[%dma_start3A_518, %dma_start3A_519, %dma_start3A_520] : memref<2x128x128xf32, #tpu.memory_space<vmem>> -> memref<1x128x128xf32, #tpu.memory_space<vmem>>
      %dma_start3A_522 = tpu.memref_squeeze %dma_start3A_521 : memref<1x128x128xf32, #tpu.memory_space<vmem>> -> memref<128x128xf32, #tpu.memory_space<vmem>>
      %dma_start3A_523 = arith.constant 0 : i32
      %dma_start3A_524 = tpu.memref_slice %arg6[%add3A_517, %dma_start3A_523] : memref<40x128xi32, #tpu.memory_space<vmem>> -> memref<1x128xi32, #tpu.memory_space<vmem>>
      %dma_start3A_525 = tpu.memref_squeeze %dma_start3A_524 : memref<1x128xi32, #tpu.memory_space<vmem>> -> memref<128xi32, #tpu.memory_space<vmem>>
      %dma_start3A_526 = arith.constant 0 : i32
      %dma_start3A_527 = arith.constant 0 : i32
      %dma_start3A_528 = tpu.memref_slice %arg2[%dma_start3A_526, %dma_start3A_527] : memref<10240x128xf32, #tpu.memory_space<hbm>> -> memref<10240x128xf32, #tpu.memory_space<hbm>>
      tpu.enqueue_indirect_dma source(%dma_start3A_528 : memref<10240x128xf32, #tpu.memory_space<hbm>>) target(%dma_start3A_522 : memref<128x128xf32, #tpu.memory_space<vmem>>) offsets(%dma_start3A_525 : memref<128xi32, #tpu.memory_space<vmem>>) semaphore(%arg10 : memref<!tpu.dma_semaphore, #tpu.memory_space<semaphore_mem>>)
      %scan3A_529 = arith.constant 0 : i32
      scf.yield %scan3A_529 : i32
    }
    %scan3A_322 = arith.constant 18 : i32
    %dma_wait3A_323 = arith.constant 0 : i32
    %dma_wait3A_324 = arith.constant 0 : i32
    %dma_wait3A_325 = arith.constant 0 : i32
    %dma_wait3A_326 = arith.constant 0 : i32
    %dma_wait3A_327 = tpu.memref_slice %arg8[%dma_wait3A_324, %dma_wait3A_325, %dma_wait3A_326] : memref<2x128x128xf32, #tpu.memory_space<vmem>> -> memref<1x128x128xf32, #tpu.memory_space<vmem>>
    %dma_wait3A_328 = tpu.memref_squeeze %dma_wait3A_327 : memref<1x128x128xf32, #tpu.memory_space<vmem>> -> memref<128x128xf32, #tpu.memory_space<vmem>>
    %dma_wait3A_329 = arith.constant 0 : i32
    %dma_wait3A_330 = tpu.memref_slice %arg6[%dma_wait3A_323, %dma_wait3A_329] : memref<40x128xi32, #tpu.memory_space<vmem>> -> memref<1x128xi32, #tpu.memory_space<vmem>>
    %dma_wait3A_331 = tpu.memref_squeeze %dma_wait3A_330 : memref<1x128xi32, #tpu.memory_space<vmem>> -> memref<128xi32, #tpu.memory_space<vmem>>
    %dma_wait3A_332 = arith.constant 0 : i32
    %dma_wait3A_333 = arith.constant 0 : i32
    %dma_wait3A_334 = tpu.memref_slice %arg2[%dma_wait3A_332, %dma_wait3A_333] : memref<10240x128xf32, #tpu.memory_space<hbm>> -> memref<10240x128xf32, #tpu.memory_space<hbm>>
    tpu.wait_indirect_dma semaphore(%arg10 : memref<!tpu.dma_semaphore, #tpu.memory_space<semaphore_mem>>) src(%dma_wait3A_334 : memref<10240x128xf32, #tpu.memory_space<hbm>>) dst(%dma_wait3A_328 : memref<128x128xf32, #tpu.memory_space<vmem>>)
    %dma_start3A_335 = arith.constant 0 : i32
    %dma_start3A_336 = arith.constant 38 : i32
    %dma_start3A_337 = arith.constant 0 : i32
    %dma_start3A_338 = arith.constant 0 : i32
    %dma_start3A_339 = tpu.memref_slice %arg8[%dma_start3A_335, %dma_start3A_337, %dma_start3A_338] : memref<2x128x128xf32, #tpu.memory_space<vmem>> -> memref<1x128x128xf32, #tpu.memory_space<vmem>>
    %dma_start3A_340 = tpu.memref_squeeze %dma_start3A_339 : memref<1x128x128xf32, #tpu.memory_space<vmem>> -> memref<128x128xf32, #tpu.memory_space<vmem>>
    %dma_start3A_341 = arith.constant 0 : i32
    %dma_start3A_342 = tpu.memref_slice %arg7[%dma_start3A_336, %dma_start3A_341] : memref<40x128xi32, #tpu.memory_space<vmem>> -> memref<1x128xi32, #tpu.memory_space<vmem>>
    %dma_start3A_343 = tpu.memref_squeeze %dma_start3A_342 : memref<1x128xi32, #tpu.memory_space<vmem>> -> memref<128xi32, #tpu.memory_space<vmem>>
    %dma_start3A_344 = arith.constant 0 : i32
    %dma_start3A_345 = arith.constant 0 : i32
    %dma_start3A_346 = tpu.memref_slice %arg9[%dma_start3A_344, %dma_start3A_345] : memref<10240x128xf32, #tpu.memory_space<vmem_shared>> -> memref<10240x128xf32, #tpu.memory_space<vmem_shared>>
    tpu.enqueue_indirect_dma source(%dma_start3A_340 : memref<128x128xf32, #tpu.memory_space<vmem>>) target(%dma_start3A_346 : memref<10240x128xf32, #tpu.memory_space<vmem_shared>>) offsets(%dma_start3A_343 : memref<128xi32, #tpu.memory_space<vmem>>) semaphore(%arg12 : memref<!tpu.dma_semaphore, #tpu.memory_space<semaphore_mem>>) {add = true}
    %dma_wait3A_347 = arith.constant 1 : i32
    %dma_wait3A_348 = arith.constant 0 : i32
    %dma_wait3A_349 = arith.constant 0 : i32
    %dma_wait3A_350 = arith.constant 0 : i32
    %dma_wait3A_351 = tpu.memref_slice %arg8[%dma_wait3A_347, %dma_wait3A_349, %dma_wait3A_350] : memref<2x128x128xf32, #tpu.memory_space<vmem>> -> memref<1x128x128xf32, #tpu.memory_space<vmem>>
    %dma_wait3A_352 = tpu.memref_squeeze %dma_wait3A_351 : memref<1x128x128xf32, #tpu.memory_space<vmem>> -> memref<128x128xf32, #tpu.memory_space<vmem>>
    %dma_wait3A_353 = arith.constant 0 : i32
    %dma_wait3A_354 = tpu.memref_slice %arg7[%dma_wait3A_348, %dma_wait3A_353] : memref<40x128xi32, #tpu.memory_space<vmem>> -> memref<1x128xi32, #tpu.memory_space<vmem>>
    %dma_wait3A_355 = tpu.memref_squeeze %dma_wait3A_354 : memref<1x128xi32, #tpu.memory_space<vmem>> -> memref<128xi32, #tpu.memory_space<vmem>>
    %dma_wait3A_356 = arith.constant 0 : i32
    %dma_wait3A_357 = arith.constant 0 : i32
    %dma_wait3A_358 = tpu.memref_slice %arg9[%dma_wait3A_356, %dma_wait3A_357] : memref<10240x128xf32, #tpu.memory_space<vmem_shared>> -> memref<10240x128xf32, #tpu.memory_space<vmem_shared>>
    tpu.wait_indirect_dma semaphore(%arg13 : memref<!tpu.dma_semaphore, #tpu.memory_space<semaphore_mem>>) src(%dma_wait3A_352 : memref<128x128xf32, #tpu.memory_space<vmem>>) dst(%dma_wait3A_358 : memref<10240x128xf32, #tpu.memory_space<vmem_shared>>)
    %dma_start3A_359 = arith.constant 39 : i32
    %dma_start3A_360 = arith.constant 1 : i32
    %dma_start3A_361 = arith.constant 0 : i32
    %dma_start3A_362 = arith.constant 0 : i32
    %dma_start3A_363 = tpu.memref_slice %arg8[%dma_start3A_360, %dma_start3A_361, %dma_start3A_362] : memref<2x128x128xf32, #tpu.memory_space<vmem>> -> memref<1x128x128xf32, #tpu.memory_space<vmem>>
    %dma_start3A_364 = tpu.memref_squeeze %dma_start3A_363 : memref<1x128x128xf32, #tpu.memory_space<vmem>> -> memref<128x128xf32, #tpu.memory_space<vmem>>
    %dma_start3A_365 = arith.constant 0 : i32
    %dma_start3A_366 = tpu.memref_slice %arg6[%dma_start3A_359, %dma_start3A_365] : memref<40x128xi32, #tpu.memory_space<vmem>> -> memref<1x128xi32, #tpu.memory_space<vmem>>
    %dma_start3A_367 = tpu.memref_squeeze %dma_start3A_366 : memref<1x128xi32, #tpu.memory_space<vmem>> -> memref<128xi32, #tpu.memory_space<vmem>>
    %dma_start3A_368 = arith.constant 0 : i32
    %dma_start3A_369 = arith.constant 0 : i32
    %dma_start3A_370 = tpu.memref_slice %arg2[%dma_start3A_368, %dma_start3A_369] : memref<10240x128xf32, #tpu.memory_space<hbm>> -> memref<10240x128xf32, #tpu.memory_space<hbm>>
    tpu.enqueue_indirect_dma source(%dma_start3A_370 : memref<10240x128xf32, #tpu.memory_space<hbm>>) target(%dma_start3A_364 : memref<128x128xf32, #tpu.memory_space<vmem>>) offsets(%dma_start3A_367 : memref<128xi32, #tpu.memory_space<vmem>>) semaphore(%arg11 : memref<!tpu.dma_semaphore, #tpu.memory_space<semaphore_mem>>)
    %dma_wait3A_371 = arith.constant 0 : i32
    %dma_wait3A_372 = arith.constant 1 : i32
    %dma_wait3A_373 = arith.constant 0 : i32
    %dma_wait3A_374 = arith.constant 0 : i32
    %dma_wait3A_375 = tpu.memref_slice %arg8[%dma_wait3A_372, %dma_wait3A_373, %dma_wait3A_374] : memref<2x128x128xf32, #tpu.memory_space<vmem>> -> memref<1x128x128xf32, #tpu.memory_space<vmem>>
    %dma_wait3A_376 = tpu.memref_squeeze %dma_wait3A_375 : memref<1x128x128xf32, #tpu.memory_space<vmem>> -> memref<128x128xf32, #tpu.memory_space<vmem>>
    %dma_wait3A_377 = arith.constant 0 : i32
    %dma_wait3A_378 = tpu.memref_slice %arg6[%dma_wait3A_371, %dma_wait3A_377] : memref<40x128xi32, #tpu.memory_space<vmem>> -> memref<1x128xi32, #tpu.memory_space<vmem>>
    %dma_wait3A_379 = tpu.memref_squeeze %dma_wait3A_378 : memref<1x128xi32, #tpu.memory_space<vmem>> -> memref<128xi32, #tpu.memory_space<vmem>>
    %dma_wait3A_380 = arith.constant 0 : i32
    %dma_wait3A_381 = arith.constant 0 : i32
    %dma_wait3A_382 = tpu.memref_slice %arg2[%dma_wait3A_380, %dma_wait3A_381] : memref<10240x128xf32, #tpu.memory_space<hbm>> -> memref<10240x128xf32, #tpu.memory_space<hbm>>
    tpu.wait_indirect_dma semaphore(%arg11 : memref<!tpu.dma_semaphore, #tpu.memory_space<semaphore_mem>>) src(%dma_wait3A_382 : memref<10240x128xf32, #tpu.memory_space<hbm>>) dst(%dma_wait3A_376 : memref<128x128xf32, #tpu.memory_space<vmem>>)
    %dma_start3A_383 = arith.constant 1 : i32
    %dma_start3A_384 = arith.constant 39 : i32
    %dma_start3A_385 = arith.constant 0 : i32
    %dma_start3A_386 = arith.constant 0 : i32
    %dma_start3A_387 = tpu.memref_slice %arg8[%dma_start3A_383, %dma_start3A_385, %dma_start3A_386] : memref<2x128x128xf32, #tpu.memory_space<vmem>> -> memref<1x128x128xf32, #tpu.memory_space<vmem>>
    %dma_start3A_388 = tpu.memref_squeeze %dma_start3A_387 : memref<1x128x128xf32, #tpu.memory_space<vmem>> -> memref<128x128xf32, #tpu.memory_space<vmem>>
    %dma_start3A_389 = arith.constant 0 : i32
    %dma_start3A_390 = tpu.memref_slice %arg7[%dma_start3A_384, %dma_start3A_389] : memref<40x128xi32, #tpu.memory_space<vmem>> -> memref<1x128xi32, #tpu.memory_space<vmem>>
    %dma_start3A_391 = tpu.memref_squeeze %dma_start3A_390 : memref<1x128xi32, #tpu.memory_space<vmem>> -> memref<128xi32, #tpu.memory_space<vmem>>
    %dma_start3A_392 = arith.constant 0 : i32
    %dma_start3A_393 = arith.constant 0 : i32
    %dma_start3A_394 = tpu.memref_slice %arg9[%dma_start3A_392, %dma_start3A_393] : memref<10240x128xf32, #tpu.memory_space<vmem_shared>> -> memref<10240x128xf32, #tpu.memory_space<vmem_shared>>
    tpu.enqueue_indirect_dma source(%dma_start3A_388 : memref<128x128xf32, #tpu.memory_space<vmem>>) target(%dma_start3A_394 : memref<10240x128xf32, #tpu.memory_space<vmem_shared>>) offsets(%dma_start3A_391 : memref<128xi32, #tpu.memory_space<vmem>>) semaphore(%arg13 : memref<!tpu.dma_semaphore, #tpu.memory_space<semaphore_mem>>) {add = true}
    %dma_wait3A_395 = arith.constant 0 : i32
    %dma_wait3A_396 = arith.constant 0 : i32
    %dma_wait3A_397 = arith.constant 0 : i32
    %dma_wait3A_398 = arith.constant 0 : i32
    %dma_wait3A_399 = tpu.memref_slice %arg8[%dma_wait3A_395, %dma_wait3A_397, %dma_wait3A_398] : memref<2x128x128xf32, #tpu.memory_space<vmem>> -> memref<1x128x128xf32, #tpu.memory_space<vmem>>
    %dma_wait3A_400 = tpu.memref_squeeze %dma_wait3A_399 : memref<1x128x128xf32, #tpu.memory_space<vmem>> -> memref<128x128xf32, #tpu.memory_space<vmem>>
    %dma_wait3A_401 = arith.constant 0 : i32
    %dma_wait3A_402 = tpu.memref_slice %arg7[%dma_wait3A_396, %dma_wait3A_401] : memref<40x128xi32, #tpu.memory_space<vmem>> -> memref<1x128xi32, #tpu.memory_space<vmem>>
    %dma_wait3A_403 = tpu.memref_squeeze %dma_wait3A_402 : memref<1x128xi32, #tpu.memory_space<vmem>> -> memref<128xi32, #tpu.memory_space<vmem>>
    %dma_wait3A_404 = arith.constant 0 : i32
    %dma_wait3A_405 = arith.constant 0 : i32
    %dma_wait3A_406 = tpu.memref_slice %arg9[%dma_wait3A_404, %dma_wait3A_405] : memref<10240x128xf32, #tpu.memory_space<vmem_shared>> -> memref<10240x128xf32, #tpu.memory_space<vmem_shared>>
    tpu.wait_indirect_dma semaphore(%arg12 : memref<!tpu.dma_semaphore, #tpu.memory_space<semaphore_mem>>) src(%dma_wait3A_400 : memref<128x128xf32, #tpu.memory_space<vmem>>) dst(%dma_wait3A_406 : memref<10240x128xf32, #tpu.memory_space<vmem_shared>>)
    %dma_wait3A_407 = arith.constant 1 : i32
    %dma_wait3A_408 = arith.constant 0 : i32
    %dma_wait3A_409 = arith.constant 0 : i32
    %dma_wait3A_410 = arith.constant 0 : i32
    %dma_wait3A_411 = tpu.memref_slice %arg8[%dma_wait3A_407, %dma_wait3A_409, %dma_wait3A_410] : memref<2x128x128xf32, #tpu.memory_space<vmem>> -> memref<1x128x128xf32, #tpu.memory_space<vmem>>
    %dma_wait3A_412 = tpu.memref_squeeze %dma_wait3A_411 : memref<1x128x128xf32, #tpu.memory_space<vmem>> -> memref<128x128xf32, #tpu.memory_space<vmem>>
    %dma_wait3A_413 = arith.constant 0 : i32
    %dma_wait3A_414 = tpu.memref_slice %arg7[%dma_wait3A_408, %dma_wait3A_413] : memref<40x128xi32, #tpu.memory_space<vmem>> -> memref<1x128xi32, #tpu.memory_space<vmem>>
    %dma_wait3A_415 = tpu.memref_squeeze %dma_wait3A_414 : memref<1x128xi32, #tpu.memory_space<vmem>> -> memref<128xi32, #tpu.memory_space<vmem>>
    %dma_wait3A_416 = arith.constant 0 : i32
    %dma_wait3A_417 = arith.constant 0 : i32
    %dma_wait3A_418 = tpu.memref_slice %arg9[%dma_wait3A_416, %dma_wait3A_417] : memref<10240x128xf32, #tpu.memory_space<vmem_shared>> -> memref<10240x128xf32, #tpu.memory_space<vmem_shared>>
    tpu.wait_indirect_dma semaphore(%arg13 : memref<!tpu.dma_semaphore, #tpu.memory_space<semaphore_mem>>) src(%dma_wait3A_412 : memref<128x128xf32, #tpu.memory_space<vmem>>) dst(%dma_wait3A_418 : memref<10240x128xf32, #tpu.memory_space<vmem_shared>>)
    %barrier3A_419 = arith.constant 0 : index
    tpu.barrier barrier_id(%barrier3A_419)
    %scan3A_420 = arith.constant 0 : i32
    %scan3A_421 = arith.constant 0 : i32
    %scan3A_422 = arith.constant 5 : i32
    %scan3A_423 = arith.addi %scan3A_421, %scan3A_422 : i32
    %scan3A_424 = arith.constant 1 : i32
    %scan3A_425 = scf.for %scan3A_427 = %scan3A_421 to %scan3A_423 step %scan3A_424 iter_args(%scan3A_428 = %scan3A_420) -> (i32)  : i32 {
      %mul3A_429 = arith.constant 5 : i32
      %mul3A_430 = arith.muli %arg1, %mul3A_429 : i32
      %add3A_431 = arith.addi %mul3A_430, %scan3A_427 : i32
      %mul3A_432 = arith.constant 128 : i32
      %mul3A_433 = arith.muli %add3A_431, %mul3A_432 : i32
      "tpu.region"() ({
        %run_scoped3A = tpu.sem_alloc : memref<!tpu.dma_semaphore, #tpu.memory_space<semaphore_mem>>
        %dma_start3A_435 = arith.constant 0 : i32
        %dma_start3A_436 = arith.constant 0 : i32
        %dma_start3A_437 = tpu.memref_slice %arg5[%arg0, %dma_start3A_435, %dma_start3A_436] : memref<2x10240x128xf32, #tpu.memory_space<hbm>> -> memref<1x10240x128xf32, #tpu.memory_space<hbm>>
        %dma_start3A_438 = tpu.memref_squeeze %dma_start3A_437 : memref<1x10240x128xf32, #tpu.memory_space<hbm>> -> memref<10240x128xf32, #tpu.memory_space<hbm>>
        %dma_start3A_439 = arith.constant 0 : i32
        %dma_start3A_440 = tpu.memref_slice %dma_start3A_438[%mul3A_433, %dma_start3A_439] : memref<10240x128xf32, #tpu.memory_space<hbm>> -> memref<128x128xf32, #tpu.memory_space<hbm>>
        %dma_start3A_441 = arith.constant 0 : i32
        %dma_start3A_442 = tpu.memref_slice %arg9[%mul3A_433, %dma_start3A_441] : memref<10240x128xf32, #tpu.memory_space<vmem_shared>> -> memref<128x128xf32, #tpu.memory_space<vmem_shared>>
        tpu.enqueue_dma source(%dma_start3A_442 : memref<128x128xf32, #tpu.memory_space<vmem_shared>>) target(%dma_start3A_440 : memref<128x128xf32, #tpu.memory_space<hbm>>) target_semaphore(%run_scoped3A : memref<!tpu.dma_semaphore, #tpu.memory_space<semaphore_mem>>)
        %dma_wait3A_443 = arith.constant 0 : i32
        %dma_wait3A_444 = arith.constant 0 : i32
        %dma_wait3A_445 = tpu.memref_slice %arg5[%arg0, %dma_wait3A_443, %dma_wait3A_444] : memref<2x10240x128xf32, #tpu.memory_space<hbm>> -> memref<1x10240x128xf32, #tpu.memory_space<hbm>>
        %dma_wait3A_446 = tpu.memref_squeeze %dma_wait3A_445 : memref<1x10240x128xf32, #tpu.memory_space<hbm>> -> memref<10240x128xf32, #tpu.memory_space<hbm>>
        %dma_wait3A_447 = arith.constant 0 : i32
        %dma_wait3A_448 = tpu.memref_slice %dma_wait3A_446[%mul3A_433, %dma_wait3A_447] : memref<10240x128xf32, #tpu.memory_space<hbm>> -> memref<128x128xf32, #tpu.memory_space<hbm>>
        %dma_wait3A_449 = arith.constant 0 : i32
        %dma_wait3A_450 = tpu.memref_slice %arg9[%mul3A_433, %dma_wait3A_449] : memref<10240x128xf32, #tpu.memory_space<vmem_shared>> -> memref<128x128xf32, #tpu.memory_space<vmem_shared>>
        tpu.wait_dma2 semaphore(%run_scoped3A : memref<!tpu.dma_semaphore, #tpu.memory_space<semaphore_mem>>) src(%dma_wait3A_450 : memref<128x128xf32, #tpu.memory_space<vmem_shared>>) dst(%dma_wait3A_448 : memref<128x128xf32, #tpu.memory_space<hbm>>)
        tpu.yield
      }) : () -> ()
      %scan3A_434 = arith.constant 0 : i32
      scf.yield %scan3A_434 : i32
    }
    %scan3A_426 = arith.constant 5 : i32
    return
  }
}

#map = affine_map<(d0, d1) -> (0, 0)>
#map1 = affine_map<(d0, d1) -> (0, 0, 0)>
module attributes {stable_mosaic.version = 14 : i64} {
  func.func @body(%arg0: i32, %arg1: i32, %arg2: memref<10240x128xf32, #tpu.memory_space<hbm>>, %arg3: memref<2560x128xi32, #tpu.memory_space<hbm>>, %arg4: memref<2560x128xi32, #tpu.memory_space<hbm>>, %arg5: memref<2x10240x128xf32, #tpu.memory_space<hbm>>, %arg6: memref<40x128xi32, #tpu.memory_space<vmem>>, %arg7: memref<40x128xi32, #tpu.memory_space<vmem>>, %arg8: memref<2x128x128xf32, #tpu.memory_space<vmem>>, %arg9: memref<10240x128xf32, #tpu.memory_space<vmem_shared>>, %arg10: memref<!tpu.dma_semaphore, #tpu.memory_space<semaphore_mem>>, %arg11: memref<!tpu.dma_semaphore, #tpu.memory_space<semaphore_mem>>, %arg12: memref<!tpu.dma_semaphore, #tpu.memory_space<semaphore_mem>>, %arg13: memref<!tpu.dma_semaphore, #tpu.memory_space<semaphore_mem>>) attributes {dimension_semantics = [#tpu.dimension_semantics<core_parallel>, #tpu.dimension_semantics<subcore_parallel>], iteration_bounds = array<i64: 2, 16>, scalar_prefetch = 0 : i64, scratch_operands = 8 : i64, tpu.core_type = #tpu.core_type<sc_vector_subcore>, window_params = [{transform_indices = #map}, {transform_indices = #map}, {transform_indices = #map}, {transform_indices = #map1}]} {
    %mul3A = arith.constant 16 : i32
    %mul3A_0 = arith.muli %arg0, %mul3A : i32
    %add3A = arith.addi %mul3A_0, %arg1 : i32
    %broadcast_in_dim3A = arith.constant 0.000000e+00 : f32
    %broadcast_in_dim3A_1 = vector.broadcast %broadcast_in_dim3A : f32 to vector<16xf32>
    %scan3A = arith.constant 0 : i32
    %scan3A_2 = arith.constant 0 : i32
    %scan3A_3 = arith.constant 128 : i32
    %scan3A_4 = arith.addi %scan3A_2, %scan3A_3 : i32
    %scan3A_5 = arith.constant 1 : i32
    %scan3A_6 = scf.for %scan3A_427 = %scan3A_2 to %scan3A_4 step %scan3A_5 iter_args(%scan3A_428 = %scan3A) -> (i32)  : i32 {
      %swap3A = arith.constant 0 : i32
      %swap3A_429 = arith.index_cast %swap3A : i32 to index
      %swap3A_430 = arith.index_cast %scan3A_427 : i32 to index
      %swap3A_431 = arith.constant 0 : index
      %swap3A_432 = tpu.vector_load %arg8[%swap3A_429, %swap3A_430, %swap3A_431] {strides = array<i32>} : memref<2x128x128xf32, #tpu.memory_space<vmem>>, vector<1x1x16xf32>,
      %swap3A_433 = vector.shape_cast %swap3A_432 : vector<1x1x16xf32> to vector<16xf32>
      %swap3A_434 = vector.shape_cast %broadcast_in_dim3A_1 : vector<16xf32> to vector<1x1x16xf32>
      tpu.vector_store %arg8[%swap3A_429, %swap3A_430, %swap3A_431], %swap3A_434 {strides = array<i32>} : memref<2x128x128xf32, #tpu.memory_space<vmem>>, vector<1x1x16xf32>,
      %swap3A_435 = arith.constant 0 : i32
      %swap3A_436 = arith.index_cast %swap3A_435 : i32 to index
      %swap3A_437 = arith.index_cast %scan3A_427 : i32 to index
      %swap3A_438 = arith.constant 16 : index
      %swap3A_439 = tpu.vector_load %arg8[%swap3A_436, %swap3A_437, %swap3A_438] {strides = array<i32>} : memref<2x128x128xf32, #tpu.memory_space<vmem>>, vector<1x1x16xf32>,
      %swap3A_440 = vector.shape_cast %swap3A_439 : vector<1x1x16xf32> to vector<16xf32>
      %swap3A_441 = vector.shape_cast %broadcast_in_dim3A_1 : vector<16xf32> to vector<1x1x16xf32>
      tpu.vector_store %arg8[%swap3A_436, %swap3A_437, %swap3A_438], %swap3A_441 {strides = array<i32>} : memref<2x128x128xf32, #tpu.memory_space<vmem>>, vector<1x1x16xf32>,
      %swap3A_442 = arith.constant 0 : i32
      %swap3A_443 = arith.index_cast %swap3A_442 : i32 to index
      %swap3A_444 = arith.index_cast %scan3A_427 : i32 to index
      %swap3A_445 = arith.constant 32 : index
      %swap3A_446 = tpu.vector_load %arg8[%swap3A_443, %swap3A_444, %swap3A_445] {strides = array<i32>} : memref<2x128x128xf32, #tpu.memory_space<vmem>>, vector<1x1x16xf32>,
      %swap3A_447 = vector.shape_cast %swap3A_446 : vector<1x1x16xf32> to vector<16xf32>
      %swap3A_448 = vector.shape_cast %broadcast_in_dim3A_1 : vector<16xf32> to vector<1x1x16xf32>
      tpu.vector_store %arg8[%swap3A_443, %swap3A_444, %swap3A_445], %swap3A_448 {strides = array<i32>} : memref<2x128x128xf32, #tpu.memory_space<vmem>>, vector<1x1x16xf32>,
      %swap3A_449 = arith.constant 0 : i32
      %swap3A_450 = arith.index_cast %swap3A_449 : i32 to index
      %swap3A_451 = arith.index_cast %scan3A_427 : i32 to index
      %swap3A_452 = arith.constant 48 : index
      %swap3A_453 = tpu.vector_load %arg8[%swap3A_450, %swap3A_451, %swap3A_452] {strides = array<i32>} : memref<2x128x128xf32, #tpu.memory_space<vmem>>, vector<1x1x16xf32>,
      %swap3A_454 = vector.shape_cast %swap3A_453 : vector<1x1x16xf32> to vector<16xf32>
      %swap3A_455 = vector.shape_cast %broadcast_in_dim3A_1 : vector<16xf32> to vector<1x1x16xf32>
      tpu.vector_store %arg8[%swap3A_450, %swap3A_451, %swap3A_452], %swap3A_455 {strides = array<i32>} : memref<2x128x128xf32, #tpu.memory_space<vmem>>, vector<1x1x16xf32>,
      %swap3A_456 = arith.constant 0 : i32
      %swap3A_457 = arith.index_cast %swap3A_456 : i32 to index
      %swap3A_458 = arith.index_cast %scan3A_427 : i32 to index
      %swap3A_459 = arith.constant 64 : index
      %swap3A_460 = tpu.vector_load %arg8[%swap3A_457, %swap3A_458, %swap3A_459] {strides = array<i32>} : memref<2x128x128xf32, #tpu.memory_space<vmem>>, vector<1x1x16xf32>,
      %swap3A_461 = vector.shape_cast %swap3A_460 : vector<1x1x16xf32> to vector<16xf32>
      %swap3A_462 = vector.shape_cast %broadcast_in_dim3A_1 : vector<16xf32> to vector<1x1x16xf32>
      tpu.vector_store %arg8[%swap3A_457, %swap3A_458, %swap3A_459], %swap3A_462 {strides = array<i32>} : memref<2x128x128xf32, #tpu.memory_space<vmem>>, vector<1x1x16xf32>,
      %swap3A_463 = arith.constant 0 : i32
      %swap3A_464 = arith.index_cast %swap3A_463 : i32 to index
      %swap3A_465 = arith.index_cast %scan3A_427 : i32 to index
      %swap3A_466 = arith.constant 80 : index
      %swap3A_467 = tpu.vector_load %arg8[%swap3A_464, %swap3A_465, %swap3A_466] {strides = array<i32>} : memref<2x128x128xf32, #tpu.memory_space<vmem>>, vector<1x1x16xf32>,
      %swap3A_468 = vector.shape_cast %swap3A_467 : vector<1x1x16xf32> to vector<16xf32>
      %swap3A_469 = vector.shape_cast %broadcast_in_dim3A_1 : vector<16xf32> to vector<1x1x16xf32>
      tpu.vector_store %arg8[%swap3A_464, %swap3A_465, %swap3A_466], %swap3A_469 {strides = array<i32>} : memref<2x128x128xf32, #tpu.memory_space<vmem>>, vector<1x1x16xf32>,
      %swap3A_470 = arith.constant 0 : i32
      %swap3A_471 = arith.index_cast %swap3A_470 : i32 to index
      %swap3A_472 = arith.index_cast %scan3A_427 : i32 to index
      %swap3A_473 = arith.constant 96 : index
      %swap3A_474 = tpu.vector_load %arg8[%swap3A_471, %swap3A_472, %swap3A_473] {strides = array<i32>} : memref<2x128x128xf32, #tpu.memory_space<vmem>>, vector<1x1x16xf32>,
      %swap3A_475 = vector.shape_cast %swap3A_474 : vector<1x1x16xf32> to vector<16xf32>
      %swap3A_476 = vector.shape_cast %broadcast_in_dim3A_1 : vector<16xf32> to vector<1x1x16xf32>
      tpu.vector_store %arg8[%swap3A_471, %swap3A_472, %swap3A_473], %swap3A_476 {strides = array<i32>} : memref<2x128x128xf32, #tpu.memory_space<vmem>>, vector<1x1x16xf32>,
      %swap3A_477 = arith.constant 0 : i32
      %swap3A_478 = arith.index_cast %swap3A_477 : i32 to index
      %swap3A_479 = arith.index_cast %scan3A_427 : i32 to index
      %swap3A_480 = arith.constant 112 : index
      %swap3A_481 = tpu.vector_load %arg8[%swap3A_478, %swap3A_479, %swap3A_480] {strides = array<i32>} : memref<2x128x128xf32, #tpu.memory_space<vmem>>, vector<1x1x16xf32>,
      %swap3A_482 = vector.shape_cast %swap3A_481 : vector<1x1x16xf32> to vector<16xf32>
      %swap3A_483 = vector.shape_cast %broadcast_in_dim3A_1 : vector<16xf32> to vector<1x1x16xf32>
      tpu.vector_store %arg8[%swap3A_478, %swap3A_479, %swap3A_480], %swap3A_483 {strides = array<i32>} : memref<2x128x128xf32, #tpu.memory_space<vmem>>, vector<1x1x16xf32>,
      %scan3A_484 = arith.constant 0 : i32
      scf.yield %scan3A_484 : i32
    }
    %scan3A_7 = arith.constant 128 : i32
    %scan3A_8 = arith.constant 0 : i32
    %scan3A_9 = arith.constant 0 : i32
    %scan3A_10 = arith.constant 5 : i32
    %scan3A_11 = arith.addi %scan3A_9, %scan3A_10 : i32
    %scan3A_12 = arith.constant 1 : i32
    %scan3A_13 = scf.for %scan3A_427 = %scan3A_9 to %scan3A_11 step %scan3A_12 iter_args(%scan3A_428 = %scan3A_8) -> (i32)  : i32 {
      %mul3A_429 = arith.constant 5 : i32
      %mul3A_430 = arith.muli %arg1, %mul3A_429 : i32
      %add3A_431 = arith.addi %mul3A_430, %scan3A_427 : i32
      %mul3A_432 = arith.constant 128 : i32
      %mul3A_433 = arith.muli %add3A_431, %mul3A_432 : i32
      %run_scoped3A = arith.constant 0 : i32
      "tpu.region"() ({
        %run_scoped3A_435 = tpu.sem_alloc : memref<!tpu.dma_semaphore, #tpu.memory_space<semaphore_mem>>
        %dma_start3A_436 = arith.constant 0 : i32
        %dma_start3A_437 = arith.constant 0 : i32
        %dma_start3A_438 = tpu.memref_slice %arg8[%run_scoped3A, %dma_start3A_436, %dma_start3A_437] : memref<2x128x128xf32, #tpu.memory_space<vmem>> -> memref<1x128x128xf32, #tpu.memory_space<vmem>>
        %dma_start3A_439 = tpu.memref_squeeze %dma_start3A_438 : memref<1x128x128xf32, #tpu.memory_space<vmem>> -> memref<128x128xf32, #tpu.memory_space<vmem>>
        %dma_start3A_440 = arith.constant 0 : i32
        %dma_start3A_441 = tpu.memref_slice %arg9[%mul3A_433, %dma_start3A_440] : memref<10240x128xf32, #tpu.memory_space<vmem_shared>> -> memref<128x128xf32, #tpu.memory_space<vmem_shared>>
        %dma_start3A_442 = arith.constant 0 : i32
        %dma_start3A_443 = tpu.memref_slice %arg9[%mul3A_433, %dma_start3A_442] : memref<10240x128xf32, #tpu.memory_space<vmem_shared>> -> memref<128x128xf32, #tpu.memory_space<vmem_shared>>
        %dma_start3A_444 = arith.constant 0 : i32
        %dma_start3A_445 = arith.constant 0 : i32
        %dma_start3A_446 = tpu.memref_slice %arg8[%run_scoped3A, %dma_start3A_444, %dma_start3A_445] : memref<2x128x128xf32, #tpu.memory_space<vmem>> -> memref<1x128x128xf32, #tpu.memory_space<vmem>>
        %dma_start3A_447 = tpu.memref_squeeze %dma_start3A_446 : memref<1x128x128xf32, #tpu.memory_space<vmem>> -> memref<128x128xf32, #tpu.memory_space<vmem>>
        tpu.enqueue_dma source(%dma_start3A_447 : memref<128x128xf32, #tpu.memory_space<vmem>>) target(%dma_start3A_443 : memref<128x128xf32, #tpu.memory_space<vmem_shared>>) target_semaphore(%run_scoped3A_435 : memref<!tpu.dma_semaphore, #tpu.memory_space<semaphore_mem>>)
        %dma_wait3A_448 = arith.constant 0 : i32
        %dma_wait3A_449 = arith.constant 0 : i32
        %dma_wait3A_450 = tpu.memref_slice %arg8[%run_scoped3A, %dma_wait3A_448, %dma_wait3A_449] : memref<2x128x128xf32, #tpu.memory_space<vmem>> -> memref<1x128x128xf32, #tpu.memory_space<vmem>>
        %dma_wait3A_451 = tpu.memref_squeeze %dma_wait3A_450 : memref<1x128x128xf32, #tpu.memory_space<vmem>> -> memref<128x128xf32, #tpu.memory_space<vmem>>
        %dma_wait3A_452 = arith.constant 0 : i32
        %dma_wait3A_453 = tpu.memref_slice %arg9[%mul3A_433, %dma_wait3A_452] : memref<10240x128xf32, #tpu.memory_space<vmem_shared>> -> memref<128x128xf32, #tpu.memory_space<vmem_shared>>
        %dma_wait3A_454 = arith.constant 0 : i32
        %dma_wait3A_455 = tpu.memref_slice %arg9[%mul3A_433, %dma_wait3A_454] : memref<10240x128xf32, #tpu.memory_space<vmem_shared>> -> memref<128x128xf32, #tpu.memory_space<vmem_shared>>
        %dma_wait3A_456 = arith.constant 0 : i32
        %dma_wait3A_457 = arith.constant 0 : i32
        %dma_wait3A_458 = tpu.memref_slice %arg8[%run_scoped3A, %dma_wait3A_456, %dma_wait3A_457] : memref<2x128x128xf32, #tpu.memory_space<vmem>> -> memref<1x128x128xf32, #tpu.memory_space<vmem>>
        %dma_wait3A_459 = tpu.memref_squeeze %dma_wait3A_458 : memref<1x128x128xf32, #tpu.memory_space<vmem>> -> memref<128x128xf32, #tpu.memory_space<vmem>>
        tpu.wait_dma2 semaphore(%run_scoped3A_435 : memref<!tpu.dma_semaphore, #tpu.memory_space<semaphore_mem>>) src(%dma_wait3A_459 : memref<128x128xf32, #tpu.memory_space<vmem>>) dst(%dma_wait3A_455 : memref<128x128xf32, #tpu.memory_space<vmem_shared>>)
        tpu.yield
      }) : () -> ()
      %scan3A_434 = arith.constant 0 : i32
      scf.yield %scan3A_434 : i32
    }
    %scan3A_14 = arith.constant 5 : i32
    %barrier3A = arith.constant 0 : index
    tpu.barrier barrier_id(%barrier3A)
    %mul3A_15 = arith.constant 80 : i32
    %mul3A_16 = arith.muli %add3A, %mul3A_15 : i32
    %add3A_17 = arith.constant 0 : i32
    %add3A_18 = arith.addi %mul3A_16, %add3A_17 : i32
    "tpu.region"() ({
      %run_scoped3A = tpu.sem_alloc : memref<!tpu.dma_semaphore, #tpu.memory_space<semaphore_mem>>
      %dma_start3A_427 = arith.constant 0 : i32
      %dma_start3A_428 = tpu.memref_slice %arg3[%add3A_18, %dma_start3A_427] : memref<2560x128xi32, #tpu.memory_space<hbm>> -> memref<40x128xi32, #tpu.memory_space<hbm>>
      %dma_start3A_429 = arith.constant 0 : i32
      %dma_start3A_430 = tpu.memref_slice %arg3[%add3A_18, %dma_start3A_429] : memref<2560x128xi32, #tpu.memory_space<hbm>> -> memref<40x128xi32, #tpu.memory_space<hbm>>
      tpu.enqueue_dma source(%dma_start3A_430 : memref<40x128xi32, #tpu.memory_space<hbm>>) target(%arg6 : memref<40x128xi32, #tpu.memory_space<vmem>>) target_semaphore(%run_scoped3A : memref<!tpu.dma_semaphore, #tpu.memory_space<semaphore_mem>>)
      %dma_wait3A_431 = arith.constant 0 : i32
      %dma_wait3A_432 = tpu.memref_slice %arg3[%add3A_18, %dma_wait3A_431] : memref<2560x128xi32, #tpu.memory_space<hbm>> -> memref<40x128xi32, #tpu.memory_space<hbm>>
      %dma_wait3A_433 = arith.constant 0 : i32
      %dma_wait3A_434 = tpu.memref_slice %arg3[%add3A_18, %dma_wait3A_433] : memref<2560x128xi32, #tpu.memory_space<hbm>> -> memref<40x128xi32, #tpu.memory_space<hbm>>
      tpu.wait_dma2 semaphore(%run_scoped3A : memref<!tpu.dma_semaphore, #tpu.memory_space<semaphore_mem>>) src(%dma_wait3A_434 : memref<40x128xi32, #tpu.memory_space<hbm>>) dst(%arg6 : memref<40x128xi32, #tpu.memory_space<vmem>>)
      tpu.yield
    }) : () -> ()
    "tpu.region"() ({
      %run_scoped3A = tpu.sem_alloc : memref<!tpu.dma_semaphore, #tpu.memory_space<semaphore_mem>>
      %dma_start3A_427 = arith.constant 0 : i32
      %dma_start3A_428 = tpu.memref_slice %arg4[%add3A_18, %dma_start3A_427] : memref<2560x128xi32, #tpu.memory_space<hbm>> -> memref<40x128xi32, #tpu.memory_space<hbm>>
      %dma_start3A_429 = arith.constant 0 : i32
      %dma_start3A_430 = tpu.memref_slice %arg4[%add3A_18, %dma_start3A_429] : memref<2560x128xi32, #tpu.memory_space<hbm>> -> memref<40x128xi32, #tpu.memory_space<hbm>>
      tpu.enqueue_dma source(%dma_start3A_430 : memref<40x128xi32, #tpu.memory_space<hbm>>) target(%arg7 : memref<40x128xi32, #tpu.memory_space<vmem>>) target_semaphore(%run_scoped3A : memref<!tpu.dma_semaphore, #tpu.memory_space<semaphore_mem>>)
      %dma_wait3A_431 = arith.constant 0 : i32
      %dma_wait3A_432 = tpu.memref_slice %arg4[%add3A_18, %dma_wait3A_431] : memref<2560x128xi32, #tpu.memory_space<hbm>> -> memref<40x128xi32, #tpu.memory_space<hbm>>
      %dma_wait3A_433 = arith.constant 0 : i32
      %dma_wait3A_434 = tpu.memref_slice %arg4[%add3A_18, %dma_wait3A_433] : memref<2560x128xi32, #tpu.memory_space<hbm>> -> memref<40x128xi32, #tpu.memory_space<hbm>>
      tpu.wait_dma2 semaphore(%run_scoped3A : memref<!tpu.dma_semaphore, #tpu.memory_space<semaphore_mem>>) src(%dma_wait3A_434 : memref<40x128xi32, #tpu.memory_space<hbm>>) dst(%arg7 : memref<40x128xi32, #tpu.memory_space<vmem>>)
      tpu.yield
    }) : () -> ()
    %dma_start3A = arith.constant 0 : i32
    %dma_start3A_19 = arith.constant 0 : i32
    %dma_start3A_20 = arith.constant 0 : i32
    %dma_start3A_21 = arith.constant 0 : i32
    %dma_start3A_22 = tpu.memref_slice %arg8[%dma_start3A_19, %dma_start3A_20, %dma_start3A_21] : memref<2x128x128xf32, #tpu.memory_space<vmem>> -> memref<1x128x128xf32, #tpu.memory_space<vmem>>
    %dma_start3A_23 = tpu.memref_squeeze %dma_start3A_22 : memref<1x128x128xf32, #tpu.memory_space<vmem>> -> memref<128x128xf32, #tpu.memory_space<vmem>>
    %dma_start3A_24 = arith.constant 0 : i32
    %dma_start3A_25 = tpu.memref_slice %arg6[%dma_start3A, %dma_start3A_24] : memref<40x128xi32, #tpu.memory_space<vmem>> -> memref<1x128xi32, #tpu.memory_space<vmem>>
    %dma_start3A_26 = tpu.memref_squeeze %dma_start3A_25 : memref<1x128xi32, #tpu.memory_space<vmem>> -> memref<128xi32, #tpu.memory_space<vmem>>
    %dma_start3A_27 = arith.constant 0 : i32
    %dma_start3A_28 = arith.constant 0 : i32
    %dma_start3A_29 = tpu.memref_slice %arg2[%dma_start3A_27, %dma_start3A_28] : memref<10240x128xf32, #tpu.memory_space<hbm>> -> memref<10240x128xf32, #tpu.memory_space<hbm>>
    tpu.enqueue_indirect_dma source(%dma_start3A_29 : memref<10240x128xf32, #tpu.memory_space<hbm>>) target(%dma_start3A_23 : memref<128x128xf32, #tpu.memory_space<vmem>>) offsets(%dma_start3A_26 : memref<128xi32, #tpu.memory_space<vmem>>) semaphore(%arg10 : memref<!tpu.dma_semaphore, #tpu.memory_space<semaphore_mem>>)
    %dma_wait3A = arith.constant 0 : i32
    %dma_wait3A_30 = arith.constant 0 : i32
    %dma_wait3A_31 = arith.constant 0 : i32
    %dma_wait3A_32 = arith.constant 0 : i32
    %dma_wait3A_33 = tpu.memref_slice %arg8[%dma_wait3A_30, %dma_wait3A_31, %dma_wait3A_32] : memref<2x128x128xf32, #tpu.memory_space<vmem>> -> memref<1x128x128xf32, #tpu.memory_space<vmem>>
    %dma_wait3A_34 = tpu.memref_squeeze %dma_wait3A_33 : memref<1x128x128xf32, #tpu.memory_space<vmem>> -> memref<128x128xf32, #tpu.memory_space<vmem>>
    %dma_wait3A_35 = arith.constant 0 : i32
    %dma_wait3A_36 = tpu.memref_slice %arg6[%dma_wait3A, %dma_wait3A_35] : memref<40x128xi32, #tpu.memory_space<vmem>> -> memref<1x128xi32, #tpu.memory_space<vmem>>
    %dma_wait3A_37 = tpu.memref_squeeze %dma_wait3A_36 : memref<1x128xi32, #tpu.memory_space<vmem>> -> memref<128xi32, #tpu.memory_space<vmem>>
    %dma_wait3A_38 = arith.constant 0 : i32
    %dma_wait3A_39 = arith.constant 0 : i32
    %dma_wait3A_40 = tpu.memref_slice %arg2[%dma_wait3A_38, %dma_wait3A_39] : memref<10240x128xf32, #tpu.memory_space<hbm>> -> memref<10240x128xf32, #tpu.memory_space<hbm>>
    tpu.wait_indirect_dma semaphore(%arg10 : memref<!tpu.dma_semaphore, #tpu.memory_space<semaphore_mem>>) src(%dma_wait3A_40 : memref<10240x128xf32, #tpu.memory_space<hbm>>) dst(%dma_wait3A_34 : memref<128x128xf32, #tpu.memory_space<vmem>>)
    %dma_start3A_41 = arith.constant 0 : i32
    %dma_start3A_42 = arith.constant 0 : i32
    %dma_start3A_43 = arith.constant 0 : i32
    %dma_start3A_44 = arith.constant 0 : i32
    %dma_start3A_45 = tpu.memref_slice %arg8[%dma_start3A_41, %dma_start3A_43, %dma_start3A_44] : memref<2x128x128xf32, #tpu.memory_space<vmem>> -> memref<1x128x128xf32, #tpu.memory_space<vmem>>
    %dma_start3A_46 = tpu.memref_squeeze %dma_start3A_45 : memref<1x128x128xf32, #tpu.memory_space<vmem>> -> memref<128x128xf32, #tpu.memory_space<vmem>>
    %dma_start3A_47 = arith.constant 0 : i32
    %dma_start3A_48 = tpu.memref_slice %arg7[%dma_start3A_42, %dma_start3A_47] : memref<40x128xi32, #tpu.memory_space<vmem>> -> memref<1x128xi32, #tpu.memory_space<vmem>>
    %dma_start3A_49 = tpu.memref_squeeze %dma_start3A_48 : memref<1x128xi32, #tpu.memory_space<vmem>> -> memref<128xi32, #tpu.memory_space<vmem>>
    %dma_start3A_50 = arith.constant 0 : i32
    %dma_start3A_51 = arith.constant 0 : i32
    %dma_start3A_52 = tpu.memref_slice %arg9[%dma_start3A_50, %dma_start3A_51] : memref<10240x128xf32, #tpu.memory_space<vmem_shared>> -> memref<10240x128xf32, #tpu.memory_space<vmem_shared>>
    tpu.enqueue_indirect_dma source(%dma_start3A_46 : memref<128x128xf32, #tpu.memory_space<vmem>>) target(%dma_start3A_52 : memref<10240x128xf32, #tpu.memory_space<vmem_shared>>) offsets(%dma_start3A_49 : memref<128xi32, #tpu.memory_space<vmem>>) semaphore(%arg12 : memref<!tpu.dma_semaphore, #tpu.memory_space<semaphore_mem>>) {add = true}
    %dma_start3A_53 = arith.constant 1 : i32
    %dma_start3A_54 = arith.constant 1 : i32
    %dma_start3A_55 = arith.constant 0 : i32
    %dma_start3A_56 = arith.constant 0 : i32
    %dma_start3A_57 = tpu.memref_slice %arg8[%dma_start3A_54, %dma_start3A_55, %dma_start3A_56] : memref<2x128x128xf32, #tpu.memory_space<vmem>> -> memref<1x128x128xf32, #tpu.memory_space<vmem>>
    %dma_start3A_58 = tpu.memref_squeeze %dma_start3A_57 : memref<1x128x128xf32, #tpu.memory_space<vmem>> -> memref<128x128xf32, #tpu.memory_space<vmem>>
    %dma_start3A_59 = arith.constant 0 : i32
    %dma_start3A_60 = tpu.memref_slice %arg6[%dma_start3A_53, %dma_start3A_59] : memref<40x128xi32, #tpu.memory_space<vmem>> -> memref<1x128xi32, #tpu.memory_space<vmem>>
    %dma_start3A_61 = tpu.memref_squeeze %dma_start3A_60 : memref<1x128xi32, #tpu.memory_space<vmem>> -> memref<128xi32, #tpu.memory_space<vmem>>
    %dma_start3A_62 = arith.constant 0 : i32
    %dma_start3A_63 = arith.constant 0 : i32
    %dma_start3A_64 = tpu.memref_slice %arg2[%dma_start3A_62, %dma_start3A_63] : memref<10240x128xf32, #tpu.memory_space<hbm>> -> memref<10240x128xf32, #tpu.memory_space<hbm>>
    tpu.enqueue_indirect_dma source(%dma_start3A_64 : memref<10240x128xf32, #tpu.memory_space<hbm>>) target(%dma_start3A_58 : memref<128x128xf32, #tpu.memory_space<vmem>>) offsets(%dma_start3A_61 : memref<128xi32, #tpu.memory_space<vmem>>) semaphore(%arg11 : memref<!tpu.dma_semaphore, #tpu.memory_space<semaphore_mem>>)
    %dma_wait3A_65 = arith.constant 0 : i32
    %dma_wait3A_66 = arith.constant 1 : i32
    %dma_wait3A_67 = arith.constant 0 : i32
    %dma_wait3A_68 = arith.constant 0 : i32
    %dma_wait3A_69 = tpu.memref_slice %arg8[%dma_wait3A_66, %dma_wait3A_67, %dma_wait3A_68] : memref<2x128x128xf32, #tpu.memory_space<vmem>> -> memref<1x128x128xf32, #tpu.memory_space<vmem>>
    %dma_wait3A_70 = tpu.memref_squeeze %dma_wait3A_69 : memref<1x128x128xf32, #tpu.memory_space<vmem>> -> memref<128x128xf32, #tpu.memory_space<vmem>>
    %dma_wait3A_71 = arith.constant 0 : i32
    %dma_wait3A_72 = tpu.memref_slice %arg6[%dma_wait3A_65, %dma_wait3A_71] : memref<40x128xi32, #tpu.memory_space<vmem>> -> memref<1x128xi32, #tpu.memory_space<vmem>>
    %dma_wait3A_73 = tpu.memref_squeeze %dma_wait3A_72 : memref<1x128xi32, #tpu.memory_space<vmem>> -> memref<128xi32, #tpu.memory_space<vmem>>
    %dma_wait3A_74 = arith.constant 0 : i32
    %dma_wait3A_75 = arith.constant 0 : i32
    %dma_wait3A_76 = tpu.memref_slice %arg2[%dma_wait3A_74, %dma_wait3A_75] : memref<10240x128xf32, #tpu.memory_space<hbm>> -> memref<10240x128xf32, #tpu.memory_space<hbm>>
    tpu.wait_indirect_dma semaphore(%arg11 : memref<!tpu.dma_semaphore, #tpu.memory_space<semaphore_mem>>) src(%dma_wait3A_76 : memref<10240x128xf32, #tpu.memory_space<hbm>>) dst(%dma_wait3A_70 : memref<128x128xf32, #tpu.memory_space<vmem>>)
    %dma_start3A_77 = arith.constant 1 : i32
    %dma_start3A_78 = arith.constant 1 : i32
    %dma_start3A_79 = arith.constant 0 : i32
    %dma_start3A_80 = arith.constant 0 : i32
    %dma_start3A_81 = tpu.memref_slice %arg8[%dma_start3A_77, %dma_start3A_79, %dma_start3A_80] : memref<2x128x128xf32, #tpu.memory_space<vmem>> -> memref<1x128x128xf32, #tpu.memory_space<vmem>>
    %dma_start3A_82 = tpu.memref_squeeze %dma_start3A_81 : memref<1x128x128xf32, #tpu.memory_space<vmem>> -> memref<128x128xf32, #tpu.memory_space<vmem>>
    %dma_start3A_83 = arith.constant 0 : i32
    %dma_start3A_84 = tpu.memref_slice %arg7[%dma_start3A_78, %dma_start3A_83] : memref<40x128xi32, #tpu.memory_space<vmem>> -> memref<1x128xi32, #tpu.memory_space<vmem>>
    %dma_start3A_85 = tpu.memref_squeeze %dma_start3A_84 : memref<1x128xi32, #tpu.memory_space<vmem>> -> memref<128xi32, #tpu.memory_space<vmem>>
    %dma_start3A_86 = arith.constant 0 : i32
    %dma_start3A_87 = arith.constant 0 : i32
    %dma_start3A_88 = tpu.memref_slice %arg9[%dma_start3A_86, %dma_start3A_87] : memref<10240x128xf32, #tpu.memory_space<vmem_shared>> -> memref<10240x128xf32, #tpu.memory_space<vmem_shared>>
    tpu.enqueue_indirect_dma source(%dma_start3A_82 : memref<128x128xf32, #tpu.memory_space<vmem>>) target(%dma_start3A_88 : memref<10240x128xf32, #tpu.memory_space<vmem_shared>>) offsets(%dma_start3A_85 : memref<128xi32, #tpu.memory_space<vmem>>) semaphore(%arg13 : memref<!tpu.dma_semaphore, #tpu.memory_space<semaphore_mem>>) {add = true}
    %dma_wait3A_89 = arith.constant 0 : i32
    %dma_wait3A_90 = arith.constant 0 : i32
    %dma_wait3A_91 = arith.constant 0 : i32
    %dma_wait3A_92 = arith.constant 0 : i32
    %dma_wait3A_93 = tpu.memref_slice %arg8[%dma_wait3A_89, %dma_wait3A_91, %dma_wait3A_92] : memref<2x128x128xf32, #tpu.memory_space<vmem>> -> memref<1x128x128xf32, #tpu.memory_space<vmem>>
    %dma_wait3A_94 = tpu.memref_squeeze %dma_wait3A_93 : memref<1x128x128xf32, #tpu.memory_space<vmem>> -> memref<128x128xf32, #tpu.memory_space<vmem>>
    %dma_wait3A_95 = arith.constant 0 : i32
    %dma_wait3A_96 = tpu.memref_slice %arg7[%dma_wait3A_90, %dma_wait3A_95] : memref<40x128xi32, #tpu.memory_space<vmem>> -> memref<1x128xi32, #tpu.memory_space<vmem>>
    %dma_wait3A_97 = tpu.memref_squeeze %dma_wait3A_96 : memref<1x128xi32, #tpu.memory_space<vmem>> -> memref<128xi32, #tpu.memory_space<vmem>>
    %dma_wait3A_98 = arith.constant 0 : i32
    %dma_wait3A_99 = arith.constant 0 : i32
    %dma_wait3A_100 = tpu.memref_slice %arg9[%dma_wait3A_98, %dma_wait3A_99] : memref<10240x128xf32, #tpu.memory_space<vmem_shared>> -> memref<10240x128xf32, #tpu.memory_space<vmem_shared>>
    tpu.wait_indirect_dma semaphore(%arg12 : memref<!tpu.dma_semaphore, #tpu.memory_space<semaphore_mem>>) src(%dma_wait3A_94 : memref<128x128xf32, #tpu.memory_space<vmem>>) dst(%dma_wait3A_100 : memref<10240x128xf32, #tpu.memory_space<vmem_shared>>)
    %dma_start3A_101 = arith.constant 2 : i32
    %dma_start3A_102 = arith.constant 0 : i32
    %dma_start3A_103 = arith.constant 0 : i32
    %dma_start3A_104 = arith.constant 0 : i32
    %dma_start3A_105 = tpu.memref_slice %arg8[%dma_start3A_102, %dma_start3A_103, %dma_start3A_104] : memref<2x128x128xf32, #tpu.memory_space<vmem>> -> memref<1x128x128xf32, #tpu.memory_space<vmem>>
    %dma_start3A_106 = tpu.memref_squeeze %dma_start3A_105 : memref<1x128x128xf32, #tpu.memory_space<vmem>> -> memref<128x128xf32, #tpu.memory_space<vmem>>
    %dma_start3A_107 = arith.constant 0 : i32
    %dma_start3A_108 = tpu.memref_slice %arg6[%dma_start3A_101, %dma_start3A_107] : memref<40x128xi32, #tpu.memory_space<vmem>> -> memref<1x128xi32, #tpu.memory_space<vmem>>
    %dma_start3A_109 = tpu.memref_squeeze %dma_start3A_108 : memref<1x128xi32, #tpu.memory_space<vmem>> -> memref<128xi32, #tpu.memory_space<vmem>>
    %dma_start3A_110 = arith.constant 0 : i32
    %dma_start3A_111 = arith.constant 0 : i32
    %dma_start3A_112 = tpu.memref_slice %arg2[%dma_start3A_110, %dma_start3A_111] : memref<10240x128xf32, #tpu.memory_space<hbm>> -> memref<10240x128xf32, #tpu.memory_space<hbm>>
    tpu.enqueue_indirect_dma source(%dma_start3A_112 : memref<10240x128xf32, #tpu.memory_space<hbm>>) target(%dma_start3A_106 : memref<128x128xf32, #tpu.memory_space<vmem>>) offsets(%dma_start3A_109 : memref<128xi32, #tpu.memory_space<vmem>>) semaphore(%arg10 : memref<!tpu.dma_semaphore, #tpu.memory_space<semaphore_mem>>)
    %scan3A_113 = arith.constant 0 : i32
    %scan3A_114 = arith.constant 1 : i32
    %scan3A_115 = arith.constant 18 : i32
    %scan3A_116 = arith.addi %scan3A_114, %scan3A_115 : i32
    %scan3A_117 = arith.constant 1 : i32
    %scan3A_118 = scf.for %scan3A_427 = %scan3A_114 to %scan3A_116 step %scan3A_117 iter_args(%scan3A_428 = %scan3A_113) -> (i32)  : i32 {
      %mul3A_429 = arith.constant 2 : i32
      %mul3A_430 = arith.muli %mul3A_429, %scan3A_427 : i32
      %dma_wait3A_431 = arith.constant 0 : i32
      %dma_wait3A_432 = arith.constant 0 : i32
      %dma_wait3A_433 = arith.constant 0 : i32
      %dma_wait3A_434 = arith.constant 0 : i32
      %dma_wait3A_435 = tpu.memref_slice %arg8[%dma_wait3A_432, %dma_wait3A_433, %dma_wait3A_434] : memref<2x128x128xf32, #tpu.memory_space<vmem>> -> memref<1x128x128xf32, #tpu.memory_space<vmem>>
      %dma_wait3A_436 = tpu.memref_squeeze %dma_wait3A_435 : memref<1x128x128xf32, #tpu.memory_space<vmem>> -> memref<128x128xf32, #tpu.memory_space<vmem>>
      %dma_wait3A_437 = arith.constant 0 : i32
      %dma_wait3A_438 = tpu.memref_slice %arg6[%dma_wait3A_431, %dma_wait3A_437] : memref<40x128xi32, #tpu.memory_space<vmem>> -> memref<1x128xi32, #tpu.memory_space<vmem>>
      %dma_wait3A_439 = tpu.memref_squeeze %dma_wait3A_438 : memref<1x128xi32, #tpu.memory_space<vmem>> -> memref<128xi32, #tpu.memory_space<vmem>>
      %dma_wait3A_440 = arith.constant 0 : i32
      %dma_wait3A_441 = arith.constant 0 : i32
      %dma_wait3A_442 = tpu.memref_slice %arg2[%dma_wait3A_440, %dma_wait3A_441] : memref<10240x128xf32, #tpu.memory_space<hbm>> -> memref<10240x128xf32, #tpu.memory_space<hbm>>
      tpu.wait_indirect_dma semaphore(%arg10 : memref<!tpu.dma_semaphore, #tpu.memory_space<semaphore_mem>>) src(%dma_wait3A_442 : memref<10240x128xf32, #tpu.memory_space<hbm>>) dst(%dma_wait3A_436 : memref<128x128xf32, #tpu.memory_space<vmem>>)
      %dma_start3A_443 = arith.constant 0 : i32
      %dma_start3A_444 = arith.constant 0 : i32
      %dma_start3A_445 = arith.constant 0 : i32
      %dma_start3A_446 = tpu.memref_slice %arg8[%dma_start3A_443, %dma_start3A_444, %dma_start3A_445] : memref<2x128x128xf32, #tpu.memory_space<vmem>> -> memref<1x128x128xf32, #tpu.memory_space<vmem>>
      %dma_start3A_447 = tpu.memref_squeeze %dma_start3A_446 : memref<1x128x128xf32, #tpu.memory_space<vmem>> -> memref<128x128xf32, #tpu.memory_space<vmem>>
      %dma_start3A_448 = arith.constant 0 : i32
      %dma_start3A_449 = tpu.memref_slice %arg7[%mul3A_430, %dma_start3A_448] : memref<40x128xi32, #tpu.memory_space<vmem>> -> memref<1x128xi32, #tpu.memory_space<vmem>>
      %dma_start3A_450 = tpu.memref_squeeze %dma_start3A_449 : memref<1x128xi32, #tpu.memory_space<vmem>> -> memref<128xi32, #tpu.memory_space<vmem>>
      %dma_start3A_451 = arith.constant 0 : i32
      %dma_start3A_452 = arith.constant 0 : i32
      %dma_start3A_453 = tpu.memref_slice %arg9[%dma_start3A_451, %dma_start3A_452] : memref<10240x128xf32, #tpu.memory_space<vmem_shared>> -> memref<10240x128xf32, #tpu.memory_space<vmem_shared>>
      tpu.enqueue_indirect_dma source(%dma_start3A_447 : memref<128x128xf32, #tpu.memory_space<vmem>>) target(%dma_start3A_453 : memref<10240x128xf32, #tpu.memory_space<vmem_shared>>) offsets(%dma_start3A_450 : memref<128xi32, #tpu.memory_space<vmem>>) semaphore(%arg12 : memref<!tpu.dma_semaphore, #tpu.memory_space<semaphore_mem>>) {add = true}
      %dma_wait3A_454 = arith.constant 1 : i32
      %dma_wait3A_455 = arith.constant 0 : i32
      %dma_wait3A_456 = arith.constant 0 : i32
      %dma_wait3A_457 = arith.constant 0 : i32
      %dma_wait3A_458 = tpu.memref_slice %arg8[%dma_wait3A_454, %dma_wait3A_456, %dma_wait3A_457] : memref<2x128x128xf32, #tpu.memory_space<vmem>> -> memref<1x128x128xf32, #tpu.memory_space<vmem>>
      %dma_wait3A_459 = tpu.memref_squeeze %dma_wait3A_458 : memref<1x128x128xf32, #tpu.memory_space<vmem>> -> memref<128x128xf32, #tpu.memory_space<vmem>>
      %dma_wait3A_460 = arith.constant 0 : i32
      %dma_wait3A_461 = tpu.memref_slice %arg7[%dma_wait3A_455, %dma_wait3A_460] : memref<40x128xi32, #tpu.memory_space<vmem>> -> memref<1x128xi32, #tpu.memory_space<vmem>>
      %dma_wait3A_462 = tpu.memref_squeeze %dma_wait3A_461 : memref<1x128xi32, #tpu.memory_space<vmem>> -> memref<128xi32, #tpu.memory_space<vmem>>
      %dma_wait3A_463 = arith.constant 0 : i32
      %dma_wait3A_464 = arith.constant 0 : i32
      %dma_wait3A_465 = tpu.memref_slice %arg9[%dma_wait3A_463, %dma_wait3A_464] : memref<10240x128xf32, #tpu.memory_space<vmem_shared>> -> memref<10240x128xf32, #tpu.memory_space<vmem_shared>>
      tpu.wait_indirect_dma semaphore(%arg13 : memref<!tpu.dma_semaphore, #tpu.memory_space<semaphore_mem>>) src(%dma_wait3A_459 : memref<128x128xf32, #tpu.memory_space<vmem>>) dst(%dma_wait3A_465 : memref<10240x128xf32, #tpu.memory_space<vmem_shared>>)
      %add3A_466 = arith.constant 1 : i32
      %add3A_467 = arith.addi %mul3A_430, %add3A_466 : i32
      %dma_start3A_468 = arith.constant 1 : i32
      %dma_start3A_469 = arith.constant 0 : i32
      %dma_start3A_470 = arith.constant 0 : i32
      %dma_start3A_471 = tpu.memref_slice %arg8[%dma_start3A_468, %dma_start3A_469, %dma_start3A_470] : memref<2x128x128xf32, #tpu.memory_space<vmem>> -> memref<1x128x128xf32, #tpu.memory_space<vmem>>
      %dma_start3A_472 = tpu.memref_squeeze %dma_start3A_471 : memref<1x128x128xf32, #tpu.memory_space<vmem>> -> memref<128x128xf32, #tpu.memory_space<vmem>>
      %dma_start3A_473 = arith.constant 0 : i32
      %dma_start3A_474 = tpu.memref_slice %arg6[%add3A_467, %dma_start3A_473] : memref<40x128xi32, #tpu.memory_space<vmem>> -> memref<1x128xi32, #tpu.memory_space<vmem>>
      %dma_start3A_475 = tpu.memref_squeeze %dma_start3A_474 : memref<1x128xi32, #tpu.memory_space<vmem>> -> memref<128xi32, #tpu.memory_space<vmem>>
      %dma_start3A_476 = arith.constant 0 : i32
      %dma_start3A_477 = arith.constant 0 : i32
      %dma_start3A_478 = tpu.memref_slice %arg2[%dma_start3A_476, %dma_start3A_477] : memref<10240x128xf32, #tpu.memory_space<hbm>> -> memref<10240x128xf32, #tpu.memory_space<hbm>>
      tpu.enqueue_indirect_dma source(%dma_start3A_478 : memref<10240x128xf32, #tpu.memory_space<hbm>>) target(%dma_start3A_472 : memref<128x128xf32, #tpu.memory_space<vmem>>) offsets(%dma_start3A_475 : memref<128xi32, #tpu.memory_space<vmem>>) semaphore(%arg11 : memref<!tpu.dma_semaphore, #tpu.memory_space<semaphore_mem>>)
      %dma_wait3A_479 = arith.constant 0 : i32
      %dma_wait3A_480 = arith.constant 1 : i32
      %dma_wait3A_481 = arith.constant 0 : i32
      %dma_wait3A_482 = arith.constant 0 : i32
      %dma_wait3A_483 = tpu.memref_slice %arg8[%dma_wait3A_480, %dma_wait3A_481, %dma_wait3A_482] : memref<2x128x128xf32, #tpu.memory_space<vmem>> -> memref<1x128x128xf32, #tpu.memory_space<vmem>>
      %dma_wait3A_484 = tpu.memref_squeeze %dma_wait3A_483 : memref<1x128x128xf32, #tpu.memory_space<vmem>> -> memref<128x128xf32, #tpu.memory_space<vmem>>
      %dma_wait3A_485 = arith.constant 0 : i32
      %dma_wait3A_486 = tpu.memref_slice %arg6[%dma_wait3A_479, %dma_wait3A_485] : memref<40x128xi32, #tpu.memory_space<vmem>> -> memref<1x128xi32, #tpu.memory_space<vmem>>
      %dma_wait3A_487 = tpu.memref_squeeze %dma_wait3A_486 : memref<1x128xi32, #tpu.memory_space<vmem>> -> memref<128xi32, #tpu.memory_space<vmem>>
      %dma_wait3A_488 = arith.constant 0 : i32
      %dma_wait3A_489 = arith.constant 0 : i32
      %dma_wait3A_490 = tpu.memref_slice %arg2[%dma_wait3A_488, %dma_wait3A_489] : memref<10240x128xf32, #tpu.memory_space<hbm>> -> memref<10240x128xf32, #tpu.memory_space<hbm>>
      tpu.wait_indirect_dma semaphore(%arg11 : memref<!tpu.dma_semaphore, #tpu.memory_space<semaphore_mem>>) src(%dma_wait3A_490 : memref<10240x128xf32, #tpu.memory_space<hbm>>) dst(%dma_wait3A_484 : memref<128x128xf32, #tpu.memory_space<vmem>>)
      %add3A_491 = arith.constant 1 : i32
      %add3A_492 = arith.addi %mul3A_430, %add3A_491 : i32
      %dma_start3A_493 = arith.constant 1 : i32
      %dma_start3A_494 = arith.constant 0 : i32
      %dma_start3A_495 = arith.constant 0 : i32
      %dma_start3A_496 = tpu.memref_slice %arg8[%dma_start3A_493, %dma_start3A_494, %dma_start3A_495] : memref<2x128x128xf32, #tpu.memory_space<vmem>> -> memref<1x128x128xf32, #tpu.memory_space<vmem>>
      %dma_start3A_497 = tpu.memref_squeeze %dma_start3A_496 : memref<1x128x128xf32, #tpu.memory_space<vmem>> -> memref<128x128xf32, #tpu.memory_space<vmem>>
      %dma_start3A_498 = arith.constant 0 : i32
      %dma_start3A_499 = tpu.memref_slice %arg7[%add3A_492, %dma_start3A_498] : memref<40x128xi32, #tpu.memory_space<vmem>> -> memref<1x128xi32, #tpu.memory_space<vmem>>
      %dma_start3A_500 = tpu.memref_squeeze %dma_start3A_499 : memref<1x128xi32, #tpu.memory_space<vmem>> -> memref<128xi32, #tpu.memory_space<vmem>>
      %dma_start3A_501 = arith.constant 0 : i32
      %dma_start3A_502 = arith.constant 0 : i32
      %dma_start3A_503 = tpu.memref_slice %arg9[%dma_start3A_501, %dma_start3A_502] : memref<10240x128xf32, #tpu.memory_space<vmem_shared>> -> memref<10240x128xf32, #tpu.memory_space<vmem_shared>>
      tpu.enqueue_indirect_dma source(%dma_start3A_497 : memref<128x128xf32, #tpu.memory_space<vmem>>) target(%dma_start3A_503 : memref<10240x128xf32, #tpu.memory_space<vmem_shared>>) offsets(%dma_start3A_500 : memref<128xi32, #tpu.memory_space<vmem>>) semaphore(%arg13 : memref<!tpu.dma_semaphore, #tpu.memory_space<semaphore_mem>>) {add = true}
      %dma_wait3A_504 = arith.constant 0 : i32
      %dma_wait3A_505 = arith.constant 0 : i32
      %dma_wait3A_506 = arith.constant 0 : i32
      %dma_wait3A_507 = arith.constant 0 : i32
      %dma_wait3A_508 = tpu.memref_slice %arg8[%dma_wait3A_504, %dma_wait3A_506, %dma_wait3A_507] : memref<2x128x128xf32, #tpu.memory_space<vmem>> -> memref<1x128x128xf32, #tpu.memory_space<vmem>>
      %dma_wait3A_509 = tpu.memref_squeeze %dma_wait3A_508 : memref<1x128x128xf32, #tpu.memory_space<vmem>> -> memref<128x128xf32, #tpu.memory_space<vmem>>
      %dma_wait3A_510 = arith.constant 0 : i32
      %dma_wait3A_511 = tpu.memref_slice %arg7[%dma_wait3A_505, %dma_wait3A_510] : memref<40x128xi32, #tpu.memory_space<vmem>> -> memref<1x128xi32, #tpu.memory_space<vmem>>
      %dma_wait3A_512 = tpu.memref_squeeze %dma_wait3A_511 : memref<1x128xi32, #tpu.memory_space<vmem>> -> memref<128xi32, #tpu.memory_space<vmem>>
      %dma_wait3A_513 = arith.constant 0 : i32
      %dma_wait3A_514 = arith.constant 0 : i32
      %dma_wait3A_515 = tpu.memref_slice %arg9[%dma_wait3A_513, %dma_wait3A_514] : memref<10240x128xf32, #tpu.memory_space<vmem_shared>> -> memref<10240x128xf32, #tpu.memory_space<vmem_shared>>
      tpu.wait_indirect_dma semaphore(%arg12 : memref<!tpu.dma_semaphore, #tpu.memory_space<semaphore_mem>>) src(%dma_wait3A_509 : memref<128x128xf32, #tpu.memory_space<vmem>>) dst(%dma_wait3A_515 : memref<10240x128xf32, #tpu.memory_space<vmem_shared>>)
      %add3A_516 = arith.constant 2 : i32
      %add3A_517 = arith.addi %mul3A_430, %add3A_516 : i32
      %dma_start3A_518 = arith.constant 0 : i32
      %dma_start3A_519 = arith.constant 0 : i32
      %dma_start3A_520 = arith.constant 0 : i32
      %dma_start3A_521 = tpu.memref_slice %arg8[%dma_start3A_518, %dma_start3A_519, %dma_start3A_520] : memref<2x128x128xf32, #tpu.memory_space<vmem>> -> memref<1x128x128xf32, #tpu.memory_space<vmem>>
      %dma_start3A_522 = tpu.memref_squeeze %dma_start3A_521 : memref<1x128x128xf32, #tpu.memory_space<vmem>> -> memref<128x128xf32, #tpu.memory_space<vmem>>
      %dma_start3A_523 = arith.constant 0 : i32
      %dma_start3A_524 = tpu.memref_slice %arg6[%add3A_517, %dma_start3A_523] : memref<40x128xi32, #tpu.memory_space<vmem>> -> memref<1x128xi32, #tpu.memory_space<vmem>>
      %dma_start3A_525 = tpu.memref_squeeze %dma_start3A_524 : memref<1x128xi32, #tpu.memory_space<vmem>> -> memref<128xi32, #tpu.memory_space<vmem>>
      %dma_start3A_526 = arith.constant 0 : i32
      %dma_start3A_527 = arith.constant 0 : i32
      %dma_start3A_528 = tpu.memref_slice %arg2[%dma_start3A_526, %dma_start3A_527] : memref<10240x128xf32, #tpu.memory_space<hbm>> -> memref<10240x128xf32, #tpu.memory_space<hbm>>
      tpu.enqueue_indirect_dma source(%dma_start3A_528 : memref<10240x128xf32, #tpu.memory_space<hbm>>) target(%dma_start3A_522 : memref<128x128xf32, #tpu.memory_space<vmem>>) offsets(%dma_start3A_525 : memref<128xi32, #tpu.memory_space<vmem>>) semaphore(%arg10 : memref<!tpu.dma_semaphore, #tpu.memory_space<semaphore_mem>>)
      %scan3A_529 = arith.constant 0 : i32
      scf.yield %scan3A_529 : i32
    }
    %scan3A_119 = arith.constant 18 : i32
    %dma_wait3A_120 = arith.constant 0 : i32
    %dma_wait3A_121 = arith.constant 0 : i32
    %dma_wait3A_122 = arith.constant 0 : i32
    %dma_wait3A_123 = arith.constant 0 : i32
    %dma_wait3A_124 = tpu.memref_slice %arg8[%dma_wait3A_121, %dma_wait3A_122, %dma_wait3A_123] : memref<2x128x128xf32, #tpu.memory_space<vmem>> -> memref<1x128x128xf32, #tpu.memory_space<vmem>>
    %dma_wait3A_125 = tpu.memref_squeeze %dma_wait3A_124 : memref<1x128x128xf32, #tpu.memory_space<vmem>> -> memref<128x128xf32, #tpu.memory_space<vmem>>
    %dma_wait3A_126 = arith.constant 0 : i32
    %dma_wait3A_127 = tpu.memref_slice %arg6[%dma_wait3A_120, %dma_wait3A_126] : memref<40x128xi32, #tpu.memory_space<vmem>> -> memref<1x128xi32, #tpu.memory_space<vmem>>
    %dma_wait3A_128 = tpu.memref_squeeze %dma_wait3A_127 : memref<1x128xi32, #tpu.memory_space<vmem>> -> memref<128xi32, #tpu.memory_space<vmem>>
    %dma_wait3A_129 = arith.constant 0 : i32
    %dma_wait3A_130 = arith.constant 0 : i32
    %dma_wait3A_131 = tpu.memref_slice %arg2[%dma_wait3A_129, %dma_wait3A_130] : memref<10240x128xf32, #tpu.memory_space<hbm>> -> memref<10240x128xf32, #tpu.memory_space<hbm>>
    tpu.wait_indirect_dma semaphore(%arg10 : memref<!tpu.dma_semaphore, #tpu.memory_space<semaphore_mem>>) src(%dma_wait3A_131 : memref<10240x128xf32, #tpu.memory_space<hbm>>) dst(%dma_wait3A_125 : memref<128x128xf32, #tpu.memory_space<vmem>>)
    %dma_start3A_132 = arith.constant 0 : i32
    %dma_start3A_133 = arith.constant 38 : i32
    %dma_start3A_134 = arith.constant 0 : i32
    %dma_start3A_135 = arith.constant 0 : i32
    %dma_start3A_136 = tpu.memref_slice %arg8[%dma_start3A_132, %dma_start3A_134, %dma_start3A_135] : memref<2x128x128xf32, #tpu.memory_space<vmem>> -> memref<1x128x128xf32, #tpu.memory_space<vmem>>
    %dma_start3A_137 = tpu.memref_squeeze %dma_start3A_136 : memref<1x128x128xf32, #tpu.memory_space<vmem>> -> memref<128x128xf32, #tpu.memory_space<vmem>>
    %dma_start3A_138 = arith.constant 0 : i32
    %dma_start3A_139 = tpu.memref_slice %arg7[%dma_start3A_133, %dma_start3A_138] : memref<40x128xi32, #tpu.memory_space<vmem>> -> memref<1x128xi32, #tpu.memory_space<vmem>>
    %dma_start3A_140 = tpu.memref_squeeze %dma_start3A_139 : memref<1x128xi32, #tpu.memory_space<vmem>> -> memref<128xi32, #tpu.memory_space<vmem>>
    %dma_start3A_141 = arith.constant 0 : i32
    %dma_start3A_142 = arith.constant 0 : i32
    %dma_start3A_143 = tpu.memref_slice %arg9[%dma_start3A_141, %dma_start3A_142] : memref<10240x128xf32, #tpu.memory_space<vmem_shared>> -> memref<10240x128xf32, #tpu.memory_space<vmem_shared>>
    tpu.enqueue_indirect_dma source(%dma_start3A_137 : memref<128x128xf32, #tpu.memory_space<vmem>>) target(%dma_start3A_143 : memref<10240x128xf32, #tpu.memory_space<vmem_shared>>) offsets(%dma_start3A_140 : memref<128xi32, #tpu.memory_space<vmem>>) semaphore(%arg12 : memref<!tpu.dma_semaphore, #tpu.memory_space<semaphore_mem>>) {add = true}
    %dma_wait3A_144 = arith.constant 1 : i32
    %dma_wait3A_145 = arith.constant 0 : i32
    %dma_wait3A_146 = arith.constant 0 : i32
    %dma_wait3A_147 = arith.constant 0 : i32
    %dma_wait3A_148 = tpu.memref_slice %arg8[%dma_wait3A_144, %dma_wait3A_146, %dma_wait3A_147] : memref<2x128x128xf32, #tpu.memory_space<vmem>> -> memref<1x128x128xf32, #tpu.memory_space<vmem>>
    %dma_wait3A_149 = tpu.memref_squeeze %dma_wait3A_148 : memref<1x128x128xf32, #tpu.memory_space<vmem>> -> memref<128x128xf32, #tpu.memory_space<vmem>>
    %dma_wait3A_150 = arith.constant 0 : i32
    %dma_wait3A_151 = tpu.memref_slice %arg7[%dma_wait3A_145, %dma_wait3A_150] : memref<40x128xi32, #tpu.memory_space<vmem>> -> memref<1x128xi32, #tpu.memory_space<vmem>>
    %dma_wait3A_152 = tpu.memref_squeeze %dma_wait3A_151 : memref<1x128xi32, #tpu.memory_space<vmem>> -> memref<128xi32, #tpu.memory_space<vmem>>
    %dma_wait3A_153 = arith.constant 0 : i32
    %dma_wait3A_154 = arith.constant 0 : i32
    %dma_wait3A_155 = tpu.memref_slice %arg9[%dma_wait3A_153, %dma_wait3A_154] : memref<10240x128xf32, #tpu.memory_space<vmem_shared>> -> memref<10240x128xf32, #tpu.memory_space<vmem_shared>>
    tpu.wait_indirect_dma semaphore(%arg13 : memref<!tpu.dma_semaphore, #tpu.memory_space<semaphore_mem>>) src(%dma_wait3A_149 : memref<128x128xf32, #tpu.memory_space<vmem>>) dst(%dma_wait3A_155 : memref<10240x128xf32, #tpu.memory_space<vmem_shared>>)
    %dma_start3A_156 = arith.constant 39 : i32
    %dma_start3A_157 = arith.constant 1 : i32
    %dma_start3A_158 = arith.constant 0 : i32
    %dma_start3A_159 = arith.constant 0 : i32
    %dma_start3A_160 = tpu.memref_slice %arg8[%dma_start3A_157, %dma_start3A_158, %dma_start3A_159] : memref<2x128x128xf32, #tpu.memory_space<vmem>> -> memref<1x128x128xf32, #tpu.memory_space<vmem>>
    %dma_start3A_161 = tpu.memref_squeeze %dma_start3A_160 : memref<1x128x128xf32, #tpu.memory_space<vmem>> -> memref<128x128xf32, #tpu.memory_space<vmem>>
    %dma_start3A_162 = arith.constant 0 : i32
    %dma_start3A_163 = tpu.memref_slice %arg6[%dma_start3A_156, %dma_start3A_162] : memref<40x128xi32, #tpu.memory_space<vmem>> -> memref<1x128xi32, #tpu.memory_space<vmem>>
    %dma_start3A_164 = tpu.memref_squeeze %dma_start3A_163 : memref<1x128xi32, #tpu.memory_space<vmem>> -> memref<128xi32, #tpu.memory_space<vmem>>
    %dma_start3A_165 = arith.constant 0 : i32
    %dma_start3A_166 = arith.constant 0 : i32
    %dma_start3A_167 = tpu.memref_slice %arg2[%dma_start3A_165, %dma_start3A_166] : memref<10240x128xf32, #tpu.memory_space<hbm>> -> memref<10240x128xf32, #tpu.memory_space<hbm>>
    tpu.enqueue_indirect_dma source(%dma_start3A_167 : memref<10240x128xf32, #tpu.memory_space<hbm>>) target(%dma_start3A_161 : memref<128x128xf32, #tpu.memory_space<vmem>>) offsets(%dma_start3A_164 : memref<128xi32, #tpu.memory_space<vmem>>) semaphore(%arg11 : memref<!tpu.dma_semaphore, #tpu.memory_space<semaphore_mem>>)
    %dma_wait3A_168 = arith.constant 0 : i32
    %dma_wait3A_169 = arith.constant 1 : i32
    %dma_wait3A_170 = arith.constant 0 : i32
    %dma_wait3A_171 = arith.constant 0 : i32
    %dma_wait3A_172 = tpu.memref_slice %arg8[%dma_wait3A_169, %dma_wait3A_170, %dma_wait3A_171] : memref<2x128x128xf32, #tpu.memory_space<vmem>> -> memref<1x128x128xf32, #tpu.memory_space<vmem>>
    %dma_wait3A_173 = tpu.memref_squeeze %dma_wait3A_172 : memref<1x128x128xf32, #tpu.memory_space<vmem>> -> memref<128x128xf32, #tpu.memory_space<vmem>>
    %dma_wait3A_174 = arith.constant 0 : i32
    %dma_wait3A_175 = tpu.memref_slice %arg6[%dma_wait3A_168, %dma_wait3A_174] : memref<40x128xi32, #tpu.memory_space<vmem>> -> memref<1x128xi32, #tpu.memory_space<vmem>>
    %dma_wait3A_176 = tpu.memref_squeeze %dma_wait3A_175 : memref<1x128xi32, #tpu.memory_space<vmem>> -> memref<128xi32, #tpu.memory_space<vmem>>
    %dma_wait3A_177 = arith.constant 0 : i32
    %dma_wait3A_178 = arith.constant 0 : i32
    %dma_wait3A_179 = tpu.memref_slice %arg2[%dma_wait3A_177, %dma_wait3A_178] : memref<10240x128xf32, #tpu.memory_space<hbm>> -> memref<10240x128xf32, #tpu.memory_space<hbm>>
    tpu.wait_indirect_dma semaphore(%arg11 : memref<!tpu.dma_semaphore, #tpu.memory_space<semaphore_mem>>) src(%dma_wait3A_179 : memref<10240x128xf32, #tpu.memory_space<hbm>>) dst(%dma_wait3A_173 : memref<128x128xf32, #tpu.memory_space<vmem>>)
    %dma_start3A_180 = arith.constant 1 : i32
    %dma_start3A_181 = arith.constant 39 : i32
    %dma_start3A_182 = arith.constant 0 : i32
    %dma_start3A_183 = arith.constant 0 : i32
    %dma_start3A_184 = tpu.memref_slice %arg8[%dma_start3A_180, %dma_start3A_182, %dma_start3A_183] : memref<2x128x128xf32, #tpu.memory_space<vmem>> -> memref<1x128x128xf32, #tpu.memory_space<vmem>>
    %dma_start3A_185 = tpu.memref_squeeze %dma_start3A_184 : memref<1x128x128xf32, #tpu.memory_space<vmem>> -> memref<128x128xf32, #tpu.memory_space<vmem>>
    %dma_start3A_186 = arith.constant 0 : i32
    %dma_start3A_187 = tpu.memref_slice %arg7[%dma_start3A_181, %dma_start3A_186] : memref<40x128xi32, #tpu.memory_space<vmem>> -> memref<1x128xi32, #tpu.memory_space<vmem>>
    %dma_start3A_188 = tpu.memref_squeeze %dma_start3A_187 : memref<1x128xi32, #tpu.memory_space<vmem>> -> memref<128xi32, #tpu.memory_space<vmem>>
    %dma_start3A_189 = arith.constant 0 : i32
    %dma_start3A_190 = arith.constant 0 : i32
    %dma_start3A_191 = tpu.memref_slice %arg9[%dma_start3A_189, %dma_start3A_190] : memref<10240x128xf32, #tpu.memory_space<vmem_shared>> -> memref<10240x128xf32, #tpu.memory_space<vmem_shared>>
    tpu.enqueue_indirect_dma source(%dma_start3A_185 : memref<128x128xf32, #tpu.memory_space<vmem>>) target(%dma_start3A_191 : memref<10240x128xf32, #tpu.memory_space<vmem_shared>>) offsets(%dma_start3A_188 : memref<128xi32, #tpu.memory_space<vmem>>) semaphore(%arg13 : memref<!tpu.dma_semaphore, #tpu.memory_space<semaphore_mem>>) {add = true}
    %dma_wait3A_192 = arith.constant 0 : i32
    %dma_wait3A_193 = arith.constant 0 : i32
    %dma_wait3A_194 = arith.constant 0 : i32
    %dma_wait3A_195 = arith.constant 0 : i32
    %dma_wait3A_196 = tpu.memref_slice %arg8[%dma_wait3A_192, %dma_wait3A_194, %dma_wait3A_195] : memref<2x128x128xf32, #tpu.memory_space<vmem>> -> memref<1x128x128xf32, #tpu.memory_space<vmem>>
    %dma_wait3A_197 = tpu.memref_squeeze %dma_wait3A_196 : memref<1x128x128xf32, #tpu.memory_space<vmem>> -> memref<128x128xf32, #tpu.memory_space<vmem>>
    %dma_wait3A_198 = arith.constant 0 : i32
    %dma_wait3A_199 = tpu.memref_slice %arg7[%dma_wait3A_193, %dma_wait3A_198] : memref<40x128xi32, #tpu.memory_space<vmem>> -> memref<1x128xi32, #tpu.memory_space<vmem>>
    %dma_wait3A_200 = tpu.memref_squeeze %dma_wait3A_199 : memref<1x128xi32, #tpu.memory_space<vmem>> -> memref<128xi32, #tpu.memory_space<vmem>>
    %dma_wait3A_201 = arith.constant 0 : i32
    %dma_wait3A_202 = arith.constant 0 : i32
    %dma_wait3A_203 = tpu.memref_slice %arg9[%dma_wait3A_201, %dma_wait3A_202] : memref<10240x128xf32, #tpu.memory_space<vmem_shared>> -> memref<10240x128xf32, #tpu.memory_space<vmem_shared>>
    tpu.wait_indirect_dma semaphore(%arg12 : memref<!tpu.dma_semaphore, #tpu.memory_space<semaphore_mem>>) src(%dma_wait3A_197 : memref<128x128xf32, #tpu.memory_space<vmem>>) dst(%dma_wait3A_203 : memref<10240x128xf32, #tpu.memory_space<vmem_shared>>)
    %dma_wait3A_204 = arith.constant 1 : i32
    %dma_wait3A_205 = arith.constant 0 : i32
    %dma_wait3A_206 = arith.constant 0 : i32
    %dma_wait3A_207 = arith.constant 0 : i32
    %dma_wait3A_208 = tpu.memref_slice %arg8[%dma_wait3A_204, %dma_wait3A_206, %dma_wait3A_207] : memref<2x128x128xf32, #tpu.memory_space<vmem>> -> memref<1x128x128xf32, #tpu.memory_space<vmem>>
    %dma_wait3A_209 = tpu.memref_squeeze %dma_wait3A_208 : memref<1x128x128xf32, #tpu.memory_space<vmem>> -> memref<128x128xf32, #tpu.memory_space<vmem>>
    %dma_wait3A_210 = arith.constant 0 : i32
    %dma_wait3A_211 = tpu.memref_slice %arg7[%dma_wait3A_205, %dma_wait3A_210] : memref<40x128xi32, #tpu.memory_space<vmem>> -> memref<1x128xi32, #tpu.memory_space<vmem>>
    %dma_wait3A_212 = tpu.memref_squeeze %dma_wait3A_211 : memref<1x128xi32, #tpu.memory_space<vmem>> -> memref<128xi32, #tpu.memory_space<vmem>>
    %dma_wait3A_213 = arith.constant 0 : i32
    %dma_wait3A_214 = arith.constant 0 : i32
    %dma_wait3A_215 = tpu.memref_slice %arg9[%dma_wait3A_213, %dma_wait3A_214] : memref<10240x128xf32, #tpu.memory_space<vmem_shared>> -> memref<10240x128xf32, #tpu.memory_space<vmem_shared>>
    tpu.wait_indirect_dma semaphore(%arg13 : memref<!tpu.dma_semaphore, #tpu.memory_space<semaphore_mem>>) src(%dma_wait3A_209 : memref<128x128xf32, #tpu.memory_space<vmem>>) dst(%dma_wait3A_215 : memref<10240x128xf32, #tpu.memory_space<vmem_shared>>)
    %mul3A_216 = arith.constant 80 : i32
    %mul3A_217 = arith.muli %add3A, %mul3A_216 : i32
    %add3A_218 = arith.constant 40 : i32
    %add3A_219 = arith.addi %mul3A_217, %add3A_218 : i32
    "tpu.region"() ({
      %run_scoped3A = tpu.sem_alloc : memref<!tpu.dma_semaphore, #tpu.memory_space<semaphore_mem>>
      %dma_start3A_427 = arith.constant 0 : i32
      %dma_start3A_428 = tpu.memref_slice %arg3[%add3A_219, %dma_start3A_427] : memref<2560x128xi32, #tpu.memory_space<hbm>> -> memref<40x128xi32, #tpu.memory_space<hbm>>
      %dma_start3A_429 = arith.constant 0 : i32
      %dma_start3A_430 = tpu.memref_slice %arg3[%add3A_219, %dma_start3A_429] : memref<2560x128xi32, #tpu.memory_space<hbm>> -> memref<40x128xi32, #tpu.memory_space<hbm>>
      tpu.enqueue_dma source(%dma_start3A_430 : memref<40x128xi32, #tpu.memory_space<hbm>>) target(%arg6 : memref<40x128xi32, #tpu.memory_space<vmem>>) target_semaphore(%run_scoped3A : memref<!tpu.dma_semaphore, #tpu.memory_space<semaphore_mem>>)
      %dma_wait3A_431 = arith.constant 0 : i32
      %dma_wait3A_432 = tpu.memref_slice %arg3[%add3A_219, %dma_wait3A_431] : memref<2560x128xi32, #tpu.memory_space<hbm>> -> memref<40x128xi32, #tpu.memory_space<hbm>>
      %dma_wait3A_433 = arith.constant 0 : i32
      %dma_wait3A_434 = tpu.memref_slice %arg3[%add3A_219, %dma_wait3A_433] : memref<2560x128xi32, #tpu.memory_space<hbm>> -> memref<40x128xi32, #tpu.memory_space<hbm>>
      tpu.wait_dma2 semaphore(%run_scoped3A : memref<!tpu.dma_semaphore, #tpu.memory_space<semaphore_mem>>) src(%dma_wait3A_434 : memref<40x128xi32, #tpu.memory_space<hbm>>) dst(%arg6 : memref<40x128xi32, #tpu.memory_space<vmem>>)
      tpu.yield
    }) : () -> ()
    "tpu.region"() ({
      %run_scoped3A = tpu.sem_alloc : memref<!tpu.dma_semaphore, #tpu.memory_space<semaphore_mem>>
      %dma_start3A_427 = arith.constant 0 : i32
      %dma_start3A_428 = tpu.memref_slice %arg4[%add3A_219, %dma_start3A_427] : memref<2560x128xi32, #tpu.memory_space<hbm>> -> memref<40x128xi32, #tpu.memory_space<hbm>>
      %dma_start3A_429 = arith.constant 0 : i32
      %dma_start3A_430 = tpu.memref_slice %arg4[%add3A_219, %dma_start3A_429] : memref<2560x128xi32, #tpu.memory_space<hbm>> -> memref<40x128xi32, #tpu.memory_space<hbm>>
      tpu.enqueue_dma source(%dma_start3A_430 : memref<40x128xi32, #tpu.memory_space<hbm>>) target(%arg7 : memref<40x128xi32, #tpu.memory_space<vmem>>) target_semaphore(%run_scoped3A : memref<!tpu.dma_semaphore, #tpu.memory_space<semaphore_mem>>)
      %dma_wait3A_431 = arith.constant 0 : i32
      %dma_wait3A_432 = tpu.memref_slice %arg4[%add3A_219, %dma_wait3A_431] : memref<2560x128xi32, #tpu.memory_space<hbm>> -> memref<40x128xi32, #tpu.memory_space<hbm>>
      %dma_wait3A_433 = arith.constant 0 : i32
      %dma_wait3A_434 = tpu.memref_slice %arg4[%add3A_219, %dma_wait3A_433] : memref<2560x128xi32, #tpu.memory_space<hbm>> -> memref<40x128xi32, #tpu.memory_space<hbm>>
      tpu.wait_dma2 semaphore(%run_scoped3A : memref<!tpu.dma_semaphore, #tpu.memory_space<semaphore_mem>>) src(%dma_wait3A_434 : memref<40x128xi32, #tpu.memory_space<hbm>>) dst(%arg7 : memref<40x128xi32, #tpu.memory_space<vmem>>)
      tpu.yield
    }) : () -> ()
    %dma_start3A_220 = arith.constant 0 : i32
    %dma_start3A_221 = arith.constant 0 : i32
    %dma_start3A_222 = arith.constant 0 : i32
    %dma_start3A_223 = arith.constant 0 : i32
    %dma_start3A_224 = tpu.memref_slice %arg8[%dma_start3A_221, %dma_start3A_222, %dma_start3A_223] : memref<2x128x128xf32, #tpu.memory_space<vmem>> -> memref<1x128x128xf32, #tpu.memory_space<vmem>>
    %dma_start3A_225 = tpu.memref_squeeze %dma_start3A_224 : memref<1x128x128xf32, #tpu.memory_space<vmem>> -> memref<128x128xf32, #tpu.memory_space<vmem>>
    %dma_start3A_226 = arith.constant 0 : i32
    %dma_start3A_227 = tpu.memref_slice %arg6[%dma_start3A_220, %dma_start3A_226] : memref<40x128xi32, #tpu.memory_space<vmem>> -> memref<1x128xi32, #tpu.memory_space<vmem>>
    %dma_start3A_228 = tpu.memref_squeeze %dma_start3A_227 : memref<1x128xi32, #tpu.memory_space<vmem>> -> memref<128xi32, #tpu.memory_space<vmem>>
    %dma_start3A_229 = arith.constant 0 : i32
    %dma_start3A_230 = arith.constant 0 : i32
    %dma_start3A_231 = tpu.memref_slice %arg2[%dma_start3A_229, %dma_start3A_230] : memref<10240x128xf32, #tpu.memory_space<hbm>> -> memref<10240x128xf32, #tpu.memory_space<hbm>>
    tpu.enqueue_indirect_dma source(%dma_start3A_231 : memref<10240x128xf32, #tpu.memory_space<hbm>>) target(%dma_start3A_225 : memref<128x128xf32, #tpu.memory_space<vmem>>) offsets(%dma_start3A_228 : memref<128xi32, #tpu.memory_space<vmem>>) semaphore(%arg10 : memref<!tpu.dma_semaphore, #tpu.memory_space<semaphore_mem>>)
    %dma_wait3A_232 = arith.constant 0 : i32
    %dma_wait3A_233 = arith.constant 0 : i32
    %dma_wait3A_234 = arith.constant 0 : i32
    %dma_wait3A_235 = arith.constant 0 : i32
    %dma_wait3A_236 = tpu.memref_slice %arg8[%dma_wait3A_233, %dma_wait3A_234, %dma_wait3A_235] : memref<2x128x128xf32, #tpu.memory_space<vmem>> -> memref<1x128x128xf32, #tpu.memory_space<vmem>>
    %dma_wait3A_237 = tpu.memref_squeeze %dma_wait3A_236 : memref<1x128x128xf32, #tpu.memory_space<vmem>> -> memref<128x128xf32, #tpu.memory_space<vmem>>
    %dma_wait3A_238 = arith.constant 0 : i32
    %dma_wait3A_239 = tpu.memref_slice %arg6[%dma_wait3A_232, %dma_wait3A_238] : memref<40x128xi32, #tpu.memory_space<vmem>> -> memref<1x128xi32, #tpu.memory_space<vmem>>
    %dma_wait3A_240 = tpu.memref_squeeze %dma_wait3A_239 : memref<1x128xi32, #tpu.memory_space<vmem>> -> memref<128xi32, #tpu.memory_space<vmem>>
    %dma_wait3A_241 = arith.constant 0 : i32
    %dma_wait3A_242 = arith.constant 0 : i32
    %dma_wait3A_243 = tpu.memref_slice %arg2[%dma_wait3A_241, %dma_wait3A_242] : memref<10240x128xf32, #tpu.memory_space<hbm>> -> memref<10240x128xf32, #tpu.memory_space<hbm>>
    tpu.wait_indirect_dma semaphore(%arg10 : memref<!tpu.dma_semaphore, #tpu.memory_space<semaphore_mem>>) src(%dma_wait3A_243 : memref<10240x128xf32, #tpu.memory_space<hbm>>) dst(%dma_wait3A_237 : memref<128x128xf32, #tpu.memory_space<vmem>>)
    %dma_start3A_244 = arith.constant 0 : i32
    %dma_start3A_245 = arith.constant 0 : i32
    %dma_start3A_246 = arith.constant 0 : i32
    %dma_start3A_247 = arith.constant 0 : i32
    %dma_start3A_248 = tpu.memref_slice %arg8[%dma_start3A_244, %dma_start3A_246, %dma_start3A_247] : memref<2x128x128xf32, #tpu.memory_space<vmem>> -> memref<1x128x128xf32, #tpu.memory_space<vmem>>
    %dma_start3A_249 = tpu.memref_squeeze %dma_start3A_248 : memref<1x128x128xf32, #tpu.memory_space<vmem>> -> memref<128x128xf32, #tpu.memory_space<vmem>>
    %dma_start3A_250 = arith.constant 0 : i32
    %dma_start3A_251 = tpu.memref_slice %arg7[%dma_start3A_245, %dma_start3A_250] : memref<40x128xi32, #tpu.memory_space<vmem>> -> memref<1x128xi32, #tpu.memory_space<vmem>>
    %dma_start3A_252 = tpu.memref_squeeze %dma_start3A_251 : memref<1x128xi32, #tpu.memory_space<vmem>> -> memref<128xi32, #tpu.memory_space<vmem>>
    %dma_start3A_253 = arith.constant 0 : i32
    %dma_start3A_254 = arith.constant 0 : i32
    %dma_start3A_255 = tpu.memref_slice %arg9[%dma_start3A_253, %dma_start3A_254] : memref<10240x128xf32, #tpu.memory_space<vmem_shared>> -> memref<10240x128xf32, #tpu.memory_space<vmem_shared>>
    tpu.enqueue_indirect_dma source(%dma_start3A_249 : memref<128x128xf32, #tpu.memory_space<vmem>>) target(%dma_start3A_255 : memref<10240x128xf32, #tpu.memory_space<vmem_shared>>) offsets(%dma_start3A_252 : memref<128xi32, #tpu.memory_space<vmem>>) semaphore(%arg12 : memref<!tpu.dma_semaphore, #tpu.memory_space<semaphore_mem>>) {add = true}
    %dma_start3A_256 = arith.constant 1 : i32
    %dma_start3A_257 = arith.constant 1 : i32
    %dma_start3A_258 = arith.constant 0 : i32
    %dma_start3A_259 = arith.constant 0 : i32
    %dma_start3A_260 = tpu.memref_slice %arg8[%dma_start3A_257, %dma_start3A_258, %dma_start3A_259] : memref<2x128x128xf32, #tpu.memory_space<vmem>> -> memref<1x128x128xf32, #tpu.memory_space<vmem>>
    %dma_start3A_261 = tpu.memref_squeeze %dma_start3A_260 : memref<1x128x128xf32, #tpu.memory_space<vmem>> -> memref<128x128xf32, #tpu.memory_space<vmem>>
    %dma_start3A_262 = arith.constant 0 : i32
    %dma_start3A_263 = tpu.memref_slice %arg6[%dma_start3A_256, %dma_start3A_262] : memref<40x128xi32, #tpu.memory_space<vmem>> -> memref<1x128xi32, #tpu.memory_space<vmem>>
    %dma_start3A_264 = tpu.memref_squeeze %dma_start3A_263 : memref<1x128xi32, #tpu.memory_space<vmem>> -> memref<128xi32, #tpu.memory_space<vmem>>
    %dma_start3A_265 = arith.constant 0 : i32
    %dma_start3A_266 = arith.constant 0 : i32
    %dma_start3A_267 = tpu.memref_slice %arg2[%dma_start3A_265, %dma_start3A_266] : memref<10240x128xf32, #tpu.memory_space<hbm>> -> memref<10240x128xf32, #tpu.memory_space<hbm>>
    tpu.enqueue_indirect_dma source(%dma_start3A_267 : memref<10240x128xf32, #tpu.memory_space<hbm>>) target(%dma_start3A_261 : memref<128x128xf32, #tpu.memory_space<vmem>>) offsets(%dma_start3A_264 : memref<128xi32, #tpu.memory_space<vmem>>) semaphore(%arg11 : memref<!tpu.dma_semaphore, #tpu.memory_space<semaphore_mem>>)
    %dma_wait3A_268 = arith.constant 0 : i32
    %dma_wait3A_269 = arith.constant 1 : i32
    %dma_wait3A_270 = arith.constant 0 : i32
    %dma_wait3A_271 = arith.constant 0 : i32
    %dma_wait3A_272 = tpu.memref_slice %arg8[%dma_wait3A_269, %dma_wait3A_270, %dma_wait3A_271] : memref<2x128x128xf32, #tpu.memory_space<vmem>> -> memref<1x128x128xf32, #tpu.memory_space<vmem>>
    %dma_wait3A_273 = tpu.memref_squeeze %dma_wait3A_272 : memref<1x128x128xf32, #tpu.memory_space<vmem>> -> memref<128x128xf32, #tpu.memory_space<vmem>>
    %dma_wait3A_274 = arith.constant 0 : i32
    %dma_wait3A_275 = tpu.memref_slice %arg6[%dma_wait3A_268, %dma_wait3A_274] : memref<40x128xi32, #tpu.memory_space<vmem>> -> memref<1x128xi32, #tpu.memory_space<vmem>>
    %dma_wait3A_276 = tpu.memref_squeeze %dma_wait3A_275 : memref<1x128xi32, #tpu.memory_space<vmem>> -> memref<128xi32, #tpu.memory_space<vmem>>
    %dma_wait3A_277 = arith.constant 0 : i32
    %dma_wait3A_278 = arith.constant 0 : i32
    %dma_wait3A_279 = tpu.memref_slice %arg2[%dma_wait3A_277, %dma_wait3A_278] : memref<10240x128xf32, #tpu.memory_space<hbm>> -> memref<10240x128xf32, #tpu.memory_space<hbm>>
    tpu.wait_indirect_dma semaphore(%arg11 : memref<!tpu.dma_semaphore, #tpu.memory_space<semaphore_mem>>) src(%dma_wait3A_279 : memref<10240x128xf32, #tpu.memory_space<hbm>>) dst(%dma_wait3A_273 : memref<128x128xf32, #tpu.memory_space<vmem>>)
    %dma_start3A_280 = arith.constant 1 : i32
    %dma_start3A_281 = arith.constant 1 : i32
    %dma_start3A_282 = arith.constant 0 : i32
    %dma_start3A_283 = arith.constant 0 : i32
    %dma_start3A_284 = tpu.memref_slice %arg8[%dma_start3A_280, %dma_start3A_282, %dma_start3A_283] : memref<2x128x128xf32, #tpu.memory_space<vmem>> -> memref<1x128x128xf32, #tpu.memory_space<vmem>>
    %dma_start3A_285 = tpu.memref_squeeze %dma_start3A_284 : memref<1x128x128xf32, #tpu.memory_space<vmem>> -> memref<128x128xf32, #tpu.memory_space<vmem>>
    %dma_start3A_286 = arith.constant 0 : i32
    %dma_start3A_287 = tpu.memref_slice %arg7[%dma_start3A_281, %dma_start3A_286] : memref<40x128xi32, #tpu.memory_space<vmem>> -> memref<1x128xi32, #tpu.memory_space<vmem>>
    %dma_start3A_288 = tpu.memref_squeeze %dma_start3A_287 : memref<1x128xi32, #tpu.memory_space<vmem>> -> memref<128xi32, #tpu.memory_space<vmem>>
    %dma_start3A_289 = arith.constant 0 : i32
    %dma_start3A_290 = arith.constant 0 : i32
    %dma_start3A_291 = tpu.memref_slice %arg9[%dma_start3A_289, %dma_start3A_290] : memref<10240x128xf32, #tpu.memory_space<vmem_shared>> -> memref<10240x128xf32, #tpu.memory_space<vmem_shared>>
    tpu.enqueue_indirect_dma source(%dma_start3A_285 : memref<128x128xf32, #tpu.memory_space<vmem>>) target(%dma_start3A_291 : memref<10240x128xf32, #tpu.memory_space<vmem_shared>>) offsets(%dma_start3A_288 : memref<128xi32, #tpu.memory_space<vmem>>) semaphore(%arg13 : memref<!tpu.dma_semaphore, #tpu.memory_space<semaphore_mem>>) {add = true}
    %dma_wait3A_292 = arith.constant 0 : i32
    %dma_wait3A_293 = arith.constant 0 : i32
    %dma_wait3A_294 = arith.constant 0 : i32
    %dma_wait3A_295 = arith.constant 0 : i32
    %dma_wait3A_296 = tpu.memref_slice %arg8[%dma_wait3A_292, %dma_wait3A_294, %dma_wait3A_295] : memref<2x128x128xf32, #tpu.memory_space<vmem>> -> memref<1x128x128xf32, #tpu.memory_space<vmem>>
    %dma_wait3A_297 = tpu.memref_squeeze %dma_wait3A_296 : memref<1x128x128xf32, #tpu.memory_space<vmem>> -> memref<128x128xf32, #tpu.memory_space<vmem>>
    %dma_wait3A_298 = arith.constant 0 : i32
    %dma_wait3A_299 = tpu.memref_slice %arg7[%dma_wait3A_293, %dma_wait3A_298] : memref<40x128xi32, #tpu.memory_space<vmem>> -> memref<1x128xi32, #tpu.memory_space<vmem>>
    %dma_wait3A_300 = tpu.memref_squeeze %dma_wait3A_299 : memref<1x128xi32, #tpu.memory_space<vmem>> -> memref<128xi32, #tpu.memory_space<vmem>>
    %dma_wait3A_301 = arith.constant 0 : i32
    %dma_wait3A_302 = arith.constant 0 : i32
    %dma_wait3A_303 = tpu.memref_slice %arg9[%dma_wait3A_301, %dma_wait3A_302] : memref<10240x128xf32, #tpu.memory_space<vmem_shared>> -> memref<10240x128xf32, #tpu.memory_space<vmem_shared>>
    tpu.wait_indirect_dma semaphore(%arg12 : memref<!tpu.dma_semaphore, #tpu.memory_space<semaphore_mem>>) src(%dma_wait3A_297 : memref<128x128xf32, #tpu.memory_space<vmem>>) dst(%dma_wait3A_303 : memref<10240x128xf32, #tpu.memory_space<vmem_shared>>)
    %dma_start3A_304 = arith.constant 2 : i32
    %dma_start3A_305 = arith.constant 0 : i32
    %dma_start3A_306 = arith.constant 0 : i32
    %dma_start3A_307 = arith.constant 0 : i32
    %dma_start3A_308 = tpu.memref_slice %arg8[%dma_start3A_305, %dma_start3A_306, %dma_start3A_307] : memref<2x128x128xf32, #tpu.memory_space<vmem>> -> memref<1x128x128xf32, #tpu.memory_space<vmem>>
    %dma_start3A_309 = tpu.memref_squeeze %dma_start3A_308 : memref<1x128x128xf32, #tpu.memory_space<vmem>> -> memref<128x128xf32, #tpu.memory_space<vmem>>
    %dma_start3A_310 = arith.constant 0 : i32
    %dma_start3A_311 = tpu.memref_slice %arg6[%dma_start3A_304, %dma_start3A_310] : memref<40x128xi32, #tpu.memory_space<vmem>> -> memref<1x128xi32, #tpu.memory_space<vmem>>
    %dma_start3A_312 = tpu.memref_squeeze %dma_start3A_311 : memref<1x128xi32, #tpu.memory_space<vmem>> -> memref<128xi32, #tpu.memory_space<vmem>>
    %dma_start3A_313 = arith.constant 0 : i32
    %dma_start3A_314 = arith.constant 0 : i32
    %dma_start3A_315 = tpu.memref_slice %arg2[%dma_start3A_313, %dma_start3A_314] : memref<10240x128xf32, #tpu.memory_space<hbm>> -> memref<10240x128xf32, #tpu.memory_space<hbm>>
    tpu.enqueue_indirect_dma source(%dma_start3A_315 : memref<10240x128xf32, #tpu.memory_space<hbm>>) target(%dma_start3A_309 : memref<128x128xf32, #tpu.memory_space<vmem>>) offsets(%dma_start3A_312 : memref<128xi32, #tpu.memory_space<vmem>>) semaphore(%arg10 : memref<!tpu.dma_semaphore, #tpu.memory_space<semaphore_mem>>)
    %scan3A_316 = arith.constant 0 : i32
    %scan3A_317 = arith.constant 1 : i32
    %scan3A_318 = arith.constant 18 : i32
    %scan3A_319 = arith.addi %scan3A_317, %scan3A_318 : i32
    %scan3A_320 = arith.constant 1 : i32
    %scan3A_321 = scf.for %scan3A_427 = %scan3A_317 to %scan3A_319 step %scan3A_320 iter_args(%scan3A_428 = %scan3A_316) -> (i32)  : i32 {
      %mul3A_429 = arith.constant 2 : i32
      %mul3A_430 = arith.muli %mul3A_429, %scan3A_427 : i32
      %dma_wait3A_431 = arith.constant 0 : i32
      %dma_wait3A_432 = arith.constant 0 : i32
      %dma_wait3A_433 = arith.constant 0 : i32
      %dma_wait3A_434 = arith.constant 0 : i32
      %dma_wait3A_435 = tpu.memref_slice %arg8[%dma_wait3A_432, %dma_wait3A_433, %dma_wait3A_434] : memref<2x128x128xf32, #tpu.memory_space<vmem>> -> memref<1x128x128xf32, #tpu.memory_space<vmem>>
      %dma_wait3A_436 = tpu.memref_squeeze %dma_wait3A_435 : memref<1x128x128xf32, #tpu.memory_space<vmem>> -> memref<128x128xf32, #tpu.memory_space<vmem>>
      %dma_wait3A_437 = arith.constant 0 : i32
      %dma_wait3A_438 = tpu.memref_slice %arg6[%dma_wait3A_431, %dma_wait3A_437] : memref<40x128xi32, #tpu.memory_space<vmem>> -> memref<1x128xi32, #tpu.memory_space<vmem>>
      %dma_wait3A_439 = tpu.memref_squeeze %dma_wait3A_438 : memref<1x128xi32, #tpu.memory_space<vmem>> -> memref<128xi32, #tpu.memory_space<vmem>>
      %dma_wait3A_440 = arith.constant 0 : i32
      %dma_wait3A_441 = arith.constant 0 : i32
      %dma_wait3A_442 = tpu.memref_slice %arg2[%dma_wait3A_440, %dma_wait3A_441] : memref<10240x128xf32, #tpu.memory_space<hbm>> -> memref<10240x128xf32, #tpu.memory_space<hbm>>
      tpu.wait_indirect_dma semaphore(%arg10 : memref<!tpu.dma_semaphore, #tpu.memory_space<semaphore_mem>>) src(%dma_wait3A_442 : memref<10240x128xf32, #tpu.memory_space<hbm>>) dst(%dma_wait3A_436 : memref<128x128xf32, #tpu.memory_space<vmem>>)
      %dma_start3A_443 = arith.constant 0 : i32
      %dma_start3A_444 = arith.constant 0 : i32
      %dma_start3A_445 = arith.constant 0 : i32
      %dma_start3A_446 = tpu.memref_slice %arg8[%dma_start3A_443, %dma_start3A_444, %dma_start3A_445] : memref<2x128x128xf32, #tpu.memory_space<vmem>> -> memref<1x128x128xf32, #tpu.memory_space<vmem>>
      %dma_start3A_447 = tpu.memref_squeeze %dma_start3A_446 : memref<1x128x128xf32, #tpu.memory_space<vmem>> -> memref<128x128xf32, #tpu.memory_space<vmem>>
      %dma_start3A_448 = arith.constant 0 : i32
      %dma_start3A_449 = tpu.memref_slice %arg7[%mul3A_430, %dma_start3A_448] : memref<40x128xi32, #tpu.memory_space<vmem>> -> memref<1x128xi32, #tpu.memory_space<vmem>>
      %dma_start3A_450 = tpu.memref_squeeze %dma_start3A_449 : memref<1x128xi32, #tpu.memory_space<vmem>> -> memref<128xi32, #tpu.memory_space<vmem>>
      %dma_start3A_451 = arith.constant 0 : i32
      %dma_start3A_452 = arith.constant 0 : i32
      %dma_start3A_453 = tpu.memref_slice %arg9[%dma_start3A_451, %dma_start3A_452] : memref<10240x128xf32, #tpu.memory_space<vmem_shared>> -> memref<10240x128xf32, #tpu.memory_space<vmem_shared>>
      tpu.enqueue_indirect_dma source(%dma_start3A_447 : memref<128x128xf32, #tpu.memory_space<vmem>>) target(%dma_start3A_453 : memref<10240x128xf32, #tpu.memory_space<vmem_shared>>) offsets(%dma_start3A_450 : memref<128xi32, #tpu.memory_space<vmem>>) semaphore(%arg12 : memref<!tpu.dma_semaphore, #tpu.memory_space<semaphore_mem>>) {add = true}
      %dma_wait3A_454 = arith.constant 1 : i32
      %dma_wait3A_455 = arith.constant 0 : i32
      %dma_wait3A_456 = arith.constant 0 : i32
      %dma_wait3A_457 = arith.constant 0 : i32
      %dma_wait3A_458 = tpu.memref_slice %arg8[%dma_wait3A_454, %dma_wait3A_456, %dma_wait3A_457] : memref<2x128x128xf32, #tpu.memory_space<vmem>> -> memref<1x128x128xf32, #tpu.memory_space<vmem>>
      %dma_wait3A_459 = tpu.memref_squeeze %dma_wait3A_458 : memref<1x128x128xf32, #tpu.memory_space<vmem>> -> memref<128x128xf32, #tpu.memory_space<vmem>>
      %dma_wait3A_460 = arith.constant 0 : i32
      %dma_wait3A_461 = tpu.memref_slice %arg7[%dma_wait3A_455, %dma_wait3A_460] : memref<40x128xi32, #tpu.memory_space<vmem>> -> memref<1x128xi32, #tpu.memory_space<vmem>>
      %dma_wait3A_462 = tpu.memref_squeeze %dma_wait3A_461 : memref<1x128xi32, #tpu.memory_space<vmem>> -> memref<128xi32, #tpu.memory_space<vmem>>
      %dma_wait3A_463 = arith.constant 0 : i32
      %dma_wait3A_464 = arith.constant 0 : i32
      %dma_wait3A_465 = tpu.memref_slice %arg9[%dma_wait3A_463, %dma_wait3A_464] : memref<10240x128xf32, #tpu.memory_space<vmem_shared>> -> memref<10240x128xf32, #tpu.memory_space<vmem_shared>>
      tpu.wait_indirect_dma semaphore(%arg13 : memref<!tpu.dma_semaphore, #tpu.memory_space<semaphore_mem>>) src(%dma_wait3A_459 : memref<128x128xf32, #tpu.memory_space<vmem>>) dst(%dma_wait3A_465 : memref<10240x128xf32, #tpu.memory_space<vmem_shared>>)
      %add3A_466 = arith.constant 1 : i32
      %add3A_467 = arith.addi %mul3A_430, %add3A_466 : i32
      %dma_start3A_468 = arith.constant 1 : i32
      %dma_start3A_469 = arith.constant 0 : i32
      %dma_start3A_470 = arith.constant 0 : i32
      %dma_start3A_471 = tpu.memref_slice %arg8[%dma_start3A_468, %dma_start3A_469, %dma_start3A_470] : memref<2x128x128xf32, #tpu.memory_space<vmem>> -> memref<1x128x128xf32, #tpu.memory_space<vmem>>
      %dma_start3A_472 = tpu.memref_squeeze %dma_start3A_471 : memref<1x128x128xf32, #tpu.memory_space<vmem>> -> memref<128x128xf32, #tpu.memory_space<vmem>>
      %dma_start3A_473 = arith.constant 0 : i32
      %dma_start3A_474 = tpu.memref_slice %arg6[%add3A_467, %dma_start3A_473] : memref<40x128xi32, #tpu.memory_space<vmem>> -> memref<1x128xi32, #tpu.memory_space<vmem>>
      %dma_start3A_475 = tpu.memref_squeeze %dma_start3A_474 : memref<1x128xi32, #tpu.memory_space<vmem>> -> memref<128xi32, #tpu.memory_space<vmem>>
      %dma_start3A_476 = arith.constant 0 : i32
      %dma_start3A_477 = arith.constant 0 : i32
      %dma_start3A_478 = tpu.memref_slice %arg2[%dma_start3A_476, %dma_start3A_477] : memref<10240x128xf32, #tpu.memory_space<hbm>> -> memref<10240x128xf32, #tpu.memory_space<hbm>>
      tpu.enqueue_indirect_dma source(%dma_start3A_478 : memref<10240x128xf32, #tpu.memory_space<hbm>>) target(%dma_start3A_472 : memref<128x128xf32, #tpu.memory_space<vmem>>) offsets(%dma_start3A_475 : memref<128xi32, #tpu.memory_space<vmem>>) semaphore(%arg11 : memref<!tpu.dma_semaphore, #tpu.memory_space<semaphore_mem>>)
      %dma_wait3A_479 = arith.constant 0 : i32
      %dma_wait3A_480 = arith.constant 1 : i32
      %dma_wait3A_481 = arith.constant 0 : i32
      %dma_wait3A_482 = arith.constant 0 : i32
      %dma_wait3A_483 = tpu.memref_slice %arg8[%dma_wait3A_480, %dma_wait3A_481, %dma_wait3A_482] : memref<2x128x128xf32, #tpu.memory_space<vmem>> -> memref<1x128x128xf32, #tpu.memory_space<vmem>>
      %dma_wait3A_484 = tpu.memref_squeeze %dma_wait3A_483 : memref<1x128x128xf32, #tpu.memory_space<vmem>> -> memref<128x128xf32, #tpu.memory_space<vmem>>
      %dma_wait3A_485 = arith.constant 0 : i32
      %dma_wait3A_486 = tpu.memref_slice %arg6[%dma_wait3A_479, %dma_wait3A_485] : memref<40x128xi32, #tpu.memory_space<vmem>> -> memref<1x128xi32, #tpu.memory_space<vmem>>
      %dma_wait3A_487 = tpu.memref_squeeze %dma_wait3A_486 : memref<1x128xi32, #tpu.memory_space<vmem>> -> memref<128xi32, #tpu.memory_space<vmem>>
      %dma_wait3A_488 = arith.constant 0 : i32
      %dma_wait3A_489 = arith.constant 0 : i32
      %dma_wait3A_490 = tpu.memref_slice %arg2[%dma_wait3A_488, %dma_wait3A_489] : memref<10240x128xf32, #tpu.memory_space<hbm>> -> memref<10240x128xf32, #tpu.memory_space<hbm>>
      tpu.wait_indirect_dma semaphore(%arg11 : memref<!tpu.dma_semaphore, #tpu.memory_space<semaphore_mem>>) src(%dma_wait3A_490 : memref<10240x128xf32, #tpu.memory_space<hbm>>) dst(%dma_wait3A_484 : memref<128x128xf32, #tpu.memory_space<vmem>>)
      %add3A_491 = arith.constant 1 : i32
      %add3A_492 = arith.addi %mul3A_430, %add3A_491 : i32
      %dma_start3A_493 = arith.constant 1 : i32
      %dma_start3A_494 = arith.constant 0 : i32
      %dma_start3A_495 = arith.constant 0 : i32
      %dma_start3A_496 = tpu.memref_slice %arg8[%dma_start3A_493, %dma_start3A_494, %dma_start3A_495] : memref<2x128x128xf32, #tpu.memory_space<vmem>> -> memref<1x128x128xf32, #tpu.memory_space<vmem>>
      %dma_start3A_497 = tpu.memref_squeeze %dma_start3A_496 : memref<1x128x128xf32, #tpu.memory_space<vmem>> -> memref<128x128xf32, #tpu.memory_space<vmem>>
      %dma_start3A_498 = arith.constant 0 : i32
      %dma_start3A_499 = tpu.memref_slice %arg7[%add3A_492, %dma_start3A_498] : memref<40x128xi32, #tpu.memory_space<vmem>> -> memref<1x128xi32, #tpu.memory_space<vmem>>
      %dma_start3A_500 = tpu.memref_squeeze %dma_start3A_499 : memref<1x128xi32, #tpu.memory_space<vmem>> -> memref<128xi32, #tpu.memory_space<vmem>>
      %dma_start3A_501 = arith.constant 0 : i32
      %dma_start3A_502 = arith.constant 0 : i32
      %dma_start3A_503 = tpu.memref_slice %arg9[%dma_start3A_501, %dma_start3A_502] : memref<10240x128xf32, #tpu.memory_space<vmem_shared>> -> memref<10240x128xf32, #tpu.memory_space<vmem_shared>>
      tpu.enqueue_indirect_dma source(%dma_start3A_497 : memref<128x128xf32, #tpu.memory_space<vmem>>) target(%dma_start3A_503 : memref<10240x128xf32, #tpu.memory_space<vmem_shared>>) offsets(%dma_start3A_500 : memref<128xi32, #tpu.memory_space<vmem>>) semaphore(%arg13 : memref<!tpu.dma_semaphore, #tpu.memory_space<semaphore_mem>>) {add = true}
      %dma_wait3A_504 = arith.constant 0 : i32
      %dma_wait3A_505 = arith.constant 0 : i32
      %dma_wait3A_506 = arith.constant 0 : i32
      %dma_wait3A_507 = arith.constant 0 : i32
      %dma_wait3A_508 = tpu.memref_slice %arg8[%dma_wait3A_504, %dma_wait3A_506, %dma_wait3A_507] : memref<2x128x128xf32, #tpu.memory_space<vmem>> -> memref<1x128x128xf32, #tpu.memory_space<vmem>>
      %dma_wait3A_509 = tpu.memref_squeeze %dma_wait3A_508 : memref<1x128x128xf32, #tpu.memory_space<vmem>> -> memref<128x128xf32, #tpu.memory_space<vmem>>
      %dma_wait3A_510 = arith.constant 0 : i32
      %dma_wait3A_511 = tpu.memref_slice %arg7[%dma_wait3A_505, %dma_wait3A_510] : memref<40x128xi32, #tpu.memory_space<vmem>> -> memref<1x128xi32, #tpu.memory_space<vmem>>
      %dma_wait3A_512 = tpu.memref_squeeze %dma_wait3A_511 : memref<1x128xi32, #tpu.memory_space<vmem>> -> memref<128xi32, #tpu.memory_space<vmem>>
      %dma_wait3A_513 = arith.constant 0 : i32
      %dma_wait3A_514 = arith.constant 0 : i32
      %dma_wait3A_515 = tpu.memref_slice %arg9[%dma_wait3A_513, %dma_wait3A_514] : memref<10240x128xf32, #tpu.memory_space<vmem_shared>> -> memref<10240x128xf32, #tpu.memory_space<vmem_shared>>
      tpu.wait_indirect_dma semaphore(%arg12 : memref<!tpu.dma_semaphore, #tpu.memory_space<semaphore_mem>>) src(%dma_wait3A_509 : memref<128x128xf32, #tpu.memory_space<vmem>>) dst(%dma_wait3A_515 : memref<10240x128xf32, #tpu.memory_space<vmem_shared>>)
      %add3A_516 = arith.constant 2 : i32
      %add3A_517 = arith.addi %mul3A_430, %add3A_516 : i32
      %dma_start3A_518 = arith.constant 0 : i32
      %dma_start3A_519 = arith.constant 0 : i32
      %dma_start3A_520 = arith.constant 0 : i32
      %dma_start3A_521 = tpu.memref_slice %arg8[%dma_start3A_518, %dma_start3A_519, %dma_start3A_520] : memref<2x128x128xf32, #tpu.memory_space<vmem>> -> memref<1x128x128xf32, #tpu.memory_space<vmem>>
      %dma_start3A_522 = tpu.memref_squeeze %dma_start3A_521 : memref<1x128x128xf32, #tpu.memory_space<vmem>> -> memref<128x128xf32, #tpu.memory_space<vmem>>
      %dma_start3A_523 = arith.constant 0 : i32
      %dma_start3A_524 = tpu.memref_slice %arg6[%add3A_517, %dma_start3A_523] : memref<40x128xi32, #tpu.memory_space<vmem>> -> memref<1x128xi32, #tpu.memory_space<vmem>>
      %dma_start3A_525 = tpu.memref_squeeze %dma_start3A_524 : memref<1x128xi32, #tpu.memory_space<vmem>> -> memref<128xi32, #tpu.memory_space<vmem>>
      %dma_start3A_526 = arith.constant 0 : i32
      %dma_start3A_527 = arith.constant 0 : i32
      %dma_start3A_528 = tpu.memref_slice %arg2[%dma_start3A_526, %dma_start3A_527] : memref<10240x128xf32, #tpu.memory_space<hbm>> -> memref<10240x128xf32, #tpu.memory_space<hbm>>
      tpu.enqueue_indirect_dma source(%dma_start3A_528 : memref<10240x128xf32, #tpu.memory_space<hbm>>) target(%dma_start3A_522 : memref<128x128xf32, #tpu.memory_space<vmem>>) offsets(%dma_start3A_525 : memref<128xi32, #tpu.memory_space<vmem>>) semaphore(%arg10 : memref<!tpu.dma_semaphore, #tpu.memory_space<semaphore_mem>>)
      %scan3A_529 = arith.constant 0 : i32
      scf.yield %scan3A_529 : i32
    }
    %scan3A_322 = arith.constant 18 : i32
    %dma_wait3A_323 = arith.constant 0 : i32
    %dma_wait3A_324 = arith.constant 0 : i32
    %dma_wait3A_325 = arith.constant 0 : i32
    %dma_wait3A_326 = arith.constant 0 : i32
    %dma_wait3A_327 = tpu.memref_slice %arg8[%dma_wait3A_324, %dma_wait3A_325, %dma_wait3A_326] : memref<2x128x128xf32, #tpu.memory_space<vmem>> -> memref<1x128x128xf32, #tpu.memory_space<vmem>>
    %dma_wait3A_328 = tpu.memref_squeeze %dma_wait3A_327 : memref<1x128x128xf32, #tpu.memory_space<vmem>> -> memref<128x128xf32, #tpu.memory_space<vmem>>
    %dma_wait3A_329 = arith.constant 0 : i32
    %dma_wait3A_330 = tpu.memref_slice %arg6[%dma_wait3A_323, %dma_wait3A_329] : memref<40x128xi32, #tpu.memory_space<vmem>> -> memref<1x128xi32, #tpu.memory_space<vmem>>
    %dma_wait3A_331 = tpu.memref_squeeze %dma_wait3A_330 : memref<1x128xi32, #tpu.memory_space<vmem>> -> memref<128xi32, #tpu.memory_space<vmem>>
    %dma_wait3A_332 = arith.constant 0 : i32
    %dma_wait3A_333 = arith.constant 0 : i32
    %dma_wait3A_334 = tpu.memref_slice %arg2[%dma_wait3A_332, %dma_wait3A_333] : memref<10240x128xf32, #tpu.memory_space<hbm>> -> memref<10240x128xf32, #tpu.memory_space<hbm>>
    tpu.wait_indirect_dma semaphore(%arg10 : memref<!tpu.dma_semaphore, #tpu.memory_space<semaphore_mem>>) src(%dma_wait3A_334 : memref<10240x128xf32, #tpu.memory_space<hbm>>) dst(%dma_wait3A_328 : memref<128x128xf32, #tpu.memory_space<vmem>>)
    %dma_start3A_335 = arith.constant 0 : i32
    %dma_start3A_336 = arith.constant 38 : i32
    %dma_start3A_337 = arith.constant 0 : i32
    %dma_start3A_338 = arith.constant 0 : i32
    %dma_start3A_339 = tpu.memref_slice %arg8[%dma_start3A_335, %dma_start3A_337, %dma_start3A_338] : memref<2x128x128xf32, #tpu.memory_space<vmem>> -> memref<1x128x128xf32, #tpu.memory_space<vmem>>
    %dma_start3A_340 = tpu.memref_squeeze %dma_start3A_339 : memref<1x128x128xf32, #tpu.memory_space<vmem>> -> memref<128x128xf32, #tpu.memory_space<vmem>>
    %dma_start3A_341 = arith.constant 0 : i32
    %dma_start3A_342 = tpu.memref_slice %arg7[%dma_start3A_336, %dma_start3A_341] : memref<40x128xi32, #tpu.memory_space<vmem>> -> memref<1x128xi32, #tpu.memory_space<vmem>>
    %dma_start3A_343 = tpu.memref_squeeze %dma_start3A_342 : memref<1x128xi32, #tpu.memory_space<vmem>> -> memref<128xi32, #tpu.memory_space<vmem>>
    %dma_start3A_344 = arith.constant 0 : i32
    %dma_start3A_345 = arith.constant 0 : i32
    %dma_start3A_346 = tpu.memref_slice %arg9[%dma_start3A_344, %dma_start3A_345] : memref<10240x128xf32, #tpu.memory_space<vmem_shared>> -> memref<10240x128xf32, #tpu.memory_space<vmem_shared>>
    tpu.enqueue_indirect_dma source(%dma_start3A_340 : memref<128x128xf32, #tpu.memory_space<vmem>>) target(%dma_start3A_346 : memref<10240x128xf32, #tpu.memory_space<vmem_shared>>) offsets(%dma_start3A_343 : memref<128xi32, #tpu.memory_space<vmem>>) semaphore(%arg12 : memref<!tpu.dma_semaphore, #tpu.memory_space<semaphore_mem>>) {add = true}
    %dma_wait3A_347 = arith.constant 1 : i32
    %dma_wait3A_348 = arith.constant 0 : i32
    %dma_wait3A_349 = arith.constant 0 : i32
    %dma_wait3A_350 = arith.constant 0 : i32
    %dma_wait3A_351 = tpu.memref_slice %arg8[%dma_wait3A_347, %dma_wait3A_349, %dma_wait3A_350] : memref<2x128x128xf32, #tpu.memory_space<vmem>> -> memref<1x128x128xf32, #tpu.memory_space<vmem>>
    %dma_wait3A_352 = tpu.memref_squeeze %dma_wait3A_351 : memref<1x128x128xf32, #tpu.memory_space<vmem>> -> memref<128x128xf32, #tpu.memory_space<vmem>>
    %dma_wait3A_353 = arith.constant 0 : i32
    %dma_wait3A_354 = tpu.memref_slice %arg7[%dma_wait3A_348, %dma_wait3A_353] : memref<40x128xi32, #tpu.memory_space<vmem>> -> memref<1x128xi32, #tpu.memory_space<vmem>>
    %dma_wait3A_355 = tpu.memref_squeeze %dma_wait3A_354 : memref<1x128xi32, #tpu.memory_space<vmem>> -> memref<128xi32, #tpu.memory_space<vmem>>
    %dma_wait3A_356 = arith.constant 0 : i32
    %dma_wait3A_357 = arith.constant 0 : i32
    %dma_wait3A_358 = tpu.memref_slice %arg9[%dma_wait3A_356, %dma_wait3A_357] : memref<10240x128xf32, #tpu.memory_space<vmem_shared>> -> memref<10240x128xf32, #tpu.memory_space<vmem_shared>>
    tpu.wait_indirect_dma semaphore(%arg13 : memref<!tpu.dma_semaphore, #tpu.memory_space<semaphore_mem>>) src(%dma_wait3A_352 : memref<128x128xf32, #tpu.memory_space<vmem>>) dst(%dma_wait3A_358 : memref<10240x128xf32, #tpu.memory_space<vmem_shared>>)
    %dma_start3A_359 = arith.constant 39 : i32
    %dma_start3A_360 = arith.constant 1 : i32
    %dma_start3A_361 = arith.constant 0 : i32
    %dma_start3A_362 = arith.constant 0 : i32
    %dma_start3A_363 = tpu.memref_slice %arg8[%dma_start3A_360, %dma_start3A_361, %dma_start3A_362] : memref<2x128x128xf32, #tpu.memory_space<vmem>> -> memref<1x128x128xf32, #tpu.memory_space<vmem>>
    %dma_start3A_364 = tpu.memref_squeeze %dma_start3A_363 : memref<1x128x128xf32, #tpu.memory_space<vmem>> -> memref<128x128xf32, #tpu.memory_space<vmem>>
    %dma_start3A_365 = arith.constant 0 : i32
    %dma_start3A_366 = tpu.memref_slice %arg6[%dma_start3A_359, %dma_start3A_365] : memref<40x128xi32, #tpu.memory_space<vmem>> -> memref<1x128xi32, #tpu.memory_space<vmem>>
    %dma_start3A_367 = tpu.memref_squeeze %dma_start3A_366 : memref<1x128xi32, #tpu.memory_space<vmem>> -> memref<128xi32, #tpu.memory_space<vmem>>
    %dma_start3A_368 = arith.constant 0 : i32
    %dma_start3A_369 = arith.constant 0 : i32
    %dma_start3A_370 = tpu.memref_slice %arg2[%dma_start3A_368, %dma_start3A_369] : memref<10240x128xf32, #tpu.memory_space<hbm>> -> memref<10240x128xf32, #tpu.memory_space<hbm>>
    tpu.enqueue_indirect_dma source(%dma_start3A_370 : memref<10240x128xf32, #tpu.memory_space<hbm>>) target(%dma_start3A_364 : memref<128x128xf32, #tpu.memory_space<vmem>>) offsets(%dma_start3A_367 : memref<128xi32, #tpu.memory_space<vmem>>) semaphore(%arg11 : memref<!tpu.dma_semaphore, #tpu.memory_space<semaphore_mem>>)
    %dma_wait3A_371 = arith.constant 0 : i32
    %dma_wait3A_372 = arith.constant 1 : i32
    %dma_wait3A_373 = arith.constant 0 : i32
    %dma_wait3A_374 = arith.constant 0 : i32
    %dma_wait3A_375 = tpu.memref_slice %arg8[%dma_wait3A_372, %dma_wait3A_373, %dma_wait3A_374] : memref<2x128x128xf32, #tpu.memory_space<vmem>> -> memref<1x128x128xf32, #tpu.memory_space<vmem>>
    %dma_wait3A_376 = tpu.memref_squeeze %dma_wait3A_375 : memref<1x128x128xf32, #tpu.memory_space<vmem>> -> memref<128x128xf32, #tpu.memory_space<vmem>>
    %dma_wait3A_377 = arith.constant 0 : i32
    %dma_wait3A_378 = tpu.memref_slice %arg6[%dma_wait3A_371, %dma_wait3A_377] : memref<40x128xi32, #tpu.memory_space<vmem>> -> memref<1x128xi32, #tpu.memory_space<vmem>>
    %dma_wait3A_379 = tpu.memref_squeeze %dma_wait3A_378 : memref<1x128xi32, #tpu.memory_space<vmem>> -> memref<128xi32, #tpu.memory_space<vmem>>
    %dma_wait3A_380 = arith.constant 0 : i32
    %dma_wait3A_381 = arith.constant 0 : i32
    %dma_wait3A_382 = tpu.memref_slice %arg2[%dma_wait3A_380, %dma_wait3A_381] : memref<10240x128xf32, #tpu.memory_space<hbm>> -> memref<10240x128xf32, #tpu.memory_space<hbm>>
    tpu.wait_indirect_dma semaphore(%arg11 : memref<!tpu.dma_semaphore, #tpu.memory_space<semaphore_mem>>) src(%dma_wait3A_382 : memref<10240x128xf32, #tpu.memory_space<hbm>>) dst(%dma_wait3A_376 : memref<128x128xf32, #tpu.memory_space<vmem>>)
    %dma_start3A_383 = arith.constant 1 : i32
    %dma_start3A_384 = arith.constant 39 : i32
    %dma_start3A_385 = arith.constant 0 : i32
    %dma_start3A_386 = arith.constant 0 : i32
    %dma_start3A_387 = tpu.memref_slice %arg8[%dma_start3A_383, %dma_start3A_385, %dma_start3A_386] : memref<2x128x128xf32, #tpu.memory_space<vmem>> -> memref<1x128x128xf32, #tpu.memory_space<vmem>>
    %dma_start3A_388 = tpu.memref_squeeze %dma_start3A_387 : memref<1x128x128xf32, #tpu.memory_space<vmem>> -> memref<128x128xf32, #tpu.memory_space<vmem>>
    %dma_start3A_389 = arith.constant 0 : i32
    %dma_start3A_390 = tpu.memref_slice %arg7[%dma_start3A_384, %dma_start3A_389] : memref<40x128xi32, #tpu.memory_space<vmem>> -> memref<1x128xi32, #tpu.memory_space<vmem>>
    %dma_start3A_391 = tpu.memref_squeeze %dma_start3A_390 : memref<1x128xi32, #tpu.memory_space<vmem>> -> memref<128xi32, #tpu.memory_space<vmem>>
    %dma_start3A_392 = arith.constant 0 : i32
    %dma_start3A_393 = arith.constant 0 : i32
    %dma_start3A_394 = tpu.memref_slice %arg9[%dma_start3A_392, %dma_start3A_393] : memref<10240x128xf32, #tpu.memory_space<vmem_shared>> -> memref<10240x128xf32, #tpu.memory_space<vmem_shared>>
    tpu.enqueue_indirect_dma source(%dma_start3A_388 : memref<128x128xf32, #tpu.memory_space<vmem>>) target(%dma_start3A_394 : memref<10240x128xf32, #tpu.memory_space<vmem_shared>>) offsets(%dma_start3A_391 : memref<128xi32, #tpu.memory_space<vmem>>) semaphore(%arg13 : memref<!tpu.dma_semaphore, #tpu.memory_space<semaphore_mem>>) {add = true}
    %dma_wait3A_395 = arith.constant 0 : i32
    %dma_wait3A_396 = arith.constant 0 : i32
    %dma_wait3A_397 = arith.constant 0 : i32
    %dma_wait3A_398 = arith.constant 0 : i32
    %dma_wait3A_399 = tpu.memref_slice %arg8[%dma_wait3A_395, %dma_wait3A_397, %dma_wait3A_398] : memref<2x128x128xf32, #tpu.memory_space<vmem>> -> memref<1x128x128xf32, #tpu.memory_space<vmem>>
    %dma_wait3A_400 = tpu.memref_squeeze %dma_wait3A_399 : memref<1x128x128xf32, #tpu.memory_space<vmem>> -> memref<128x128xf32, #tpu.memory_space<vmem>>
    %dma_wait3A_401 = arith.constant 0 : i32
    %dma_wait3A_402 = tpu.memref_slice %arg7[%dma_wait3A_396, %dma_wait3A_401] : memref<40x128xi32, #tpu.memory_space<vmem>> -> memref<1x128xi32, #tpu.memory_space<vmem>>
    %dma_wait3A_403 = tpu.memref_squeeze %dma_wait3A_402 : memref<1x128xi32, #tpu.memory_space<vmem>> -> memref<128xi32, #tpu.memory_space<vmem>>
    %dma_wait3A_404 = arith.constant 0 : i32
    %dma_wait3A_405 = arith.constant 0 : i32
    %dma_wait3A_406 = tpu.memref_slice %arg9[%dma_wait3A_404, %dma_wait3A_405] : memref<10240x128xf32, #tpu.memory_space<vmem_shared>> -> memref<10240x128xf32, #tpu.memory_space<vmem_shared>>
    tpu.wait_indirect_dma semaphore(%arg12 : memref<!tpu.dma_semaphore, #tpu.memory_space<semaphore_mem>>) src(%dma_wait3A_400 : memref<128x128xf32, #tpu.memory_space<vmem>>) dst(%dma_wait3A_406 : memref<10240x128xf32, #tpu.memory_space<vmem_shared>>)
    %dma_wait3A_407 = arith.constant 1 : i32
    %dma_wait3A_408 = arith.constant 0 : i32
    %dma_wait3A_409 = arith.constant 0 : i32
    %dma_wait3A_410 = arith.constant 0 : i32
    %dma_wait3A_411 = tpu.memref_slice %arg8[%dma_wait3A_407, %dma_wait3A_409, %dma_wait3A_410] : memref<2x128x128xf32, #tpu.memory_space<vmem>> -> memref<1x128x128xf32, #tpu.memory_space<vmem>>
    %dma_wait3A_412 = tpu.memref_squeeze %dma_wait3A_411 : memref<1x128x128xf32, #tpu.memory_space<vmem>> -> memref<128x128xf32, #tpu.memory_space<vmem>>
    %dma_wait3A_413 = arith.constant 0 : i32
    %dma_wait3A_414 = tpu.memref_slice %arg7[%dma_wait3A_408, %dma_wait3A_413] : memref<40x128xi32, #tpu.memory_space<vmem>> -> memref<1x128xi32, #tpu.memory_space<vmem>>
    %dma_wait3A_415 = tpu.memref_squeeze %dma_wait3A_414 : memref<1x128xi32, #tpu.memory_space<vmem>> -> memref<128xi32, #tpu.memory_space<vmem>>
    %dma_wait3A_416 = arith.constant 0 : i32
    %dma_wait3A_417 = arith.constant 0 : i32
    %dma_wait3A_418 = tpu.memref_slice %arg9[%dma_wait3A_416, %dma_wait3A_417] : memref<10240x128xf32, #tpu.memory_space<vmem_shared>> -> memref<10240x128xf32, #tpu.memory_space<vmem_shared>>
    tpu.wait_indirect_dma semaphore(%arg13 : memref<!tpu.dma_semaphore, #tpu.memory_space<semaphore_mem>>) src(%dma_wait3A_412 : memref<128x128xf32, #tpu.memory_space<vmem>>) dst(%dma_wait3A_418 : memref<10240x128xf32, #tpu.memory_space<vmem_shared>>)
    %barrier3A_419 = arith.constant 0 : index
    tpu.barrier barrier_id(%barrier3A_419)
    %scan3A_420 = arith.constant 0 : i32
    %scan3A_421 = arith.constant 0 : i32
    %scan3A_422 = arith.constant 5 : i32
    %scan3A_423 = arith.addi %scan3A_421, %scan3A_422 : i32
    %scan3A_424 = arith.constant 1 : i32
    %scan3A_425 = scf.for %scan3A_427 = %scan3A_421 to %scan3A_423 step %scan3A_424 iter_args(%scan3A_428 = %scan3A_420) -> (i32)  : i32 {
      %mul3A_429 = arith.constant 5 : i32
      %mul3A_430 = arith.muli %arg1, %mul3A_429 : i32
      %add3A_431 = arith.addi %mul3A_430, %scan3A_427 : i32
      %mul3A_432 = arith.constant 128 : i32
      %mul3A_433 = arith.muli %add3A_431, %mul3A_432 : i32
      "tpu.region"() ({
        %run_scoped3A = tpu.sem_alloc : memref<!tpu.dma_semaphore, #tpu.memory_space<semaphore_mem>>
        %dma_start3A_435 = arith.constant 0 : i32
        %dma_start3A_436 = arith.constant 0 : i32
        %dma_start3A_437 = tpu.memref_slice %arg5[%arg0, %dma_start3A_435, %dma_start3A_436] : memref<2x10240x128xf32, #tpu.memory_space<hbm>> -> memref<1x10240x128xf32, #tpu.memory_space<hbm>>
        %dma_start3A_438 = tpu.memref_squeeze %dma_start3A_437 : memref<1x10240x128xf32, #tpu.memory_space<hbm>> -> memref<10240x128xf32, #tpu.memory_space<hbm>>
        %dma_start3A_439 = arith.constant 0 : i32
        %dma_start3A_440 = tpu.memref_slice %dma_start3A_438[%mul3A_433, %dma_start3A_439] : memref<10240x128xf32, #tpu.memory_space<hbm>> -> memref<128x128xf32, #tpu.memory_space<hbm>>
        %dma_start3A_441 = arith.constant 0 : i32
        %dma_start3A_442 = tpu.memref_slice %arg9[%mul3A_433, %dma_start3A_441] : memref<10240x128xf32, #tpu.memory_space<vmem_shared>> -> memref<128x128xf32, #tpu.memory_space<vmem_shared>>
        tpu.enqueue_dma source(%dma_start3A_442 : memref<128x128xf32, #tpu.memory_space<vmem_shared>>) target(%dma_start3A_440 : memref<128x128xf32, #tpu.memory_space<hbm>>) target_semaphore(%run_scoped3A : memref<!tpu.dma_semaphore, #tpu.memory_space<semaphore_mem>>)
        %dma_wait3A_443 = arith.constant 0 : i32
        %dma_wait3A_444 = arith.constant 0 : i32
        %dma_wait3A_445 = tpu.memref_slice %arg5[%arg0, %dma_wait3A_443, %dma_wait3A_444] : memref<2x10240x128xf32, #tpu.memory_space<hbm>> -> memref<1x10240x128xf32, #tpu.memory_space<hbm>>
        %dma_wait3A_446 = tpu.memref_squeeze %dma_wait3A_445 : memref<1x10240x128xf32, #tpu.memory_space<hbm>> -> memref<10240x128xf32, #tpu.memory_space<hbm>>
        %dma_wait3A_447 = arith.constant 0 : i32
        %dma_wait3A_448 = tpu.memref_slice %dma_wait3A_446[%mul3A_433, %dma_wait3A_447] : memref<10240x128xf32, #tpu.memory_space<hbm>> -> memref<128x128xf32, #tpu.memory_space<hbm>>
        %dma_wait3A_449 = arith.constant 0 : i32
        %dma_wait3A_450 = tpu.memref_slice %arg9[%mul3A_433, %dma_wait3A_449] : memref<10240x128xf32, #tpu.memory_space<vmem_shared>> -> memref<128x128xf32, #tpu.memory_space<vmem_shared>>
        tpu.wait_dma2 semaphore(%run_scoped3A : memref<!tpu.dma_semaphore, #tpu.memory_space<semaphore_mem>>) src(%dma_wait3A_450 : memref<128x128xf32, #tpu.memory_space<vmem_shared>>) dst(%dma_wait3A_448 : memref<128x128xf32, #tpu.memory_space<hbm>>)
        tpu.yield
      }) : () -> ()
      %scan3A_434 = arith.constant 0 : i32
      scf.yield %scan3A_434 : i32
    }
    %scan3A_426 = arith.constant 5 : i32
    return
  }
}

module attributes {stable_mosaic.version = 14 : i64} {
  func.func @_enc_body(%arg0: i32, %arg1: memref<400x128xf32, #tpu.memory_space<vmem>>, %arg2: memref<128x128xf32, #tpu.memory_space<vmem>>, %arg3: memref<400x128xf32, #tpu.memory_space<vmem>>) attributes {dimension_semantics = [#tpu.dimension_semantics<arbitrary>], iteration_bounds = array<i64: 25>, scalar_prefetch = 0 : i64, scratch_operands = 0 : i64, tpu.core_type = #tpu.core_type<tc>, window_params = [{transform_indices = @transform_0, window_bounds = array<i64: 400, 128>}, {pipeline_mode = #tpu.pipeline_mode<synchronous>, transform_indices = @transform_1, window_bounds = array<i64: 128, 128>}, {transform_indices = @transform_2, window_bounds = array<i64: 400, 128>}]} {
    %get3A = arith.constant 0 : index
    %get3A_0 = arith.constant 0 : index
    %get3A_1 = vector.load %arg1[%get3A, %get3A_0] : memref<400x128xf32, #tpu.memory_space<vmem>>, vector<400x128xf32>
    %get3A_2 = arith.constant 0 : index
    %get3A_3 = arith.constant 0 : index
    %get3A_4 = vector.load %arg2[%get3A_2, %get3A_3] : memref<128x128xf32, #tpu.memory_space<vmem>>, vector<128x128xf32>
    %dot_general3A = arith.constant dense<0.000000e+00> : vector<400x128xf32>
    %dot_general3A_5 = tpu.matmul %get3A_1, %get3A_4, %dot_general3A {dimension_numbers = #tpu.dot_dimension_numbers<[1], [0], [0], [1], [0, 0, 1, 1], [], []>, transpose_lhs_hint = false} : vector<400x128xf32>, vector<128x128xf32>, vector<400x128xf32> -> vector<400x128xf32>
    %swap3A = arith.constant 0 : index
    %swap3A_6 = arith.constant 0 : index
    %swap3A_7 = vector.load %arg3[%swap3A, %swap3A_6] : memref<400x128xf32, #tpu.memory_space<vmem>>, vector<400x128xf32>
    tpu.vector_store %arg3[%swap3A, %swap3A_6], %dot_general3A_5 {strides = array<i32>} : memref<400x128xf32, #tpu.memory_space<vmem>>, vector<400x128xf32>,
    return
  }
  func.func @transform_0(%arg0: i32) -> (i32, i32) {
    %c0_i32 = arith.constant 0 : i32
    %c0_i32_0 = arith.constant 0 : i32
    return %arg0, %c0_i32 : i32, i32
  }
  func.func @transform_1(%arg0: i32) -> (i32, i32) {
    %c0_i32 = arith.constant 0 : i32
    %c0_i32_0 = arith.constant 0 : i32
    %c0_i32_1 = arith.constant 0 : i32
    return %c0_i32, %c0_i32_0 : i32, i32
  }
  func.func @transform_2(%arg0: i32) -> (i32, i32) {
    %c0_i32 = arith.constant 0 : i32
    %c0_i32_0 = arith.constant 0 : i32
    return %arg0, %c0_i32 : i32, i32
  }
}

module attributes {stable_mosaic.version = 14 : i64} {
  func.func @_mid2_body(%arg0: i32, %arg1: memref<2x512x128xf32, #tpu.memory_space<vmem>>, %arg2: memref<512x8xf32, #tpu.memory_space<vmem>>, %arg3: memref<512x128xf32, #tpu.memory_space<vmem>>, %arg4: memref<512x128xf32, #tpu.memory_space<vmem>>, %arg5: memref<128x128xf32, #tpu.memory_space<vmem>>, %arg6: memref<512x128xf32, #tpu.memory_space<vmem>>, %arg7: memref<512x128xf32, #tpu.memory_space<vmem>>, %arg8: memref<512x128xf32, #tpu.memory_space<vmem>>) attributes {dimension_semantics = [#tpu.dimension_semantics<arbitrary>], iteration_bounds = array<i64: 20>, scalar_prefetch = 0 : i64, scratch_operands = 0 : i64, tpu.core_type = #tpu.core_type<tc>, window_params = [{transform_indices = @transform_0, window_bounds = array<i64: 2, 512, 128>}, {transform_indices = @transform_1, window_bounds = array<i64: 512, 8>}, {transform_indices = @transform_2, window_bounds = array<i64: 512, 128>}, {transform_indices = @transform_3, window_bounds = array<i64: 512, 128>}, {pipeline_mode = #tpu.pipeline_mode<synchronous>, transform_indices = @transform_4, window_bounds = array<i64: 128, 128>}, {transform_indices = @transform_5, window_bounds = array<i64: 512, 128>}, {transform_indices = @transform_6, window_bounds = array<i64: 512, 128>}, {transform_indices = @transform_7, window_bounds = array<i64: 512, 128>}]} {
    %get3A = arith.constant 0 : index
    %get3A_0 = arith.constant 0 : index
    %get3A_1 = arith.constant 0 : index
    %get3A_2 = vector.load %arg1[%get3A, %get3A_0, %get3A_1] : memref<2x512x128xf32, #tpu.memory_space<vmem>>, vector<1x512x128xf32>
    %get3A_3 = vector.shape_cast %get3A_2 : vector<1x512x128xf32> to vector<512x128xf32>
    %get3A_4 = arith.constant 1 : index
    %get3A_5 = arith.constant 0 : index
    %get3A_6 = arith.constant 0 : index
    %get3A_7 = vector.load %arg1[%get3A_4, %get3A_5, %get3A_6] : memref<2x512x128xf32, #tpu.memory_space<vmem>>, vector<1x512x128xf32>
    %get3A_8 = vector.shape_cast %get3A_7 : vector<1x512x128xf32> to vector<512x128xf32>
    %add3A = arith.addf %get3A_3, %get3A_8 : vector<512x128xf32>
    %get3A_9 = arith.constant 0 : index
    %get3A_10 = arith.constant 0 : index
    %get3A_11 = vector.load %arg2[%get3A_9, %get3A_10] : memref<512x8xf32, #tpu.memory_space<vmem>>, vector<512x1xf32>
    %div3A = vector.broadcast %get3A_11 : vector<512x1xf32> to vector<512x128xf32>
    %div3A_12 = arith.divf %add3A, %div3A : vector<512x128xf32>
    %get3A_13 = arith.constant 0 : index
    %get3A_14 = arith.constant 0 : index
    %get3A_15 = vector.load %arg3[%get3A_13, %get3A_14] : memref<512x128xf32, #tpu.memory_space<vmem>>, vector<512x128xf32>
    %add3A_16 = arith.addf %div3A_12, %get3A_15 : vector<512x128xf32>
    %broadcast_in_dim3A = arith.constant 0.000000e+00 : f32
    %broadcast_in_dim3A_17 = vector.broadcast %broadcast_in_dim3A : f32 to vector<512x128xf32>
    %broadcast_in_dim3A_18 = arith.constant 0.000000e+00 : f32
    %broadcast_in_dim3A_19 = vector.broadcast %broadcast_in_dim3A_18 : f32 to vector<512x128xf32>
    %add3A_20 = arith.addf %broadcast_in_dim3A_17, %add3A_16 : vector<512x128xf32>
    %sub3A = arith.constant 1.000000e+00 : f32
    %sub3A_21 = vector.broadcast %sub3A : f32 to vector<512x128xf32>
    %sub3A_22 = arith.subf %add3A_20, %sub3A_21 : vector<512x128xf32>
    %gt3A = arith.constant 0.000000e+00 : f32
    %gt3A_23 = vector.broadcast %gt3A : f32 to vector<512x128xf32>
    %gt3A_24 = arith.cmpf ogt, %sub3A_22, %gt3A_23 : vector<512x128xf32>
    %convert_element_type3A = arith.extui %gt3A_24 : vector<512x128xi1> to vector<512x128xi32>
    %convert_element_type3A_25 = arith.sitofp %convert_element_type3A : vector<512x128xi32> to vector<512x128xf32>
    %sub3A_26 = arith.subf %add3A_20, %convert_element_type3A_25 : vector<512x128xf32>
    %add3A_27 = arith.addf %broadcast_in_dim3A_19, %convert_element_type3A_25 : vector<512x128xf32>
    %add3A_28 = arith.addf %sub3A_26, %add3A_16 : vector<512x128xf32>
    %sub3A_29 = arith.constant 1.000000e+00 : f32
    %sub3A_30 = vector.broadcast %sub3A_29 : f32 to vector<512x128xf32>
    %sub3A_31 = arith.subf %add3A_28, %sub3A_30 : vector<512x128xf32>
    %gt3A_32 = arith.constant 0.000000e+00 : f32
    %gt3A_33 = vector.broadcast %gt3A_32 : f32 to vector<512x128xf32>
    %gt3A_34 = arith.cmpf ogt, %sub3A_31, %gt3A_33 : vector<512x128xf32>
    %convert_element_type3A_35 = arith.extui %gt3A_34 : vector<512x128xi1> to vector<512x128xi32>
    %convert_element_type3A_36 = arith.sitofp %convert_element_type3A_35 : vector<512x128xi32> to vector<512x128xf32>
    %sub3A_37 = arith.subf %add3A_28, %convert_element_type3A_36 : vector<512x128xf32>
    %add3A_38 = arith.addf %add3A_27, %convert_element_type3A_36 : vector<512x128xf32>
    %add3A_39 = arith.addf %sub3A_37, %add3A_16 : vector<512x128xf32>
    %sub3A_40 = arith.constant 1.000000e+00 : f32
    %sub3A_41 = vector.broadcast %sub3A_40 : f32 to vector<512x128xf32>
    %sub3A_42 = arith.subf %add3A_39, %sub3A_41 : vector<512x128xf32>
    %gt3A_43 = arith.constant 0.000000e+00 : f32
    %gt3A_44 = vector.broadcast %gt3A_43 : f32 to vector<512x128xf32>
    %gt3A_45 = arith.cmpf ogt, %sub3A_42, %gt3A_44 : vector<512x128xf32>
    %convert_element_type3A_46 = arith.extui %gt3A_45 : vector<512x128xi1> to vector<512x128xi32>
    %convert_element_type3A_47 = arith.sitofp %convert_element_type3A_46 : vector<512x128xi32> to vector<512x128xf32>
    %sub3A_48 = arith.subf %add3A_39, %convert_element_type3A_47 : vector<512x128xf32>
    %add3A_49 = arith.addf %add3A_38, %convert_element_type3A_47 : vector<512x128xf32>
    %add3A_50 = arith.addf %sub3A_48, %add3A_16 : vector<512x128xf32>
    %sub3A_51 = arith.constant 1.000000e+00 : f32
    %sub3A_52 = vector.broadcast %sub3A_51 : f32 to vector<512x128xf32>
    %sub3A_53 = arith.subf %add3A_50, %sub3A_52 : vector<512x128xf32>
    %gt3A_54 = arith.constant 0.000000e+00 : f32
    %gt3A_55 = vector.broadcast %gt3A_54 : f32 to vector<512x128xf32>
    %gt3A_56 = arith.cmpf ogt, %sub3A_53, %gt3A_55 : vector<512x128xf32>
    %convert_element_type3A_57 = arith.extui %gt3A_56 : vector<512x128xi1> to vector<512x128xi32>
    %convert_element_type3A_58 = arith.sitofp %convert_element_type3A_57 : vector<512x128xi32> to vector<512x128xf32>
    %add3A_59 = arith.addf %add3A_49, %convert_element_type3A_58 : vector<512x128xf32>
    %div3A_60 = arith.constant 4.000000e+00 : f32
    %div3A_61 = vector.broadcast %div3A_60 : f32 to vector<512x128xf32>
    %div3A_62 = arith.divf %add3A_59, %div3A_61 : vector<512x128xf32>
    %get3A_63 = arith.constant 0 : index
    %get3A_64 = arith.constant 0 : index
    %get3A_65 = vector.load %arg4[%get3A_63, %get3A_64] : memref<512x128xf32, #tpu.memory_space<vmem>>, vector<512x128xf32>
    %get3A_66 = arith.constant 0 : index
    %get3A_67 = arith.constant 0 : index
    %get3A_68 = vector.load %arg3[%get3A_66, %get3A_67] : memref<512x128xf32, #tpu.memory_space<vmem>>, vector<512x128xf32>
    %sub3A_69 = arith.subf %div3A_62, %get3A_68 : vector<512x128xf32>
    %add3A_70 = arith.addf %get3A_65, %sub3A_69 : vector<512x128xf32>
    %mul3A = arith.mulf %add3A_70, %add3A_70 : vector<512x128xf32>
    %reduce_sum3A = arith.constant dense<0.000000e+00> : vector<512xf32>
    %reduce_sum3A_71 = vector.multi_reduction <add>, %mul3A, %reduce_sum3A [1] : vector<512x128xf32> to vector<512xf32>
    %broadcast_in_dim3A_72 = vector.shape_cast %reduce_sum3A_71 : vector<512xf32> to vector<512x1xf32>
    %sqrt3A = math.sqrt %broadcast_in_dim3A_72 : vector<512x1xf32>
    %jit3A = arith.constant 9.99999997E-7 : f32
    %jit3A_73 = arith.constant 1.000000e+01 : f32
    %max3A = vector.broadcast %jit3A : f32 to vector<512x1xf32>
    %max3A_74 = arith.maximumf %max3A, %sqrt3A : vector<512x1xf32>
    %min3A = vector.broadcast %jit3A_73 : f32 to vector<512x1xf32>
    %min3A_75 = arith.minimumf %min3A, %max3A_74 : vector<512x1xf32>
    %exp3A = math.exp %min3A_75 : vector<512x1xf32>
    %neg3A = arith.constant 0.000000e+00 : f32
    %neg3A_76 = vector.broadcast %neg3A : f32 to vector<512x1xf32>
    %neg3A_77 = arith.subf %neg3A_76, %min3A_75 : vector<512x1xf32>
    %exp3A_78 = math.exp %neg3A_77 : vector<512x1xf32>
    %add3A_79 = arith.addf %exp3A, %exp3A_78 : vector<512x1xf32>
    %mul3A_80 = arith.constant 5.000000e-01 : f32
    %mul3A_81 = vector.broadcast %mul3A_80 : f32 to vector<512x1xf32>
    %mul3A_82 = arith.mulf %mul3A_81, %add3A_79 : vector<512x1xf32>
    %sub3A_83 = arith.subf %exp3A, %exp3A_78 : vector<512x1xf32>
    %mul3A_84 = arith.constant 5.000000e-01 : f32
    %mul3A_85 = vector.broadcast %mul3A_84 : f32 to vector<512x1xf32>
    %mul3A_86 = arith.mulf %mul3A_85, %sub3A_83 : vector<512x1xf32>
    %max3A_87 = arith.constant 1.00000012 : f32
    %max3A_88 = vector.broadcast %max3A_87 : f32 to vector<512x1xf32>
    %max3A_89 = arith.maximumf %mul3A_82, %max3A_88 : vector<512x1xf32>
    %mul3A_90 = arith.mulf %max3A_89, %max3A_89 : vector<512x1xf32>
    %sub3A_91 = arith.constant 1.000000e+00 : f32
    %sub3A_92 = vector.broadcast %sub3A_91 : f32 to vector<512x1xf32>
    %sub3A_93 = arith.subf %mul3A_90, %sub3A_92 : vector<512x1xf32>
    %sqrt3A_94 = math.sqrt %sub3A_93 : vector<512x1xf32>
    %add3A_95 = arith.addf %max3A_89, %sqrt3A_94 : vector<512x1xf32>
    %log3A = math.log %add3A_95 : vector<512x1xf32>
    %max3A_96 = arith.constant 9.99999997E-7 : f32
    %max3A_97 = vector.broadcast %max3A_96 : f32 to vector<512x1xf32>
    %max3A_98 = arith.maximumf %mul3A_86, %max3A_97 : vector<512x1xf32>
    %mul3A_99 = arith.mulf %log3A, %mul3A_86 : vector<512x1xf32>
    %max3A_100 = arith.constant 9.99999997E-7 : f32
    %max3A_101 = vector.broadcast %max3A_100 : f32 to vector<512x1xf32>
    %max3A_102 = arith.maximumf %sqrt3A, %max3A_101 : vector<512x1xf32>
    %mul3A_103 = arith.mulf %max3A_98, %max3A_102 : vector<512x1xf32>
    %div3A_104 = arith.divf %mul3A_99, %mul3A_103 : vector<512x1xf32>
    %mul3A_105 = vector.broadcast %div3A_104 : vector<512x1xf32> to vector<512x128xf32>
    %mul3A_106 = arith.mulf %mul3A_105, %add3A_70 : vector<512x128xf32>
    %swap3A = arith.constant 0 : index
    %swap3A_107 = arith.constant 0 : index
    %swap3A_108 = vector.load %arg7[%swap3A, %swap3A_107] : memref<512x128xf32, #tpu.memory_space<vmem>>, vector<512x128xf32>
    tpu.vector_store %arg7[%swap3A, %swap3A_107], %div3A_62 {strides = array<i32>} : memref<512x128xf32, #tpu.memory_space<vmem>>, vector<512x128xf32>,
    %swap3A_109 = arith.constant 0 : index
    %swap3A_110 = arith.constant 0 : index
    %swap3A_111 = vector.load %arg8[%swap3A_109, %swap3A_110] : memref<512x128xf32, #tpu.memory_space<vmem>>, vector<512x128xf32>
    tpu.vector_store %arg8[%swap3A_109, %swap3A_110], %mul3A_106 {strides = array<i32>} : memref<512x128xf32, #tpu.memory_space<vmem>>, vector<512x128xf32>,
    %get3A_112 = arith.constant 0 : index
    %get3A_113 = arith.constant 0 : index
    %get3A_114 = vector.load %arg5[%get3A_112, %get3A_113] : memref<128x128xf32, #tpu.memory_space<vmem>>, vector<128x128xf32>
    %dot_general3A = arith.constant dense<0.000000e+00> : vector<512x128xf32>
    %dot_general3A_115 = tpu.matmul %mul3A_106, %get3A_114, %dot_general3A {dimension_numbers = #tpu.dot_dimension_numbers<[1], [0], [0], [1], [0, 0, 1, 1], [], []>, transpose_lhs_hint = false} : vector<512x128xf32>, vector<128x128xf32>, vector<512x128xf32> -> vector<512x128xf32>
    %swap3A_116 = arith.constant 0 : index
    %swap3A_117 = arith.constant 0 : index
    %swap3A_118 = vector.load %arg6[%swap3A_116, %swap3A_117] : memref<512x128xf32, #tpu.memory_space<vmem>>, vector<512x128xf32>
    tpu.vector_store %arg6[%swap3A_116, %swap3A_117], %dot_general3A_115 {strides = array<i32>} : memref<512x128xf32, #tpu.memory_space<vmem>>, vector<512x128xf32>,
    return
  }
  func.func @transform_0(%arg0: i32) -> (i32, i32, i32) {
    %c0_i32 = arith.constant 0 : i32
    %c0_i32_0 = arith.constant 0 : i32
    %c0_i32_1 = arith.constant 0 : i32
    return %c0_i32, %arg0, %c0_i32_0 : i32, i32, i32
  }
  func.func @transform_1(%arg0: i32) -> (i32, i32) {
    %c0_i32 = arith.constant 0 : i32
    %c0_i32_0 = arith.constant 0 : i32
    return %arg0, %c0_i32 : i32, i32
  }
  func.func @transform_2(%arg0: i32) -> (i32, i32) {
    %c0_i32 = arith.constant 0 : i32
    %c0_i32_0 = arith.constant 0 : i32
    return %arg0, %c0_i32 : i32, i32
  }
  func.func @transform_3(%arg0: i32) -> (i32, i32) {
    %c0_i32 = arith.constant 0 : i32
    %c0_i32_0 = arith.constant 0 : i32
    return %arg0, %c0_i32 : i32, i32
  }
  func.func @transform_4(%arg0: i32) -> (i32, i32) {
    %c0_i32 = arith.constant 0 : i32
    %c0_i32_0 = arith.constant 0 : i32
    %c0_i32_1 = arith.constant 0 : i32
    return %c0_i32, %c0_i32_0 : i32, i32
  }
  func.func @transform_5(%arg0: i32) -> (i32, i32) {
    %c0_i32 = arith.constant 0 : i32
    %c0_i32_0 = arith.constant 0 : i32
    return %arg0, %c0_i32 : i32, i32
  }
  func.func @transform_6(%arg0: i32) -> (i32, i32) {
    %c0_i32 = arith.constant 0 : i32
    %c0_i32_0 = arith.constant 0 : i32
    return %arg0, %c0_i32 : i32, i32
  }
  func.func @transform_7(%arg0: i32) -> (i32, i32) {
    %c0_i32 = arith.constant 0 : i32
    %c0_i32_0 = arith.constant 0 : i32
    return %arg0, %c0_i32 : i32, i32
  }
}

module attributes {stable_mosaic.version = 14 : i64} {
  func.func @_mid1_body(%arg0: i32, %arg1: memref<2x512x128xf32, #tpu.memory_space<vmem>>, %arg2: memref<2x512x128xf32, #tpu.memory_space<vmem>>, %arg3: memref<128x128xf32, #tpu.memory_space<vmem>>, %arg4: memref<512x128xf32, #tpu.memory_space<vmem>>, %arg5: memref<512x128xf32, #tpu.memory_space<vmem>>, %arg6: memref<512x128xf32, #tpu.memory_space<vmem>>, %arg7: memref<512x8xf32, #tpu.memory_space<vmem>>) attributes {dimension_semantics = [#tpu.dimension_semantics<arbitrary>], iteration_bounds = array<i64: 20>, scalar_prefetch = 0 : i64, scratch_operands = 0 : i64, tpu.core_type = #tpu.core_type<tc>, window_params = [{transform_indices = @transform_0, window_bounds = array<i64: 2, 512, 128>}, {transform_indices = @transform_1, window_bounds = array<i64: 2, 512, 128>}, {pipeline_mode = #tpu.pipeline_mode<synchronous>, transform_indices = @transform_2, window_bounds = array<i64: 128, 128>}, {transform_indices = @transform_3, window_bounds = array<i64: 512, 128>}, {transform_indices = @transform_4, window_bounds = array<i64: 512, 128>}, {transform_indices = @transform_5, window_bounds = array<i64: 512, 128>}, {transform_indices = @transform_6, window_bounds = array<i64: 512, 8>}]} {
    %get3A = arith.constant 0 : index
    %get3A_0 = arith.constant 0 : index
    %get3A_1 = arith.constant 0 : index
    %get3A_2 = vector.load %arg2[%get3A, %get3A_0, %get3A_1] : memref<2x512x128xf32, #tpu.memory_space<vmem>>, vector<1x512x1xf32>
    %get3A_3 = vector.shape_cast %get3A_2 : vector<1x512x1xf32> to vector<512x1xf32>
    %get3A_4 = arith.constant 1 : index
    %get3A_5 = arith.constant 0 : index
    %get3A_6 = arith.constant 0 : index
    %get3A_7 = vector.load %arg2[%get3A_4, %get3A_5, %get3A_6] : memref<2x512x128xf32, #tpu.memory_space<vmem>>, vector<1x512x1xf32>
    %get3A_8 = vector.shape_cast %get3A_7 : vector<1x512x1xf32> to vector<512x1xf32>
    %add3A = arith.addf %get3A_3, %get3A_8 : vector<512x1xf32>
    %max3A = arith.constant 1.000000e+00 : f32
    %max3A_9 = vector.broadcast %max3A : f32 to vector<512x1xf32>
    %max3A_10 = arith.maximumf %add3A, %max3A_9 : vector<512x1xf32>
    %get3A_11 = arith.constant 0 : index
    %get3A_12 = arith.constant 0 : index
    %get3A_13 = arith.constant 0 : index
    %get3A_14 = vector.load %arg1[%get3A_11, %get3A_12, %get3A_13] : memref<2x512x128xf32, #tpu.memory_space<vmem>>, vector<1x512x128xf32>
    %get3A_15 = vector.shape_cast %get3A_14 : vector<1x512x128xf32> to vector<512x128xf32>
    %get3A_16 = arith.constant 1 : index
    %get3A_17 = arith.constant 0 : index
    %get3A_18 = arith.constant 0 : index
    %get3A_19 = vector.load %arg1[%get3A_16, %get3A_17, %get3A_18] : memref<2x512x128xf32, #tpu.memory_space<vmem>>, vector<1x512x128xf32>
    %get3A_20 = vector.shape_cast %get3A_19 : vector<1x512x128xf32> to vector<512x128xf32>
    %add3A_21 = arith.addf %get3A_15, %get3A_20 : vector<512x128xf32>
    %div3A = vector.broadcast %max3A_10 : vector<512x1xf32> to vector<512x128xf32>
    %div3A_22 = arith.divf %add3A_21, %div3A : vector<512x128xf32>
    %broadcast_in_dim3A = arith.constant 0.000000e+00 : f32
    %broadcast_in_dim3A_23 = vector.broadcast %broadcast_in_dim3A : f32 to vector<512x128xf32>
    %broadcast_in_dim3A_24 = arith.constant 0.000000e+00 : f32
    %broadcast_in_dim3A_25 = vector.broadcast %broadcast_in_dim3A_24 : f32 to vector<512x128xf32>
    %add3A_26 = arith.addf %broadcast_in_dim3A_23, %div3A_22 : vector<512x128xf32>
    %sub3A = arith.constant 1.000000e+00 : f32
    %sub3A_27 = vector.broadcast %sub3A : f32 to vector<512x128xf32>
    %sub3A_28 = arith.subf %add3A_26, %sub3A_27 : vector<512x128xf32>
    %gt3A = arith.constant 0.000000e+00 : f32
    %gt3A_29 = vector.broadcast %gt3A : f32 to vector<512x128xf32>
    %gt3A_30 = arith.cmpf ogt, %sub3A_28, %gt3A_29 : vector<512x128xf32>
    %convert_element_type3A = arith.extui %gt3A_30 : vector<512x128xi1> to vector<512x128xi32>
    %convert_element_type3A_31 = arith.sitofp %convert_element_type3A : vector<512x128xi32> to vector<512x128xf32>
    %sub3A_32 = arith.subf %add3A_26, %convert_element_type3A_31 : vector<512x128xf32>
    %add3A_33 = arith.addf %broadcast_in_dim3A_25, %convert_element_type3A_31 : vector<512x128xf32>
    %add3A_34 = arith.addf %sub3A_32, %div3A_22 : vector<512x128xf32>
    %sub3A_35 = arith.constant 1.000000e+00 : f32
    %sub3A_36 = vector.broadcast %sub3A_35 : f32 to vector<512x128xf32>
    %sub3A_37 = arith.subf %add3A_34, %sub3A_36 : vector<512x128xf32>
    %gt3A_38 = arith.constant 0.000000e+00 : f32
    %gt3A_39 = vector.broadcast %gt3A_38 : f32 to vector<512x128xf32>
    %gt3A_40 = arith.cmpf ogt, %sub3A_37, %gt3A_39 : vector<512x128xf32>
    %convert_element_type3A_41 = arith.extui %gt3A_40 : vector<512x128xi1> to vector<512x128xi32>
    %convert_element_type3A_42 = arith.sitofp %convert_element_type3A_41 : vector<512x128xi32> to vector<512x128xf32>
    %sub3A_43 = arith.subf %add3A_34, %convert_element_type3A_42 : vector<512x128xf32>
    %add3A_44 = arith.addf %add3A_33, %convert_element_type3A_42 : vector<512x128xf32>
    %add3A_45 = arith.addf %sub3A_43, %div3A_22 : vector<512x128xf32>
    %sub3A_46 = arith.constant 1.000000e+00 : f32
    %sub3A_47 = vector.broadcast %sub3A_46 : f32 to vector<512x128xf32>
    %sub3A_48 = arith.subf %add3A_45, %sub3A_47 : vector<512x128xf32>
    %gt3A_49 = arith.constant 0.000000e+00 : f32
    %gt3A_50 = vector.broadcast %gt3A_49 : f32 to vector<512x128xf32>
    %gt3A_51 = arith.cmpf ogt, %sub3A_48, %gt3A_50 : vector<512x128xf32>
    %convert_element_type3A_52 = arith.extui %gt3A_51 : vector<512x128xi1> to vector<512x128xi32>
    %convert_element_type3A_53 = arith.sitofp %convert_element_type3A_52 : vector<512x128xi32> to vector<512x128xf32>
    %sub3A_54 = arith.subf %add3A_45, %convert_element_type3A_53 : vector<512x128xf32>
    %add3A_55 = arith.addf %add3A_44, %convert_element_type3A_53 : vector<512x128xf32>
    %add3A_56 = arith.addf %sub3A_54, %div3A_22 : vector<512x128xf32>
    %sub3A_57 = arith.constant 1.000000e+00 : f32
    %sub3A_58 = vector.broadcast %sub3A_57 : f32 to vector<512x128xf32>
    %sub3A_59 = arith.subf %add3A_56, %sub3A_58 : vector<512x128xf32>
    %gt3A_60 = arith.constant 0.000000e+00 : f32
    %gt3A_61 = vector.broadcast %gt3A_60 : f32 to vector<512x128xf32>
    %gt3A_62 = arith.cmpf ogt, %sub3A_59, %gt3A_61 : vector<512x128xf32>
    %convert_element_type3A_63 = arith.extui %gt3A_62 : vector<512x128xi1> to vector<512x128xi32>
    %convert_element_type3A_64 = arith.sitofp %convert_element_type3A_63 : vector<512x128xi32> to vector<512x128xf32>
    %add3A_65 = arith.addf %add3A_55, %convert_element_type3A_64 : vector<512x128xf32>
    %div3A_66 = arith.constant 4.000000e+00 : f32
    %div3A_67 = vector.broadcast %div3A_66 : f32 to vector<512x128xf32>
    %div3A_68 = arith.divf %add3A_65, %div3A_67 : vector<512x128xf32>
    %mul3A = arith.mulf %div3A_68, %div3A_68 : vector<512x128xf32>
    %reduce_sum3A = arith.constant dense<0.000000e+00> : vector<512xf32>
    %reduce_sum3A_69 = vector.multi_reduction <add>, %mul3A, %reduce_sum3A [1] : vector<512x128xf32> to vector<512xf32>
    %broadcast_in_dim3A_70 = vector.shape_cast %reduce_sum3A_69 : vector<512xf32> to vector<512x1xf32>
    %sqrt3A = math.sqrt %broadcast_in_dim3A_70 : vector<512x1xf32>
    %jit3A = arith.constant 9.99999997E-7 : f32
    %jit3A_71 = arith.constant 1.000000e+01 : f32
    %max3A_72 = vector.broadcast %jit3A : f32 to vector<512x1xf32>
    %max3A_73 = arith.maximumf %max3A_72, %sqrt3A : vector<512x1xf32>
    %min3A = vector.broadcast %jit3A_71 : f32 to vector<512x1xf32>
    %min3A_74 = arith.minimumf %min3A, %max3A_73 : vector<512x1xf32>
    %exp3A = math.exp %min3A_74 : vector<512x1xf32>
    %neg3A = arith.constant 0.000000e+00 : f32
    %neg3A_75 = vector.broadcast %neg3A : f32 to vector<512x1xf32>
    %neg3A_76 = arith.subf %neg3A_75, %min3A_74 : vector<512x1xf32>
    %exp3A_77 = math.exp %neg3A_76 : vector<512x1xf32>
    %add3A_78 = arith.addf %exp3A, %exp3A_77 : vector<512x1xf32>
    %mul3A_79 = arith.constant 5.000000e-01 : f32
    %mul3A_80 = vector.broadcast %mul3A_79 : f32 to vector<512x1xf32>
    %mul3A_81 = arith.mulf %mul3A_80, %add3A_78 : vector<512x1xf32>
    %sub3A_82 = arith.subf %exp3A, %exp3A_77 : vector<512x1xf32>
    %mul3A_83 = arith.constant 5.000000e-01 : f32
    %mul3A_84 = vector.broadcast %mul3A_83 : f32 to vector<512x1xf32>
    %mul3A_85 = arith.mulf %mul3A_84, %sub3A_82 : vector<512x1xf32>
    %max3A_86 = arith.constant 1.00000012 : f32
    %max3A_87 = vector.broadcast %max3A_86 : f32 to vector<512x1xf32>
    %max3A_88 = arith.maximumf %mul3A_81, %max3A_87 : vector<512x1xf32>
    %mul3A_89 = arith.mulf %max3A_88, %max3A_88 : vector<512x1xf32>
    %sub3A_90 = arith.constant 1.000000e+00 : f32
    %sub3A_91 = vector.broadcast %sub3A_90 : f32 to vector<512x1xf32>
    %sub3A_92 = arith.subf %mul3A_89, %sub3A_91 : vector<512x1xf32>
    %sqrt3A_93 = math.sqrt %sub3A_92 : vector<512x1xf32>
    %add3A_94 = arith.addf %max3A_88, %sqrt3A_93 : vector<512x1xf32>
    %log3A = math.log %add3A_94 : vector<512x1xf32>
    %max3A_95 = arith.constant 9.99999997E-7 : f32
    %max3A_96 = vector.broadcast %max3A_95 : f32 to vector<512x1xf32>
    %max3A_97 = arith.maximumf %mul3A_85, %max3A_96 : vector<512x1xf32>
    %mul3A_98 = arith.mulf %log3A, %mul3A_85 : vector<512x1xf32>
    %max3A_99 = arith.constant 9.99999997E-7 : f32
    %max3A_100 = vector.broadcast %max3A_99 : f32 to vector<512x1xf32>
    %max3A_101 = arith.maximumf %sqrt3A, %max3A_100 : vector<512x1xf32>
    %mul3A_102 = arith.mulf %max3A_97, %max3A_101 : vector<512x1xf32>
    %div3A_103 = arith.divf %mul3A_98, %mul3A_102 : vector<512x1xf32>
    %mul3A_104 = vector.broadcast %div3A_103 : vector<512x1xf32> to vector<512x128xf32>
    %mul3A_105 = arith.mulf %mul3A_104, %div3A_68 : vector<512x128xf32>
    %swap3A = arith.constant 0 : index
    %swap3A_106 = arith.constant 0 : index
    %swap3A_107 = vector.load %arg5[%swap3A, %swap3A_106] : memref<512x128xf32, #tpu.memory_space<vmem>>, vector<512x128xf32>
    tpu.vector_store %arg5[%swap3A, %swap3A_106], %div3A_68 {strides = array<i32>} : memref<512x128xf32, #tpu.memory_space<vmem>>, vector<512x128xf32>,
    %swap3A_108 = arith.constant 0 : index
    %swap3A_109 = arith.constant 0 : index
    %swap3A_110 = vector.load %arg6[%swap3A_108, %swap3A_109] : memref<512x128xf32, #tpu.memory_space<vmem>>, vector<512x128xf32>
    tpu.vector_store %arg6[%swap3A_108, %swap3A_109], %mul3A_105 {strides = array<i32>} : memref<512x128xf32, #tpu.memory_space<vmem>>, vector<512x128xf32>,
    %broadcast_in_dim3A_111 = vector.shape_cast %max3A_10 : vector<512x1xf32> to vector<512x1xf32>
    %broadcast_in_dim3A_112 = vector.broadcast %broadcast_in_dim3A_111 : vector<512x1xf32> to vector<512x8xf32>
    %swap3A_113 = arith.constant 0 : index
    %swap3A_114 = arith.constant 0 : index
    %swap3A_115 = vector.load %arg7[%swap3A_113, %swap3A_114] : memref<512x8xf32, #tpu.memory_space<vmem>>, vector<512x8xf32>
    tpu.vector_store %arg7[%swap3A_113, %swap3A_114], %broadcast_in_dim3A_112 {strides = array<i32>} : memref<512x8xf32, #tpu.memory_space<vmem>>, vector<512x8xf32>,
    %get3A_116 = arith.constant 0 : index
    %get3A_117 = arith.constant 0 : index
    %get3A_118 = vector.load %arg3[%get3A_116, %get3A_117] : memref<128x128xf32, #tpu.memory_space<vmem>>, vector<128x128xf32>
    %dot_general3A = arith.constant dense<0.000000e+00> : vector<512x128xf32>
    %dot_general3A_119 = tpu.matmul %mul3A_105, %get3A_118, %dot_general3A {dimension_numbers = #tpu.dot_dimension_numbers<[1], [0], [0], [1], [0, 0, 1, 1], [], []>, transpose_lhs_hint = false} : vector<512x128xf32>, vector<128x128xf32>, vector<512x128xf32> -> vector<512x128xf32>
    %swap3A_120 = arith.constant 0 : index
    %swap3A_121 = arith.constant 0 : index
    %swap3A_122 = vector.load %arg4[%swap3A_120, %swap3A_121] : memref<512x128xf32, #tpu.memory_space<vmem>>, vector<512x128xf32>
    tpu.vector_store %arg4[%swap3A_120, %swap3A_121], %dot_general3A_119 {strides = array<i32>} : memref<512x128xf32, #tpu.memory_space<vmem>>, vector<512x128xf32>,
    return
  }
  func.func @transform_0(%arg0: i32) -> (i32, i32, i32) {
    %c0_i32 = arith.constant 0 : i32
    %c0_i32_0 = arith.constant 0 : i32
    %c0_i32_1 = arith.constant 0 : i32
    return %c0_i32, %arg0, %c0_i32_0 : i32, i32, i32
  }
  func.func @transform_1(%arg0: i32) -> (i32, i32, i32) {
    %c0_i32 = arith.constant 0 : i32
    %c0_i32_0 = arith.constant 0 : i32
    %c0_i32_1 = arith.constant 0 : i32
    return %c0_i32, %arg0, %c0_i32_0 : i32, i32, i32
  }
  func.func @transform_2(%arg0: i32) -> (i32, i32) {
    %c0_i32 = arith.constant 0 : i32
    %c0_i32_0 = arith.constant 0 : i32
    %c0_i32_1 = arith.constant 0 : i32
    return %c0_i32, %c0_i32_0 : i32, i32
  }
  func.func @transform_3(%arg0: i32) -> (i32, i32) {
    %c0_i32 = arith.constant 0 : i32
    %c0_i32_0 = arith.constant 0 : i32
    return %arg0, %c0_i32 : i32, i32
  }
  func.func @transform_4(%arg0: i32) -> (i32, i32) {
    %c0_i32 = arith.constant 0 : i32
    %c0_i32_0 = arith.constant 0 : i32
    return %arg0, %c0_i32 : i32, i32
  }
  func.func @transform_5(%arg0: i32) -> (i32, i32) {
    %c0_i32 = arith.constant 0 : i32
    %c0_i32_0 = arith.constant 0 : i32
    return %arg0, %c0_i32 : i32, i32
  }
  func.func @transform_6(%arg0: i32) -> (i32, i32) {
    %c0_i32 = arith.constant 0 : i32
    %c0_i32_0 = arith.constant 0 : i32
    return %arg0, %c0_i32 : i32, i32
  }
}

module attributes {stable_mosaic.version = 14 : i64} {
  func.func @_fin_body(%arg0: i32, %arg1: memref<2x512x128xf32, #tpu.memory_space<vmem>>, %arg2: memref<512x8xf32, #tpu.memory_space<vmem>>, %arg3: memref<512x128xf32, #tpu.memory_space<vmem>>, %arg4: memref<512x128xf32, #tpu.memory_space<vmem>>, %arg5: memref<512x128xf32, #tpu.memory_space<vmem>>) attributes {dimension_semantics = [#tpu.dimension_semantics<arbitrary>], iteration_bounds = array<i64: 20>, scalar_prefetch = 0 : i64, scratch_operands = 0 : i64, tpu.core_type = #tpu.core_type<tc>, window_params = [{transform_indices = @transform_0, window_bounds = array<i64: 2, 512, 128>}, {transform_indices = @transform_1, window_bounds = array<i64: 512, 8>}, {transform_indices = @transform_2, window_bounds = array<i64: 512, 128>}, {transform_indices = @transform_3, window_bounds = array<i64: 512, 128>}, {transform_indices = @transform_4, window_bounds = array<i64: 512, 128>}]} {
    %get3A = arith.constant 0 : index
    %get3A_0 = arith.constant 0 : index
    %get3A_1 = arith.constant 0 : index
    %get3A_2 = vector.load %arg1[%get3A, %get3A_0, %get3A_1] : memref<2x512x128xf32, #tpu.memory_space<vmem>>, vector<1x512x128xf32>
    %get3A_3 = vector.shape_cast %get3A_2 : vector<1x512x128xf32> to vector<512x128xf32>
    %get3A_4 = arith.constant 1 : index
    %get3A_5 = arith.constant 0 : index
    %get3A_6 = arith.constant 0 : index
    %get3A_7 = vector.load %arg1[%get3A_4, %get3A_5, %get3A_6] : memref<2x512x128xf32, #tpu.memory_space<vmem>>, vector<1x512x128xf32>
    %get3A_8 = vector.shape_cast %get3A_7 : vector<1x512x128xf32> to vector<512x128xf32>
    %add3A = arith.addf %get3A_3, %get3A_8 : vector<512x128xf32>
    %get3A_9 = arith.constant 0 : index
    %get3A_10 = arith.constant 0 : index
    %get3A_11 = vector.load %arg2[%get3A_9, %get3A_10] : memref<512x8xf32, #tpu.memory_space<vmem>>, vector<512x1xf32>
    %div3A = vector.broadcast %get3A_11 : vector<512x1xf32> to vector<512x128xf32>
    %div3A_12 = arith.divf %add3A, %div3A : vector<512x128xf32>
    %get3A_13 = arith.constant 0 : index
    %get3A_14 = arith.constant 0 : index
    %get3A_15 = vector.load %arg3[%get3A_13, %get3A_14] : memref<512x128xf32, #tpu.memory_space<vmem>>, vector<512x128xf32>
    %add3A_16 = arith.addf %div3A_12, %get3A_15 : vector<512x128xf32>
    %broadcast_in_dim3A = arith.constant 0.000000e+00 : f32
    %broadcast_in_dim3A_17 = vector.broadcast %broadcast_in_dim3A : f32 to vector<512x128xf32>
    %broadcast_in_dim3A_18 = arith.constant 0.000000e+00 : f32
    %broadcast_in_dim3A_19 = vector.broadcast %broadcast_in_dim3A_18 : f32 to vector<512x128xf32>
    %add3A_20 = arith.addf %broadcast_in_dim3A_17, %add3A_16 : vector<512x128xf32>
    %sub3A = arith.constant 1.000000e+00 : f32
    %sub3A_21 = vector.broadcast %sub3A : f32 to vector<512x128xf32>
    %sub3A_22 = arith.subf %add3A_20, %sub3A_21 : vector<512x128xf32>
    %gt3A = arith.constant 0.000000e+00 : f32
    %gt3A_23 = vector.broadcast %gt3A : f32 to vector<512x128xf32>
    %gt3A_24 = arith.cmpf ogt, %sub3A_22, %gt3A_23 : vector<512x128xf32>
    %convert_element_type3A = arith.extui %gt3A_24 : vector<512x128xi1> to vector<512x128xi32>
    %convert_element_type3A_25 = arith.sitofp %convert_element_type3A : vector<512x128xi32> to vector<512x128xf32>
    %sub3A_26 = arith.subf %add3A_20, %convert_element_type3A_25 : vector<512x128xf32>
    %add3A_27 = arith.addf %broadcast_in_dim3A_19, %convert_element_type3A_25 : vector<512x128xf32>
    %add3A_28 = arith.addf %sub3A_26, %add3A_16 : vector<512x128xf32>
    %sub3A_29 = arith.constant 1.000000e+00 : f32
    %sub3A_30 = vector.broadcast %sub3A_29 : f32 to vector<512x128xf32>
    %sub3A_31 = arith.subf %add3A_28, %sub3A_30 : vector<512x128xf32>
    %gt3A_32 = arith.constant 0.000000e+00 : f32
    %gt3A_33 = vector.broadcast %gt3A_32 : f32 to vector<512x128xf32>
    %gt3A_34 = arith.cmpf ogt, %sub3A_31, %gt3A_33 : vector<512x128xf32>
    %convert_element_type3A_35 = arith.extui %gt3A_34 : vector<512x128xi1> to vector<512x128xi32>
    %convert_element_type3A_36 = arith.sitofp %convert_element_type3A_35 : vector<512x128xi32> to vector<512x128xf32>
    %sub3A_37 = arith.subf %add3A_28, %convert_element_type3A_36 : vector<512x128xf32>
    %add3A_38 = arith.addf %add3A_27, %convert_element_type3A_36 : vector<512x128xf32>
    %add3A_39 = arith.addf %sub3A_37, %add3A_16 : vector<512x128xf32>
    %sub3A_40 = arith.constant 1.000000e+00 : f32
    %sub3A_41 = vector.broadcast %sub3A_40 : f32 to vector<512x128xf32>
    %sub3A_42 = arith.subf %add3A_39, %sub3A_41 : vector<512x128xf32>
    %gt3A_43 = arith.constant 0.000000e+00 : f32
    %gt3A_44 = vector.broadcast %gt3A_43 : f32 to vector<512x128xf32>
    %gt3A_45 = arith.cmpf ogt, %sub3A_42, %gt3A_44 : vector<512x128xf32>
    %convert_element_type3A_46 = arith.extui %gt3A_45 : vector<512x128xi1> to vector<512x128xi32>
    %convert_element_type3A_47 = arith.sitofp %convert_element_type3A_46 : vector<512x128xi32> to vector<512x128xf32>
    %sub3A_48 = arith.subf %add3A_39, %convert_element_type3A_47 : vector<512x128xf32>
    %add3A_49 = arith.addf %add3A_38, %convert_element_type3A_47 : vector<512x128xf32>
    %add3A_50 = arith.addf %sub3A_48, %add3A_16 : vector<512x128xf32>
    %sub3A_51 = arith.constant 1.000000e+00 : f32
    %sub3A_52 = vector.broadcast %sub3A_51 : f32 to vector<512x128xf32>
    %sub3A_53 = arith.subf %add3A_50, %sub3A_52 : vector<512x128xf32>
    %gt3A_54 = arith.constant 0.000000e+00 : f32
    %gt3A_55 = vector.broadcast %gt3A_54 : f32 to vector<512x128xf32>
    %gt3A_56 = arith.cmpf ogt, %sub3A_53, %gt3A_55 : vector<512x128xf32>
    %convert_element_type3A_57 = arith.extui %gt3A_56 : vector<512x128xi1> to vector<512x128xi32>
    %convert_element_type3A_58 = arith.sitofp %convert_element_type3A_57 : vector<512x128xi32> to vector<512x128xf32>
    %add3A_59 = arith.addf %add3A_49, %convert_element_type3A_58 : vector<512x128xf32>
    %div3A_60 = arith.constant 4.000000e+00 : f32
    %div3A_61 = vector.broadcast %div3A_60 : f32 to vector<512x128xf32>
    %div3A_62 = arith.divf %add3A_59, %div3A_61 : vector<512x128xf32>
    %get3A_63 = arith.constant 0 : index
    %get3A_64 = arith.constant 0 : index
    %get3A_65 = vector.load %arg4[%get3A_63, %get3A_64] : memref<512x128xf32, #tpu.memory_space<vmem>>, vector<512x128xf32>
    %get3A_66 = arith.constant 0 : index
    %get3A_67 = arith.constant 0 : index
    %get3A_68 = vector.load %arg3[%get3A_66, %get3A_67] : memref<512x128xf32, #tpu.memory_space<vmem>>, vector<512x128xf32>
    %sub3A_69 = arith.subf %div3A_62, %get3A_68 : vector<512x128xf32>
    %add3A_70 = arith.addf %get3A_65, %sub3A_69 : vector<512x128xf32>
    %mul3A = arith.mulf %add3A_70, %add3A_70 : vector<512x128xf32>
    %reduce_sum3A = arith.constant dense<0.000000e+00> : vector<512xf32>
    %reduce_sum3A_71 = vector.multi_reduction <add>, %mul3A, %reduce_sum3A [1] : vector<512x128xf32> to vector<512xf32>
    %broadcast_in_dim3A_72 = vector.shape_cast %reduce_sum3A_71 : vector<512xf32> to vector<512x1xf32>
    %sqrt3A = math.sqrt %broadcast_in_dim3A_72 : vector<512x1xf32>
    %jit3A = arith.constant 9.99999997E-7 : f32
    %jit3A_73 = arith.constant 1.000000e+01 : f32
    %max3A = vector.broadcast %jit3A : f32 to vector<512x1xf32>
    %max3A_74 = arith.maximumf %max3A, %sqrt3A : vector<512x1xf32>
    %min3A = vector.broadcast %jit3A_73 : f32 to vector<512x1xf32>
    %min3A_75 = arith.minimumf %min3A, %max3A_74 : vector<512x1xf32>
    %exp3A = math.exp %min3A_75 : vector<512x1xf32>
    %neg3A = arith.constant 0.000000e+00 : f32
    %neg3A_76 = vector.broadcast %neg3A : f32 to vector<512x1xf32>
    %neg3A_77 = arith.subf %neg3A_76, %min3A_75 : vector<512x1xf32>
    %exp3A_78 = math.exp %neg3A_77 : vector<512x1xf32>
    %add3A_79 = arith.addf %exp3A, %exp3A_78 : vector<512x1xf32>
    %mul3A_80 = arith.constant 5.000000e-01 : f32
    %mul3A_81 = vector.broadcast %mul3A_80 : f32 to vector<512x1xf32>
    %mul3A_82 = arith.mulf %mul3A_81, %add3A_79 : vector<512x1xf32>
    %sub3A_83 = arith.subf %exp3A, %exp3A_78 : vector<512x1xf32>
    %mul3A_84 = arith.constant 5.000000e-01 : f32
    %mul3A_85 = vector.broadcast %mul3A_84 : f32 to vector<512x1xf32>
    %mul3A_86 = arith.mulf %mul3A_85, %sub3A_83 : vector<512x1xf32>
    %add3A_87 = arith.constant 1.000000e+00 : f32
    %add3A_88 = vector.broadcast %add3A_87 : f32 to vector<512x1xf32>
    %add3A_89 = arith.addf %add3A_88, %mul3A_82 : vector<512x1xf32>
    %max3A_90 = arith.constant 9.99999997E-7 : f32
    %max3A_91 = vector.broadcast %max3A_90 : f32 to vector<512x1xf32>
    %max3A_92 = arith.maximumf %sqrt3A, %max3A_91 : vector<512x1xf32>
    %mul3A_93 = arith.mulf %add3A_89, %max3A_92 : vector<512x1xf32>
    %div3A_94 = arith.divf %mul3A_86, %mul3A_93 : vector<512x1xf32>
    %mul3A_95 = vector.broadcast %div3A_94 : vector<512x1xf32> to vector<512x128xf32>
    %mul3A_96 = arith.mulf %mul3A_95, %add3A_70 : vector<512x128xf32>
    %swap3A = arith.constant 0 : index
    %swap3A_97 = arith.constant 0 : index
    %swap3A_98 = vector.load %arg5[%swap3A, %swap3A_97] : memref<512x128xf32, #tpu.memory_space<vmem>>, vector<512x128xf32>
    tpu.vector_store %arg5[%swap3A, %swap3A_97], %mul3A_96 {strides = array<i32>} : memref<512x128xf32, #tpu.memory_space<vmem>>, vector<512x128xf32>,
    return
  }
  func.func @transform_0(%arg0: i32) -> (i32, i32, i32) {
    %c0_i32 = arith.constant 0 : i32
    %c0_i32_0 = arith.constant 0 : i32
    %c0_i32_1 = arith.constant 0 : i32
    return %c0_i32, %arg0, %c0_i32_0 : i32, i32, i32
  }
  func.func @transform_1(%arg0: i32) -> (i32, i32) {
    %c0_i32 = arith.constant 0 : i32
    %c0_i32_0 = arith.constant 0 : i32
    return %arg0, %c0_i32 : i32, i32
  }
  func.func @transform_2(%arg0: i32) -> (i32, i32) {
    %c0_i32 = arith.constant 0 : i32
    %c0_i32_0 = arith.constant 0 : i32
    return %arg0, %c0_i32 : i32, i32
  }
  func.func @transform_3(%arg0: i32) -> (i32, i32) {
    %c0_i32 = arith.constant 0 : i32
    %c0_i32_0 = arith.constant 0 : i32
    return %arg0, %c0_i32 : i32, i32
  }
  func.func @transform_4(%arg0: i32) -> (i32, i32) {
    %c0_i32 = arith.constant 0 : i32
    %c0_i32_0 = arith.constant 0 : i32
    return %arg0, %c0_i32 : i32, i32
  }
}

</mosaic_0001>

<sc_bundles>
// kernel: kernel.10.cloned.1.call-start
scs
__scs_entry_jumppad:
0x0: {  	(pc) =	sbr.rel $0x88, $3  }
0x1: {  	(tag) =	ssettag $0x0;
	lr =	simm.s32 $0x1  }
0x2: {  	[smem:$0x3F9C] =	sst lr;
	_ =	strace $0xD0000000  }
0x3: {  	_ = 	snop  }
0x4: {  	_ = 	snop  }
0x5: {  	_ = 	snop  }
0x6: {  	_ = 	snop  }
0x7: {  	_ = 	snop  }
__scs_overlays_trampoline_lowered:
0x8: {  	[smem:$0x3FAB] =	sst s0  }
0x9: {  	[smem:$0x3FAC] =	sst s1  }
0xa: {  	[smem:$0x3FAD] =	sst s2  }
0xb: {  	[smem:$0x3FAE] =	sst s3  }
0xc: {  	[smem:$0x3FAF] =	sst s4  }
0xd: {  	[smem:$0x3FB0] =	sst s5  }
0xe: {  	[smem:$0x3FB1] =	sst s6  }
0xf: {  	[smem:$0x3FB2] =	sst s7  }
0x10: {  	[smem:$0x3FB3] =	sst s8  }
0x11: {  	[smem:$0x3FB4] =	sst s9;
	s0 =	simm.s32 @!p0 $0x0  }
0x12: {  	s1 =	sld [smem:$0x3F9A];
	s0 =	simm.s32 @p0 $0x1  }
0x13: {  	[smem:$0x3FB5] =	sst s0;
	s0 =	simm.s32 @!p1 $0x0  }
0x14: {  	s2 =	sld [smem:$0x3F99];
	s0 =	simm.s32 @p1 $0x1  }
0x15: {  	[smem:$0x3FB6] =	sst s0;
	s0 =	simm.s32 @!p2 $0x0  }
0x16: {  	s3 =	sld [smem:$0x3FDB];
	s0 =	simm.s32 @p2 $0x1  }
0x17: {  	s4 =	simm.s32 $0x1BF5;
	[smem:$0x3FB8] =	sst s0  }
0x18: {  	s0 =	sld [smem:$0x3F9B];
	_ =	swait.ge [sflag:s4], $0x0  }
0x19: {  	s7 =	sld [smem:$0x3F9C]  }
0x1a: {  	s8 =	sadd.s32 $0xFFFFE003, lr  }
0x1b: {  	s9 =	sadd.s32 $0xFFFFFEF7, lr;
	s5 =	simm.s32 $0xFFFFFFFF;
	p2 =	slt.u32 s8, $0xFFFFF086  }
0x1c: {  	p1 =	slt.u32 s9, $0xF7A;
	s5 =	simm.s32 @!p2 $0x0  }
0x1d: {  	s5 =	simm.s32 @p1 $0x1;
	p0 =	seq.s32 s7, s2  }
0x1e: {  	s7 =	smul.u32 @!p0 $0xF7A, s2;
	p2 =	seq.s32 @!p0 s5, $0x0  }
0x1f: {  	s9 =	smul.u32 $0xF7A, s1;
	s8 =	simm.s32 @!p0 $0x1BF5;
	p2 =	por !p2, p0  }
0x20: {  	[sflag:s8] =	ssyncset.s32 @!p0 $0xFFFFF086;
	s6 =	sadd.s32 @!p0 s3, s7;
	s7 =	simm.s32 @!p0 $0x108  }
0x21: {  	s3 =	sadd.s32 s3, s9;
	s6 =	sadd.s32 @!p0 $0x88, s6;
	s7 =	simm.s32 @p2 $0x1082  }
0x22: {  	[simem:s7], [sflag:s8] =	dma.local @!p0 [hbm:s6], $0xF7A  }
0x23: {  	s9 =	sor.u32 $0xD0000000, s2;
	s6 =	simm.s32 $0x108;
	_ =	swait.ge @!p0 [sflag:s8], $0x0  }
0x24: {  	s3 =	sadd.s32 $0x88, s3;
	s6 =	simm.s32 @!p1 $0x1082;
	[sflag:s4] =	ssyncset.s32 $0xFFFFF086  }
0x25: {  	[simem:s6], [sflag:s4] =	dma.local [hbm:s3], $0xF7A  }
0x26: {  	[smem:$0x3F9C] =	sst s1;
	(tag) =	ssettag s2;
	_ =	strace s9  }
0x27: {  	s1 =	sld [smem:$0x3FAC]  }
0x28: {  	s2 =	sld [smem:$0x3FAD]  }
0x29: {  	s4 =	sld [smem:$0x3FAF]  }
0x2a: {  	p0 =	seq.s32 s5, $0x0;
	s5 =	sld [smem:$0x3FB0]  }
0x2b: {  	s6 =	sld [smem:$0x3FB1]  }
0x2c: {  	s7 =	sld [smem:$0x3FB2]  }
0x2d: {  	s3 =	simm.s32 $0x108;
	s8 =	sld [smem:$0x3FB3]  }
0x2e: {  	s3 =	simm.s32 @!p0 $0x1082;
	s9 =	sld [smem:$0x3FB4]  }
0x2f: {  	lr =	sadd.s32 s0, s3;
	s0 =	sld [smem:$0x3FAB]  }
0x30: {  	s3 =	sld [smem:$0x3FAE]  }
0x31: {  	[smem:$0x3FB7] =	sst s10  }
0x32: {  	s10 =	sld [smem:$0x3FB5];
	_ =	sdelay $0x3  }
0x33: {  	p0 =	seq.s32 s10, $0x1;
	s10 =	sld [smem:$0x3FB7];
	_ =	sdelay $0x3  }
0x34: {  	[smem:$0x3FB7] =	sst s10  }
0x35: {  	s10 =	sld [smem:$0x3FB6];
	_ =	sdelay $0x3  }
0x36: {  	p1 =	seq.s32 s10, $0x1;
	s10 =	sld [smem:$0x3FB7];
	_ =	sdelay $0x3  }
0x37: {  	[smem:$0x3FB7] =	sst s10  }
0x38: {  	s10 =	sld [smem:$0x3FB8]  }
0x39: {  	_ = 	snop;
	(pc) =	sbr.ind lr, $3  }
0x3a: {  	_ = 	snop  }
0x3b: {  	_ = 	snop  }
0x3c: {  	p2 =	seq.s32 s10, $0x1;
	s10 =	sld [smem:$0x3FB7]  }
0x3d: {  	_ =	shalt  }
0x3e: {  	_ =	shalt  }
0x3f: {  	_ =	shalt  }
0x40: {  	_ =	shalt  }
0x41: {  	_ =	shalt  }
0x42: {  	_ =	shalt  }
0x43: {  	_ =	shalt  }
0x44: {  	_ =	shalt  }
0x45: {  	_ =	shalt  }
0x46: {  	_ =	shalt  }
0x47: {  	_ =	shalt  }
0x48: {  	_ =	shalt  }
0x49: {  	_ =	shalt  }
0x4a: {  	_ =	shalt  }
0x4b: {  	_ =	shalt  }
0x4c: {  	_ =	shalt  }
0x4d: {  	_ =	shalt  }
0x4e: {  	_ =	shalt  }
0x4f: {  	_ =	shalt  }
0x50: {  	_ =	shalt  }
0x51: {  	_ =	shalt  }
0x52: {  	_ =	shalt  }
0x53: {  	_ =	shalt  }
0x54: {  	_ =	shalt  }
0x55: {  	_ =	shalt  }
0x56: {  	_ =	shalt  }
0x57: {  	_ =	shalt  }
0x58: {  	_ =	shalt  }
0x59: {  	_ =	shalt  }
0x5a: {  	_ =	shalt  }
0x5b: {  	_ =	shalt  }
0x5c: {  	_ =	shalt  }
0x5d: {  	_ =	shalt  }
0x5e: {  	_ =	shalt  }
0x5f: {  	_ =	shalt  }
0x60: {  	_ =	shalt  }
0x61: {  	_ =	shalt  }
0x62: {  	_ =	shalt  }
0x63: {  	_ =	shalt  }
0x64: {  	_ =	shalt  }
0x65: {  	_ =	shalt  }
0x66: {  	_ =	shalt  }
0x67: {  	_ =	shalt  }
0x68: {  	_ =	shalt  }
0x69: {  	_ =	shalt  }
0x6a: {  	_ =	shalt  }
0x6b: {  	_ =	shalt  }
0x6c: {  	_ =	shalt  }
0x6d: {  	_ =	shalt  }
0x6e: {  	_ =	shalt  }
0x6f: {  	_ =	shalt  }
0x70: {  	_ =	shalt  }
0x71: {  	_ =	shalt  }
0x72: {  	_ =	shalt  }
0x73: {  	_ =	shalt  }
0x74: {  	_ =	shalt  }
0x75: {  	_ =	shalt  }
0x76: {  	_ =	shalt  }
0x77: {  	_ =	shalt  }
0x78: {  	_ =	shalt  }
0x79: {  	_ =	shalt  }
0x7a: {  	_ =	shalt  }
0x7b: {  	_ =	shalt  }
0x7c: {  	_ =	shalt  }
0x7d: {  	_ =	shalt  }
0x7e: {  	_ =	shalt  }
0x7f: {  	_ =	shalt  }
0x80: {  	_ =	shalt  }
0x81: {  	_ =	shalt  }
0x82: {  	_ =	shalt  }
0x83: {  	_ =	shalt  }
0x84: {  	_ =	shalt  }
0x85: {  	_ =	shalt  }
0x86: {  	_ =	shalt  }
0x87: {  	_ =	shalt  }
.Lfunc_end0:
.L_simem_size_0:
called_computation_lowered:
.L_overlay_start_0:
0x88: {  	s2 =	sld [smem:$0x3FD9]  }
0x89: {  	s3 =	sld [smem:$0x3FFE];
	_ =	sdelay $0x1  }
0x8a: {  	s1 =	srdreg.scid  }
0x8b: {  	s0 =	sand.u32 $0x1, s1  }
0x8c: {  	s16 =	sshll.u32 s0, $0xA;
	s2 =	sadd.s32 s3, s2  }
0x8d: {  	s2 =	sadd.s32 s2, s16  }
0x8e: {  	[smem:$0x3FC3] =	sst s2  }
0x8f: {  	_ = 	snop  }
0x90: {  	(tm) =	ssettm $0x1  }
0x91: {  	s17 =	sld [smem:$0x3FFB];
	_ =	sdelay $0x3  }
0x92: {  	_ =	strace s17  }
0x93: {  	s2 =	sld [smem:$0x3FFC];
	_ =	sdelay $0x3  }
0x94: {  	_ =	strace s2  }
0x95: {  	s2 =	sld [smem:$0x3FFD];
	_ =	sdelay $0x3  }
0x96: {  	_ =	strace s2  }
0x97: {  	_ =	strace $0x8FFFFFFF  }
0x98: {  	s18 =	sld [smem:$0x3FDB];
	_ =	sdelay $0x1  }
0x99: {  	s19 =	simm.s32 $_scs_section_size  }
0x9a: {  	s4 =	simm.s32 $_size__tile_overlayer_lowered;
	s5 =	simm.s32 $_tile_overlayer_lowered  }
0x9b: {  	s22 =	simm.s32 $0x1BFF;
	s21 =	sshll.u32 s5, $0x1;
	s2 =	sadd.s32 s19, s18  }
0x9c: {  	s6 =	simm.s32 $0x0;
	s20 =	sshll.u32 s4, $0x1;
	s4 =	sadd.s32 s21, s2  }
0x9d: {  	[timem:s6], [sflag:s22] =	dma.local [hbm:s4], s20  }
0x9e: {  	_ =	swait.ge [sflag:s22], s20  }
0x9f: {  	s3 =	ssub.s32 $0x0, s20;
	[sflag:s22] =	ssyncset.done $0x0  }
0xa0: {  	[sflag:s22] =	ssyncadd.s32 s3;
	_ =	sdelay $0x1  }
0xa1: {  	s23 =	simm.s32 $0x1B8B  }
0xa2: {  	_ =	swait.ge [sflag:s23], $0x1  }
0xa3: {  	[sflag:s23] =	ssyncset.done $0x0  }
0xa4: {  	s25 =	simm.s32 $0x1B8E;
	s24 =	sld [smem:$0x3FFE];
	[sflag:s23] =	ssyncadd.s32 $0xFFFFFFFF  }
0xa5: {  	s26 =	simm.s32 $execute0_lowered;
	[smem:$0x3FD2] =	sst s25  }
0xa6: {  	s4 =	sshll.u32 s26, $0x1;
	_ =	strace $0x80000046;
	[dreg:$0x1] =	wrdreg $0xFFFFFFFF  }
0xa7: {  	s28 =	simm.s32 $_size_execute0_lowered;
	s2 =	sadd.s32 s2, s4;
	[dreg:$0x0] =	wrdreg $0x0  }
0xa8: {  	s4 =	sshll.u32 s28, $0x1;
	[dreg:$0x2] =	wrdreg s2  }
0xa9: {  	[dreg:$0x3] =	wrdreg s4  }
0xaa: {  	[dreg:$0x4] =	wrdreg $0xC0  }
0xab: {  	_ =	task [dreg:s6], $0x5FFFF  }
0xac: {  	[dreg:$0x1] =	wrdreg $0xFFFFFFFF  }
0xad: {  	[dreg:$0x0] =	wrdreg $0x60  }
0xae: {  	[dreg:$0x2] =	wrdreg s24  }
0xaf: {  	[dreg:$0x3] =	wrdreg $0x68000  }
0xb0: {  	[dreg:$0x4] =	wrdreg $0x9  }
0xb1: {  	_ =	task.clear_ibuf [dreg:s6], $0x5FFFF;
	_ =	strace $0x90000046  }
0xb2: {  	s29 =	simm.s32 $0x9;
	_ =	strace $0x80000048  }
0xb3: {  	_ =	swait.ge [sflag:s29], $0x1  }
0xb4: {  	[sflag:s29] =	ssyncadd.s32 $0xFFFFFFFF  }
0xb5: {  	_ =	strace $0x90000048  }
0xb6: {  	_ =	sfence  }
0xb7: {  	s30 =	sld [smem:$0x0];
	_ =	sdelay $0x2  }
0xb8: {  	s31 =	sshll.u32 s1, $0xD;
	s1 =	sshrl.u32 s1, $0x2  }
0xb9: {  	s3 =	sand.u32 $0x4000, s31;
	s1 =	sadd.s32 s1, s30  }
0xba: {  	s0 =	sor.u32 s3, s0;
	s1 =	sshll.u32 s1, $0x11  }
0xbb: {  	s0 =	sor.u32 s1, s0  }
0xbc: {  	s0 =	sadd.s32 $0x8F2B, s0  }
0xbd: {  	[sflag:s0] =	ssyncadd.remote.s32 $0x1  }
0xbe: {  	_ =	sfence.sel $0xFFFF  }
0xbf: {  	[dreg:$0x0] =	wrdreg $0xFFFFFFFF;
	(pc) =	sbr.abs _section_cstart, $3  }
0xc0: {  	[dreg:$0x1] =	wrdreg $0xFFFFFFFF  }
0xc1: {  	_ =	task.clear_ibuf [dreg:s6], $0x2FFFF;
	_ =	strace $0x9FFFFFFF  }
0xc2: {  	(tm) =	ssettm $0x7FFFFFFF  }
0xc3: {  	_ =	shalt  }
tec
execute0_lowered:
.L_overlay_start_1:
0x0: {  	(tag) =	ssettag $0x1  }
0x1: {  	s0 =	srdreg.scid  }
0x2: {  	s5 =	rddreg [dreg:$0x0];
	s4 =	sand.u32 $0x1, s0  }
0x3: {  	s0 =	stileid.u32;
	s7 =	smul.u32 $0x28000, s4  }
0x4: {  	s2 =	rddreg [dreg:$0x1];
	s3 =	simm.s32 $0x0;
	s8 =	smul.u32 $0x5, s0  }
0x5: {  	s15 =	simm.s32 $0x2;
	s1 =	sshll.u32 s4, $0x4;
	s10 =	smul.u32 $0x50000, s0  }
0x6: {  	s4 =	ssub.s32 $0x2, s4;
	s16 =	smul.u32 $0x2800, s0;
	s1 =	sor.u32 s0, s1  }
0x7: {  	[smem:$0x7FF] =	sst s3;
	s9 =	sshrl.u32 s4, $0x1;
	s6 =	smul.u32 $0x500, s1  }
0x8: {  	s1 =	rddreg [dreg:$0x2];
	_ =	strace $0x80000047;
	s25 =	ssub.s32 s4, s9  }
0x9: {  	s26 =	sshrl.u32 s10, $0x2;
	s11 =	sadd.s32 $0x1, s8;
	s12 =	sadd.s32 $0x2, s8  }
0xa: {  	s13 =	sadd.s32 $0x3, s8;
	s14 =	sadd.s32 $0x4, s8;
	s28 =	sshll.u32 s11, $0xE  }
0xb: {  	s29 =	sshll.u32 s12, $0xE;
	s30 =	sshll.u32 s13, $0xE;
	s31 =	sshll.u32 s14, $0xE  }
0xc: {  	s17 =	sshll.u32 s11, $0xB;
	s18 =	sshll.u32 s12, $0xB;
	s19 =	sshll.u32 s13, $0xB  }
0xd: {  	s21 =	sshll.u32 s14, $0xB;
	s11 =	simm.s32 $0x2800;
	s12 =	simm.s32 $0x3  }
0xe: {  	s13 =	simm.s32 $0x80;
	s14 =	simm.s32 $0x1;
	s6 =	sadd.s32 s6, s5  }
0xf: {  	s5 =	sadd.s32 s7, s5;
	s7 =	sadd.s32 s28, s2;
	s8 =	sadd.s32 s29, s2  }
0x10: {  	s9 =	sadd.s32 s30, s2;
	s10 =	sadd.s32 s31, s2;
	s4 =	sadd.s32 $0x2600, s6  }
0x11: {  	s20 =	sadd.s32 $0xC600, s5;
	s5 =	sadd.s32 s26, s2;
	s6 =	smax.u32 s25, $0x1  }
0x12: {  	s16 =	sadd.s32 s16, s20;
	s17 =	sadd.s32 s17, s20;
	s18 =	sadd.s32 s18, s20  }
0x13: {  	v0 =	vimm.f32 $0.0e+00;
	v1 =	vimm.f32 $1.000000000e+00;
	s19 =	sadd.s32 s19, s20;
	s20 =	sadd.s32 s21, s20;
	s21 =	simm.s32 $0x0  }
.LBB2_1:
0x14: {  	s22 =	simm.s32 $0x0;
	s23 =	simm.s32 $0x200  }
.LBB2_2:
0x15: {  	p0 =	sne.s32 s23, $0xFE00;
	[tilespmem:s22+$0x2870] =	vst v0  }
0x16: {  	[tilespmem:s22+$0x2800] =	vst v0  }
0x17: {  	[tilespmem:s22+$0x2810] =	vst v0  }
.Ltmp0:
0x18: {  	[tilespmem:s22+$0x2820] =	vst v0;
	(pc) =	sbr.rel @p0 .LBB2_2-.Ltmp0, $4  }
0x19: {  	[tilespmem:s22+$0x2830] =	vst v0  }
0x1a: {  	[tilespmem:s22+$0x2840] =	vst v0  }
0x1b: {  	[tilespmem:s22+$0x2850] =	vst v0  }
0x1c: {  	[tilespmem:s22+$0x2860] =	vst v0;
	s22 =	sshra.s32 s23, $0x2;
	s23 =	sadd.s32 $0x200, s23  }
0x1d: {  	[tilespmem:s22+$0x2870] =	vst v0  }
0x1e: {  	[tilespmem:s22+$0x2800] =	vst v0  }
0x1f: {  	[tilespmem:s22+$0x2810] =	vst v0  }
0x20: {  	[tilespmem:s22+$0x2820] =	vst v0  }
0x21: {  	[tilespmem:s22+$0x2830] =	vst v0  }
0x22: {  	[tilespmem:s22+$0x2840] =	vst v0  }
0x23: {  	[tilespmem:s22+$0x2850] =	vst v0  }
0x24: {  	[tilespmem:s22+$0x2860] =	vst v0  }
0x25: {  	[spmem:s5] =	stream.linear.scatter [tilespmem:s11], [sflag:$0x3], $0x4000, $0x38;
	[tilespmem:$0x1A800] =	vst v63  }
0x26: {  	_ =	swait.ge [sflag:s12], $0x4000  }
0x27: {  	[sflag:s12] =	ssyncset.done $0x0  }
0x28: {  	[sflag:s12] =	ssyncadd.s32 $0xFFFFC000  }
0x29: {  	[spmem:s7] =	stream.linear.scatter [tilespmem:s11], [sflag:$0x3], $0x4000, $0x38;
	[tilespmem:$0x1A800] =	vst v63  }
0x2a: {  	_ =	swait.ge [sflag:s12], $0x4000  }
0x2b: {  	[sflag:s12] =	ssyncset.done $0x0  }
0x2c: {  	[sflag:s12] =	ssyncadd.s32 $0xFFFFC000  }
0x2d: {  	[spmem:s8] =	stream.linear.scatter [tilespmem:s11], [sflag:$0x3], $0x4000, $0x38;
	[tilespmem:$0x1A800] =	vst v63  }
0x2e: {  	_ =	swait.ge [sflag:s12], $0x4000  }
0x2f: {  	[sflag:s12] =	ssyncset.done $0x0  }
0x30: {  	[sflag:s12] =	ssyncadd.s32 $0xFFFFC000  }
0x31: {  	[spmem:s9] =	stream.linear.scatter [tilespmem:s11], [sflag:$0x3], $0x4000, $0x38;
	[tilespmem:$0x1A800] =	vst v63  }
0x32: {  	_ =	swait.ge [sflag:s12], $0x4000  }
0x33: {  	[sflag:s12] =	ssyncset.done $0x0  }
0x34: {  	[sflag:s12] =	ssyncadd.s32 $0xFFFFC000  }
0x35: {  	[spmem:s10] =	stream.linear.scatter [tilespmem:s11], [sflag:$0x3], $0x4000, $0x38;
	[tilespmem:$0x1A800] =	vst v63  }
0x36: {  	_ =	swait.ge [sflag:s12], $0x4000  }
0x37: {  	[sflag:s12] =	ssyncset.done $0x0  }
0x38: {  	s31 =	simm.s32 $0x0;
	[sflag:s12] =	ssyncadd.s32 $0xFFFFC000  }
0x39: {  	[tilespmem:s31], [sflag:$0x3] =	stream.linear.gather [hbm4b:s4+s31], $0x2800, $0x38;
	[tilespmem:$0x1A800] =	vst v63  }
0x3a: {  	_ =	swait.ge [sflag:s12], $0x2800  }
0x3b: {  	[sflag:s12] =	ssyncset.done $0x0  }
0x3c: {  	s22 =	simm.s32 $0x0;
	s23 =	simm.s32 $0x200;
	[sflag:s12] =	ssyncadd.s32 $0xFFFFD800  }
.LBB2_4:
0x3d: {  	p0 =	sne.s32 s23, $0xFE00;
	[tilespmem:s22+$0x2870] =	vst v1  }
0x3e: {  	[tilespmem:s22+$0x2800] =	vst v1  }
0x3f: {  	[tilespmem:s22+$0x2810] =	vst v1  }
.Ltmp1:
0x40: {  	[tilespmem:s22+$0x2820] =	vst v1;
	(pc) =	sbr.rel @p0 .LBB2_4-.Ltmp1, $4  }
0x41: {  	[tilespmem:s22+$0x2830] =	vst v1  }
0x42: {  	[tilespmem:s22+$0x2840] =	vst v1  }
0x43: {  	[tilespmem:s22+$0x2850] =	vst v1  }
0x44: {  	[tilespmem:s22+$0x2860] =	vst v1;
	s22 =	sshra.s32 s23, $0x2;
	s23 =	sadd.s32 $0x200, s23  }
0x45: {  	[tilespmem:s22+$0x2870] =	vst v1  }
0x46: {  	[tilespmem:s22+$0x2800] =	vst v1  }
0x47: {  	[tilespmem:s22+$0x2810] =	vst v1  }
0x48: {  	[tilespmem:s22+$0x2820] =	vst v1  }
0x49: {  	[tilespmem:s22+$0x2830] =	vst v1  }
0x4a: {  	[tilespmem:s22+$0x2840] =	vst v1  }
0x4b: {  	[tilespmem:s22+$0x2850] =	vst v1  }
0x4c: {  	[tilespmem:s22+$0x2860] =	vst v1  }
0x4d: {  	[bflag:$0x0] =	sbarrier.arrive $0xFFFF  }
0x4e: {  	[spmem:s2] =	stream.indirect.scatter.add.f32 [tilespmem:s11], [sflag:$0x1], $0x80, s3, s13, $0xb8;
	[tilespmem:$0x1A800] =	vst v63  }
0x4f: {  	_ = 	snop  }
0x50: {  	[spmem:s2] =	stream.indirect.scatter.add.f32 [tilespmem:s11], [sflag:$0x2], $0x80, s13, s13, $0xb8;
	[tilespmem:$0x1A800] =	vst v63  }
0x51: {  	_ =	swait.ge [sflag:s14], $0x4000  }
0x52: {  	[sflag:s14] =	ssyncset.done $0x0  }
0x53: {  	s31 =	simm.s32 $0x100;
	[sflag:s14] =	ssyncadd.s32 $0xFFFFC000  }
0x54: {  	[spmem:s2] =	stream.indirect.scatter.add.f32 [tilespmem:s11], [sflag:$0x1], $0x80, s31, s13, $0xb8;
	[tilespmem:$0x1A800] =	vst v63  }
0x55: {  	_ =	swait.ge [sflag:s15], $0x4000  }
0x56: {  	[sflag:s15] =	ssyncset.done $0x0  }
0x57: {  	s22 =	simm.s32 $0xFFFF6800;
	s23 =	simm.s32 $0x180;
	[sflag:s15] =	ssyncadd.s32 $0xFFFFC000  }
.LBB2_6:
0x58: {  	[spmem:s2] =	stream.indirect.scatter.add.f32 [tilespmem:s11], [sflag:$0x2], $0x80, s23, s13, $0xb8;
	[tilespmem:$0x1A800] =	vst v63  }
0x59: {  	s23 =	smov.u32 s22  }
0x5a: {  	p0 =	sne.s32 s22, $0xFFFFFC00;
	s22 =	sadd.s32 $0x400, s22;
	_ =	swait.ge [sflag:s14], $0x4000  }
0x5b: {  	s23 =	sshra.s32 s23, $0x2;
	[sflag:s14] =	ssyncset.done $0x0  }
.Ltmp2:
0x5c: {  	s24 =	sadd.s32 $0x2800, s23;
	[sflag:s14] =	ssyncadd.s32 $0xFFFFC000;
	(pc) =	sbr.rel @p0 .LBB2_6-.Ltmp2, $4  }
0x5d: {  	[spmem:s2] =	stream.indirect.scatter.add.f32 [tilespmem:s11], [sflag:$0x1], $0x80, s24, s13, $0xb8;
	[tilespmem:$0x1A800] =	vst v63  }
0x5e: {  	_ =	swait.ge [sflag:s15], $0x4000  }
0x5f: {  	[sflag:s15] =	ssyncset.done $0x0  }
0x60: {  	s23 =	sadd.s32 $0x2880, s23;
	[sflag:s15] =	ssyncadd.s32 $0xFFFFC000  }
0x61: {  	[spmem:s2] =	stream.indirect.scatter.add.f32 [tilespmem:s11], [sflag:$0x2], $0x80, s23, s13, $0xb8;
	[tilespmem:$0x1A800] =	vst v63  }
0x62: {  	_ =	swait.ge [sflag:s14], $0x4000  }
0x63: {  	[sflag:s14] =	ssyncset.done $0x0  }
0x64: {  	[sflag:s14] =	ssyncadd.s32 $0xFFFFC000  }
0x65: {  	_ =	swait.ge [sflag:s15], $0x4000  }
0x66: {  	[sflag:s15] =	ssyncset.done $0x0  }
0x67: {  	s22 =	sshll.u32 s0, $0x6;
	[sflag:s15] =	ssyncadd.s32 $0xFFFFC000  }
0x68: {  	s26 =	sshrl.u32 s5, $0x3;
	s22 =	sor.u32 $0x1C03, s22;
	[bflag:$0x0] =	sbarrier.arrive $0xFFFF  }
0x69: {  	[hbm:s16], [sflag:s22] =	dma.local [spmem:s26], $0x800  }
0x6a: {  	_ =	swait.ge [sflag:s12], $0x800  }
0x6b: {  	[sflag:s12] =	ssyncset.done $0x0  }
0x6c: {  	s28 =	sshrl.u32 s7, $0x3;
	[sflag:s12] =	ssyncadd.s32 $0xFFFFF800  }
0x6d: {  	[hbm:s17], [sflag:s22] =	dma.local [spmem:s28], $0x800  }
0x6e: {  	_ =	swait.ge [sflag:s12], $0x800  }
0x6f: {  	[sflag:s12] =	ssyncset.done $0x0  }
0x70: {  	s29 =	sshrl.u32 s8, $0x3;
	[sflag:s12] =	ssyncadd.s32 $0xFFFFF800  }
0x71: {  	[hbm:s18], [sflag:s22] =	dma.local [spmem:s29], $0x800  }
0x72: {  	_ =	swait.ge [sflag:s12], $0x800  }
0x73: {  	[sflag:s12] =	ssyncset.done $0x0  }
0x74: {  	s30 =	sshrl.u32 s9, $0x3;
	[sflag:s12] =	ssyncadd.s32 $0xFFFFF800  }
0x75: {  	[hbm:s19], [sflag:s22] =	dma.local [spmem:s30], $0x800  }
0x76: {  	s21 =	sadd.s32 $0x1, s21;
	_ =	swait.ge [sflag:s12], $0x800  }
0x77: {  	p0 =	sne.s32 s21, s6;
	[sflag:s12] =	ssyncset.done $0x0  }
.Ltmp3:
0x78: {  	s31 =	sshrl.u32 s10, $0x3;
	[sflag:s12] =	ssyncadd.s32 $0xFFFFF800;
	(pc) =	sbr.rel @p0 .LBB2_1-.Ltmp3, $4  }
0x79: {  	[hbm:s20], [sflag:s22] =	dma.local [spmem:s31], $0x800  }
0x7a: {  	_ =	swait.ge [sflag:s12], $0x800  }
0x7b: {  	[sflag:s12] =	ssyncset.done $0x0  }
0x7c: {  	[sflag:s12] =	ssyncadd.s32 $0xFFFFF800  }
0x7d: {  	_ =	sfence.sel $0x180000  }
0x7e: {  	[bflag:$0x0] =	sbarrier.arrive $0xFFFF  }
0x7f: {  	p0 =	sne.s32 s0, $0x0;
	_ =	strace $0x90000047  }
0x80: {  	s0 =	sadd.s32 @!p0 $0x100000, s1;
	[bflag:$0x2] =	sbarrier.arrive $0xFFFF  }
0x81: {  	[sflag:s0] =	ssyncadd.tile.s32 @!p0 $0x1;
	_ =	shalt  }
.Lfunc_end2:
_tile_overlayer_lowered:
.L_overlay_start_2:
0x82: {  	(tag) =	ssettag $0x2  }
0x83: {  	s0 =	rddreg [dreg:$0x0];
	s2 =	stileid.u32  }
0x84: {  	s1 =	rddreg [dreg:$0x1];
	p0 =	sne.s32 s2, $0x0  }
0x85: {  	s3 =	rddreg [dreg:$0x2];
	[bflag:$0x3] =	sbarrier.arrive $0xFFFF;
	s2 =	simm.s32 @!p0 $0x1C03  }
0x86: {  	[timem:s3], [sflag:s2] =	dma.local @!p0 [hbm:s0], s1  }
0x87: {  	s0 =	simm.s32 @!p0 $0x3  }
0x88: {  	_ =	swait.ge @!p0 [sflag:s0], s1  }
0x89: {  	s1 =	ssub.s32 @!p0 $0x0, s1;
	[sflag:s0] =	ssyncset.done @!p0 $0x0  }
0x8a: {  	[sflag:s0] =	ssyncadd.s32 @!p0 s1  }
0x8b: {  	[bflag:$0x3] =	sbarrier.arrive $0xFFFF  }
0x8c: {  	_ =	shalt  }

// kernel: kernel.13.cloned.1.call-start
scs
__scs_entry_jumppad:
0x0: {  	(pc) =	sbr.rel $0x88, $3  }
0x1: {  	(tag) =	ssettag $0x0;
	lr =	simm.s32 $0x1  }
0x2: {  	[smem:$0x3F9C] =	sst lr;
	_ =	strace $0xD0000000  }
0x3: {  	_ = 	snop  }
0x4: {  	_ = 	snop  }
0x5: {  	_ = 	snop  }
0x6: {  	_ = 	snop  }
0x7: {  	_ = 	snop  }
__scs_overlays_trampoline_lowered:
0x8: {  	[smem:$0x3FAB] =	sst s0  }
0x9: {  	[smem:$0x3FAC] =	sst s1  }
0xa: {  	[smem:$0x3FAD] =	sst s2  }
0xb: {  	[smem:$0x3FAE] =	sst s3  }
0xc: {  	[smem:$0x3FAF] =	sst s4  }
0xd: {  	[smem:$0x3FB0] =	sst s5  }
0xe: {  	[smem:$0x3FB1] =	sst s6  }
0xf: {  	[smem:$0x3FB2] =	sst s7  }
0x10: {  	[smem:$0x3FB3] =	sst s8  }
0x11: {  	[smem:$0x3FB4] =	sst s9;
	s0 =	simm.s32 @!p0 $0x0  }
0x12: {  	s1 =	sld [smem:$0x3F9A];
	s0 =	simm.s32 @p0 $0x1  }
0x13: {  	[smem:$0x3FB5] =	sst s0;
	s0 =	simm.s32 @!p1 $0x0  }
0x14: {  	s2 =	sld [smem:$0x3F99];
	s0 =	simm.s32 @p1 $0x1  }
0x15: {  	[smem:$0x3FB6] =	sst s0;
	s0 =	simm.s32 @!p2 $0x0  }
0x16: {  	s3 =	sld [smem:$0x3FDB];
	s0 =	simm.s32 @p2 $0x1  }
0x17: {  	s4 =	simm.s32 $0x1BF5;
	[smem:$0x3FB8] =	sst s0  }
0x18: {  	s0 =	sld [smem:$0x3F9B];
	_ =	swait.ge [sflag:s4], $0x0  }
0x19: {  	s7 =	sld [smem:$0x3F9C]  }
0x1a: {  	s8 =	sadd.s32 $0xFFFFE003, lr  }
0x1b: {  	s9 =	sadd.s32 $0xFFFFFEF7, lr;
	s5 =	simm.s32 $0xFFFFFFFF;
	p2 =	slt.u32 s8, $0xFFFFF086  }
0x1c: {  	p1 =	slt.u32 s9, $0xF7A;
	s5 =	simm.s32 @!p2 $0x0  }
0x1d: {  	s5 =	simm.s32 @p1 $0x1;
	p0 =	seq.s32 s7, s2  }
0x1e: {  	s7 =	smul.u32 @!p0 $0xF7A, s2;
	p2 =	seq.s32 @!p0 s5, $0x0  }
0x1f: {  	s9 =	smul.u32 $0xF7A, s1;
	s8 =	simm.s32 @!p0 $0x1BF5;
	p2 =	por !p2, p0  }
0x20: {  	[sflag:s8] =	ssyncset.s32 @!p0 $0xFFFFF086;
	s6 =	sadd.s32 @!p0 s3, s7;
	s7 =	simm.s32 @!p0 $0x108  }
0x21: {  	s3 =	sadd.s32 s3, s9;
	s6 =	sadd.s32 @!p0 $0x88, s6;
	s7 =	simm.s32 @p2 $0x1082  }
0x22: {  	[simem:s7], [sflag:s8] =	dma.local @!p0 [hbm:s6], $0xF7A  }
0x23: {  	s9 =	sor.u32 $0xD0000000, s2;
	s6 =	simm.s32 $0x108;
	_ =	swait.ge @!p0 [sflag:s8], $0x0  }
0x24: {  	s3 =	sadd.s32 $0x88, s3;
	s6 =	simm.s32 @!p1 $0x1082;
	[sflag:s4] =	ssyncset.s32 $0xFFFFF086  }
0x25: {  	[simem:s6], [sflag:s4] =	dma.local [hbm:s3], $0xF7A  }
0x26: {  	[smem:$0x3F9C] =	sst s1;
	(tag) =	ssettag s2;
	_ =	strace s9  }
0x27: {  	s1 =	sld [smem:$0x3FAC]  }
0x28: {  	s2 =	sld [smem:$0x3FAD]  }
0x29: {  	s4 =	sld [smem:$0x3FAF]  }
0x2a: {  	p0 =	seq.s32 s5, $0x0;
	s5 =	sld [smem:$0x3FB0]  }
0x2b: {  	s6 =	sld [smem:$0x3FB1]  }
0x2c: {  	s7 =	sld [smem:$0x3FB2]  }
0x2d: {  	s3 =	simm.s32 $0x108;
	s8 =	sld [smem:$0x3FB3]  }
0x2e: {  	s3 =	simm.s32 @!p0 $0x1082;
	s9 =	sld [smem:$0x3FB4]  }
0x2f: {  	lr =	sadd.s32 s0, s3;
	s0 =	sld [smem:$0x3FAB]  }
0x30: {  	s3 =	sld [smem:$0x3FAE]  }
0x31: {  	[smem:$0x3FB7] =	sst s10  }
0x32: {  	s10 =	sld [smem:$0x3FB5];
	_ =	sdelay $0x3  }
0x33: {  	p0 =	seq.s32 s10, $0x1;
	s10 =	sld [smem:$0x3FB7];
	_ =	sdelay $0x3  }
0x34: {  	[smem:$0x3FB7] =	sst s10  }
0x35: {  	s10 =	sld [smem:$0x3FB6];
	_ =	sdelay $0x3  }
0x36: {  	p1 =	seq.s32 s10, $0x1;
	s10 =	sld [smem:$0x3FB7];
	_ =	sdelay $0x3  }
0x37: {  	[smem:$0x3FB7] =	sst s10  }
0x38: {  	s10 =	sld [smem:$0x3FB8]  }
0x39: {  	_ = 	snop;
	(pc) =	sbr.ind lr, $3  }
0x3a: {  	_ = 	snop  }
0x3b: {  	_ = 	snop  }
0x3c: {  	p2 =	seq.s32 s10, $0x1;
	s10 =	sld [smem:$0x3FB7]  }
0x3d: {  	_ =	shalt  }
0x3e: {  	_ =	shalt  }
0x3f: {  	_ =	shalt  }
0x40: {  	_ =	shalt  }
0x41: {  	_ =	shalt  }
0x42: {  	_ =	shalt  }
0x43: {  	_ =	shalt  }
0x44: {  	_ =	shalt  }
0x45: {  	_ =	shalt  }
0x46: {  	_ =	shalt  }
0x47: {  	_ =	shalt  }
0x48: {  	_ =	shalt  }
0x49: {  	_ =	shalt  }
0x4a: {  	_ =	shalt  }
0x4b: {  	_ =	shalt  }
0x4c: {  	_ =	shalt  }
0x4d: {  	_ =	shalt  }
0x4e: {  	_ =	shalt  }
0x4f: {  	_ =	shalt  }
0x50: {  	_ =	shalt  }
0x51: {  	_ =	shalt  }
0x52: {  	_ =	shalt  }
0x53: {  	_ =	shalt  }
0x54: {  	_ =	shalt  }
0x55: {  	_ =	shalt  }
0x56: {  	_ =	shalt  }
0x57: {  	_ =	shalt  }
0x58: {  	_ =	shalt  }
0x59: {  	_ =	shalt  }
0x5a: {  	_ =	shalt  }
0x5b: {  	_ =	shalt  }
0x5c: {  	_ =	shalt  }
0x5d: {  	_ =	shalt  }
0x5e: {  	_ =	shalt  }
0x5f: {  	_ =	shalt  }
0x60: {  	_ =	shalt  }
0x61: {  	_ =	shalt  }
0x62: {  	_ =	shalt  }
0x63: {  	_ =	shalt  }
0x64: {  	_ =	shalt  }
0x65: {  	_ =	shalt  }
0x66: {  	_ =	shalt  }
0x67: {  	_ =	shalt  }
0x68: {  	_ =	shalt  }
0x69: {  	_ =	shalt  }
0x6a: {  	_ =	shalt  }
0x6b: {  	_ =	shalt  }
0x6c: {  	_ =	shalt  }
0x6d: {  	_ =	shalt  }
0x6e: {  	_ =	shalt  }
0x6f: {  	_ =	shalt  }
0x70: {  	_ =	shalt  }
0x71: {  	_ =	shalt  }
0x72: {  	_ =	shalt  }
0x73: {  	_ =	shalt  }
0x74: {  	_ =	shalt  }
0x75: {  	_ =	shalt  }
0x76: {  	_ =	shalt  }
0x77: {  	_ =	shalt  }
0x78: {  	_ =	shalt  }
0x79: {  	_ =	shalt  }
0x7a: {  	_ =	shalt  }
0x7b: {  	_ =	shalt  }
0x7c: {  	_ =	shalt  }
0x7d: {  	_ =	shalt  }
0x7e: {  	_ =	shalt  }
0x7f: {  	_ =	shalt  }
0x80: {  	_ =	shalt  }
0x81: {  	_ =	shalt  }
0x82: {  	_ =	shalt  }
0x83: {  	_ =	shalt  }
0x84: {  	_ =	shalt  }
0x85: {  	_ =	shalt  }
0x86: {  	_ =	shalt  }
0x87: {  	_ =	shalt  }
.Lfunc_end0:
.L_simem_size_0:
called_computation.1_lowered:
.L_overlay_start_0:
0x88: {  	s2 =	sld [smem:$0x3FD9]  }
0x89: {  	s3 =	sld [smem:$0x3FFE];
	_ =	sdelay $0x1  }
0x8a: {  	s1 =	srdreg.scid  }
0x8b: {  	s0 =	sand.u32 $0x1, s1  }
0x8c: {  	s17 =	sshll.u32 s0, $0xA;
	s2 =	sadd.s32 s3, s2  }
0x8d: {  	s2 =	sadd.s32 s2, s17  }
0x8e: {  	[smem:$0x3FC3] =	sst s2  }
0x8f: {  	_ = 	snop  }
0x90: {  	s2 =	sld [smem:$0x3FD0];
	(tm) =	ssettm $0x1  }
0x91: {  	s18 =	sld [smem:$0x3FFB];
	_ =	sdelay $0x3  }
0x92: {  	_ =	strace s18  }
0x93: {  	s3 =	sld [smem:$0x3FFC];
	_ =	sdelay $0x3  }
0x94: {  	_ =	strace s3  }
0x95: {  	s3 =	sld [smem:$0x3FFD];
	_ =	sdelay $0x3  }
0x96: {  	_ =	strace s3  }
0x97: {  	_ =	strace $0x8FFFFFFF  }
0x98: {  	s19 =	sld [smem:$0x3FDB];
	_ =	sdelay $0x1  }
0x99: {  	s4 =	simm.s32 $_scs_section_size  }
0x9a: {  	s5 =	simm.s32 $_size__tile_overlayer_lowered;
	s6 =	simm.s32 $_tile_overlayer_lowered  }
0x9b: {  	s22 =	simm.s32 $0x1BFF;
	s21 =	sshll.u32 s6, $0x1;
	s3 =	sadd.s32 s4, s19  }
0x9c: {  	s7 =	simm.s32 $0x0;
	s20 =	sshll.u32 s5, $0x1;
	s5 =	sadd.s32 s21, s3  }
0x9d: {  	[timem:s7], [sflag:s22] =	dma.local [hbm:s5], s20  }
0x9e: {  	_ =	swait.ge [sflag:s22], s20  }
0x9f: {  	s4 =	ssub.s32 $0x0, s20;
	[sflag:s22] =	ssyncset.done $0x0  }
0xa0: {  	[sflag:s22] =	ssyncadd.s32 s4;
	_ =	sdelay $0x1  }
0xa1: {  	s23 =	simm.s32 $0x1B8B  }
0xa2: {  	_ =	swait.ge [sflag:s23], $0x1  }
0xa3: {  	[sflag:s23] =	ssyncset.done $0x0  }
0xa4: {  	s25 =	simm.s32 $0x1B8E;
	s24 =	sld [smem:$0x3FFE];
	[sflag:s23] =	ssyncadd.s32 $0xFFFFFFFF  }
0xa5: {  	s26 =	simm.s32 $execute0_lowered;
	[smem:$0x3FD2] =	sst s25  }
0xa6: {  	s5 =	sshll.u32 s26, $0x1;
	_ =	strace $0x80000049;
	[dreg:$0x1] =	wrdreg $0xFFFFFFFF  }
0xa7: {  	s28 =	simm.s32 $_size_execute0_lowered;
	s3 =	sadd.s32 s3, s5;
	[dreg:$0x0] =	wrdreg $0x0  }
0xa8: {  	s5 =	sshll.u32 s28, $0x1;
	[dreg:$0x2] =	wrdreg s3  }
0xa9: {  	[dreg:$0x3] =	wrdreg s5  }
0xaa: {  	[dreg:$0x4] =	wrdreg $0xC0  }
0xab: {  	_ =	task [dreg:s7], $0x5FFFF  }
0xac: {  	[dreg:$0x1] =	wrdreg $0xFFFFFFFF  }
0xad: {  	[dreg:$0x0] =	wrdreg $0x60  }
0xae: {  	[dreg:$0x2] =	wrdreg s2  }
0xaf: {  	[dreg:$0x3] =	wrdreg s24  }
0xb0: {  	[dreg:$0x4] =	wrdreg $0xA8000  }
0xb1: {  	[dreg:$0x5] =	wrdreg $0x9  }
0xb2: {  	_ =	task.clear_ibuf [dreg:s7], $0x6FFFF;
	_ =	strace $0x90000049  }
0xb3: {  	s29 =	simm.s32 $0x9;
	_ =	strace $0x8000004B  }
0xb4: {  	_ =	swait.ge [sflag:s29], $0x1  }
0xb5: {  	[sflag:s29] =	ssyncadd.s32 $0xFFFFFFFF  }
0xb6: {  	_ =	strace $0x9000004B  }
0xb7: {  	_ =	sfence  }
0xb8: {  	s30 =	sld [smem:$0x0];
	_ =	sdelay $0x2  }
0xb9: {  	s31 =	sshll.u32 s1, $0xD;
	s1 =	sshrl.u32 s1, $0x2  }
0xba: {  	s3 =	sand.u32 $0x4000, s31;
	s1 =	sadd.s32 s1, s30  }
0xbb: {  	s0 =	sor.u32 s3, s0;
	s1 =	sshll.u32 s1, $0x11  }
0xbc: {  	s0 =	sor.u32 s1, s0  }
0xbd: {  	s0 =	sadd.s32 $0x8F2B, s0  }
0xbe: {  	[sflag:s0] =	ssyncadd.remote.s32 $0x1  }
0xbf: {  	_ =	sfence.sel $0xFFFF  }
0xc0: {  	[dreg:$0x0] =	wrdreg $0xFFFFFFFF;
	(pc) =	sbr.abs _section_cstart, $3  }
0xc1: {  	[dreg:$0x1] =	wrdreg $0xFFFFFFFF  }
0xc2: {  	_ =	task.clear_ibuf [dreg:s7], $0x2FFFF;
	_ =	strace $0x9FFFFFFF  }
0xc3: {  	(tm) =	ssettm $0x7FFFFFFF  }
tec
execute0_lowered:
.L_overlay_start_1:
0x0: {  	(tag) =	ssettag $0x1  }
0x1: {  	s1 =	rddreg [dreg:$0x0]  }
0x2: {  	s0 =	rddreg [dreg:$0x1]  }
0x3: {  	s2 =	rddreg [dreg:$0x2];
	s3 =	srdreg.scid;
	s4 =	simm.s32 $0x0  }
0x4: {  	s11 =	stileid.u32;
	s15 =	simm.s32 $0x2800;
	s28 =	simm.s32 $0x1480  }
0x5: {  	s29 =	simm.s32 $0x3;
	s30 =	simm.s32 $0x100;
	s31 =	simm.s32 $0x4  }
0x6: {  	s3 =	sand.u32 $0x1, s3;
	[smem:$0x7FF] =	sst s4;
	s16 =	smul.u32 $0x5, s11  }
0x7: {  	s7 =	sadd.s32 $0x5C800, s0;
	s8 =	sadd.s32 $0x2600, s0;
	s17 =	smul.u32 $0x50000, s11  }
0x8: {  	s23 =	smul.u32 $0x2800, s11;
	s5 =	sshll.u32 s3, $0x4;
	_ =	strace $0x8000004A  }
0x9: {  	s6 =	smul.u32 $0x28000, s3;
	s3 =	ssub.s32 $0x2, s3;
	s5 =	sor.u32 s11, s5  }
0xa: {  	s10 =	sshrl.u32 s3, $0x1;
	s20 =	sshrl.u32 s17, $0x2;
	s21 =	sadd.s32 $0x1, s16  }
0xb: {  	s24 =	sadd.s32 $0x2, s16;
	s25 =	sadd.s32 $0x3, s16;
	s9 =	smul.u32 $0x2800, s5  }
0xc: {  	s17 =	simm.s32 $0x1400;
	s0 =	sadd.s32 s6, s0;
	s5 =	smul.u32 $0x500, s5  }
0xd: {  	s3 =	ssub.s32 s3, s10;
	s22 =	sshll.u32 s21, $0xE;
	s6 =	sadd.s32 $0x4, s16  }
0xe: {  	s26 =	sshll.u32 s24, $0xE;
	s13 =	sshll.u32 s25, $0xE;
	s16 =	simm.s32 $0x5  }
0xf: {  	s0 =	sadd.s32 $0x70800, s0;
	s3 =	smax.u32 s3, $0x1;
	s11 =	sadd.s32 s22, s2  }
0x10: {  	s14 =	sshll.u32 s6, $0xE;
	s13 =	sadd.s32 s13, s2;
	s6 =	sshll.u32 s6, $0xB  }
0x11: {  	s9 =	sshrl.u32 s9, $0x3;
	s12 =	sadd.s32 s7, s5;
	s5 =	sadd.s32 s8, s5  }
0x12: {  	[dreg:$0x8] =	wrdreg s3;
	s14 =	sadd.s32 s14, s2;
	s3 =	sshll.u32 s24, $0xB  }
0x13: {  	s24 =	sadd.s32 s6, s0;
	s6 =	simm.s32 $0x0;
	[dreg:$0x4] =	wrdreg s12  }
0x14: {  	s9 =	sadd.s32 $0x280, s9;
	[dreg:$0x5] =	wrdreg s5;
	s12 =	sadd.s32 s26, s2  }
0x15: {  	s5 =	sshll.u32 s25, $0xB;
	s22 =	sadd.s32 s3, s0;
	s25 =	simm.s32 $0x6800  }
0x16: {  	s26 =	simm.s32 $0x2;
	s3 =	simm.s32 $0x1380;
	s18 =	sadd.s32 s7, s9  }
0x17: {  	s19 =	sadd.s32 s8, s9;
	s9 =	sadd.s32 s20, s2;
	s7 =	sshll.u32 s21, $0xB  }
0x18: {  	s20 =	sadd.s32 s23, s0;
	s23 =	sadd.s32 s5, s0;
	[dreg:$0x6] =	wrdreg s18  }
0x19: {  	s5 =	simm.s32 $0x2780;
	[dreg:$0x7] =	wrdreg s19;
	s18 =	simm.s32 $0x80  }
0x1a: {  	v0 =	vimm.f32 $0.0e+00;
	s19 =	simm.s32 $0x1;
	s21 =	sadd.s32 s7, s0;
	s0 =	simm.s32 $0x2700  }
.LBB2_1:
0x1b: {  	s7 =	simm.s32 $0x0;
	s8 =	simm.s32 $0x200  }
.LBB2_2:
0x1c: {  	p0 =	sne.s32 s8, $0xFE00;
	[tilespmem:s7+$0x2870] =	vst v0  }
0x1d: {  	[tilespmem:s7+$0x2800] =	vst v0  }
0x1e: {  	[tilespmem:s7+$0x2810] =	vst v0  }
.Ltmp0:
0x1f: {  	[tilespmem:s7+$0x2820] =	vst v0;
	(pc) =	sbr.rel @p0 .LBB2_2-.Ltmp0, $4  }
0x20: {  	[tilespmem:s7+$0x2830] =	vst v0  }
0x21: {  	[tilespmem:s7+$0x2840] =	vst v0  }
0x22: {  	[tilespmem:s7+$0x2850] =	vst v0  }
0x23: {  	[tilespmem:s7+$0x2860] =	vst v0;
	s7 =	sshra.s32 s8, $0x2;
	s8 =	sadd.s32 $0x200, s8  }
0x24: {  	[tilespmem:s7+$0x2870] =	vst v0  }
0x25: {  	[tilespmem:s7+$0x2800] =	vst v0  }
0x26: {  	[tilespmem:s7+$0x2810] =	vst v0  }
0x27: {  	[tilespmem:s7+$0x2820] =	vst v0  }
0x28: {  	[tilespmem:s7+$0x2830] =	vst v0  }
0x29: {  	[tilespmem:s7+$0x2840] =	vst v0  }
0x2a: {  	[tilespmem:s7+$0x2850] =	vst v0  }
0x2b: {  	[tilespmem:s7+$0x2860] =	vst v0  }
0x2c: {  	[spmem:s9] =	stream.linear.scatter [tilespmem:s15], [sflag:$0x5], $0x4000, $0x38;
	[tilespmem:$0x1E800] =	vst v63  }
0x2d: {  	_ =	swait.ge [sflag:s16], $0x4000  }
0x2e: {  	[sflag:s16] =	ssyncset.done $0x0  }
0x2f: {  	[sflag:s16] =	ssyncadd.s32 $0xFFFFC000  }
0x30: {  	[spmem:s11] =	stream.linear.scatter [tilespmem:s15], [sflag:$0x5], $0x4000, $0x38;
	[tilespmem:$0x1E800] =	vst v63  }
0x31: {  	_ =	swait.ge [sflag:s16], $0x4000  }
0x32: {  	[sflag:s16] =	ssyncset.done $0x0  }
0x33: {  	[sflag:s16] =	ssyncadd.s32 $0xFFFFC000  }
0x34: {  	[spmem:s12] =	stream.linear.scatter [tilespmem:s15], [sflag:$0x5], $0x4000, $0x38;
	[tilespmem:$0x1E800] =	vst v63  }
0x35: {  	_ =	swait.ge [sflag:s16], $0x4000  }
0x36: {  	[sflag:s16] =	ssyncset.done $0x0  }
0x37: {  	[sflag:s16] =	ssyncadd.s32 $0xFFFFC000  }
0x38: {  	[spmem:s13] =	stream.linear.scatter [tilespmem:s15], [sflag:$0x5], $0x4000, $0x38;
	[tilespmem:$0x1E800] =	vst v63  }
0x39: {  	_ =	swait.ge [sflag:s16], $0x4000  }
0x3a: {  	[sflag:s16] =	ssyncset.done $0x0  }
0x3b: {  	[sflag:s16] =	ssyncadd.s32 $0xFFFFC000  }
0x3c: {  	[spmem:s14] =	stream.linear.scatter [tilespmem:s15], [sflag:$0x5], $0x4000, $0x38;
	[tilespmem:$0x1E800] =	vst v63  }
0x3d: {  	_ =	swait.ge [sflag:s16], $0x4000  }
0x3e: {  	[sflag:s16] =	ssyncset.done $0x0  }
0x3f: {  	[sflag:s16] =	ssyncadd.s32 $0xFFFFC000  }
0x40: {  	[bflag:$0x0] =	sbarrier.arrive $0xFFFF  }
0x41: {  	s10 =	rddreg [dreg:$0x4]  }
0x42: {  	[tilespmem:s4], [sflag:$0x5] =	stream.linear.gather [hbm4b:s10+s4], $0x1400, $0x38;
	[tilespmem:$0x1E800] =	vst v63  }
0x43: {  	_ =	swait.ge [sflag:s16], $0x1400  }
0x44: {  	[sflag:s16] =	ssyncset.done $0x0  }
0x45: {  	s8 =	rddreg [dreg:$0x5];
	[sflag:s16] =	ssyncadd.s32 $0xFFFFEC00  }
0x46: {  	[tilespmem:s17], [sflag:$0x5] =	stream.linear.gather [hbm4b:s8+s4], $0x1400, $0x38;
	[tilespmem:$0x1E800] =	vst v63  }
0x47: {  	_ =	swait.ge [sflag:s16], $0x1400  }
0x48: {  	[sflag:s16] =	ssyncset.done $0x0  }
0x49: {  	[sflag:s16] =	ssyncadd.s32 $0xFFFFEC00  }
0x4a: {  	[tilespmem:s15], [sflag:$0x1] =	stream.indirect.gather [hbm4b:s1+s18], $0x80, s4, s18, $0xb8;
	[tilespmem:$0x1E800] =	vst v63  }
0x4b: {  	_ =	swait.ge [sflag:s19], $0x4000  }
0x4c: {  	[sflag:s19] =	ssyncset.done $0x0  }
0x4d: {  	[sflag:s19] =	ssyncadd.s32 $0xFFFFC000  }
0x4e: {  	[spmem:s2] =	stream.indirect.scatter.add.f32 [tilespmem:s15], [sflag:$0x3], $0x80, s17, s18, $0xb8;
	[tilespmem:$0x1E800] =	vst v63  }
0x4f: {  	_ = 	snop  }
0x50: {  	[tilespmem:s25], [sflag:$0x2] =	stream.indirect.gather [hbm4b:s1+s18], $0x80, s18, s18, $0xb8;
	[tilespmem:$0x1E800] =	vst v63  }
0x51: {  	_ =	swait.ge [sflag:s26], $0x4000  }
0x52: {  	[sflag:s26] =	ssyncset.done $0x0  }
0x53: {  	[sflag:s26] =	ssyncadd.s32 $0xFFFFC000  }
0x54: {  	[spmem:s2] =	stream.indirect.scatter.add.f32 [tilespmem:s25], [sflag:$0x4], $0x80, s28, s18, $0xb8;
	[tilespmem:$0x1E800] =	vst v63  }
0x55: {  	_ =	swait.ge [sflag:s29], $0x4000  }
0x56: {  	[sflag:s29] =	ssyncset.done $0x0  }
0x57: {  	[sflag:s29] =	ssyncadd.s32 $0xFFFFC000  }
0x58: {  	[tilespmem:s15], [sflag:$0x1] =	stream.indirect.gather [hbm4b:s1+s18], $0x80, s30, s18, $0xb8;
	[tilespmem:$0x1E800] =	vst v63  }
0x59: {  	_ =	swait.ge [sflag:s19], $0x4000  }
0x5a: {  	[sflag:s19] =	ssyncset.done $0x0  }
0x5b: {  	s10 =	simm.s32 $0x1500;
	[sflag:s19] =	ssyncadd.s32 $0xFFFFC000  }
0x5c: {  	[spmem:s2] =	stream.indirect.scatter.add.f32 [tilespmem:s15], [sflag:$0x3], $0x80, s10, s18, $0xb8;
	[tilespmem:$0x1E800] =	vst v63  }
0x5d: {  	_ =	swait.ge [sflag:s31], $0x4000  }
0x5e: {  	[sflag:s31] =	ssyncset.done $0x0  }
0x5f: {  	s8 =	simm.s32 $0x180;
	[sflag:s31] =	ssyncadd.s32 $0xFFFFC000  }
0x60: {  	[tilespmem:s25], [sflag:$0x2] =	stream.indirect.gather [hbm4b:s1+s18], $0x80, s8, s18, $0xb8;
	[tilespmem:$0x1E800] =	vst v63  }
0x61: {  	_ =	swait.ge [sflag:s26], $0x4000  }
0x62: {  	[sflag:s26] =	ssyncset.done $0x0  }
0x63: {  	s10 =	simm.s32 $0x1580;
	[sflag:s26] =	ssyncadd.s32 $0xFFFFC000  }
0x64: {  	[spmem:s2] =	stream.indirect.scatter.add.f32 [tilespmem:s25], [sflag:$0x4], $0x80, s10, s18, $0xb8;
	[tilespmem:$0x1E800] =	vst v63  }
0x65: {  	_ =	swait.ge [sflag:s29], $0x4000  }
0x66: {  	[sflag:s29] =	ssyncset.done $0x0  }
0x67: {  	s7 =	simm.s32 $0xFFFFBC00;
	s8 =	simm.s32 $0x200;
	[sflag:s29] =	ssyncadd.s32 $0xFFFFC000  }
.LBB2_4:
0x68: {  	[tilespmem:s15], [sflag:$0x1] =	stream.indirect.gather [hbm4b:s1+s18], $0x80, s8, s18, $0xb8;
	[tilespmem:$0x1E800] =	vst v63  }
0x69: {  	s8 =	smov.u32 s7  }
0x6a: {  	p0 =	sne.s32 s7, $0xFFFFFC00;
	s7 =	sadd.s32 $0x400, s7;
	_ =	swait.ge [sflag:s19], $0x4000  }
0x6b: {  	s8 =	sshra.s32 s8, $0x2;
	[sflag:s19] =	ssyncset.done $0x0  }
0x6c: {  	s10 =	sadd.s32 $0x2700, s8;
	[sflag:s19] =	ssyncadd.s32 $0xFFFFC000  }
0x6d: {  	[spmem:s2] =	stream.indirect.scatter.add.f32 [tilespmem:s15], [sflag:$0x3], $0x80, s10, s18, $0xb8;
	[tilespmem:$0x1E800] =	vst v63  }
0x6e: {  	_ =	swait.ge [sflag:s31], $0x4000  }
0x6f: {  	[sflag:s31] =	ssyncset.done $0x0  }
0x70: {  	s10 =	sadd.s32 $0x1380, s8;
	[sflag:s31] =	ssyncadd.s32 $0xFFFFC000  }
0x71: {  	[tilespmem:s25], [sflag:$0x2] =	stream.indirect.gather [hbm4b:s1+s18], $0x80, s10, s18, $0xb8;
	[tilespmem:$0x1E800] =	vst v63  }
0x72: {  	_ =	swait.ge [sflag:s26], $0x4000  }
0x73: {  	[sflag:s26] =	ssyncset.done $0x0  }
.Ltmp1:
0x74: {  	s10 =	sadd.s32 $0x2780, s8;
	[sflag:s26] =	ssyncadd.s32 $0xFFFFC000;
	(pc) =	sbr.rel @p0 .LBB2_4-.Ltmp1, $4  }
0x75: {  	[spmem:s2] =	stream.indirect.scatter.add.f32 [tilespmem:s25], [sflag:$0x4], $0x80, s10, s18, $0xb8;
	[tilespmem:$0x1E800] =	vst v63  }
0x76: {  	_ =	swait.ge [sflag:s29], $0x4000  }
0x77: {  	[sflag:s29] =	ssyncset.done $0x0  }
0x78: {  	s8 =	sadd.s32 $0x1400, s8;
	[sflag:s29] =	ssyncadd.s32 $0xFFFFC000  }
0x79: {  	[tilespmem:s15], [sflag:$0x1] =	stream.indirect.gather [hbm4b:s1+s18], $0x80, s8, s18, $0xb8;
	[tilespmem:$0x1E800] =	vst v63  }
0x7a: {  	_ =	swait.ge [sflag:s19], $0x4000  }
0x7b: {  	[sflag:s19] =	ssyncset.done $0x0  }
0x7c: {  	[sflag:s19] =	ssyncadd.s32 $0xFFFFC000  }
0x7d: {  	[spmem:s2] =	stream.indirect.scatter.add.f32 [tilespmem:s15], [sflag:$0x3], $0x80, s0, s18, $0xb8;
	[tilespmem:$0x1E800] =	vst v63  }
0x7e: {  	_ =	swait.ge [sflag:s31], $0x4000  }
0x7f: {  	[sflag:s31] =	ssyncset.done $0x0  }
0x80: {  	[sflag:s31] =	ssyncadd.s32 $0xFFFFC000  }
0x81: {  	[tilespmem:s25], [sflag:$0x2] =	stream.indirect.gather [hbm4b:s1+s18], $0x80, s3, s18, $0xb8;
	[tilespmem:$0x1E800] =	vst v63  }
0x82: {  	_ =	swait.ge [sflag:s26], $0x4000  }
0x83: {  	[sflag:s26] =	ssyncset.done $0x0  }
0x84: {  	[sflag:s26] =	ssyncadd.s32 $0xFFFFC000  }
0x85: {  	[spmem:s2] =	stream.indirect.scatter.add.f32 [tilespmem:s25], [sflag:$0x4], $0x80, s5, s18, $0xb8;
	[tilespmem:$0x1E800] =	vst v63  }
0x86: {  	_ =	swait.ge [sflag:s29], $0x4000  }
0x87: {  	[sflag:s29] =	ssyncset.done $0x0  }
0x88: {  	[sflag:s29] =	ssyncadd.s32 $0xFFFFC000  }
0x89: {  	_ =	swait.ge [sflag:s31], $0x4000  }
0x8a: {  	[sflag:s31] =	ssyncset.done $0x0  }
0x8b: {  	s7 =	rddreg [dreg:$0x6];
	[sflag:s31] =	ssyncadd.s32 $0xFFFFC000  }
0x8c: {  	[tilespmem:s4], [sflag:$0x5] =	stream.linear.gather [hbm4b:s7+s4], $0x1400, $0x38;
	[tilespmem:$0x1E800] =	vst v63  }
0x8d: {  	_ =	swait.ge [sflag:s16], $0x1400  }
0x8e: {  	[sflag:s16] =	ssyncset.done $0x0  }
0x8f: {  	s8 =	rddreg [dreg:$0x7];
	[sflag:s16] =	ssyncadd.s32 $0xFFFFEC00  }
0x90: {  	[tilespmem:s17], [sflag:$0x5] =	stream.linear.gather [hbm4b:s8+s4], $0x1400, $0x38;
	[tilespmem:$0x1E800] =	vst v63  }
0x91: {  	_ =	swait.ge [sflag:s16], $0x1400  }
0x92: {  	[sflag:s16] =	ssyncset.done $0x0  }
0x93: {  	[sflag:s16] =	ssyncadd.s32 $0xFFFFEC00  }
0x94: {  	[tilespmem:s15], [sflag:$0x1] =	stream.indirect.gather [hbm4b:s1+s18], $0x80, s4, s18, $0xb8;
	[tilespmem:$0x1E800] =	vst v63  }
0x95: {  	_ =	swait.ge [sflag:s19], $0x4000  }
0x96: {  	[sflag:s19] =	ssyncset.done $0x0  }
0x97: {  	[sflag:s19] =	ssyncadd.s32 $0xFFFFC000  }
0x98: {  	[spmem:s2] =	stream.indirect.scatter.add.f32 [tilespmem:s15], [sflag:$0x3], $0x80, s17, s18, $0xb8;
	[tilespmem:$0x1E800] =	vst v63  }
0x99: {  	_ = 	snop  }
0x9a: {  	[tilespmem:s25], [sflag:$0x2] =	stream.indirect.gather [hbm4b:s1+s18], $0x80, s18, s18, $0xb8;
	[tilespmem:$0x1E800] =	vst v63  }
0x9b: {  	_ =	swait.ge [sflag:s26], $0x4000  }
0x9c: {  	[sflag:s26] =	ssyncset.done $0x0  }
0x9d: {  	[sflag:s26] =	ssyncadd.s32 $0xFFFFC000  }
0x9e: {  	[spmem:s2] =	stream.indirect.scatter.add.f32 [tilespmem:s25], [sflag:$0x4], $0x80, s28, s18, $0xb8;
	[tilespmem:$0x1E800] =	vst v63  }
0x9f: {  	_ =	swait.ge [sflag:s29], $0x4000  }
0xa0: {  	[sflag:s29] =	ssyncset.done $0x0  }
0xa1: {  	[sflag:s29] =	ssyncadd.s32 $0xFFFFC000  }
0xa2: {  	[tilespmem:s15], [sflag:$0x1] =	stream.indirect.gather [hbm4b:s1+s18], $0x80, s30, s18, $0xb8;
	[tilespmem:$0x1E800] =	vst v63  }
0xa3: {  	_ =	swait.ge [sflag:s19], $0x4000  }
0xa4: {  	[sflag:s19] =	ssyncset.done $0x0  }
0xa5: {  	s10 =	simm.s32 $0x1500;
	[sflag:s19] =	ssyncadd.s32 $0xFFFFC000  }
0xa6: {  	[spmem:s2] =	stream.indirect.scatter.add.f32 [tilespmem:s15], [sflag:$0x3], $0x80, s10, s18, $0xb8;
	[tilespmem:$0x1E800] =	vst v63  }
0xa7: {  	_ =	swait.ge [sflag:s31], $0x4000  }
0xa8: {  	[sflag:s31] =	ssyncset.done $0x0  }
0xa9: {  	s8 =	simm.s32 $0x180;
	[sflag:s31] =	ssyncadd.s32 $0xFFFFC000  }
0xaa: {  	[tilespmem:s25], [sflag:$0x2] =	stream.indirect.gather [hbm4b:s1+s18], $0x80, s8, s18, $0xb8;
	[tilespmem:$0x1E800] =	vst v63  }
0xab: {  	_ =	swait.ge [sflag:s26], $0x4000  }
0xac: {  	[sflag:s26] =	ssyncset.done $0x0  }
0xad: {  	s10 =	simm.s32 $0x1580;
	[sflag:s26] =	ssyncadd.s32 $0xFFFFC000  }
0xae: {  	[spmem:s2] =	stream.indirect.scatter.add.f32 [tilespmem:s25], [sflag:$0x4], $0x80, s10, s18, $0xb8;
	[tilespmem:$0x1E800] =	vst v63  }
0xaf: {  	_ =	swait.ge [sflag:s29], $0x4000  }
0xb0: {  	[sflag:s29] =	ssyncset.done $0x0  }
0xb1: {  	s7 =	simm.s32 $0xFFFFBC00;
	s8 =	simm.s32 $0x200;
	[sflag:s29] =	ssyncadd.s32 $0xFFFFC000  }
.LBB2_6:
0xb2: {  	[tilespmem:s15], [sflag:$0x1] =	stream.indirect.gather [hbm4b:s1+s18], $0x80, s8, s18, $0xb8;
	[tilespmem:$0x1E800] =	vst v63  }
0xb3: {  	s8 =	smov.u32 s7  }
0xb4: {  	p0 =	sne.s32 s7, $0xFFFFFC00;
	s7 =	sadd.s32 $0x400, s7;
	_ =	swait.ge [sflag:s19], $0x4000  }
0xb5: {  	s8 =	sshra.s32 s8, $0x2;
	[sflag:s19] =	ssyncset.done $0x0  }
0xb6: {  	s10 =	sadd.s32 $0x2700, s8;
	[sflag:s19] =	ssyncadd.s32 $0xFFFFC000  }
0xb7: {  	[spmem:s2] =	stream.indirect.scatter.add.f32 [tilespmem:s15], [sflag:$0x3], $0x80, s10, s18, $0xb8;
	[tilespmem:$0x1E800] =	vst v63  }
0xb8: {  	_ =	swait.ge [sflag:s31], $0x4000  }
0xb9: {  	[sflag:s31] =	ssyncset.done $0x0  }
0xba: {  	s10 =	sadd.s32 $0x1380, s8;
	[sflag:s31] =	ssyncadd.s32 $0xFFFFC000  }
0xbb: {  	[tilespmem:s25], [sflag:$0x2] =	stream.indirect.gather [hbm4b:s1+s18], $0x80, s10, s18, $0xb8;
	[tilespmem:$0x1E800] =	vst v63  }
0xbc: {  	_ =	swait.ge [sflag:s26], $0x4000  }
0xbd: {  	[sflag:s26] =	ssyncset.done $0x0  }
.Ltmp2:
0xbe: {  	s10 =	sadd.s32 $0x2780, s8;
	[sflag:s26] =	ssyncadd.s32 $0xFFFFC000;
	(pc) =	sbr.rel @p0 .LBB2_6-.Ltmp2, $4  }
0xbf: {  	[spmem:s2] =	stream.indirect.scatter.add.f32 [tilespmem:s25], [sflag:$0x4], $0x80, s10, s18, $0xb8;
	[tilespmem:$0x1E800] =	vst v63  }
0xc0: {  	_ =	swait.ge [sflag:s29], $0x4000  }
0xc1: {  	[sflag:s29] =	ssyncset.done $0x0  }
0xc2: {  	s8 =	sadd.s32 $0x1400, s8;
	[sflag:s29] =	ssyncadd.s32 $0xFFFFC000  }
0xc3: {  	[tilespmem:s15], [sflag:$0x1] =	stream.indirect.gather [hbm4b:s1+s18], $0x80, s8, s18, $0xb8;
	[tilespmem:$0x1E800] =	vst v63  }
0xc4: {  	_ =	swait.ge [sflag:s19], $0x4000  }
0xc5: {  	[sflag:s19] =	ssyncset.done $0x0  }
0xc6: {  	[sflag:s19] =	ssyncadd.s32 $0xFFFFC000  }
0xc7: {  	[spmem:s2] =	stream.indirect.scatter.add.f32 [tilespmem:s15], [sflag:$0x3], $0x80, s0, s18, $0xb8;
	[tilespmem:$0x1E800] =	vst v63  }
0xc8: {  	_ =	swait.ge [sflag:s31], $0x4000  }
0xc9: {  	[sflag:s31] =	ssyncset.done $0x0  }
0xca: {  	[sflag:s31] =	ssyncadd.s32 $0xFFFFC000  }
0xcb: {  	[tilespmem:s25], [sflag:$0x2] =	stream.indirect.gather [hbm4b:s1+s18], $0x80, s3, s18, $0xb8;
	[tilespmem:$0x1E800] =	vst v63  }
0xcc: {  	_ =	swait.ge [sflag:s26], $0x4000  }
0xcd: {  	[sflag:s26] =	ssyncset.done $0x0  }
0xce: {  	[sflag:s26] =	ssyncadd.s32 $0xFFFFC000  }
0xcf: {  	[spmem:s2] =	stream.indirect.scatter.add.f32 [tilespmem:s25], [sflag:$0x4], $0x80, s5, s18, $0xb8;
	[tilespmem:$0x1E800] =	vst v63  }
0xd0: {  	_ =	swait.ge [sflag:s29], $0x4000  }
0xd1: {  	[sflag:s29] =	ssyncset.done $0x0  }
0xd2: {  	[sflag:s29] =	ssyncadd.s32 $0xFFFFC000  }
0xd3: {  	_ =	swait.ge [sflag:s31], $0x4000  }
0xd4: {  	s7 =	stileid.u32;
	[sflag:s31] =	ssyncset.done $0x0  }
0xd5: {  	s7 =	sshll.u32 s7, $0x6;
	[sflag:s31] =	ssyncadd.s32 $0xFFFFC000  }
0xd6: {  	s10 =	sshrl.u32 s9, $0x3;
	s7 =	sor.u32 $0x1C05, s7;
	[bflag:$0x0] =	sbarrier.arrive $0xFFFF  }
0xd7: {  	[hbm:s20], [sflag:s7] =	dma.local [spmem:s10], $0x800  }
0xd8: {  	_ =	swait.ge [sflag:s16], $0x800  }
0xd9: {  	[sflag:s16] =	ssyncset.done $0x0  }
0xda: {  	s10 =	sshrl.u32 s11, $0x3;
	[sflag:s16] =	ssyncadd.s32 $0xFFFFF800  }
0xdb: {  	[hbm:s21], [sflag:s7] =	dma.local [spmem:s10], $0x800  }
0xdc: {  	_ =	swait.ge [sflag:s16], $0x800  }
0xdd: {  	[sflag:s16] =	ssyncset.done $0x0  }
0xde: {  	s10 =	sshrl.u32 s12, $0x3;
	[sflag:s16] =	ssyncadd.s32 $0xFFFFF800  }
0xdf: {  	[hbm:s22], [sflag:s7] =	dma.local [spmem:s10], $0x800  }
0xe0: {  	_ =	swait.ge [sflag:s16], $0x800  }
0xe1: {  	[sflag:s16] =	ssyncset.done $0x0  }
0xe2: {  	s10 =	sshrl.u32 s13, $0x3;
	[sflag:s16] =	ssyncadd.s32 $0xFFFFF800  }
0xe3: {  	[hbm:s23], [sflag:s7] =	dma.local [spmem:s10], $0x800  }
0xe4: {  	_ =	swait.ge [sflag:s16], $0x800  }
0xe5: {  	[sflag:s16] =	ssyncset.done $0x0  }
0xe6: {  	s10 =	sshrl.u32 s14, $0x3;
	[sflag:s16] =	ssyncadd.s32 $0xFFFFF800  }
0xe7: {  	[hbm:s24], [sflag:s7] =	dma.local [spmem:s10], $0x800  }
0xe8: {  	_ =	swait.ge [sflag:s16], $0x800  }
0xe9: {  	s6 =	sadd.s32 $0x1, s6;
	s10 =	rddreg [dreg:$0x8]  }
0xea: {  	p0 =	sne.s32 s6, s10  }
.Ltmp3:
0xeb: {  	_ = 	snop;
	(pc) =	sbr.rel @p0 .LBB2_1-.Ltmp3, $3  }
0xec: {  	_ =	sdelay $0x1  }
0xed: {  	[sflag:s16] =	ssyncset.done $0x0  }
0xee: {  	[sflag:s16] =	ssyncadd.s32 $0xFFFFF800  }
0xef: {  	_ =	sfence.sel $0x180000  }
0xf0: {  	[bflag:$0x0] =	sbarrier.arrive $0xFFFF  }
0xf1: {  	_ =	strace $0x9000004A  }
0xf2: {  	s0 =	stileid.u32;
	[bflag:$0x2] =	sbarrier.arrive $0xFFFF  }
0xf3: {  	p0 =	sne.s32 s0, $0x0;
	s0 =	rddreg [dreg:$0x3]  }
0xf4: {  	s0 =	sadd.s32 @!p0 $0x100000, s0  }
0xf5: {  	[sflag:s0] =	ssyncadd.tile.s32 @!p0 $0x1;
	_ =	shalt  }
.Lfunc_end2:
_tile_overlayer_lowered:
.L_overlay_start_2:
0xf6: {  	(tag) =	ssettag $0x2  }
0xf7: {  	s0 =	rddreg [dreg:$0x0];
	s2 =	stileid.u32  }
0xf8: {  	s1 =	rddreg [dreg:$0x1];
	p0 =	sne.s32 s2, $0x0  }
0xf9: {  	s3 =	rddreg [dreg:$0x2];
	[bflag:$0x3] =	sbarrier.arrive $0xFFFF;
	s2 =	simm.s32 @!p0 $0x1C05  }
0xfa: {  	[timem:s3], [sflag:s2] =	dma.local @!p0 [hbm:s0], s1  }
0xfb: {  	s0 =	simm.s32 @!p0 $0x5  }
0xfc: {  	_ =	swait.ge @!p0 [sflag:s0], s1  }
0xfd: {  	s1 =	ssub.s32 @!p0 $0x0, s1;
	[sflag:s0] =	ssyncset.done @!p0 $0x0  }
0xfe: {  	[sflag:s0] =	ssyncadd.s32 @!p0 s1  }
0xff: {  	[bflag:$0x3] =	sbarrier.arrive $0xFFFF  }
0x100: {  	_ =	shalt  }

// kernel: kernel.16.cloned.1.call-start
scs
__scs_entry_jumppad:
0x0: {  	(pc) =	sbr.rel $0x88, $3  }
0x1: {  	(tag) =	ssettag $0x0;
	lr =	simm.s32 $0x1  }
0x2: {  	[smem:$0x3F9C] =	sst lr;
	_ =	strace $0xD0000000  }
0x3: {  	_ = 	snop  }
0x4: {  	_ = 	snop  }
0x5: {  	_ = 	snop  }
0x6: {  	_ = 	snop  }
0x7: {  	_ = 	snop  }
__scs_overlays_trampoline_lowered:
0x8: {  	[smem:$0x3FAB] =	sst s0  }
0x9: {  	[smem:$0x3FAC] =	sst s1  }
0xa: {  	[smem:$0x3FAD] =	sst s2  }
0xb: {  	[smem:$0x3FAE] =	sst s3  }
0xc: {  	[smem:$0x3FAF] =	sst s4  }
0xd: {  	[smem:$0x3FB0] =	sst s5  }
0xe: {  	[smem:$0x3FB1] =	sst s6  }
0xf: {  	[smem:$0x3FB2] =	sst s7  }
0x10: {  	[smem:$0x3FB3] =	sst s8  }
0x11: {  	[smem:$0x3FB4] =	sst s9;
	s0 =	simm.s32 @!p0 $0x0  }
0x12: {  	s1 =	sld [smem:$0x3F9A];
	s0 =	simm.s32 @p0 $0x1  }
0x13: {  	[smem:$0x3FB5] =	sst s0;
	s0 =	simm.s32 @!p1 $0x0  }
0x14: {  	s2 =	sld [smem:$0x3F99];
	s0 =	simm.s32 @p1 $0x1  }
0x15: {  	[smem:$0x3FB6] =	sst s0;
	s0 =	simm.s32 @!p2 $0x0  }
0x16: {  	s3 =	sld [smem:$0x3FDB];
	s0 =	simm.s32 @p2 $0x1  }
0x17: {  	s4 =	simm.s32 $0x1BF5;
	[smem:$0x3FB8] =	sst s0  }
0x18: {  	s0 =	sld [smem:$0x3F9B];
	_ =	swait.ge [sflag:s4], $0x0  }
0x19: {  	s7 =	sld [smem:$0x3F9C]  }
0x1a: {  	s8 =	sadd.s32 $0xFFFFE003, lr  }
0x1b: {  	s9 =	sadd.s32 $0xFFFFFEF7, lr;
	s5 =	simm.s32 $0xFFFFFFFF;
	p2 =	slt.u32 s8, $0xFFFFF086  }
0x1c: {  	p1 =	slt.u32 s9, $0xF7A;
	s5 =	simm.s32 @!p2 $0x0  }
0x1d: {  	s5 =	simm.s32 @p1 $0x1;
	p0 =	seq.s32 s7, s2  }
0x1e: {  	s7 =	smul.u32 @!p0 $0xF7A, s2;
	p2 =	seq.s32 @!p0 s5, $0x0  }
0x1f: {  	s9 =	smul.u32 $0xF7A, s1;
	s8 =	simm.s32 @!p0 $0x1BF5;
	p2 =	por !p2, p0  }
0x20: {  	[sflag:s8] =	ssyncset.s32 @!p0 $0xFFFFF086;
	s6 =	sadd.s32 @!p0 s3, s7;
	s7 =	simm.s32 @!p0 $0x108  }
0x21: {  	s3 =	sadd.s32 s3, s9;
	s6 =	sadd.s32 @!p0 $0x88, s6;
	s7 =	simm.s32 @p2 $0x1082  }
0x22: {  	[simem:s7], [sflag:s8] =	dma.local @!p0 [hbm:s6], $0xF7A  }
0x23: {  	s9 =	sor.u32 $0xD0000000, s2;
	s6 =	simm.s32 $0x108;
	_ =	swait.ge @!p0 [sflag:s8], $0x0  }
0x24: {  	s3 =	sadd.s32 $0x88, s3;
	s6 =	simm.s32 @!p1 $0x1082;
	[sflag:s4] =	ssyncset.s32 $0xFFFFF086  }
0x25: {  	[simem:s6], [sflag:s4] =	dma.local [hbm:s3], $0xF7A  }
0x26: {  	[smem:$0x3F9C] =	sst s1;
	(tag) =	ssettag s2;
	_ =	strace s9  }
0x27: {  	s1 =	sld [smem:$0x3FAC]  }
0x28: {  	s2 =	sld [smem:$0x3FAD]  }
0x29: {  	s4 =	sld [smem:$0x3FAF]  }
0x2a: {  	p0 =	seq.s32 s5, $0x0;
	s5 =	sld [smem:$0x3FB0]  }
0x2b: {  	s6 =	sld [smem:$0x3FB1]  }
0x2c: {  	s7 =	sld [smem:$0x3FB2]  }
0x2d: {  	s3 =	simm.s32 $0x108;
	s8 =	sld [smem:$0x3FB3]  }
0x2e: {  	s3 =	simm.s32 @!p0 $0x1082;
	s9 =	sld [smem:$0x3FB4]  }
0x2f: {  	lr =	sadd.s32 s0, s3;
	s0 =	sld [smem:$0x3FAB]  }
0x30: {  	s3 =	sld [smem:$0x3FAE]  }
0x31: {  	[smem:$0x3FB7] =	sst s10  }
0x32: {  	s10 =	sld [smem:$0x3FB5];
	_ =	sdelay $0x3  }
0x33: {  	p0 =	seq.s32 s10, $0x1;
	s10 =	sld [smem:$0x3FB7];
	_ =	sdelay $0x3  }
0x34: {  	[smem:$0x3FB7] =	sst s10  }
0x35: {  	s10 =	sld [smem:$0x3FB6];
	_ =	sdelay $0x3  }
0x36: {  	p1 =	seq.s32 s10, $0x1;
	s10 =	sld [smem:$0x3FB7];
	_ =	sdelay $0x3  }
0x37: {  	[smem:$0x3FB7] =	sst s10  }
0x38: {  	s10 =	sld [smem:$0x3FB8]  }
0x39: {  	_ = 	snop;
	(pc) =	sbr.ind lr, $3  }
0x3a: {  	_ = 	snop  }
0x3b: {  	_ = 	snop  }
0x3c: {  	p2 =	seq.s32 s10, $0x1;
	s10 =	sld [smem:$0x3FB7]  }
0x3d: {  	_ =	shalt  }
0x3e: {  	_ =	shalt  }
0x3f: {  	_ =	shalt  }
0x40: {  	_ =	shalt  }
0x41: {  	_ =	shalt  }
0x42: {  	_ =	shalt  }
0x43: {  	_ =	shalt  }
0x44: {  	_ =	shalt  }
0x45: {  	_ =	shalt  }
0x46: {  	_ =	shalt  }
0x47: {  	_ =	shalt  }
0x48: {  	_ =	shalt  }
0x49: {  	_ =	shalt  }
0x4a: {  	_ =	shalt  }
0x4b: {  	_ =	shalt  }
0x4c: {  	_ =	shalt  }
0x4d: {  	_ =	shalt  }
0x4e: {  	_ =	shalt  }
0x4f: {  	_ =	shalt  }
0x50: {  	_ =	shalt  }
0x51: {  	_ =	shalt  }
0x52: {  	_ =	shalt  }
0x53: {  	_ =	shalt  }
0x54: {  	_ =	shalt  }
0x55: {  	_ =	shalt  }
0x56: {  	_ =	shalt  }
0x57: {  	_ =	shalt  }
0x58: {  	_ =	shalt  }
0x59: {  	_ =	shalt  }
0x5a: {  	_ =	shalt  }
0x5b: {  	_ =	shalt  }
0x5c: {  	_ =	shalt  }
0x5d: {  	_ =	shalt  }
0x5e: {  	_ =	shalt  }
0x5f: {  	_ =	shalt  }
0x60: {  	_ =	shalt  }
0x61: {  	_ =	shalt  }
0x62: {  	_ =	shalt  }
0x63: {  	_ =	shalt  }
0x64: {  	_ =	shalt  }
0x65: {  	_ =	shalt  }
0x66: {  	_ =	shalt  }
0x67: {  	_ =	shalt  }
0x68: {  	_ =	shalt  }
0x69: {  	_ =	shalt  }
0x6a: {  	_ =	shalt  }
0x6b: {  	_ =	shalt  }
0x6c: {  	_ =	shalt  }
0x6d: {  	_ =	shalt  }
0x6e: {  	_ =	shalt  }
0x6f: {  	_ =	shalt  }
0x70: {  	_ =	shalt  }
0x71: {  	_ =	shalt  }
0x72: {  	_ =	shalt  }
0x73: {  	_ =	shalt  }
0x74: {  	_ =	shalt  }
0x75: {  	_ =	shalt  }
0x76: {  	_ =	shalt  }
0x77: {  	_ =	shalt  }
0x78: {  	_ =	shalt  }
0x79: {  	_ =	shalt  }
0x7a: {  	_ =	shalt  }
0x7b: {  	_ =	shalt  }
0x7c: {  	_ =	shalt  }
0x7d: {  	_ =	shalt  }
0x7e: {  	_ =	shalt  }
0x7f: {  	_ =	shalt  }
0x80: {  	_ =	shalt  }
0x81: {  	_ =	shalt  }
0x82: {  	_ =	shalt  }
0x83: {  	_ =	shalt  }
0x84: {  	_ =	shalt  }
0x85: {  	_ =	shalt  }
0x86: {  	_ =	shalt  }
0x87: {  	_ =	shalt  }
.Lfunc_end0:
.L_simem_size_0:
called_computation.2_lowered:
.L_overlay_start_0:
0x88: {  	s2 =	sld [smem:$0x3FD9]  }
0x89: {  	s3 =	sld [smem:$0x3FFE];
	_ =	sdelay $0x1  }
0x8a: {  	s1 =	srdreg.scid  }
0x8b: {  	s0 =	sand.u32 $0x1, s1  }
0x8c: {  	s16 =	sshll.u32 s0, $0xA;
	s2 =	sadd.s32 s3, s2  }
0x8d: {  	s2 =	sadd.s32 s2, s16  }
0x8e: {  	[smem:$0x3FC3] =	sst s2  }
0x8f: {  	_ = 	snop  }
0x90: {  	(tm) =	ssettm $0x1  }
0x91: {  	s17 =	sld [smem:$0x3FFB];
	_ =	sdelay $0x3  }
0x92: {  	_ =	strace s17  }
0x93: {  	s2 =	sld [smem:$0x3FFC];
	_ =	sdelay $0x3  }
0x94: {  	_ =	strace s2  }
0x95: {  	s2 =	sld [smem:$0x3FFD];
	_ =	sdelay $0x3  }
0x96: {  	_ =	strace s2  }
0x97: {  	_ =	strace $0x8FFFFFFF  }
0x98: {  	s18 =	sld [smem:$0x3FDB];
	_ =	sdelay $0x1  }
0x99: {  	s19 =	simm.s32 $_scs_section_size  }
0x9a: {  	s4 =	simm.s32 $_size__tile_overlayer_lowered;
	s5 =	simm.s32 $_tile_overlayer_lowered  }
0x9b: {  	s22 =	simm.s32 $0x1BFF;
	s21 =	sshll.u32 s5, $0x1;
	s2 =	sadd.s32 s19, s18  }
0x9c: {  	s6 =	simm.s32 $0x0;
	s20 =	sshll.u32 s4, $0x1;
	s4 =	sadd.s32 s21, s2  }
0x9d: {  	[timem:s6], [sflag:s22] =	dma.local [hbm:s4], s20  }
0x9e: {  	_ =	swait.ge [sflag:s22], s20  }
0x9f: {  	s3 =	ssub.s32 $0x0, s20;
	[sflag:s22] =	ssyncset.done $0x0  }
0xa0: {  	[sflag:s22] =	ssyncadd.s32 s3;
	_ =	sdelay $0x1  }
0xa1: {  	s23 =	simm.s32 $0x1B8B  }
0xa2: {  	_ =	swait.ge [sflag:s23], $0x1  }
0xa3: {  	[sflag:s23] =	ssyncset.done $0x0  }
0xa4: {  	s25 =	simm.s32 $0x1B8E;
	s24 =	sld [smem:$0x3FFE];
	[sflag:s23] =	ssyncadd.s32 $0xFFFFFFFF  }
0xa5: {  	s26 =	simm.s32 $execute0_lowered;
	[smem:$0x3FD2] =	sst s25  }
0xa6: {  	s4 =	sshll.u32 s26, $0x1;
	_ =	strace $0x8000004C;
	[dreg:$0x1] =	wrdreg $0xFFFFFFFF  }
0xa7: {  	s28 =	simm.s32 $_size_execute0_lowered;
	s2 =	sadd.s32 s2, s4;
	[dreg:$0x0] =	wrdreg $0x0  }
0xa8: {  	s4 =	sshll.u32 s28, $0x1;
	[dreg:$0x2] =	wrdreg s2  }
0xa9: {  	[dreg:$0x3] =	wrdreg s4  }
0xaa: {  	[dreg:$0x4] =	wrdreg $0xC0  }
0xab: {  	_ =	task [dreg:s6], $0x5FFFF  }
0xac: {  	[dreg:$0x1] =	wrdreg $0xFFFFFFFF  }
0xad: {  	[dreg:$0x0] =	wrdreg $0x60  }
0xae: {  	[dreg:$0x2] =	wrdreg s24  }
0xaf: {  	[dreg:$0x3] =	wrdreg $0xA8000  }
0xb0: {  	[dreg:$0x4] =	wrdreg $0x9  }
0xb1: {  	_ =	task.clear_ibuf [dreg:s6], $0x5FFFF;
	_ =	strace $0x9000004C  }
0xb2: {  	s29 =	simm.s32 $0x9;
	_ =	strace $0x8000004E  }
0xb3: {  	_ =	swait.ge [sflag:s29], $0x1  }
0xb4: {  	[sflag:s29] =	ssyncadd.s32 $0xFFFFFFFF  }
0xb5: {  	_ =	strace $0x9000004E  }
0xb6: {  	_ =	sfence  }
0xb7: {  	s30 =	sld [smem:$0x0];
	_ =	sdelay $0x2  }
0xb8: {  	s31 =	sshll.u32 s1, $0xD;
	s1 =	sshrl.u32 s1, $0x2  }
0xb9: {  	s3 =	sand.u32 $0x4000, s31;
	s1 =	sadd.s32 s1, s30  }
0xba: {  	s0 =	sor.u32 s3, s0;
	s1 =	sshll.u32 s1, $0x11  }
0xbb: {  	s0 =	sor.u32 s1, s0  }
0xbc: {  	s0 =	sadd.s32 $0x8F2B, s0  }
0xbd: {  	[sflag:s0] =	ssyncadd.remote.s32 $0x1  }
0xbe: {  	_ =	sfence.sel $0xFFFF  }
0xbf: {  	[dreg:$0x0] =	wrdreg $0xFFFFFFFF;
	(pc) =	sbr.abs _section_cstart, $3  }
0xc0: {  	[dreg:$0x1] =	wrdreg $0xFFFFFFFF  }
0xc1: {  	_ =	task.clear_ibuf [dreg:s6], $0x2FFFF;
	_ =	strace $0x9FFFFFFF  }
0xc2: {  	(tm) =	ssettm $0x7FFFFFFF  }
0xc3: {  	_ =	shalt  }
tec
execute0_lowered:
.L_overlay_start_1:
0x0: {  	(tag) =	ssettag $0x1  }
0x1: {  	s0 =	rddreg [dreg:$0x0]  }
0x2: {  	s1 =	rddreg [dreg:$0x1]  }
0x3: {  	s2 =	simm.s32 $0x0;
	s3 =	srdreg.scid;
	s11 =	stileid.u32  }
0x4: {  	s15 =	simm.s32 $0x2800;
	s28 =	simm.s32 $0x1480;
	s29 =	simm.s32 $0x3  }
0x5: {  	s30 =	simm.s32 $0x100;
	s31 =	simm.s32 $0x4;
	[smem:$0x7FF] =	sst s2  }
0x6: {  	s3 =	sand.u32 $0x1, s3;
	s4 =	sadd.s32 $0xC600, s0;
	s16 =	smul.u32 $0x5, s11  }
0x7: {  	s7 =	sadd.s32 $0x66800, s0;
	s8 =	sadd.s32 $0x2600, s0;
	s17 =	smul.u32 $0x50000, s11  }
0x8: {  	s23 =	smul.u32 $0x2800, s11;
	_ =	strace $0x8000004D;
	s5 =	sshll.u32 s3, $0x4  }
0x9: {  	s6 =	smul.u32 $0x28000, s3;
	s3 =	ssub.s32 $0x2, s3;
	s5 =	sor.u32 s11, s5  }
0xa: {  	s10 =	sshrl.u32 s3, $0x1;
	s20 =	sshrl.u32 s17, $0x2;
	s21 =	sadd.s32 $0x1, s16  }
0xb: {  	s24 =	sadd.s32 $0x2, s16;
	s25 =	sadd.s32 $0x3, s16;
	s9 =	smul.u32 $0x2800, s5  }
0xc: {  	s17 =	simm.s32 $0x1400;
	s0 =	sadd.s32 s6, s0;
	s5 =	smul.u32 $0x500, s5  }
0xd: {  	s3 =	ssub.s32 s3, s10;
	s22 =	sshll.u32 s21, $0xE;
	s6 =	sadd.s32 $0x4, s16  }
0xe: {  	s26 =	sshll.u32 s24, $0xE;
	s13 =	sshll.u32 s25, $0xE;
	s16 =	simm.s32 $0x5  }
0xf: {  	s0 =	sadd.s32 $0x98800, s0;
	s3 =	smax.u32 s3, $0x1;
	s11 =	sadd.s32 s22, s1  }
0x10: {  	s14 =	sshll.u32 s6, $0xE;
	s13 =	sadd.s32 s13, s1;
	s6 =	sshll.u32 s6, $0xB  }
0x11: {  	s9 =	sshrl.u32 s9, $0x3;
	s12 =	sadd.s32 s7, s5;
	s5 =	sadd.s32 s8, s5  }
0x12: {  	[dreg:$0x7] =	wrdreg s3;
	s14 =	sadd.s32 s14, s1;
	s3 =	sshll.u32 s24, $0xB  }
0x13: {  	s24 =	sadd.s32 s6, s0;
	s6 =	simm.s32 $0x0;
	[dreg:$0x3] =	wrdreg s12  }
0x14: {  	s9 =	sadd.s32 $0x280, s9;
	[dreg:$0x4] =	wrdreg s5;
	s12 =	sadd.s32 s26, s1  }
0x15: {  	s5 =	sshll.u32 s25, $0xB;
	s22 =	sadd.s32 s3, s0;
	s25 =	simm.s32 $0x6800  }
0x16: {  	s26 =	simm.s32 $0x2;
	s3 =	simm.s32 $0x1380;
	s18 =	sadd.s32 s7, s9  }
0x17: {  	s19 =	sadd.s32 s8, s9;
	s9 =	sadd.s32 s20, s1;
	s7 =	sshll.u32 s21, $0xB  }
0x18: {  	s20 =	sadd.s32 s23, s0;
	s23 =	sadd.s32 s5, s0;
	[dreg:$0x5] =	wrdreg s18  }
0x19: {  	s5 =	simm.s32 $0x2780;
	[dreg:$0x6] =	wrdreg s19;
	s18 =	simm.s32 $0x80  }
0x1a: {  	v0 =	vimm.f32 $0.0e+00;
	s19 =	simm.s32 $0x1;
	s21 =	sadd.s32 s7, s0;
	s0 =	simm.s32 $0x2700  }
.LBB2_1:
0x1b: {  	s7 =	simm.s32 $0x0;
	s8 =	simm.s32 $0x200  }
.LBB2_2:
0x1c: {  	p0 =	sne.s32 s8, $0xFE00;
	[tilespmem:s7+$0x2870] =	vst v0  }
0x1d: {  	[tilespmem:s7+$0x2800] =	vst v0  }
0x1e: {  	[tilespmem:s7+$0x2810] =	vst v0  }
.Ltmp0:
0x1f: {  	[tilespmem:s7+$0x2820] =	vst v0;
	(pc) =	sbr.rel @p0 .LBB2_2-.Ltmp0, $4  }
0x20: {  	[tilespmem:s7+$0x2830] =	vst v0  }
0x21: {  	[tilespmem:s7+$0x2840] =	vst v0  }
0x22: {  	[tilespmem:s7+$0x2850] =	vst v0  }
0x23: {  	[tilespmem:s7+$0x2860] =	vst v0;
	s7 =	sshra.s32 s8, $0x2;
	s8 =	sadd.s32 $0x200, s8  }
0x24: {  	[tilespmem:s7+$0x2870] =	vst v0  }
0x25: {  	[tilespmem:s7+$0x2800] =	vst v0  }
0x26: {  	[tilespmem:s7+$0x2810] =	vst v0  }
0x27: {  	[tilespmem:s7+$0x2820] =	vst v0  }
0x28: {  	[tilespmem:s7+$0x2830] =	vst v0  }
0x29: {  	[tilespmem:s7+$0x2840] =	vst v0  }
0x2a: {  	[tilespmem:s7+$0x2850] =	vst v0  }
0x2b: {  	[tilespmem:s7+$0x2860] =	vst v0  }
0x2c: {  	[spmem:s9] =	stream.linear.scatter [tilespmem:s15], [sflag:$0x5], $0x4000, $0x38;
	[tilespmem:$0x1E800] =	vst v63  }
0x2d: {  	_ =	swait.ge [sflag:s16], $0x4000  }
0x2e: {  	[sflag:s16] =	ssyncset.done $0x0  }
0x2f: {  	[sflag:s16] =	ssyncadd.s32 $0xFFFFC000  }
0x30: {  	[spmem:s11] =	stream.linear.scatter [tilespmem:s15], [sflag:$0x5], $0x4000, $0x38;
	[tilespmem:$0x1E800] =	vst v63  }
0x31: {  	_ =	swait.ge [sflag:s16], $0x4000  }
0x32: {  	[sflag:s16] =	ssyncset.done $0x0  }
0x33: {  	[sflag:s16] =	ssyncadd.s32 $0xFFFFC000  }
0x34: {  	[spmem:s12] =	stream.linear.scatter [tilespmem:s15], [sflag:$0x5], $0x4000, $0x38;
	[tilespmem:$0x1E800] =	vst v63  }
0x35: {  	_ =	swait.ge [sflag:s16], $0x4000  }
0x36: {  	[sflag:s16] =	ssyncset.done $0x0  }
0x37: {  	[sflag:s16] =	ssyncadd.s32 $0xFFFFC000  }
0x38: {  	[spmem:s13] =	stream.linear.scatter [tilespmem:s15], [sflag:$0x5], $0x4000, $0x38;
	[tilespmem:$0x1E800] =	vst v63  }
0x39: {  	_ =	swait.ge [sflag:s16], $0x4000  }
0x3a: {  	[sflag:s16] =	ssyncset.done $0x0  }
0x3b: {  	[sflag:s16] =	ssyncadd.s32 $0xFFFFC000  }
0x3c: {  	[spmem:s14] =	stream.linear.scatter [tilespmem:s15], [sflag:$0x5], $0x4000, $0x38;
	[tilespmem:$0x1E800] =	vst v63  }
0x3d: {  	_ =	swait.ge [sflag:s16], $0x4000  }
0x3e: {  	[sflag:s16] =	ssyncset.done $0x0  }
0x3f: {  	[sflag:s16] =	ssyncadd.s32 $0xFFFFC000  }
0x40: {  	[bflag:$0x0] =	sbarrier.arrive $0xFFFF  }
0x41: {  	s10 =	rddreg [dreg:$0x3]  }
0x42: {  	[tilespmem:s2], [sflag:$0x5] =	stream.linear.gather [hbm4b:s10+s2], $0x1400, $0x38;
	[tilespmem:$0x1E800] =	vst v63  }
0x43: {  	_ =	swait.ge [sflag:s16], $0x1400  }
0x44: {  	[sflag:s16] =	ssyncset.done $0x0  }
0x45: {  	s8 =	rddreg [dreg:$0x4];
	[sflag:s16] =	ssyncadd.s32 $0xFFFFEC00  }
0x46: {  	[tilespmem:s17], [sflag:$0x5] =	stream.linear.gather [hbm4b:s8+s2], $0x1400, $0x38;
	[tilespmem:$0x1E800] =	vst v63  }
0x47: {  	_ =	swait.ge [sflag:s16], $0x1400  }
0x48: {  	[sflag:s16] =	ssyncset.done $0x0  }
0x49: {  	[sflag:s16] =	ssyncadd.s32 $0xFFFFEC00  }
0x4a: {  	[tilespmem:s15], [sflag:$0x1] =	stream.indirect.gather [hbm4b:s4+s18], $0x80, s2, s18, $0xb8;
	[tilespmem:$0x1E800] =	vst v63  }
0x4b: {  	_ =	swait.ge [sflag:s19], $0x4000  }
0x4c: {  	[sflag:s19] =	ssyncset.done $0x0  }
0x4d: {  	[sflag:s19] =	ssyncadd.s32 $0xFFFFC000  }
0x4e: {  	[spmem:s1] =	stream.indirect.scatter.add.f32 [tilespmem:s15], [sflag:$0x3], $0x80, s17, s18, $0xb8;
	[tilespmem:$0x1E800] =	vst v63  }
0x4f: {  	_ = 	snop  }
0x50: {  	[tilespmem:s25], [sflag:$0x2] =	stream.indirect.gather [hbm4b:s4+s18], $0x80, s18, s18, $0xb8;
	[tilespmem:$0x1E800] =	vst v63  }
0x51: {  	_ =	swait.ge [sflag:s26], $0x4000  }
0x52: {  	[sflag:s26] =	ssyncset.done $0x0  }
0x53: {  	[sflag:s26] =	ssyncadd.s32 $0xFFFFC000  }
0x54: {  	[spmem:s1] =	stream.indirect.scatter.add.f32 [tilespmem:s25], [sflag:$0x4], $0x80, s28, s18, $0xb8;
	[tilespmem:$0x1E800] =	vst v63  }
0x55: {  	_ =	swait.ge [sflag:s29], $0x4000  }
0x56: {  	[sflag:s29] =	ssyncset.done $0x0  }
0x57: {  	[sflag:s29] =	ssyncadd.s32 $0xFFFFC000  }
0x58: {  	[tilespmem:s15], [sflag:$0x1] =	stream.indirect.gather [hbm4b:s4+s18], $0x80, s30, s18, $0xb8;
	[tilespmem:$0x1E800] =	vst v63  }
0x59: {  	_ =	swait.ge [sflag:s19], $0x4000  }
0x5a: {  	[sflag:s19] =	ssyncset.done $0x0  }
0x5b: {  	s10 =	simm.s32 $0x1500;
	[sflag:s19] =	ssyncadd.s32 $0xFFFFC000  }
0x5c: {  	[spmem:s1] =	stream.indirect.scatter.add.f32 [tilespmem:s15], [sflag:$0x3], $0x80, s10, s18, $0xb8;
	[tilespmem:$0x1E800] =	vst v63  }
0x5d: {  	_ =	swait.ge [sflag:s31], $0x4000  }
0x5e: {  	[sflag:s31] =	ssyncset.done $0x0  }
0x5f: {  	s8 =	simm.s32 $0x180;
	[sflag:s31] =	ssyncadd.s32 $0xFFFFC000  }
0x60: {  	[tilespmem:s25], [sflag:$0x2] =	stream.indirect.gather [hbm4b:s4+s18], $0x80, s8, s18, $0xb8;
	[tilespmem:$0x1E800] =	vst v63  }
0x61: {  	_ =	swait.ge [sflag:s26], $0x4000  }
0x62: {  	[sflag:s26] =	ssyncset.done $0x0  }
0x63: {  	s10 =	simm.s32 $0x1580;
	[sflag:s26] =	ssyncadd.s32 $0xFFFFC000  }
0x64: {  	[spmem:s1] =	stream.indirect.scatter.add.f32 [tilespmem:s25], [sflag:$0x4], $0x80, s10, s18, $0xb8;
	[tilespmem:$0x1E800] =	vst v63  }
0x65: {  	_ =	swait.ge [sflag:s29], $0x4000  }
0x66: {  	[sflag:s29] =	ssyncset.done $0x0  }
0x67: {  	s7 =	simm.s32 $0xFFFFBC00;
	s8 =	simm.s32 $0x200;
	[sflag:s29] =	ssyncadd.s32 $0xFFFFC000  }
.LBB2_4:
0x68: {  	[tilespmem:s15], [sflag:$0x1] =	stream.indirect.gather [hbm4b:s4+s18], $0x80, s8, s18, $0xb8;
	[tilespmem:$0x1E800] =	vst v63  }
0x69: {  	s8 =	smov.u32 s7  }
0x6a: {  	p0 =	sne.s32 s7, $0xFFFFFC00;
	s7 =	sadd.s32 $0x400, s7;
	_ =	swait.ge [sflag:s19], $0x4000  }
0x6b: {  	s8 =	sshra.s32 s8, $0x2;
	[sflag:s19] =	ssyncset.done $0x0  }
0x6c: {  	s10 =	sadd.s32 $0x2700, s8;
	[sflag:s19] =	ssyncadd.s32 $0xFFFFC000  }
0x6d: {  	[spmem:s1] =	stream.indirect.scatter.add.f32 [tilespmem:s15], [sflag:$0x3], $0x80, s10, s18, $0xb8;
	[tilespmem:$0x1E800] =	vst v63  }
0x6e: {  	_ =	swait.ge [sflag:s31], $0x4000  }
0x6f: {  	[sflag:s31] =	ssyncset.done $0x0  }
0x70: {  	s10 =	sadd.s32 $0x1380, s8;
	[sflag:s31] =	ssyncadd.s32 $0xFFFFC000  }
0x71: {  	[tilespmem:s25], [sflag:$0x2] =	stream.indirect.gather [hbm4b:s4+s18], $0x80, s10, s18, $0xb8;
	[tilespmem:$0x1E800] =	vst v63  }
0x72: {  	_ =	swait.ge [sflag:s26], $0x4000  }
0x73: {  	[sflag:s26] =	ssyncset.done $0x0  }
.Ltmp1:
0x74: {  	s10 =	sadd.s32 $0x2780, s8;
	[sflag:s26] =	ssyncadd.s32 $0xFFFFC000;
	(pc) =	sbr.rel @p0 .LBB2_4-.Ltmp1, $4  }
0x75: {  	[spmem:s1] =	stream.indirect.scatter.add.f32 [tilespmem:s25], [sflag:$0x4], $0x80, s10, s18, $0xb8;
	[tilespmem:$0x1E800] =	vst v63  }
0x76: {  	_ =	swait.ge [sflag:s29], $0x4000  }
0x77: {  	[sflag:s29] =	ssyncset.done $0x0  }
0x78: {  	s8 =	sadd.s32 $0x1400, s8;
	[sflag:s29] =	ssyncadd.s32 $0xFFFFC000  }
0x79: {  	[tilespmem:s15], [sflag:$0x1] =	stream.indirect.gather [hbm4b:s4+s18], $0x80, s8, s18, $0xb8;
	[tilespmem:$0x1E800] =	vst v63  }
0x7a: {  	_ =	swait.ge [sflag:s19], $0x4000  }
0x7b: {  	[sflag:s19] =	ssyncset.done $0x0  }
0x7c: {  	[sflag:s19] =	ssyncadd.s32 $0xFFFFC000  }
0x7d: {  	[spmem:s1] =	stream.indirect.scatter.add.f32 [tilespmem:s15], [sflag:$0x3], $0x80, s0, s18, $0xb8;
	[tilespmem:$0x1E800] =	vst v63  }
0x7e: {  	_ =	swait.ge [sflag:s31], $0x4000  }
0x7f: {  	[sflag:s31] =	ssyncset.done $0x0  }
0x80: {  	[sflag:s31] =	ssyncadd.s32 $0xFFFFC000  }
0x81: {  	[tilespmem:s25], [sflag:$0x2] =	stream.indirect.gather [hbm4b:s4+s18], $0x80, s3, s18, $0xb8;
	[tilespmem:$0x1E800] =	vst v63  }
0x82: {  	_ =	swait.ge [sflag:s26], $0x4000  }
0x83: {  	[sflag:s26] =	ssyncset.done $0x0  }
0x84: {  	[sflag:s26] =	ssyncadd.s32 $0xFFFFC000  }
0x85: {  	[spmem:s1] =	stream.indirect.scatter.add.f32 [tilespmem:s25], [sflag:$0x4], $0x80, s5, s18, $0xb8;
	[tilespmem:$0x1E800] =	vst v63  }
0x86: {  	_ =	swait.ge [sflag:s29], $0x4000  }
0x87: {  	[sflag:s29] =	ssyncset.done $0x0  }
0x88: {  	[sflag:s29] =	ssyncadd.s32 $0xFFFFC000  }
0x89: {  	_ =	swait.ge [sflag:s31], $0x4000  }
0x8a: {  	[sflag:s31] =	ssyncset.done $0x0  }
0x8b: {  	s7 =	rddreg [dreg:$0x5];
	[sflag:s31] =	ssyncadd.s32 $0xFFFFC000  }
0x8c: {  	[tilespmem:s2], [sflag:$0x5] =	stream.linear.gather [hbm4b:s7+s2], $0x1400, $0x38;
	[tilespmem:$0x1E800] =	vst v63  }
0x8d: {  	_ =	swait.ge [sflag:s16], $0x1400  }
0x8e: {  	[sflag:s16] =	ssyncset.done $0x0  }
0x8f: {  	s8 =	rddreg [dreg:$0x6];
	[sflag:s16] =	ssyncadd.s32 $0xFFFFEC00  }
0x90: {  	[tilespmem:s17], [sflag:$0x5] =	stream.linear.gather [hbm4b:s8+s2], $0x1400, $0x38;
	[tilespmem:$0x1E800] =	vst v63  }
0x91: {  	_ =	swait.ge [sflag:s16], $0x1400  }
0x92: {  	[sflag:s16] =	ssyncset.done $0x0  }
0x93: {  	[sflag:s16] =	ssyncadd.s32 $0xFFFFEC00  }
0x94: {  	[tilespmem:s15], [sflag:$0x1] =	stream.indirect.gather [hbm4b:s4+s18], $0x80, s2, s18, $0xb8;
	[tilespmem:$0x1E800] =	vst v63  }
0x95: {  	_ =	swait.ge [sflag:s19], $0x4000  }
0x96: {  	[sflag:s19] =	ssyncset.done $0x0  }
0x97: {  	[sflag:s19] =	ssyncadd.s32 $0xFFFFC000  }
0x98: {  	[spmem:s1] =	stream.indirect.scatter.add.f32 [tilespmem:s15], [sflag:$0x3], $0x80, s17, s18, $0xb8;
	[tilespmem:$0x1E800] =	vst v63  }
0x99: {  	_ = 	snop  }
0x9a: {  	[tilespmem:s25], [sflag:$0x2] =	stream.indirect.gather [hbm4b:s4+s18], $0x80, s18, s18, $0xb8;
	[tilespmem:$0x1E800] =	vst v63  }
0x9b: {  	_ =	swait.ge [sflag:s26], $0x4000  }
0x9c: {  	[sflag:s26] =	ssyncset.done $0x0  }
0x9d: {  	[sflag:s26] =	ssyncadd.s32 $0xFFFFC000  }
0x9e: {  	[spmem:s1] =	stream.indirect.scatter.add.f32 [tilespmem:s25], [sflag:$0x4], $0x80, s28, s18, $0xb8;
	[tilespmem:$0x1E800] =	vst v63  }
0x9f: {  	_ =	swait.ge [sflag:s29], $0x4000  }
0xa0: {  	[sflag:s29] =	ssyncset.done $0x0  }
0xa1: {  	[sflag:s29] =	ssyncadd.s32 $0xFFFFC000  }
0xa2: {  	[tilespmem:s15], [sflag:$0x1] =	stream.indirect.gather [hbm4b:s4+s18], $0x80, s30, s18, $0xb8;
	[tilespmem:$0x1E800] =	vst v63  }
0xa3: {  	_ =	swait.ge [sflag:s19], $0x4000  }
0xa4: {  	[sflag:s19] =	ssyncset.done $0x0  }
0xa5: {  	s10 =	simm.s32 $0x1500;
	[sflag:s19] =	ssyncadd.s32 $0xFFFFC000  }
0xa6: {  	[spmem:s1] =	stream.indirect.scatter.add.f32 [tilespmem:s15], [sflag:$0x3], $0x80, s10, s18, $0xb8;
	[tilespmem:$0x1E800] =	vst v63  }
0xa7: {  	_ =	swait.ge [sflag:s31], $0x4000  }
0xa8: {  	[sflag:s31] =	ssyncset.done $0x0  }
0xa9: {  	s8 =	simm.s32 $0x180;
	[sflag:s31] =	ssyncadd.s32 $0xFFFFC000  }
0xaa: {  	[tilespmem:s25], [sflag:$0x2] =	stream.indirect.gather [hbm4b:s4+s18], $0x80, s8, s18, $0xb8;
	[tilespmem:$0x1E800] =	vst v63  }
0xab: {  	_ =	swait.ge [sflag:s26], $0x4000  }
0xac: {  	[sflag:s26] =	ssyncset.done $0x0  }
0xad: {  	s10 =	simm.s32 $0x1580;
	[sflag:s26] =	ssyncadd.s32 $0xFFFFC000  }
0xae: {  	[spmem:s1] =	stream.indirect.scatter.add.f32 [tilespmem:s25], [sflag:$0x4], $0x80, s10, s18, $0xb8;
	[tilespmem:$0x1E800] =	vst v63  }
0xaf: {  	_ =	swait.ge [sflag:s29], $0x4000  }
0xb0: {  	[sflag:s29] =	ssyncset.done $0x0  }
0xb1: {  	s7 =	simm.s32 $0xFFFFBC00;
	s8 =	simm.s32 $0x200;
	[sflag:s29] =	ssyncadd.s32 $0xFFFFC000  }
.LBB2_6:
0xb2: {  	[tilespmem:s15], [sflag:$0x1] =	stream.indirect.gather [hbm4b:s4+s18], $0x80, s8, s18, $0xb8;
	[tilespmem:$0x1E800] =	vst v63  }
0xb3: {  	s8 =	smov.u32 s7  }
0xb4: {  	p0 =	sne.s32 s7, $0xFFFFFC00;
	s7 =	sadd.s32 $0x400, s7;
	_ =	swait.ge [sflag:s19], $0x4000  }
0xb5: {  	s8 =	sshra.s32 s8, $0x2;
	[sflag:s19] =	ssyncset.done $0x0  }
0xb6: {  	s10 =	sadd.s32 $0x2700, s8;
	[sflag:s19] =	ssyncadd.s32 $0xFFFFC000  }
0xb7: {  	[spmem:s1] =	stream.indirect.scatter.add.f32 [tilespmem:s15], [sflag:$0x3], $0x80, s10, s18, $0xb8;
	[tilespmem:$0x1E800] =	vst v63  }
0xb8: {  	_ =	swait.ge [sflag:s31], $0x4000  }
0xb9: {  	[sflag:s31] =	ssyncset.done $0x0  }
0xba: {  	s10 =	sadd.s32 $0x1380, s8;
	[sflag:s31] =	ssyncadd.s32 $0xFFFFC000  }
0xbb: {  	[tilespmem:s25], [sflag:$0x2] =	stream.indirect.gather [hbm4b:s4+s18], $0x80, s10, s18, $0xb8;
	[tilespmem:$0x1E800] =	vst v63  }
0xbc: {  	_ =	swait.ge [sflag:s26], $0x4000  }
0xbd: {  	[sflag:s26] =	ssyncset.done $0x0  }
.Ltmp2:
0xbe: {  	s10 =	sadd.s32 $0x2780, s8;
	[sflag:s26] =	ssyncadd.s32 $0xFFFFC000;
	(pc) =	sbr.rel @p0 .LBB2_6-.Ltmp2, $4  }
0xbf: {  	[spmem:s1] =	stream.indirect.scatter.add.f32 [tilespmem:s25], [sflag:$0x4], $0x80, s10, s18, $0xb8;
	[tilespmem:$0x1E800] =	vst v63  }
0xc0: {  	_ =	swait.ge [sflag:s29], $0x4000  }
0xc1: {  	[sflag:s29] =	ssyncset.done $0x0  }
0xc2: {  	s8 =	sadd.s32 $0x1400, s8;
	[sflag:s29] =	ssyncadd.s32 $0xFFFFC000  }
0xc3: {  	[tilespmem:s15], [sflag:$0x1] =	stream.indirect.gather [hbm4b:s4+s18], $0x80, s8, s18, $0xb8;
	[tilespmem:$0x1E800] =	vst v63  }
0xc4: {  	_ =	swait.ge [sflag:s19], $0x4000  }
0xc5: {  	[sflag:s19] =	ssyncset.done $0x0  }
0xc6: {  	[sflag:s19] =	ssyncadd.s32 $0xFFFFC000  }
0xc7: {  	[spmem:s1] =	stream.indirect.scatter.add.f32 [tilespmem:s15], [sflag:$0x3], $0x80, s0, s18, $0xb8;
	[tilespmem:$0x1E800] =	vst v63  }
0xc8: {  	_ =	swait.ge [sflag:s31], $0x4000  }
0xc9: {  	[sflag:s31] =	ssyncset.done $0x0  }
0xca: {  	[sflag:s31] =	ssyncadd.s32 $0xFFFFC000  }
0xcb: {  	[tilespmem:s25], [sflag:$0x2] =	stream.indirect.gather [hbm4b:s4+s18], $0x80, s3, s18, $0xb8;
	[tilespmem:$0x1E800] =	vst v63  }
0xcc: {  	_ =	swait.ge [sflag:s26], $0x4000  }
0xcd: {  	[sflag:s26] =	ssyncset.done $0x0  }
0xce: {  	[sflag:s26] =	ssyncadd.s32 $0xFFFFC000  }
0xcf: {  	[spmem:s1] =	stream.indirect.scatter.add.f32 [tilespmem:s25], [sflag:$0x4], $0x80, s5, s18, $0xb8;
	[tilespmem:$0x1E800] =	vst v63  }
0xd0: {  	_ =	swait.ge [sflag:s29], $0x4000  }
0xd1: {  	[sflag:s29] =	ssyncset.done $0x0  }
0xd2: {  	[sflag:s29] =	ssyncadd.s32 $0xFFFFC000  }
0xd3: {  	_ =	swait.ge [sflag:s31], $0x4000  }
0xd4: {  	s7 =	stileid.u32;
	[sflag:s31] =	ssyncset.done $0x0  }
0xd5: {  	s7 =	sshll.u32 s7, $0x6;
	[sflag:s31] =	ssyncadd.s32 $0xFFFFC000  }
0xd6: {  	s10 =	sshrl.u32 s9, $0x3;
	s7 =	sor.u32 $0x1C05, s7;
	[bflag:$0x0] =	sbarrier.arrive $0xFFFF  }
0xd7: {  	[hbm:s20], [sflag:s7] =	dma.local [spmem:s10], $0x800  }
0xd8: {  	_ =	swait.ge [sflag:s16], $0x800  }
0xd9: {  	[sflag:s16] =	ssyncset.done $0x0  }
0xda: {  	s10 =	sshrl.u32 s11, $0x3;
	[sflag:s16] =	ssyncadd.s32 $0xFFFFF800  }
0xdb: {  	[hbm:s21], [sflag:s7] =	dma.local [spmem:s10], $0x800  }
0xdc: {  	_ =	swait.ge [sflag:s16], $0x800  }
0xdd: {  	[sflag:s16] =	ssyncset.done $0x0  }
0xde: {  	s10 =	sshrl.u32 s12, $0x3;
	[sflag:s16] =	ssyncadd.s32 $0xFFFFF800  }
0xdf: {  	[hbm:s22], [sflag:s7] =	dma.local [spmem:s10], $0x800  }
0xe0: {  	_ =	swait.ge [sflag:s16], $0x800  }
0xe1: {  	[sflag:s16] =	ssyncset.done $0x0  }
0xe2: {  	s10 =	sshrl.u32 s13, $0x3;
	[sflag:s16] =	ssyncadd.s32 $0xFFFFF800  }
0xe3: {  	[hbm:s23], [sflag:s7] =	dma.local [spmem:s10], $0x800  }
0xe4: {  	_ =	swait.ge [sflag:s16], $0x800  }
0xe5: {  	[sflag:s16] =	ssyncset.done $0x0  }
0xe6: {  	s10 =	sshrl.u32 s14, $0x3;
	[sflag:s16] =	ssyncadd.s32 $0xFFFFF800  }
0xe7: {  	[hbm:s24], [sflag:s7] =	dma.local [spmem:s10], $0x800  }
0xe8: {  	_ =	swait.ge [sflag:s16], $0x800  }
0xe9: {  	s6 =	sadd.s32 $0x1, s6;
	s10 =	rddreg [dreg:$0x7]  }
0xea: {  	p0 =	sne.s32 s6, s10  }
.Ltmp3:
0xeb: {  	_ = 	snop;
	(pc) =	sbr.rel @p0 .LBB2_1-.Ltmp3, $3  }
0xec: {  	_ =	sdelay $0x1  }
0xed: {  	[sflag:s16] =	ssyncset.done $0x0  }
0xee: {  	[sflag:s16] =	ssyncadd.s32 $0xFFFFF800  }
0xef: {  	_ =	sfence.sel $0x180000  }
0xf0: {  	[bflag:$0x0] =	sbarrier.arrive $0xFFFF  }
0xf1: {  	_ =	strace $0x9000004D  }
0xf2: {  	s0 =	stileid.u32;
	[bflag:$0x2] =	sbarrier.arrive $0xFFFF  }
0xf3: {  	p0 =	sne.s32 s0, $0x0;
	s0 =	rddreg [dreg:$0x2]  }
0xf4: {  	s0 =	sadd.s32 @!p0 $0x100000, s0  }
0xf5: {  	[sflag:s0] =	ssyncadd.tile.s32 @!p0 $0x1;
	_ =	shalt  }
.Lfunc_end2:
_tile_overlayer_lowered:
.L_overlay_start_2:
0xf6: {  	(tag) =	ssettag $0x2  }
0xf7: {  	s0 =	rddreg [dreg:$0x0];
	s2 =	stileid.u32  }
0xf8: {  	s1 =	rddreg [dreg:$0x1];
	p0 =	sne.s32 s2, $0x0  }
0xf9: {  	s3 =	rddreg [dreg:$0x2];
	[bflag:$0x3] =	sbarrier.arrive $0xFFFF;
	s2 =	simm.s32 @!p0 $0x1C05  }
0xfa: {  	[timem:s3], [sflag:s2] =	dma.local @!p0 [hbm:s0], s1  }
0xfb: {  	s0 =	simm.s32 @!p0 $0x5  }
0xfc: {  	_ =	swait.ge @!p0 [sflag:s0], s1  }
0xfd: {  	s1 =	ssub.s32 @!p0 $0x0, s1;
	[sflag:s0] =	ssyncset.done @!p0 $0x0  }
0xfe: {  	[sflag:s0] =	ssyncadd.s32 @!p0 s1  }
0xff: {  	[bflag:$0x3] =	sbarrier.arrive $0xFFFF  }
0x100: {  	_ =	shalt  }

// kernel: kernel.19.cloned.1.call-start
scs
__scs_entry_jumppad:
0x0: {  	(pc) =	sbr.rel $0x88, $3  }
0x1: {  	(tag) =	ssettag $0x0;
	lr =	simm.s32 $0x1  }
0x2: {  	[smem:$0x3F9C] =	sst lr;
	_ =	strace $0xD0000000  }
0x3: {  	_ = 	snop  }
0x4: {  	_ = 	snop  }
0x5: {  	_ = 	snop  }
0x6: {  	_ = 	snop  }
0x7: {  	_ = 	snop  }
__scs_overlays_trampoline_lowered:
0x8: {  	[smem:$0x3FAB] =	sst s0  }
0x9: {  	[smem:$0x3FAC] =	sst s1  }
0xa: {  	[smem:$0x3FAD] =	sst s2  }
0xb: {  	[smem:$0x3FAE] =	sst s3  }
0xc: {  	[smem:$0x3FAF] =	sst s4  }
0xd: {  	[smem:$0x3FB0] =	sst s5  }
0xe: {  	[smem:$0x3FB1] =	sst s6  }
0xf: {  	[smem:$0x3FB2] =	sst s7  }
0x10: {  	[smem:$0x3FB3] =	sst s8  }
0x11: {  	[smem:$0x3FB4] =	sst s9;
	s0 =	simm.s32 @!p0 $0x0  }
0x12: {  	s1 =	sld [smem:$0x3F9A];
	s0 =	simm.s32 @p0 $0x1  }
0x13: {  	[smem:$0x3FB5] =	sst s0;
	s0 =	simm.s32 @!p1 $0x0  }
0x14: {  	s2 =	sld [smem:$0x3F99];
	s0 =	simm.s32 @p1 $0x1  }
0x15: {  	[smem:$0x3FB6] =	sst s0;
	s0 =	simm.s32 @!p2 $0x0  }
0x16: {  	s3 =	sld [smem:$0x3FDB];
	s0 =	simm.s32 @p2 $0x1  }
0x17: {  	s4 =	simm.s32 $0x1BF5;
	[smem:$0x3FB8] =	sst s0  }
0x18: {  	s0 =	sld [smem:$0x3F9B];
	_ =	swait.ge [sflag:s4], $0x0  }
0x19: {  	s7 =	sld [smem:$0x3F9C]  }
0x1a: {  	s8 =	sadd.s32 $0xFFFFE003, lr  }
0x1b: {  	s9 =	sadd.s32 $0xFFFFFEF7, lr;
	s5 =	simm.s32 $0xFFFFFFFF;
	p2 =	slt.u32 s8, $0xFFFFF086  }
0x1c: {  	p1 =	slt.u32 s9, $0xF7A;
	s5 =	simm.s32 @!p2 $0x0  }
0x1d: {  	s5 =	simm.s32 @p1 $0x1;
	p0 =	seq.s32 s7, s2  }
0x1e: {  	s7 =	smul.u32 @!p0 $0xF7A, s2;
	p2 =	seq.s32 @!p0 s5, $0x0  }
0x1f: {  	s9 =	smul.u32 $0xF7A, s1;
	s8 =	simm.s32 @!p0 $0x1BF5;
	p2 =	por !p2, p0  }
0x20: {  	[sflag:s8] =	ssyncset.s32 @!p0 $0xFFFFF086;
	s6 =	sadd.s32 @!p0 s3, s7;
	s7 =	simm.s32 @!p0 $0x108  }
0x21: {  	s3 =	sadd.s32 s3, s9;
	s6 =	sadd.s32 @!p0 $0x88, s6;
	s7 =	simm.s32 @p2 $0x1082  }
0x22: {  	[simem:s7], [sflag:s8] =	dma.local @!p0 [hbm:s6], $0xF7A  }
0x23: {  	s9 =	sor.u32 $0xD0000000, s2;
	s6 =	simm.s32 $0x108;
	_ =	swait.ge @!p0 [sflag:s8], $0x0  }
0x24: {  	s3 =	sadd.s32 $0x88, s3;
	s6 =	simm.s32 @!p1 $0x1082;
	[sflag:s4] =	ssyncset.s32 $0xFFFFF086  }
0x25: {  	[simem:s6], [sflag:s4] =	dma.local [hbm:s3], $0xF7A  }
0x26: {  	[smem:$0x3F9C] =	sst s1;
	(tag) =	ssettag s2;
	_ =	strace s9  }
0x27: {  	s1 =	sld [smem:$0x3FAC]  }
0x28: {  	s2 =	sld [smem:$0x3FAD]  }
0x29: {  	s4 =	sld [smem:$0x3FAF]  }
0x2a: {  	p0 =	seq.s32 s5, $0x0;
	s5 =	sld [smem:$0x3FB0]  }
0x2b: {  	s6 =	sld [smem:$0x3FB1]  }
0x2c: {  	s7 =	sld [smem:$0x3FB2]  }
0x2d: {  	s3 =	simm.s32 $0x108;
	s8 =	sld [smem:$0x3FB3]  }
0x2e: {  	s3 =	simm.s32 @!p0 $0x1082;
	s9 =	sld [smem:$0x3FB4]  }
0x2f: {  	lr =	sadd.s32 s0, s3;
	s0 =	sld [smem:$0x3FAB]  }
0x30: {  	s3 =	sld [smem:$0x3FAE]  }
0x31: {  	[smem:$0x3FB7] =	sst s10  }
0x32: {  	s10 =	sld [smem:$0x3FB5];
	_ =	sdelay $0x3  }
0x33: {  	p0 =	seq.s32 s10, $0x1;
	s10 =	sld [smem:$0x3FB7];
	_ =	sdelay $0x3  }
0x34: {  	[smem:$0x3FB7] =	sst s10  }
0x35: {  	s10 =	sld [smem:$0x3FB6];
	_ =	sdelay $0x3  }
0x36: {  	p1 =	seq.s32 s10, $0x1;
	s10 =	sld [smem:$0x3FB7];
	_ =	sdelay $0x3  }
0x37: {  	[smem:$0x3FB7] =	sst s10  }
0x38: {  	s10 =	sld [smem:$0x3FB8]  }
0x39: {  	_ = 	snop;
	(pc) =	sbr.ind lr, $3  }
0x3a: {  	_ = 	snop  }
0x3b: {  	_ = 	snop  }
0x3c: {  	p2 =	seq.s32 s10, $0x1;
	s10 =	sld [smem:$0x3FB7]  }
0x3d: {  	_ =	shalt  }
0x3e: {  	_ =	shalt  }
0x3f: {  	_ =	shalt  }
0x40: {  	_ =	shalt  }
0x41: {  	_ =	shalt  }
0x42: {  	_ =	shalt  }
0x43: {  	_ =	shalt  }
0x44: {  	_ =	shalt  }
0x45: {  	_ =	shalt  }
0x46: {  	_ =	shalt  }
0x47: {  	_ =	shalt  }
0x48: {  	_ =	shalt  }
0x49: {  	_ =	shalt  }
0x4a: {  	_ =	shalt  }
0x4b: {  	_ =	shalt  }
0x4c: {  	_ =	shalt  }
0x4d: {  	_ =	shalt  }
0x4e: {  	_ =	shalt  }
0x4f: {  	_ =	shalt  }
0x50: {  	_ =	shalt  }
0x51: {  	_ =	shalt  }
0x52: {  	_ =	shalt  }
0x53: {  	_ =	shalt  }
0x54: {  	_ =	shalt  }
0x55: {  	_ =	shalt  }
0x56: {  	_ =	shalt  }
0x57: {  	_ =	shalt  }
0x58: {  	_ =	shalt  }
0x59: {  	_ =	shalt  }
0x5a: {  	_ =	shalt  }
0x5b: {  	_ =	shalt  }
0x5c: {  	_ =	shalt  }
0x5d: {  	_ =	shalt  }
0x5e: {  	_ =	shalt  }
0x5f: {  	_ =	shalt  }
0x60: {  	_ =	shalt  }
0x61: {  	_ =	shalt  }
0x62: {  	_ =	shalt  }
0x63: {  	_ =	shalt  }
0x64: {  	_ =	shalt  }
0x65: {  	_ =	shalt  }
0x66: {  	_ =	shalt  }
0x67: {  	_ =	shalt  }
0x68: {  	_ =	shalt  }
0x69: {  	_ =	shalt  }
0x6a: {  	_ =	shalt  }
0x6b: {  	_ =	shalt  }
0x6c: {  	_ =	shalt  }
0x6d: {  	_ =	shalt  }
0x6e: {  	_ =	shalt  }
0x6f: {  	_ =	shalt  }
0x70: {  	_ =	shalt  }
0x71: {  	_ =	shalt  }
0x72: {  	_ =	shalt  }
0x73: {  	_ =	shalt  }
0x74: {  	_ =	shalt  }
0x75: {  	_ =	shalt  }
0x76: {  	_ =	shalt  }
0x77: {  	_ =	shalt  }
0x78: {  	_ =	shalt  }
0x79: {  	_ =	shalt  }
0x7a: {  	_ =	shalt  }
0x7b: {  	_ =	shalt  }
0x7c: {  	_ =	shalt  }
0x7d: {  	_ =	shalt  }
0x7e: {  	_ =	shalt  }
0x7f: {  	_ =	shalt  }
0x80: {  	_ =	shalt  }
0x81: {  	_ =	shalt  }
0x82: {  	_ =	shalt  }
0x83: {  	_ =	shalt  }
0x84: {  	_ =	shalt  }
0x85: {  	_ =	shalt  }
0x86: {  	_ =	shalt  }
0x87: {  	_ =	shalt  }
.Lfunc_end0:
.L_simem_size_0:
called_computation.3_lowered:
.L_overlay_start_0:
0x88: {  	s2 =	sld [smem:$0x3FD9]  }
0x89: {  	s3 =	sld [smem:$0x3FFE];
	_ =	sdelay $0x1  }
0x8a: {  	s1 =	srdreg.scid  }
0x8b: {  	s0 =	sand.u32 $0x1, s1  }
0x8c: {  	s16 =	sshll.u32 s0, $0xA;
	s2 =	sadd.s32 s3, s2  }
0x8d: {  	s2 =	sadd.s32 s2, s16  }
0x8e: {  	[smem:$0x3FC3] =	sst s2  }
0x8f: {  	_ = 	snop  }
0x90: {  	(tm) =	ssettm $0x1  }
0x91: {  	s17 =	sld [smem:$0x3FFB];
	_ =	sdelay $0x3  }
0x92: {  	_ =	strace s17  }
0x93: {  	s2 =	sld [smem:$0x3FFC];
	_ =	sdelay $0x3  }
0x94: {  	_ =	strace s2  }
0x95: {  	s2 =	sld [smem:$0x3FFD];
	_ =	sdelay $0x3  }
0x96: {  	_ =	strace s2  }
0x97: {  	_ =	strace $0x8FFFFFFF  }
0x98: {  	s18 =	sld [smem:$0x3FDB];
	_ =	sdelay $0x1  }
0x99: {  	s19 =	simm.s32 $_scs_section_size  }
0x9a: {  	s4 =	simm.s32 $_size__tile_overlayer_lowered;
	s5 =	simm.s32 $_tile_overlayer_lowered  }
0x9b: {  	s22 =	simm.s32 $0x1BFF;
	s21 =	sshll.u32 s5, $0x1;
	s2 =	sadd.s32 s19, s18  }
0x9c: {  	s6 =	simm.s32 $0x0;
	s20 =	sshll.u32 s4, $0x1;
	s4 =	sadd.s32 s21, s2  }
0x9d: {  	[timem:s6], [sflag:s22] =	dma.local [hbm:s4], s20  }
0x9e: {  	_ =	swait.ge [sflag:s22], s20  }
0x9f: {  	s3 =	ssub.s32 $0x0, s20;
	[sflag:s22] =	ssyncset.done $0x0  }
0xa0: {  	[sflag:s22] =	ssyncadd.s32 s3;
	_ =	sdelay $0x1  }
0xa1: {  	s23 =	simm.s32 $0x1B8B  }
0xa2: {  	_ =	swait.ge [sflag:s23], $0x1  }
0xa3: {  	[sflag:s23] =	ssyncset.done $0x0  }
0xa4: {  	s25 =	simm.s32 $0x1B8E;
	s24 =	sld [smem:$0x3FFE];
	[sflag:s23] =	ssyncadd.s32 $0xFFFFFFFF  }
0xa5: {  	s26 =	simm.s32 $execute0_lowered;
	[smem:$0x3FD2] =	sst s25  }
0xa6: {  	s4 =	sshll.u32 s26, $0x1;
	_ =	strace $0x8000004F;
	[dreg:$0x1] =	wrdreg $0xFFFFFFFF  }
0xa7: {  	s28 =	simm.s32 $_size_execute0_lowered;
	s2 =	sadd.s32 s2, s4;
	[dreg:$0x0] =	wrdreg $0x0  }
0xa8: {  	s4 =	sshll.u32 s28, $0x1;
	[dreg:$0x2] =	wrdreg s2  }
0xa9: {  	[dreg:$0x3] =	wrdreg s4  }
0xaa: {  	[dreg:$0x4] =	wrdreg $0xC0  }
0xab: {  	_ =	task [dreg:s6], $0x5FFFF  }
0xac: {  	[dreg:$0x1] =	wrdreg $0xFFFFFFFF  }
0xad: {  	[dreg:$0x0] =	wrdreg $0x60  }
0xae: {  	[dreg:$0x2] =	wrdreg s24  }
0xaf: {  	[dreg:$0x3] =	wrdreg $0xA8000  }
0xb0: {  	[dreg:$0x4] =	wrdreg $0x9  }
0xb1: {  	_ =	task.clear_ibuf [dreg:s6], $0x5FFFF;
	_ =	strace $0x9000004F  }
0xb2: {  	s29 =	simm.s32 $0x9;
	_ =	strace $0x80000051  }
0xb3: {  	_ =	swait.ge [sflag:s29], $0x1  }
0xb4: {  	[sflag:s29] =	ssyncadd.s32 $0xFFFFFFFF  }
0xb5: {  	_ =	strace $0x90000051  }
0xb6: {  	_ =	sfence  }
0xb7: {  	s30 =	sld [smem:$0x0];
	_ =	sdelay $0x2  }
0xb8: {  	s31 =	sshll.u32 s1, $0xD;
	s1 =	sshrl.u32 s1, $0x2  }
0xb9: {  	s3 =	sand.u32 $0x4000, s31;
	s1 =	sadd.s32 s1, s30  }
0xba: {  	s0 =	sor.u32 s3, s0;
	s1 =	sshll.u32 s1, $0x11  }
0xbb: {  	s0 =	sor.u32 s1, s0  }
0xbc: {  	s0 =	sadd.s32 $0x8F2B, s0  }
0xbd: {  	[sflag:s0] =	ssyncadd.remote.s32 $0x1  }
0xbe: {  	_ =	sfence.sel $0xFFFF  }
0xbf: {  	[dreg:$0x0] =	wrdreg $0xFFFFFFFF;
	(pc) =	sbr.abs _section_cstart, $3  }
0xc0: {  	[dreg:$0x1] =	wrdreg $0xFFFFFFFF  }
0xc1: {  	_ =	task.clear_ibuf [dreg:s6], $0x2FFFF;
	_ =	strace $0x9FFFFFFF  }
0xc2: {  	(tm) =	ssettm $0x7FFFFFFF  }
0xc3: {  	_ =	shalt  }
tec
execute0_lowered:
.L_overlay_start_1:
0x0: {  	(tag) =	ssettag $0x1  }
0x1: {  	s0 =	rddreg [dreg:$0x0]  }
0x2: {  	s1 =	rddreg [dreg:$0x1]  }
0x3: {  	s2 =	simm.s32 $0x0;
	s3 =	srdreg.scid;
	s11 =	stileid.u32  }
0x4: {  	s15 =	simm.s32 $0x2800;
	s28 =	simm.s32 $0x1480;
	s29 =	simm.s32 $0x3  }
0x5: {  	s30 =	simm.s32 $0x100;
	s31 =	simm.s32 $0x4;
	[smem:$0x7FF] =	sst s2  }
0x6: {  	s3 =	sand.u32 $0x1, s3;
	s4 =	sadd.s32 $0xC600, s0;
	s16 =	smul.u32 $0x5, s11  }
0x7: {  	s7 =	sadd.s32 $0x66800, s0;
	s8 =	sadd.s32 $0x2600, s0;
	s17 =	smul.u32 $0x50000, s11  }
0x8: {  	s23 =	smul.u32 $0x2800, s11;
	_ =	strace $0x80000050;
	s5 =	sshll.u32 s3, $0x4  }
0x9: {  	s6 =	smul.u32 $0x28000, s3;
	s3 =	ssub.s32 $0x2, s3;
	s5 =	sor.u32 s11, s5  }
0xa: {  	s10 =	sshrl.u32 s3, $0x1;
	s20 =	sshrl.u32 s17, $0x2;
	s21 =	sadd.s32 $0x1, s16  }
0xb: {  	s24 =	sadd.s32 $0x2, s16;
	s25 =	sadd.s32 $0x3, s16;
	s9 =	smul.u32 $0x2800, s5  }
0xc: {  	s17 =	simm.s32 $0x1400;
	s0 =	sadd.s32 s6, s0;
	s5 =	smul.u32 $0x500, s5  }
0xd: {  	s3 =	ssub.s32 s3, s10;
	s22 =	sshll.u32 s21, $0xE;
	s6 =	sadd.s32 $0x4, s16  }
0xe: {  	s26 =	sshll.u32 s24, $0xE;
	s13 =	sshll.u32 s25, $0xE;
	s16 =	simm.s32 $0x5  }
0xf: {  	s0 =	sadd.s32 $0x70800, s0;
	s3 =	smax.u32 s3, $0x1;
	s11 =	sadd.s32 s22, s1  }
0x10: {  	s14 =	sshll.u32 s6, $0xE;
	s13 =	sadd.s32 s13, s1;
	s6 =	sshll.u32 s6, $0xB  }
0x11: {  	s9 =	sshrl.u32 s9, $0x3;
	s12 =	sadd.s32 s7, s5;
	s5 =	sadd.s32 s8, s5  }
0x12: {  	[dreg:$0x7] =	wrdreg s3;
	s14 =	sadd.s32 s14, s1;
	s3 =	sshll.u32 s24, $0xB  }
0x13: {  	s24 =	sadd.s32 s6, s0;
	s6 =	simm.s32 $0x0;
	[dreg:$0x3] =	wrdreg s12  }
0x14: {  	s9 =	sadd.s32 $0x280, s9;
	[dreg:$0x4] =	wrdreg s5;
	s12 =	sadd.s32 s26, s1  }
0x15: {  	s5 =	sshll.u32 s25, $0xB;
	s22 =	sadd.s32 s3, s0;
	s25 =	simm.s32 $0x6800  }
0x16: {  	s26 =	simm.s32 $0x2;
	s3 =	simm.s32 $0x1380;
	s18 =	sadd.s32 s7, s9  }
0x17: {  	s19 =	sadd.s32 s8, s9;
	s9 =	sadd.s32 s20, s1;
	s7 =	sshll.u32 s21, $0xB  }
0x18: {  	s20 =	sadd.s32 s23, s0;
	s23 =	sadd.s32 s5, s0;
	[dreg:$0x5] =	wrdreg s18  }
0x19: {  	s5 =	simm.s32 $0x2780;
	[dreg:$0x6] =	wrdreg s19;
	s18 =	simm.s32 $0x80  }
0x1a: {  	v0 =	vimm.f32 $0.0e+00;
	s19 =	simm.s32 $0x1;
	s21 =	sadd.s32 s7, s0;
	s0 =	simm.s32 $0x2700  }
.LBB2_1:
0x1b: {  	s7 =	simm.s32 $0x0;
	s8 =	simm.s32 $0x200  }
.LBB2_2:
0x1c: {  	p0 =	sne.s32 s8, $0xFE00;
	[tilespmem:s7+$0x2870] =	vst v0  }
0x1d: {  	[tilespmem:s7+$0x2800] =	vst v0  }
0x1e: {  	[tilespmem:s7+$0x2810] =	vst v0  }
.Ltmp0:
0x1f: {  	[tilespmem:s7+$0x2820] =	vst v0;
	(pc) =	sbr.rel @p0 .LBB2_2-.Ltmp0, $4  }
0x20: {  	[tilespmem:s7+$0x2830] =	vst v0  }
0x21: {  	[tilespmem:s7+$0x2840] =	vst v0  }
0x22: {  	[tilespmem:s7+$0x2850] =	vst v0  }
0x23: {  	[tilespmem:s7+$0x2860] =	vst v0;
	s7 =	sshra.s32 s8, $0x2;
	s8 =	sadd.s32 $0x200, s8  }
0x24: {  	[tilespmem:s7+$0x2870] =	vst v0  }
0x25: {  	[tilespmem:s7+$0x2800] =	vst v0  }
0x26: {  	[tilespmem:s7+$0x2810] =	vst v0  }
0x27: {  	[tilespmem:s7+$0x2820] =	vst v0  }
0x28: {  	[tilespmem:s7+$0x2830] =	vst v0  }
0x29: {  	[tilespmem:s7+$0x2840] =	vst v0  }
0x2a: {  	[tilespmem:s7+$0x2850] =	vst v0  }
0x2b: {  	[tilespmem:s7+$0x2860] =	vst v0  }
0x2c: {  	[spmem:s9] =	stream.linear.scatter [tilespmem:s15], [sflag:$0x5], $0x4000, $0x38;
	[tilespmem:$0x1E800] =	vst v63  }
0x2d: {  	_ =	swait.ge [sflag:s16], $0x4000  }
0x2e: {  	[sflag:s16] =	ssyncset.done $0x0  }
0x2f: {  	[sflag:s16] =	ssyncadd.s32 $0xFFFFC000  }
0x30: {  	[spmem:s11] =	stream.linear.scatter [tilespmem:s15], [sflag:$0x5], $0x4000, $0x38;
	[tilespmem:$0x1E800] =	vst v63  }
0x31: {  	_ =	swait.ge [sflag:s16], $0x4000  }
0x32: {  	[sflag:s16] =	ssyncset.done $0x0  }
0x33: {  	[sflag:s16] =	ssyncadd.s32 $0xFFFFC000  }
0x34: {  	[spmem:s12] =	stream.linear.scatter [tilespmem:s15], [sflag:$0x5], $0x4000, $0x38;
	[tilespmem:$0x1E800] =	vst v63  }
0x35: {  	_ =	swait.ge [sflag:s16], $0x4000  }
0x36: {  	[sflag:s16] =	ssyncset.done $0x0  }
0x37: {  	[sflag:s16] =	ssyncadd.s32 $0xFFFFC000  }
0x38: {  	[spmem:s13] =	stream.linear.scatter [tilespmem:s15], [sflag:$0x5], $0x4000, $0x38;
	[tilespmem:$0x1E800] =	vst v63  }
0x39: {  	_ =	swait.ge [sflag:s16], $0x4000  }
0x3a: {  	[sflag:s16] =	ssyncset.done $0x0  }
0x3b: {  	[sflag:s16] =	ssyncadd.s32 $0xFFFFC000  }
0x3c: {  	[spmem:s14] =	stream.linear.scatter [tilespmem:s15], [sflag:$0x5], $0x4000, $0x38;
	[tilespmem:$0x1E800] =	vst v63  }
0x3d: {  	_ =	swait.ge [sflag:s16], $0x4000  }
0x3e: {  	[sflag:s16] =	ssyncset.done $0x0  }
0x3f: {  	[sflag:s16] =	ssyncadd.s32 $0xFFFFC000  }
0x40: {  	[bflag:$0x0] =	sbarrier.arrive $0xFFFF  }
0x41: {  	s10 =	rddreg [dreg:$0x3]  }
0x42: {  	[tilespmem:s2], [sflag:$0x5] =	stream.linear.gather [hbm4b:s10+s2], $0x1400, $0x38;
	[tilespmem:$0x1E800] =	vst v63  }
0x43: {  	_ =	swait.ge [sflag:s16], $0x1400  }
0x44: {  	[sflag:s16] =	ssyncset.done $0x0  }
0x45: {  	s8 =	rddreg [dreg:$0x4];
	[sflag:s16] =	ssyncadd.s32 $0xFFFFEC00  }
0x46: {  	[tilespmem:s17], [sflag:$0x5] =	stream.linear.gather [hbm4b:s8+s2], $0x1400, $0x38;
	[tilespmem:$0x1E800] =	vst v63  }
0x47: {  	_ =	swait.ge [sflag:s16], $0x1400  }
0x48: {  	[sflag:s16] =	ssyncset.done $0x0  }
0x49: {  	[sflag:s16] =	ssyncadd.s32 $0xFFFFEC00  }
0x4a: {  	[tilespmem:s15], [sflag:$0x1] =	stream.indirect.gather [hbm4b:s4+s18], $0x80, s2, s18, $0xb8;
	[tilespmem:$0x1E800] =	vst v63  }
0x4b: {  	_ =	swait.ge [sflag:s19], $0x4000  }
0x4c: {  	[sflag:s19] =	ssyncset.done $0x0  }
0x4d: {  	[sflag:s19] =	ssyncadd.s32 $0xFFFFC000  }
0x4e: {  	[spmem:s1] =	stream.indirect.scatter.add.f32 [tilespmem:s15], [sflag:$0x3], $0x80, s17, s18, $0xb8;
	[tilespmem:$0x1E800] =	vst v63  }
0x4f: {  	_ = 	snop  }
0x50: {  	[tilespmem:s25], [sflag:$0x2] =	stream.indirect.gather [hbm4b:s4+s18], $0x80, s18, s18, $0xb8;
	[tilespmem:$0x1E800] =	vst v63  }
0x51: {  	_ =	swait.ge [sflag:s26], $0x4000  }
0x52: {  	[sflag:s26] =	ssyncset.done $0x0  }
0x53: {  	[sflag:s26] =	ssyncadd.s32 $0xFFFFC000  }
0x54: {  	[spmem:s1] =	stream.indirect.scatter.add.f32 [tilespmem:s25], [sflag:$0x4], $0x80, s28, s18, $0xb8;
	[tilespmem:$0x1E800] =	vst v63  }
0x55: {  	_ =	swait.ge [sflag:s29], $0x4000  }
0x56: {  	[sflag:s29] =	ssyncset.done $0x0  }
0x57: {  	[sflag:s29] =	ssyncadd.s32 $0xFFFFC000  }
0x58: {  	[tilespmem:s15], [sflag:$0x1] =	stream.indirect.gather [hbm4b:s4+s18], $0x80, s30, s18, $0xb8;
	[tilespmem:$0x1E800] =	vst v63  }
0x59: {  	_ =	swait.ge [sflag:s19], $0x4000  }
0x5a: {  	[sflag:s19] =	ssyncset.done $0x0  }
0x5b: {  	s10 =	simm.s32 $0x1500;
	[sflag:s19] =	ssyncadd.s32 $0xFFFFC000  }
0x5c: {  	[spmem:s1] =	stream.indirect.scatter.add.f32 [tilespmem:s15], [sflag:$0x3], $0x80, s10, s18, $0xb8;
	[tilespmem:$0x1E800] =	vst v63  }
0x5d: {  	_ =	swait.ge [sflag:s31], $0x4000  }
0x5e: {  	[sflag:s31] =	ssyncset.done $0x0  }
0x5f: {  	s8 =	simm.s32 $0x180;
	[sflag:s31] =	ssyncadd.s32 $0xFFFFC000  }
0x60: {  	[tilespmem:s25], [sflag:$0x2] =	stream.indirect.gather [hbm4b:s4+s18], $0x80, s8, s18, $0xb8;
	[tilespmem:$0x1E800] =	vst v63  }
0x61: {  	_ =	swait.ge [sflag:s26], $0x4000  }
0x62: {  	[sflag:s26] =	ssyncset.done $0x0  }
0x63: {  	s10 =	simm.s32 $0x1580;
	[sflag:s26] =	ssyncadd.s32 $0xFFFFC000  }
0x64: {  	[spmem:s1] =	stream.indirect.scatter.add.f32 [tilespmem:s25], [sflag:$0x4], $0x80, s10, s18, $0xb8;
	[tilespmem:$0x1E800] =	vst v63  }
0x65: {  	_ =	swait.ge [sflag:s29], $0x4000  }
0x66: {  	[sflag:s29] =	ssyncset.done $0x0  }
0x67: {  	s7 =	simm.s32 $0xFFFFBC00;
	s8 =	simm.s32 $0x200;
	[sflag:s29] =	ssyncadd.s32 $0xFFFFC000  }
.LBB2_4:
0x68: {  	[tilespmem:s15], [sflag:$0x1] =	stream.indirect.gather [hbm4b:s4+s18], $0x80, s8, s18, $0xb8;
	[tilespmem:$0x1E800] =	vst v63  }
0x69: {  	s8 =	smov.u32 s7  }
0x6a: {  	p0 =	sne.s32 s7, $0xFFFFFC00;
	s7 =	sadd.s32 $0x400, s7;
	_ =	swait.ge [sflag:s19], $0x4000  }
0x6b: {  	s8 =	sshra.s32 s8, $0x2;
	[sflag:s19] =	ssyncset.done $0x0  }
0x6c: {  	s10 =	sadd.s32 $0x2700, s8;
	[sflag:s19] =	ssyncadd.s32 $0xFFFFC000  }
0x6d: {  	[spmem:s1] =	stream.indirect.scatter.add.f32 [tilespmem:s15], [sflag:$0x3], $0x80, s10, s18, $0xb8;
	[tilespmem:$0x1E800] =	vst v63  }
0x6e: {  	_ =	swait.ge [sflag:s31], $0x4000  }
0x6f: {  	[sflag:s31] =	ssyncset.done $0x0  }
0x70: {  	s10 =	sadd.s32 $0x1380, s8;
	[sflag:s31] =	ssyncadd.s32 $0xFFFFC000  }
0x71: {  	[tilespmem:s25], [sflag:$0x2] =	stream.indirect.gather [hbm4b:s4+s18], $0x80, s10, s18, $0xb8;
	[tilespmem:$0x1E800] =	vst v63  }
0x72: {  	_ =	swait.ge [sflag:s26], $0x4000  }
0x73: {  	[sflag:s26] =	ssyncset.done $0x0  }
.Ltmp1:
0x74: {  	s10 =	sadd.s32 $0x2780, s8;
	[sflag:s26] =	ssyncadd.s32 $0xFFFFC000;
	(pc) =	sbr.rel @p0 .LBB2_4-.Ltmp1, $4  }
0x75: {  	[spmem:s1] =	stream.indirect.scatter.add.f32 [tilespmem:s25], [sflag:$0x4], $0x80, s10, s18, $0xb8;
	[tilespmem:$0x1E800] =	vst v63  }
0x76: {  	_ =	swait.ge [sflag:s29], $0x4000  }
0x77: {  	[sflag:s29] =	ssyncset.done $0x0  }
0x78: {  	s8 =	sadd.s32 $0x1400, s8;
	[sflag:s29] =	ssyncadd.s32 $0xFFFFC000  }
0x79: {  	[tilespmem:s15], [sflag:$0x1] =	stream.indirect.gather [hbm4b:s4+s18], $0x80, s8, s18, $0xb8;
	[tilespmem:$0x1E800] =	vst v63  }
0x7a: {  	_ =	swait.ge [sflag:s19], $0x4000  }
0x7b: {  	[sflag:s19] =	ssyncset.done $0x0  }
0x7c: {  	[sflag:s19] =	ssyncadd.s32 $0xFFFFC000  }
0x7d: {  	[spmem:s1] =	stream.indirect.scatter.add.f32 [tilespmem:s15], [sflag:$0x3], $0x80, s0, s18, $0xb8;
	[tilespmem:$0x1E800] =	vst v63  }
0x7e: {  	_ =	swait.ge [sflag:s31], $0x4000  }
0x7f: {  	[sflag:s31] =	ssyncset.done $0x0  }
0x80: {  	[sflag:s31] =	ssyncadd.s32 $0xFFFFC000  }
0x81: {  	[tilespmem:s25], [sflag:$0x2] =	stream.indirect.gather [hbm4b:s4+s18], $0x80, s3, s18, $0xb8;
	[tilespmem:$0x1E800] =	vst v63  }
0x82: {  	_ =	swait.ge [sflag:s26], $0x4000  }
0x83: {  	[sflag:s26] =	ssyncset.done $0x0  }
0x84: {  	[sflag:s26] =	ssyncadd.s32 $0xFFFFC000  }
0x85: {  	[spmem:s1] =	stream.indirect.scatter.add.f32 [tilespmem:s25], [sflag:$0x4], $0x80, s5, s18, $0xb8;
	[tilespmem:$0x1E800] =	vst v63  }
0x86: {  	_ =	swait.ge [sflag:s29], $0x4000  }
0x87: {  	[sflag:s29] =	ssyncset.done $0x0  }
0x88: {  	[sflag:s29] =	ssyncadd.s32 $0xFFFFC000  }
0x89: {  	_ =	swait.ge [sflag:s31], $0x4000  }
0x8a: {  	[sflag:s31] =	ssyncset.done $0x0  }
0x8b: {  	s7 =	rddreg [dreg:$0x5];
	[sflag:s31] =	ssyncadd.s32 $0xFFFFC000  }
0x8c: {  	[tilespmem:s2], [sflag:$0x5] =	stream.linear.gather [hbm4b:s7+s2], $0x1400, $0x38;
	[tilespmem:$0x1E800] =	vst v63  }
0x8d: {  	_ =	swait.ge [sflag:s16], $0x1400  }
0x8e: {  	[sflag:s16] =	ssyncset.done $0x0  }
0x8f: {  	s8 =	rddreg [dreg:$0x6];
	[sflag:s16] =	ssyncadd.s32 $0xFFFFEC00  }
0x90: {  	[tilespmem:s17], [sflag:$0x5] =	stream.linear.gather [hbm4b:s8+s2], $0x1400, $0x38;
	[tilespmem:$0x1E800] =	vst v63  }
0x91: {  	_ =	swait.ge [sflag:s16], $0x1400  }
0x92: {  	[sflag:s16] =	ssyncset.done $0x0  }
0x93: {  	[sflag:s16] =	ssyncadd.s32 $0xFFFFEC00  }
0x94: {  	[tilespmem:s15], [sflag:$0x1] =	stream.indirect.gather [hbm4b:s4+s18], $0x80, s2, s18, $0xb8;
	[tilespmem:$0x1E800] =	vst v63  }
0x95: {  	_ =	swait.ge [sflag:s19], $0x4000  }
0x96: {  	[sflag:s19] =	ssyncset.done $0x0  }
0x97: {  	[sflag:s19] =	ssyncadd.s32 $0xFFFFC000  }
0x98: {  	[spmem:s1] =	stream.indirect.scatter.add.f32 [tilespmem:s15], [sflag:$0x3], $0x80, s17, s18, $0xb8;
	[tilespmem:$0x1E800] =	vst v63  }
0x99: {  	_ = 	snop  }
0x9a: {  	[tilespmem:s25], [sflag:$0x2] =	stream.indirect.gather [hbm4b:s4+s18], $0x80, s18, s18, $0xb8;
	[tilespmem:$0x1E800] =	vst v63  }
0x9b: {  	_ =	swait.ge [sflag:s26], $0x4000  }
0x9c: {  	[sflag:s26] =	ssyncset.done $0x0  }
0x9d: {  	[sflag:s26] =	ssyncadd.s32 $0xFFFFC000  }
0x9e: {  	[spmem:s1] =	stream.indirect.scatter.add.f32 [tilespmem:s25], [sflag:$0x4], $0x80, s28, s18, $0xb8;
	[tilespmem:$0x1E800] =	vst v63  }
0x9f: {  	_ =	swait.ge [sflag:s29], $0x4000  }
0xa0: {  	[sflag:s29] =	ssyncset.done $0x0  }
0xa1: {  	[sflag:s29] =	ssyncadd.s32 $0xFFFFC000  }
0xa2: {  	[tilespmem:s15], [sflag:$0x1] =	stream.indirect.gather [hbm4b:s4+s18], $0x80, s30, s18, $0xb8;
	[tilespmem:$0x1E800] =	vst v63  }
0xa3: {  	_ =	swait.ge [sflag:s19], $0x4000  }
0xa4: {  	[sflag:s19] =	ssyncset.done $0x0  }
0xa5: {  	s10 =	simm.s32 $0x1500;
	[sflag:s19] =	ssyncadd.s32 $0xFFFFC000  }
0xa6: {  	[spmem:s1] =	stream.indirect.scatter.add.f32 [tilespmem:s15], [sflag:$0x3], $0x80, s10, s18, $0xb8;
	[tilespmem:$0x1E800] =	vst v63  }
0xa7: {  	_ =	swait.ge [sflag:s31], $0x4000  }
0xa8: {  	[sflag:s31] =	ssyncset.done $0x0  }
0xa9: {  	s8 =	simm.s32 $0x180;
	[sflag:s31] =	ssyncadd.s32 $0xFFFFC000  }
0xaa: {  	[tilespmem:s25], [sflag:$0x2] =	stream.indirect.gather [hbm4b:s4+s18], $0x80, s8, s18, $0xb8;
	[tilespmem:$0x1E800] =	vst v63  }
0xab: {  	_ =	swait.ge [sflag:s26], $0x4000  }
0xac: {  	[sflag:s26] =	ssyncset.done $0x0  }
0xad: {  	s10 =	simm.s32 $0x1580;
	[sflag:s26] =	ssyncadd.s32 $0xFFFFC000  }
0xae: {  	[spmem:s1] =	stream.indirect.scatter.add.f32 [tilespmem:s25], [sflag:$0x4], $0x80, s10, s18, $0xb8;
	[tilespmem:$0x1E800] =	vst v63  }
0xaf: {  	_ =	swait.ge [sflag:s29], $0x4000  }
0xb0: {  	[sflag:s29] =	ssyncset.done $0x0  }
0xb1: {  	s7 =	simm.s32 $0xFFFFBC00;
	s8 =	simm.s32 $0x200;
	[sflag:s29] =	ssyncadd.s32 $0xFFFFC000  }
.LBB2_6:
0xb2: {  	[tilespmem:s15], [sflag:$0x1] =	stream.indirect.gather [hbm4b:s4+s18], $0x80, s8, s18, $0xb8;
	[tilespmem:$0x1E800] =	vst v63  }
0xb3: {  	s8 =	smov.u32 s7  }
0xb4: {  	p0 =	sne.s32 s7, $0xFFFFFC00;
	s7 =	sadd.s32 $0x400, s7;
	_ =	swait.ge [sflag:s19], $0x4000  }
0xb5: {  	s8 =	sshra.s32 s8, $0x2;
	[sflag:s19] =	ssyncset.done $0x0  }
0xb6: {  	s10 =	sadd.s32 $0x2700, s8;
	[sflag:s19] =	ssyncadd.s32 $0xFFFFC000  }
0xb7: {  	[spmem:s1] =	stream.indirect.scatter.add.f32 [tilespmem:s15], [sflag:$0x3], $0x80, s10, s18, $0xb8;
	[tilespmem:$0x1E800] =	vst v63  }
0xb8: {  	_ =	swait.ge [sflag:s31], $0x4000  }
0xb9: {  	[sflag:s31] =	ssyncset.done $0x0  }
0xba: {  	s10 =	sadd.s32 $0x1380, s8;
	[sflag:s31] =	ssyncadd.s32 $0xFFFFC000  }
0xbb: {  	[tilespmem:s25], [sflag:$0x2] =	stream.indirect.gather [hbm4b:s4+s18], $0x80, s10, s18, $0xb8;
	[tilespmem:$0x1E800] =	vst v63  }
0xbc: {  	_ =	swait.ge [sflag:s26], $0x4000  }
0xbd: {  	[sflag:s26] =	ssyncset.done $0x0  }
.Ltmp2:
0xbe: {  	s10 =	sadd.s32 $0x2780, s8;
	[sflag:s26] =	ssyncadd.s32 $0xFFFFC000;
	(pc) =	sbr.rel @p0 .LBB2_6-.Ltmp2, $4  }
0xbf: {  	[spmem:s1] =	stream.indirect.scatter.add.f32 [tilespmem:s25], [sflag:$0x4], $0x80, s10, s18, $0xb8;
	[tilespmem:$0x1E800] =	vst v63  }
0xc0: {  	_ =	swait.ge [sflag:s29], $0x4000  }
0xc1: {  	[sflag:s29] =	ssyncset.done $0x0  }
0xc2: {  	s8 =	sadd.s32 $0x1400, s8;
	[sflag:s29] =	ssyncadd.s32 $0xFFFFC000  }
0xc3: {  	[tilespmem:s15], [sflag:$0x1] =	stream.indirect.gather [hbm4b:s4+s18], $0x80, s8, s18, $0xb8;
	[tilespmem:$0x1E800] =	vst v63  }
0xc4: {  	_ =	swait.ge [sflag:s19], $0x4000  }
0xc5: {  	[sflag:s19] =	ssyncset.done $0x0  }
0xc6: {  	[sflag:s19] =	ssyncadd.s32 $0xFFFFC000  }
0xc7: {  	[spmem:s1] =	stream.indirect.scatter.add.f32 [tilespmem:s15], [sflag:$0x3], $0x80, s0, s18, $0xb8;
	[tilespmem:$0x1E800] =	vst v63  }
0xc8: {  	_ =	swait.ge [sflag:s31], $0x4000  }
0xc9: {  	[sflag:s31] =	ssyncset.done $0x0  }
0xca: {  	[sflag:s31] =	ssyncadd.s32 $0xFFFFC000  }
0xcb: {  	[tilespmem:s25], [sflag:$0x2] =	stream.indirect.gather [hbm4b:s4+s18], $0x80, s3, s18, $0xb8;
	[tilespmem:$0x1E800] =	vst v63  }
0xcc: {  	_ =	swait.ge [sflag:s26], $0x4000  }
0xcd: {  	[sflag:s26] =	ssyncset.done $0x0  }
0xce: {  	[sflag:s26] =	ssyncadd.s32 $0xFFFFC000  }
0xcf: {  	[spmem:s1] =	stream.indirect.scatter.add.f32 [tilespmem:s25], [sflag:$0x4], $0x80, s5, s18, $0xb8;
	[tilespmem:$0x1E800] =	vst v63  }
0xd0: {  	_ =	swait.ge [sflag:s29], $0x4000  }
0xd1: {  	[sflag:s29] =	ssyncset.done $0x0  }
0xd2: {  	[sflag:s29] =	ssyncadd.s32 $0xFFFFC000  }
0xd3: {  	_ =	swait.ge [sflag:s31], $0x4000  }
0xd4: {  	s7 =	stileid.u32;
	[sflag:s31] =	ssyncset.done $0x0  }
0xd5: {  	s7 =	sshll.u32 s7, $0x6;
	[sflag:s31] =	ssyncadd.s32 $0xFFFFC000  }
0xd6: {  	s10 =	sshrl.u32 s9, $0x3;
	s7 =	sor.u32 $0x1C05, s7;
	[bflag:$0x0] =	sbarrier.arrive $0xFFFF  }
0xd7: {  	[hbm:s20], [sflag:s7] =	dma.local [spmem:s10], $0x800  }
0xd8: {  	_ =	swait.ge [sflag:s16], $0x800  }
0xd9: {  	[sflag:s16] =	ssyncset.done $0x0  }
0xda: {  	s10 =	sshrl.u32 s11, $0x3;
	[sflag:s16] =	ssyncadd.s32 $0xFFFFF800  }
0xdb: {  	[hbm:s21], [sflag:s7] =	dma.local [spmem:s10], $0x800  }
0xdc: {  	_ =	swait.ge [sflag:s16], $0x800  }
0xdd: {  	[sflag:s16] =	ssyncset.done $0x0  }
0xde: {  	s10 =	sshrl.u32 s12, $0x3;
	[sflag:s16] =	ssyncadd.s32 $0xFFFFF800  }
0xdf: {  	[hbm:s22], [sflag:s7] =	dma.local [spmem:s10], $0x800  }
0xe0: {  	_ =	swait.ge [sflag:s16], $0x800  }
0xe1: {  	[sflag:s16] =	ssyncset.done $0x0  }
0xe2: {  	s10 =	sshrl.u32 s13, $0x3;
	[sflag:s16] =	ssyncadd.s32 $0xFFFFF800  }
0xe3: {  	[hbm:s23], [sflag:s7] =	dma.local [spmem:s10], $0x800  }
0xe4: {  	_ =	swait.ge [sflag:s16], $0x800  }
0xe5: {  	[sflag:s16] =	ssyncset.done $0x0  }
0xe6: {  	s10 =	sshrl.u32 s14, $0x3;
	[sflag:s16] =	ssyncadd.s32 $0xFFFFF800  }
0xe7: {  	[hbm:s24], [sflag:s7] =	dma.local [spmem:s10], $0x800  }
0xe8: {  	_ =	swait.ge [sflag:s16], $0x800  }
0xe9: {  	s6 =	sadd.s32 $0x1, s6;
	s10 =	rddreg [dreg:$0x7]  }
0xea: {  	p0 =	sne.s32 s6, s10  }
.Ltmp3:
0xeb: {  	_ = 	snop;
	(pc) =	sbr.rel @p0 .LBB2_1-.Ltmp3, $3  }
0xec: {  	_ =	sdelay $0x1  }
0xed: {  	[sflag:s16] =	ssyncset.done $0x0  }
0xee: {  	[sflag:s16] =	ssyncadd.s32 $0xFFFFF800  }
0xef: {  	_ =	sfence.sel $0x180000  }
0xf0: {  	[bflag:$0x0] =	sbarrier.arrive $0xFFFF  }
0xf1: {  	_ =	strace $0x90000050  }
0xf2: {  	s0 =	stileid.u32;
	[bflag:$0x2] =	sbarrier.arrive $0xFFFF  }
0xf3: {  	p0 =	sne.s32 s0, $0x0;
	s0 =	rddreg [dreg:$0x2]  }
0xf4: {  	s0 =	sadd.s32 @!p0 $0x100000, s0  }
0xf5: {  	[sflag:s0] =	ssyncadd.tile.s32 @!p0 $0x1;
	_ =	shalt  }
.Lfunc_end2:
_tile_overlayer_lowered:
.L_overlay_start_2:
0xf6: {  	(tag) =	ssettag $0x2  }
0xf7: {  	s0 =	rddreg [dreg:$0x0];
	s2 =	stileid.u32  }
0xf8: {  	s1 =	rddreg [dreg:$0x1];
	p0 =	sne.s32 s2, $0x0  }
0xf9: {  	s3 =	rddreg [dreg:$0x2];
	[bflag:$0x3] =	sbarrier.arrive $0xFFFF;
	s2 =	simm.s32 @!p0 $0x1C05  }
0xfa: {  	[timem:s3], [sflag:s2] =	dma.local @!p0 [hbm:s0], s1  }
0xfb: {  	s0 =	simm.s32 @!p0 $0x5  }
0xfc: {  	_ =	swait.ge @!p0 [sflag:s0], s1  }
0xfd: {  	s1 =	ssub.s32 @!p0 $0x0, s1;
	[sflag:s0] =	ssyncset.done @!p0 $0x0  }
0xfe: {  	[sflag:s0] =	ssyncadd.s32 @!p0 s1  }
0xff: {  	[bflag:$0x3] =	sbarrier.arrive $0xFFFF  }
0x100: {  	_ =	shalt  }

</sc_bundles>
